<compile_context>
chip_gen: v7x
topology: tpu7x:2x2x1
jax: 0.10.2.dev20260603
libtpu: 0.0.44.dev20260713+nightly
codegen_flags: <defaults>
</compile_context>

<pallas_src>
import jax
import jax.numpy as jnp
from jax import lax
from jax.experimental import pallas as pl
from jax.experimental.pallas import tpu as pltpu
from jax.experimental.pallas import tpu_sc as plsc

NC = 2
NS = 16
L = 16
NW = NC * NS
K = 64
D = 128
NB = 4
HN = 5000
PADM = 63
ACCR = 5120
_TCTILE = False


def _remap_flat(dst_v, c, n):
    def rm(i, carry):
        dv = dst_v[pl.ds(i * L, L)]
        t = dv - c * HN
        ok = jnp.logical_and(t >= 0, t < HN)
        dst_v[pl.ds(i * L, L)] = jnp.where(ok, t, HN + (dv & PADM))
        return carry

    lax.fori_loop(0, n // L, rm, 0)


def _seg_scatter(table, src2, dst2, chunks):
    rpt = ACCR // NS

    def body(table_ref, src_ref, dst_ref, out_ref, src_v, dst_v,
             b0, b1, b2, b3, acc, g0, g1, g2, g3, s0, s1, s2, s3):
        bufs = (b0, b1, b2, b3)
        gs = (g0, g1, g2, g3)
        ss = (s0, s1, s2, s3)
        c = lax.axis_index("c")
        s = lax.axis_index("s")
        ew = chunks * K
        e0 = pl.multiple_of(s * ew, 8)
        pltpu.sync_copy(src_ref.at[pl.ds(e0, ew)], src_v.at[pl.ds(0, ew)])
        pltpu.sync_copy(dst_ref.at[pl.ds(e0, ew)], dst_v.at[pl.ds(0, ew)])

        def cpt(g, off):
            sv = src_v[pl.ds(g * L, L)]
            dv = dst_v[pl.ds(g * L, L)]
            t = dv - c * HN
            ok = jnp.logical_and(t >= 0, t < HN)
            plsc.store_compressed(src_v.at[pl.ds(off, L)], sv, mask=ok)
            plsc.store_compressed(dst_v.at[pl.ds(off, L)], t, mask=ok)
            return off + plsc.all_reduce_population_count(ok)[0]

        off = lax.fori_loop(0, ew // L, cpt, jnp.int32(0))
        pv = jnp.full((L,), HN, dtype=jnp.int32)

        def pad(g, carry):
            dst_v[pl.ds(off + g * L, L)] = pv
            return carry

        lax.fori_loop(0, NB * K // L, pad, 0)
        nc = lax.max((off + K - 1) // K, 1)

        zv = jnp.zeros((L,), jnp.float32)

        def zrow(i, carry):
            for j in range(D // L):
                b0[i, pl.ds(j * L, L)] = zv
            return carry

        lax.fori_loop(0, K, zrow, 0)
        base = s * rpt
        nfull = rpt // K
        for kb in range(nfull):
            pltpu.sync_copy(b0, acc.at[pl.ds(base + kb * K, K)])
        tail = rpt - nfull * K
        if tail:
            pltpu.sync_copy(b0.at[pl.ds(0, tail)],
                            acc.at[pl.ds(base + nfull * K, tail)])
        plsc.subcore_barrier()

        def gather(j, b):
            pltpu.async_copy(
                table_ref.at[src_v.at[pl.ds(j * K, K)]], bufs[b], gs[b])

        def gwait(j, b):
            pltpu.make_async_copy(
                table_ref.at[src_v.at[pl.ds(j * K, K)]], bufs[b], gs[b]).wait()

        def scat(j, b):
            pltpu.async_copy(
                bufs[b], acc.at[dst_v.at[pl.ds(j * K, K)]], ss[b], add=True)

        def swait(j, b):
            pltpu.make_async_copy(
                bufs[b], acc.at[dst_v.at[pl.ds(j * K, K)]], ss[b]).wait()

        for b in range(NB):
            gather(b, b)

        to = (nc + NB - 1) // NB

        def step(t, carry):
            j0 = NB * t
            for b in range(NB):
                gwait(j0 + b, b)
                scat(j0 + b, b)
            for b in range(NB):
                swait(j0 + b, b)
                jn = j0 + NB + b
                gather(lax.select(jn < NB * to, jn, 0), b)
            return carry

        lax.fori_loop(0, to, step, 0)
        for b in range(NB):
            gwait(0, b)
        plsc.subcore_barrier()
        pltpu.sync_copy(acc.at[pl.ds(base, rpt)],
                        out_ref.at[c, pl.ds(base, rpt)])

    return pl.kernel(
        body,
        out_type=jax.ShapeDtypeStruct((NC, ACCR, D), jnp.float32),
        compiler_params=pltpu.CompilerParams(
            use_tc_tiling_on_sc=_TCTILE, needs_layout_passes=False),
        mesh=plsc.VectorSubcoreMesh(core_axis_name="c", subcore_axis_name="s"),
        scratch_types=[
            pltpu.VMEM(((chunks + NB) * K,), jnp.int32),
            pltpu.VMEM(((chunks + NB) * K,), jnp.int32),
            pltpu.VMEM((K, D), jnp.float32),
            pltpu.VMEM((K, D), jnp.float32),
            pltpu.VMEM((K, D), jnp.float32),
            pltpu.VMEM((K, D), jnp.float32),
            pltpu.VMEM_SHARED((ACCR, D), jnp.float32),
            pltpu.SemaphoreType.DMA,
            pltpu.SemaphoreType.DMA,
            pltpu.SemaphoreType.DMA,
            pltpu.SemaphoreType.DMA,
            pltpu.SemaphoreType.DMA,
            pltpu.SemaphoreType.DMA,
            pltpu.SemaphoreType.DMA,
            pltpu.SemaphoreType.DMA,
        ],
    )(table, src2, dst2)


def _degrees(dst2, chunks):
    rpt = ACCR // NS

    def body(dst_ref, out_ref, dst_v, ones_v, zbuf, vtmp, accd):
        c = lax.axis_index("c")
        s = lax.axis_index("s")
        ew = chunks * K
        e0 = pl.multiple_of(s * ew, 8)
        pltpu.sync_copy(dst_ref.at[pl.ds(e0, ew)], dst_v)
        _remap_flat(dst_v, c, ew)
        ov = jnp.ones((L,), jnp.float32)
        zv = jnp.zeros((L,), jnp.float32)

        def fill(i, carry):
            ones_v[pl.ds(i * L, L)] = ov
            zbuf[pl.ds(i * L, L)] = zv
            return carry

        lax.fori_loop(0, K // L, fill, 0)
        base = s * rpt
        nfull = rpt // K
        for kb in range(nfull):
            pltpu.sync_copy(zbuf, accd.at[pl.ds(base + kb * K, K)])
        tail = rpt - nfull * K
        if tail:
            pltpu.sync_copy(zbuf.at[pl.ds(0, tail)],
                            accd.at[pl.ds(base + nfull * K, tail)])
        plsc.subcore_barrier()

        def step(j, carry):
            pltpu.sync_copy(ones_v, accd.at[dst_v.at[pl.ds(j * K, K)]],
                            add=True)
            return carry

        lax.fori_loop(0, chunks, step, 0)
        plsc.subcore_barrier()
        pltpu.sync_copy(accd.at[pl.ds(base, rpt)], vtmp)
        pltpu.sync_copy(vtmp, out_ref.at[pl.ds(c * ACCR + base, rpt)])

    return pl.kernel(
        body,
        out_type=jax.ShapeDtypeStruct((NC * ACCR,), jnp.float32),
        compiler_params=pltpu.CompilerParams(use_tc_tiling_on_sc=_TCTILE),
        mesh=plsc.VectorSubcoreMesh(core_axis_name="c", subcore_axis_name="s"),
        scratch_types=[
            pltpu.VMEM((chunks * K,), jnp.int32),
            pltpu.VMEM((K,), jnp.float32),
            pltpu.VMEM((K,), jnp.float32),
            pltpu.VMEM((rpt,), jnp.float32),
            pltpu.VMEM_SHARED((ACCR,), jnp.float32),
        ],
    )(dst2)


_BR = 1000


def _sspec(width):
    nb = HN // _BR
    return pl.BlockSpec((1, _BR, width), lambda i: (i // nb, i % nb, 0))


def _tc1(deg, x, W1):
    N, Din = x.shape
    H = W1.shape[1]

    def body(deg_ref, x_ref, w_ref, m_ref, dinv_ref):
        d = deg_ref[0] + 1.0
        dinv = lax.rsqrt(d)
        u = x_ref[...] * dinv
        m_ref[...] = jnp.dot(u, w_ref[...], preferred_element_type=jnp.float32)
        dinv_ref[...] = dinv

    return pl.pallas_call(
        body,
        grid=(N // _BR,),
        in_specs=[
            _sspec(1),
            pl.BlockSpec((_BR, Din), lambda i: (i, 0)),
            pl.BlockSpec((Din, H), lambda i: (0, 0)),
        ],
        out_specs=[
            pl.BlockSpec((_BR, H), lambda i: (i, 0)),
            pl.BlockSpec((_BR, 1), lambda i: (i, 0)),
        ],
        out_shape=[
            jax.ShapeDtypeStruct((N, H), jnp.float32),
            jax.ShapeDtypeStruct((N, 1), jnp.float32),
        ],
    )(deg, x, W1)


def _tc_mid(s, m, dinv, b, W):
    N, H = m.shape
    H2 = W.shape[1]

    def body(s_ref, m_ref, dinv_ref, b_ref, w_ref, out_ref):
        t = s_ref[0] + m_ref[...]
        h = jnp.tanh(dinv_ref[...] * t + b_ref[...])
        out_ref[...] = jnp.dot(dinv_ref[...] * h, w_ref[...],
                               preferred_element_type=jnp.float32)

    return pl.pallas_call(
        body,
        grid=(N // _BR,),
        in_specs=[
            _sspec(H),
            pl.BlockSpec((_BR, H), lambda i: (i, 0)),
            pl.BlockSpec((_BR, 1), lambda i: (i, 0)),
            pl.BlockSpec((1, H), lambda i: (0, 0)),
            pl.BlockSpec((H, H2), lambda i: (0, 0)),
        ],
        out_specs=pl.BlockSpec((_BR, H2), lambda i: (i, 0)),
        out_shape=jax.ShapeDtypeStruct((N, H2), jnp.float32),
    )(s, m, dinv, b, W)


def _tc3(s, m, dinv, b):
    N, H = m.shape

    def body(s_ref, m_ref, dinv_ref, b_ref, out_ref):
        t = s_ref[0] + m_ref[...]
        h = jnp.tanh(dinv_ref[...] * t + b_ref[...])
        out_ref[...] = dinv_ref[...] * h

    return pl.pallas_call(
        body,
        grid=(N // _BR,),
        in_specs=[
            _sspec(H),
            pl.BlockSpec((_BR, H), lambda i: (i, 0)),
            pl.BlockSpec((_BR, 1), lambda i: (i, 0)),
            pl.BlockSpec((1, H), lambda i: (0, 0)),
        ],
        out_specs=pl.BlockSpec((_BR, H), lambda i: (i, 0)),
        out_shape=jax.ShapeDtypeStruct((N, H), jnp.float32),
    )(s, m, dinv, b)


def _tc4(s, u3, dinv, Wm, bm, Wl, bl, noise):
    N, H = u3.shape
    LD = Wm.shape[1]

    def body(s_ref, u_ref, dinv_ref, wm_ref, bm_ref, wl_ref, bl_ref, n_ref,
             z_ref, mean_ref, lv_ref):
        g = dinv_ref[...] * (s_ref[0] + u_ref[...])
        mean = jnp.dot(g, wm_ref[...], preferred_element_type=jnp.float32)
        mean = mean + bm_ref[...]
        lv = jnp.dot(g, wl_ref[...], preferred_element_type=jnp.float32)
        lv = lv + bl_ref[...]
        z_ref[...] = n_ref[...] * jnp.exp(0.5 * lv) + mean
        mean_ref[...] = mean
        lv_ref[...] = lv

    return pl.pallas_call(
        body,
        grid=(N // _BR,),
        in_specs=[
            _sspec(H),
            pl.BlockSpec((_BR, H), lambda i: (i, 0)),
            pl.BlockSpec((_BR, 1), lambda i: (i, 0)),
            pl.BlockSpec((H, LD), lambda i: (0, 0)),
            pl.BlockSpec((1, LD), lambda i: (0, 0)),
            pl.BlockSpec((H, LD), lambda i: (0, 0)),
            pl.BlockSpec((1, LD), lambda i: (0, 0)),
            pl.BlockSpec((_BR, LD), lambda i: (i, 0)),
        ],
        out_specs=[
            pl.BlockSpec((_BR, LD), lambda i: (i, 0)),
            pl.BlockSpec((_BR, LD), lambda i: (i, 0)),
            pl.BlockSpec((_BR, LD), lambda i: (i, 0)),
        ],
        out_shape=[
            jax.ShapeDtypeStruct((N, LD), jnp.float32),
            jax.ShapeDtypeStruct((N, LD), jnp.float32),
            jax.ShapeDtypeStruct((N, LD), jnp.float32),
        ],
    )(s, u3, dinv, Wm, bm, Wl, bl, noise)


def kernel(x, edge_index, W1, b1, W2, b2, Wm, bm, Wl, bl, noise):
    N = x.shape[0]
    E = edge_index.shape[1]
    src = edge_index[0].astype(jnp.int32)
    dst = edge_index[1].astype(jnp.int32)

    chunks = -(-E // (NS * K))
    chunks = -(-chunks // 8) * 8
    epad = NS * chunks * K
    src2 = jnp.concatenate([src, jnp.zeros((epad - E,), jnp.int32)])
    dst2 = jnp.concatenate([dst, jnp.full((epad - E,), N, jnp.int32)])

    deg = _degrees(dst2, chunks).reshape(NC, ACCR, 1)
    m1, dinv = _tc1(deg, x, W1)
    s1 = _seg_scatter(m1, src2, dst2, chunks)
    m2 = _tc_mid(s1, m1, dinv, b1.reshape(1, -1), W2)
    s2 = _seg_scatter(m2, src2, dst2, chunks)
    u3 = _tc3(s2, m2, dinv, b2.reshape(1, -1))
    s3 = _seg_scatter(u3, src2, dst2, chunks)
    z, mean, logvar = _tc4(s3, u3, dinv, Wm, bm.reshape(1, -1),
                           Wl, bl.reshape(1, -1), noise)
    return (z, mean, logvar)

# --- scband reference (transcript-rebuilt; emitter-appended) ---
"""Pipeline reference for scband-combined-hidden-gcvaeencoder-16286515987220 (READ-ONLY COPY).

The authoritative reference and input builder live on the scoring server;
editing this copy changes nothing except your own understanding.
"""

import jax, jax.numpy as jnp
import numpy as np

N_NODES = 10000
N_EDGES = 320000
IN_DIM = 128
HID_DIM = 128
LAT_DIM = 64


def gcn_conv(x, W, b, src, dst, num_nodes):
    # GCNConv with add_self_loops=True and symmetric normalization:
    # out = D^{-1/2} (A + I) D^{-1/2} X W + b
    h = x @ W
    ones = jnp.ones(src.shape[0], dtype=h.dtype)
    deg = jnp.zeros((num_nodes,), dtype=h.dtype).at[dst].add(ones)
    dinv = jnp.where(deg > 0, 1.0 / jnp.sqrt(deg), 0.0)
    norm = dinv[src] * dinv[dst]
    msgs = norm[:, None] * h[src]
    out = jnp.zeros((num_nodes, W.shape[1]), dtype=h.dtype).at[dst].add(msgs)
    return out + b


def setup_inputs(seed: int = 0) -> dict:
    key = jax.random.key(seed)
    ks = jax.random.split(key, 12)
    x = jax.random.normal(ks[0], (N_NODES, IN_DIM), dtype=jnp.float32)
    edge_index = jax.random.randint(ks[1], (2, N_EDGES), 0, N_NODES, dtype=jnp.int64)
    s1 = 1.0 / np.sqrt(IN_DIM)
    s2 = 1.0 / np.sqrt(HID_DIM)
    W1 = jax.random.normal(ks[2], (IN_DIM, HID_DIM), dtype=jnp.float32) * s1
    b1 = jnp.zeros((HID_DIM,), dtype=jnp.float32)
    W2 = jax.random.normal(ks[3], (HID_DIM, HID_DIM), dtype=jnp.float32) * s2
    b2 = jnp.zeros((HID_DIM,), dtype=jnp.float32)
    Wm = jax.random.normal(ks[4], (HID_DIM, LAT_DIM), dtype=jnp.float32) * s2
    bm = jnp.zeros((LAT_DIM,), dtype=jnp.float32)
    Wl = jax.random.normal(ks[5], (HID_DIM, LAT_DIM), dtype=jnp.float32) * s2
    bl = jnp.zeros((LAT_DIM,), dtype=jnp.float32)
    noise = jax.random.normal(ks[6], (N_NODES, LAT_DIM), dtype=jnp.float32)
    return {"x": x, "edge_index": edge_index, "W1": W1, "b1": b1, "W2": W2,
            "b2": b2, "Wm": Wm, "bm": bm, "Wl": Wl, "bl": bl, "noise": noise}


def reference(x, edge_index, W1, b1, W2, b2, Wm, bm, Wl, bl, noise):
    num_nodes = x.shape[0]
    loop = jnp.arange(num_nodes, dtype=edge_index.dtype)
    src = jnp.concatenate([edge_index[0], loop])
    dst = jnp.concatenate([edge_index[1], loop])
    h = jnp.tanh(gcn_conv(x, W1, b1, src, dst, num_nodes))
    h = jnp.tanh(gcn_conv(h, W2, b2, src, dst, num_nodes))
    # Dropout self.dp is defined but never applied in forward (and eval-mode anyway)
    mean = gcn_conv(h, Wm, bm, src, dst, num_nodes)
    logvar = gcn_conv(h, Wl, bl, src, dst, num_nodes)
    z = noise * jnp.exp(0.5 * logvar) + mean
    return (z, mean, logvar)

if __name__ == "__main__":
    import jax
    _d = setup_inputs()
    print(jax.jit(kernel)(*tuple(_d.values())))

</pallas_src>

<mosaic_0001>
#map = affine_map<(d0, d1) -> (0)>
module attributes {stable_mosaic.version = 14 : i64} {
  func.func @body(%arg0: i32, %arg1: i32, %arg2: memref<327680xi32, #tpu.memory_space<hbm>>, %arg3: memref<10240xf32, #tpu.memory_space<hbm>>, %arg4: memref<20480xi32, #tpu.memory_space<vmem>>, %arg5: memref<64xf32, #tpu.memory_space<vmem>>, %arg6: memref<64xf32, #tpu.memory_space<vmem>>, %arg7: memref<320xf32, #tpu.memory_space<vmem>>, %arg8: memref<5120xf32, #tpu.memory_space<vmem_shared>>) attributes {dimension_semantics = [#tpu.dimension_semantics<core_parallel>, #tpu.dimension_semantics<subcore_parallel>], iteration_bounds = array<i64: 2, 16>, scalar_prefetch = 0 : i64, scratch_operands = 5 : i64, tpu.core_type = #tpu.core_type<sc_vector_subcore>, window_params = [{transform_indices = #map}, {transform_indices = #map}]} {
    %mul3A = arith.constant 20480 : i32
    %mul3A_0 = arith.muli %arg1, %mul3A : i32
    %multiple_of3A = tpu.assume_multiple %mul3A_0, 8 : i32
    "tpu.region"() ({
      %run_scoped3A = tpu.sem_alloc : memref<!tpu.dma_semaphore, #tpu.memory_space<semaphore_mem>>
      %dma_start3A = tpu.memref_slice %arg2[%multiple_of3A] : memref<327680xi32, #tpu.memory_space<hbm>> -> memref<20480xi32, #tpu.memory_space<hbm>>
      %dma_start3A_36 = tpu.memref_slice %arg2[%multiple_of3A] : memref<327680xi32, #tpu.memory_space<hbm>> -> memref<20480xi32, #tpu.memory_space<hbm>>
      tpu.enqueue_dma source(%dma_start3A_36 : memref<20480xi32, #tpu.memory_space<hbm>>) target(%arg4 : memref<20480xi32, #tpu.memory_space<vmem>>) target_semaphore(%run_scoped3A : memref<!tpu.dma_semaphore, #tpu.memory_space<semaphore_mem>>)
      %dma_wait3A = tpu.memref_slice %arg2[%multiple_of3A] : memref<327680xi32, #tpu.memory_space<hbm>> -> memref<20480xi32, #tpu.memory_space<hbm>>
      %dma_wait3A_37 = tpu.memref_slice %arg2[%multiple_of3A] : memref<327680xi32, #tpu.memory_space<hbm>> -> memref<20480xi32, #tpu.memory_space<hbm>>
      tpu.wait_dma2 semaphore(%run_scoped3A : memref<!tpu.dma_semaphore, #tpu.memory_space<semaphore_mem>>) src(%dma_wait3A_37 : memref<20480xi32, #tpu.memory_space<hbm>>) dst(%arg4 : memref<20480xi32, #tpu.memory_space<vmem>>)
      tpu.yield
    }) : () -> ()
    %scan3A = arith.constant 0 : i32
    %scan3A_1 = arith.constant 0 : i32
    %scan3A_2 = arith.constant 1280 : i32
    %scan3A_3 = arith.addi %scan3A_1, %scan3A_2 : i32
    %scan3A_4 = arith.constant 1 : i32
    scf.for %scan3A_36 = %scan3A_1 to %scan3A_3 step %scan3A_4  : i32 {
      %mul3A_37 = arith.constant 16 : i32
      %mul3A_38 = arith.muli %scan3A_36, %mul3A_37 : i32
      %get3A = arith.index_cast %mul3A_38 : i32 to index
      %get3A_39 = tpu.vector_load %arg4[%get3A] {strides = array<i32>} : memref<20480xi32, #tpu.memory_space<vmem>>, vector<16xi32>,
      %get3A_40 = vector.shape_cast %get3A_39 : vector<16xi32> to vector<16xi32>
      %mul3A_41 = arith.constant 5000 : i32
      %mul3A_42 = arith.muli %arg0, %mul3A_41 : i32
      %sub3A = vector.broadcast %mul3A_42 : i32 to vector<16xi32>
      %sub3A_43 = arith.subi %get3A_40, %sub3A : vector<16xi32>
      %ge3A = arith.constant 0 : i32
      %ge3A_44 = vector.broadcast %ge3A : i32 to vector<16xi32>
      %ge3A_45 = arith.cmpi sge, %sub3A_43, %ge3A_44 : vector<16xi32>
      %lt3A = arith.constant 5000 : i32
      %lt3A_46 = vector.broadcast %lt3A : i32 to vector<16xi32>
      %lt3A_47 = arith.cmpi slt, %sub3A_43, %lt3A_46 : vector<16xi32>
      %and3A = arith.andi %ge3A_45, %lt3A_47 : vector<16xi1>
      %and3A_48 = arith.constant 63 : i32
      %and3A_49 = vector.broadcast %and3A_48 : i32 to vector<16xi32>
      %and3A_50 = arith.andi %get3A_40, %and3A_49 : vector<16xi32>
      %add3A_51 = arith.constant 5000 : i32
      %add3A_52 = vector.broadcast %add3A_51 : i32 to vector<16xi32>
      %add3A_53 = arith.addi %add3A_52, %and3A_50 : vector<16xi32>
      %select_n3A = arith.select %and3A, %sub3A_43, %add3A_53 : vector<16xi1>, vector<16xi32>
      %mul3A_54 = arith.constant 16 : i32
      %mul3A_55 = arith.muli %scan3A_36, %mul3A_54 : i32
      %swap3A = arith.index_cast %mul3A_55 : i32 to index
      %swap3A_56 = tpu.vector_load %arg4[%swap3A] {strides = array<i32>} : memref<20480xi32, #tpu.memory_space<vmem>>, vector<16xi32>,
      %swap3A_57 = vector.shape_cast %swap3A_56 : vector<16xi32> to vector<16xi32>
      %swap3A_58 = vector.shape_cast %select_n3A : vector<16xi32> to vector<16xi32>
      tpu.vector_store %arg4[%swap3A], %swap3A_58 {strides = array<i32>} : memref<20480xi32, #tpu.memory_space<vmem>>, vector<16xi32>,
    }
    %scan3A_5 = arith.constant 1280 : i32
    %broadcast_in_dim3A = arith.constant 1.000000e+00 : f32
    %broadcast_in_dim3A_6 = vector.broadcast %broadcast_in_dim3A : f32 to vector<16xf32>
    %broadcast_in_dim3A_7 = arith.constant 0.000000e+00 : f32
    %broadcast_in_dim3A_8 = vector.broadcast %broadcast_in_dim3A_7 : f32 to vector<16xf32>
    %scan3A_9 = arith.constant 0 : i32
    %scan3A_10 = arith.constant 0 : i32
    %scan3A_11 = arith.constant 4 : i32
    %scan3A_12 = arith.addi %scan3A_10, %scan3A_11 : i32
    %scan3A_13 = arith.constant 1 : i32
    scf.for %scan3A_36 = %scan3A_10 to %scan3A_12 step %scan3A_13  : i32 {
      %mul3A_37 = arith.constant 16 : i32
      %mul3A_38 = arith.muli %scan3A_36, %mul3A_37 : i32
      %swap3A = arith.index_cast %mul3A_38 : i32 to index
      %swap3A_39 = tpu.vector_load %arg5[%swap3A] {strides = array<i32>} : memref<64xf32, #tpu.memory_space<vmem>>, vector<16xf32>,
      %swap3A_40 = vector.shape_cast %swap3A_39 : vector<16xf32> to vector<16xf32>
      %swap3A_41 = vector.shape_cast %broadcast_in_dim3A_6 : vector<16xf32> to vector<16xf32>
      tpu.vector_store %arg5[%swap3A], %swap3A_41 {strides = array<i32>} : memref<64xf32, #tpu.memory_space<vmem>>, vector<16xf32>,
      %mul3A_42 = arith.constant 16 : i32
      %mul3A_43 = arith.muli %scan3A_36, %mul3A_42 : i32
      %swap3A_44 = arith.index_cast %mul3A_43 : i32 to index
      %swap3A_45 = tpu.vector_load %arg6[%swap3A_44] {strides = array<i32>} : memref<64xf32, #tpu.memory_space<vmem>>, vector<16xf32>,
      %swap3A_46 = vector.shape_cast %swap3A_45 : vector<16xf32> to vector<16xf32>
      %swap3A_47 = vector.shape_cast %broadcast_in_dim3A_8 : vector<16xf32> to vector<16xf32>
      tpu.vector_store %arg6[%swap3A_44], %swap3A_47 {strides = array<i32>} : memref<64xf32, #tpu.memory_space<vmem>>, vector<16xf32>,
    }
    %scan3A_14 = arith.constant 4 : i32
    %mul3A_15 = arith.constant 320 : i32
    %mul3A_16 = arith.muli %arg1, %mul3A_15 : i32
    %add3A = arith.constant 0 : i32
    %add3A_17 = arith.addi %mul3A_16, %add3A : i32
    "tpu.region"() ({
      %run_scoped3A = tpu.sem_alloc : memref<!tpu.dma_semaphore, #tpu.memory_space<semaphore_mem>>
      %dma_start3A = tpu.memref_slice %arg8[%add3A_17] : memref<5120xf32, #tpu.memory_space<vmem_shared>> -> memref<64xf32, #tpu.memory_space<vmem_shared>>
      %dma_start3A_36 = tpu.memref_slice %arg8[%add3A_17] : memref<5120xf32, #tpu.memory_space<vmem_shared>> -> memref<64xf32, #tpu.memory_space<vmem_shared>>
      tpu.enqueue_dma source(%arg6 : memref<64xf32, #tpu.memory_space<vmem>>) target(%dma_start3A_36 : memref<64xf32, #tpu.memory_space<vmem_shared>>) target_semaphore(%run_scoped3A : memref<!tpu.dma_semaphore, #tpu.memory_space<semaphore_mem>>)
      %dma_wait3A = tpu.memref_slice %arg8[%add3A_17] : memref<5120xf32, #tpu.memory_space<vmem_shared>> -> memref<64xf32, #tpu.memory_space<vmem_shared>>
      %dma_wait3A_37 = tpu.memref_slice %arg8[%add3A_17] : memref<5120xf32, #tpu.memory_space<vmem_shared>> -> memref<64xf32, #tpu.memory_space<vmem_shared>>
      tpu.wait_dma2 semaphore(%run_scoped3A : memref<!tpu.dma_semaphore, #tpu.memory_space<semaphore_mem>>) src(%arg6 : memref<64xf32, #tpu.memory_space<vmem>>) dst(%dma_wait3A_37 : memref<64xf32, #tpu.memory_space<vmem_shared>>)
      tpu.yield
    }) : () -> ()
    %add3A_18 = arith.constant 64 : i32
    %add3A_19 = arith.addi %mul3A_16, %add3A_18 : i32
    "tpu.region"() ({
      %run_scoped3A = tpu.sem_alloc : memref<!tpu.dma_semaphore, #tpu.memory_space<semaphore_mem>>
      %dma_start3A = tpu.memref_slice %arg8[%add3A_19] : memref<5120xf32, #tpu.memory_space<vmem_shared>> -> memref<64xf32, #tpu.memory_space<vmem_shared>>
      %dma_start3A_36 = tpu.memref_slice %arg8[%add3A_19] : memref<5120xf32, #tpu.memory_space<vmem_shared>> -> memref<64xf32, #tpu.memory_space<vmem_shared>>
      tpu.enqueue_dma source(%arg6 : memref<64xf32, #tpu.memory_space<vmem>>) target(%dma_start3A_36 : memref<64xf32, #tpu.memory_space<vmem_shared>>) target_semaphore(%run_scoped3A : memref<!tpu.dma_semaphore, #tpu.memory_space<semaphore_mem>>)
      %dma_wait3A = tpu.memref_slice %arg8[%add3A_19] : memref<5120xf32, #tpu.memory_space<vmem_shared>> -> memref<64xf32, #tpu.memory_space<vmem_shared>>
      %dma_wait3A_37 = tpu.memref_slice %arg8[%add3A_19] : memref<5120xf32, #tpu.memory_space<vmem_shared>> -> memref<64xf32, #tpu.memory_space<vmem_shared>>
      tpu.wait_dma2 semaphore(%run_scoped3A : memref<!tpu.dma_semaphore, #tpu.memory_space<semaphore_mem>>) src(%arg6 : memref<64xf32, #tpu.memory_space<vmem>>) dst(%dma_wait3A_37 : memref<64xf32, #tpu.memory_space<vmem_shared>>)
      tpu.yield
    }) : () -> ()
    %add3A_20 = arith.constant 128 : i32
    %add3A_21 = arith.addi %mul3A_16, %add3A_20 : i32
    "tpu.region"() ({
      %run_scoped3A = tpu.sem_alloc : memref<!tpu.dma_semaphore, #tpu.memory_space<semaphore_mem>>
      %dma_start3A = tpu.memref_slice %arg8[%add3A_21] : memref<5120xf32, #tpu.memory_space<vmem_shared>> -> memref<64xf32, #tpu.memory_space<vmem_shared>>
      %dma_start3A_36 = tpu.memref_slice %arg8[%add3A_21] : memref<5120xf32, #tpu.memory_space<vmem_shared>> -> memref<64xf32, #tpu.memory_space<vmem_shared>>
      tpu.enqueue_dma source(%arg6 : memref<64xf32, #tpu.memory_space<vmem>>) target(%dma_start3A_36 : memref<64xf32, #tpu.memory_space<vmem_shared>>) target_semaphore(%run_scoped3A : memref<!tpu.dma_semaphore, #tpu.memory_space<semaphore_mem>>)
      %dma_wait3A = tpu.memref_slice %arg8[%add3A_21] : memref<5120xf32, #tpu.memory_space<vmem_shared>> -> memref<64xf32, #tpu.memory_space<vmem_shared>>
      %dma_wait3A_37 = tpu.memref_slice %arg8[%add3A_21] : memref<5120xf32, #tpu.memory_space<vmem_shared>> -> memref<64xf32, #tpu.memory_space<vmem_shared>>
      tpu.wait_dma2 semaphore(%run_scoped3A : memref<!tpu.dma_semaphore, #tpu.memory_space<semaphore_mem>>) src(%arg6 : memref<64xf32, #tpu.memory_space<vmem>>) dst(%dma_wait3A_37 : memref<64xf32, #tpu.memory_space<vmem_shared>>)
      tpu.yield
    }) : () -> ()
    %add3A_22 = arith.constant 192 : i32
    %add3A_23 = arith.addi %mul3A_16, %add3A_22 : i32
    "tpu.region"() ({
      %run_scoped3A = tpu.sem_alloc : memref<!tpu.dma_semaphore, #tpu.memory_space<semaphore_mem>>
      %dma_start3A = tpu.memref_slice %arg8[%add3A_23] : memref<5120xf32, #tpu.memory_space<vmem_shared>> -> memref<64xf32, #tpu.memory_space<vmem_shared>>
      %dma_start3A_36 = tpu.memref_slice %arg8[%add3A_23] : memref<5120xf32, #tpu.memory_space<vmem_shared>> -> memref<64xf32, #tpu.memory_space<vmem_shared>>
      tpu.enqueue_dma source(%arg6 : memref<64xf32, #tpu.memory_space<vmem>>) target(%dma_start3A_36 : memref<64xf32, #tpu.memory_space<vmem_shared>>) target_semaphore(%run_scoped3A : memref<!tpu.dma_semaphore, #tpu.memory_space<semaphore_mem>>)
      %dma_wait3A = tpu.memref_slice %arg8[%add3A_23] : memref<5120xf32, #tpu.memory_space<vmem_shared>> -> memref<64xf32, #tpu.memory_space<vmem_shared>>
      %dma_wait3A_37 = tpu.memref_slice %arg8[%add3A_23] : memref<5120xf32, #tpu.memory_space<vmem_shared>> -> memref<64xf32, #tpu.memory_space<vmem_shared>>
      tpu.wait_dma2 semaphore(%run_scoped3A : memref<!tpu.dma_semaphore, #tpu.memory_space<semaphore_mem>>) src(%arg6 : memref<64xf32, #tpu.memory_space<vmem>>) dst(%dma_wait3A_37 : memref<64xf32, #tpu.memory_space<vmem_shared>>)
      tpu.yield
    }) : () -> ()
    %add3A_24 = arith.constant 256 : i32
    %add3A_25 = arith.addi %mul3A_16, %add3A_24 : i32
    "tpu.region"() ({
      %run_scoped3A = tpu.sem_alloc : memref<!tpu.dma_semaphore, #tpu.memory_space<semaphore_mem>>
      %dma_start3A = tpu.memref_slice %arg8[%add3A_25] : memref<5120xf32, #tpu.memory_space<vmem_shared>> -> memref<64xf32, #tpu.memory_space<vmem_shared>>
      %dma_start3A_36 = tpu.memref_slice %arg8[%add3A_25] : memref<5120xf32, #tpu.memory_space<vmem_shared>> -> memref<64xf32, #tpu.memory_space<vmem_shared>>
      tpu.enqueue_dma source(%arg6 : memref<64xf32, #tpu.memory_space<vmem>>) target(%dma_start3A_36 : memref<64xf32, #tpu.memory_space<vmem_shared>>) target_semaphore(%run_scoped3A : memref<!tpu.dma_semaphore, #tpu.memory_space<semaphore_mem>>)
      %dma_wait3A = tpu.memref_slice %arg8[%add3A_25] : memref<5120xf32, #tpu.memory_space<vmem_shared>> -> memref<64xf32, #tpu.memory_space<vmem_shared>>
      %dma_wait3A_37 = tpu.memref_slice %arg8[%add3A_25] : memref<5120xf32, #tpu.memory_space<vmem_shared>> -> memref<64xf32, #tpu.memory_space<vmem_shared>>
      tpu.wait_dma2 semaphore(%run_scoped3A : memref<!tpu.dma_semaphore, #tpu.memory_space<semaphore_mem>>) src(%arg6 : memref<64xf32, #tpu.memory_space<vmem>>) dst(%dma_wait3A_37 : memref<64xf32, #tpu.memory_space<vmem_shared>>)
      tpu.yield
    }) : () -> ()
    %barrier3A = arith.constant 0 : index
    tpu.barrier barrier_id(%barrier3A)
    %scan3A_26 = arith.constant 0 : i32
    %scan3A_27 = arith.constant 0 : i32
    %scan3A_28 = arith.constant 320 : i32
    %scan3A_29 = arith.addi %scan3A_27, %scan3A_28 : i32
    %scan3A_30 = arith.constant 1 : i32
    scf.for %scan3A_36 = %scan3A_27 to %scan3A_29 step %scan3A_30  : i32 {
      %mul3A_37 = arith.constant 64 : i32
      %mul3A_38 = arith.muli %scan3A_36, %mul3A_37 : i32
      "tpu.region"() ({
        %run_scoped3A = tpu.sem_alloc : memref<!tpu.dma_semaphore, #tpu.memory_space<semaphore_mem>>
        %dma_start3A = tpu.memref_slice %arg4[%mul3A_38] : memref<20480xi32, #tpu.memory_space<vmem>> -> memref<64xi32, #tpu.memory_space<vmem>>
        %dma_start3A_39 = arith.constant 0 : i32
        %dma_start3A_40 = tpu.memref_slice %arg8[%dma_start3A_39] : memref<5120xf32, #tpu.memory_space<vmem_shared>> -> memref<5120xf32, #tpu.memory_space<vmem_shared>>
        tpu.enqueue_indirect_dma source(%arg5 : memref<64xf32, #tpu.memory_space<vmem>>) target(%dma_start3A_40 : memref<5120xf32, #tpu.memory_space<vmem_shared>>) offsets(%dma_start3A : memref<64xi32, #tpu.memory_space<vmem>>) semaphore(%run_scoped3A : memref<!tpu.dma_semaphore, #tpu.memory_space<semaphore_mem>>) {add = true}
        %dma_wait3A = tpu.memref_slice %arg4[%mul3A_38] : memref<20480xi32, #tpu.memory_space<vmem>> -> memref<64xi32, #tpu.memory_space<vmem>>
        %dma_wait3A_41 = arith.constant 0 : i32
        %dma_wait3A_42 = tpu.memref_slice %arg8[%dma_wait3A_41] : memref<5120xf32, #tpu.memory_space<vmem_shared>> -> memref<5120xf32, #tpu.memory_space<vmem_shared>>
        tpu.wait_indirect_dma semaphore(%run_scoped3A : memref<!tpu.dma_semaphore, #tpu.memory_space<semaphore_mem>>) src(%arg5 : memref<64xf32, #tpu.memory_space<vmem>>) dst(%dma_wait3A_42 : memref<5120xf32, #tpu.memory_space<vmem_shared>>)
        tpu.yield
      }) : () -> ()
    }
    %scan3A_31 = arith.constant 320 : i32
    %barrier3A_32 = arith.constant 0 : index
    tpu.barrier barrier_id(%barrier3A_32)
    "tpu.region"() ({
      %run_scoped3A = tpu.sem_alloc : memref<!tpu.dma_semaphore, #tpu.memory_space<semaphore_mem>>
      %dma_start3A = tpu.memref_slice %arg8[%mul3A_16] : memref<5120xf32, #tpu.memory_space<vmem_shared>> -> memref<320xf32, #tpu.memory_space<vmem_shared>>
      %dma_start3A_36 = tpu.memref_slice %arg8[%mul3A_16] : memref<5120xf32, #tpu.memory_space<vmem_shared>> -> memref<320xf32, #tpu.memory_space<vmem_shared>>
      tpu.enqueue_dma source(%dma_start3A_36 : memref<320xf32, #tpu.memory_space<vmem_shared>>) target(%arg7 : memref<320xf32, #tpu.memory_space<vmem>>) target_semaphore(%run_scoped3A : memref<!tpu.dma_semaphore, #tpu.memory_space<semaphore_mem>>)
      %dma_wait3A = tpu.memref_slice %arg8[%mul3A_16] : memref<5120xf32, #tpu.memory_space<vmem_shared>> -> memref<320xf32, #tpu.memory_space<vmem_shared>>
      %dma_wait3A_37 = tpu.memref_slice %arg8[%mul3A_16] : memref<5120xf32, #tpu.memory_space<vmem_shared>> -> memref<320xf32, #tpu.memory_space<vmem_shared>>
      tpu.wait_dma2 semaphore(%run_scoped3A : memref<!tpu.dma_semaphore, #tpu.memory_space<semaphore_mem>>) src(%dma_wait3A_37 : memref<320xf32, #tpu.memory_space<vmem_shared>>) dst(%arg7 : memref<320xf32, #tpu.memory_space<vmem>>)
      tpu.yield
    }) : () -> ()
    %mul3A_33 = arith.constant 5120 : i32
    %mul3A_34 = arith.muli %arg0, %mul3A_33 : i32
    %add3A_35 = arith.addi %mul3A_34, %mul3A_16 : i32
    "tpu.region"() ({
      %run_scoped3A = tpu.sem_alloc : memref<!tpu.dma_semaphore, #tpu.memory_space<semaphore_mem>>
      %dma_start3A = tpu.memref_slice %arg3[%add3A_35] : memref<10240xf32, #tpu.memory_space<hbm>> -> memref<320xf32, #tpu.memory_space<hbm>>
      %dma_start3A_36 = tpu.memref_slice %arg3[%add3A_35] : memref<10240xf32, #tpu.memory_space<hbm>> -> memref<320xf32, #tpu.memory_space<hbm>>
      tpu.enqueue_dma source(%arg7 : memref<320xf32, #tpu.memory_space<vmem>>) target(%dma_start3A_36 : memref<320xf32, #tpu.memory_space<hbm>>) target_semaphore(%run_scoped3A : memref<!tpu.dma_semaphore, #tpu.memory_space<semaphore_mem>>)
      %dma_wait3A = tpu.memref_slice %arg3[%add3A_35] : memref<10240xf32, #tpu.memory_space<hbm>> -> memref<320xf32, #tpu.memory_space<hbm>>
      %dma_wait3A_37 = tpu.memref_slice %arg3[%add3A_35] : memref<10240xf32, #tpu.memory_space<hbm>> -> memref<320xf32, #tpu.memory_space<hbm>>
      tpu.wait_dma2 semaphore(%run_scoped3A : memref<!tpu.dma_semaphore, #tpu.memory_space<semaphore_mem>>) src(%arg7 : memref<320xf32, #tpu.memory_space<vmem>>) dst(%dma_wait3A_37 : memref<320xf32, #tpu.memory_space<hbm>>)
      tpu.yield
    }) : () -> ()
    return
  }
}

#map = affine_map<(d0, d1) -> (0, 0)>
#map1 = affine_map<(d0, d1) -> (0)>
#map2 = affine_map<(d0, d1) -> (0, 0, 0)>
module attributes {stable_mosaic.version = 14 : i64} {
  func.func @body(%arg0: i32, %arg1: i32, %arg2: memref<10000x128xf32, #tpu.memory_space<hbm>>, %arg3: memref<327680xi32, #tpu.memory_space<hbm>>, %arg4: memref<327680xi32, #tpu.memory_space<hbm>>, %arg5: memref<2x5120x128xf32, #tpu.memory_space<hbm>>, %arg6: memref<20736xi32, #tpu.memory_space<vmem>>, %arg7: memref<20736xi32, #tpu.memory_space<vmem>>, %arg8: memref<64x128xf32, #tpu.memory_space<vmem>>, %arg9: memref<64x128xf32, #tpu.memory_space<vmem>>, %arg10: memref<64x128xf32, #tpu.memory_space<vmem>>, %arg11: memref<64x128xf32, #tpu.memory_space<vmem>>, %arg12: memref<5120x128xf32, #tpu.memory_space<vmem_shared>>, %arg13: memref<!tpu.dma_semaphore, #tpu.memory_space<semaphore_mem>>, %arg14: memref<!tpu.dma_semaphore, #tpu.memory_space<semaphore_mem>>, %arg15: memref<!tpu.dma_semaphore, #tpu.memory_space<semaphore_mem>>, %arg16: memref<!tpu.dma_semaphore, #tpu.memory_space<semaphore_mem>>, %arg17: memref<!tpu.dma_semaphore, #tpu.memory_space<semaphore_mem>>, %arg18: memref<!tpu.dma_semaphore, #tpu.memory_space<semaphore_mem>>, %arg19: memref<!tpu.dma_semaphore, #tpu.memory_space<semaphore_mem>>, %arg20: memref<!tpu.dma_semaphore, #tpu.memory_space<semaphore_mem>>) attributes {dimension_semantics = [#tpu.dimension_semantics<core_parallel>, #tpu.dimension_semantics<subcore_parallel>], iteration_bounds = array<i64: 2, 16>, scalar_prefetch = 0 : i64, scratch_operands = 15 : i64, tpu.core_type = #tpu.core_type<sc_vector_subcore>, window_params = [{transform_indices = #map}, {transform_indices = #map1}, {transform_indices = #map1}, {transform_indices = #map2}]} {
    %mul3A = arith.constant 20480 : i32
    %mul3A_0 = arith.muli %arg1, %mul3A : i32
    %multiple_of3A = tpu.assume_multiple %mul3A_0, 8 : i32
    "tpu.region"() ({
      %run_scoped3A = tpu.sem_alloc : memref<!tpu.dma_semaphore, #tpu.memory_space<semaphore_mem>>
      %dma_start3A_130 = arith.constant 0 : i32
      %dma_start3A_131 = tpu.memref_slice %arg6[%dma_start3A_130] : memref<20736xi32, #tpu.memory_space<vmem>> -> memref<20480xi32, #tpu.memory_space<vmem>>
      %dma_start3A_132 = tpu.memref_slice %arg3[%multiple_of3A] : memref<327680xi32, #tpu.memory_space<hbm>> -> memref<20480xi32, #tpu.memory_space<hbm>>
      %dma_start3A_133 = arith.constant 0 : i32
      %dma_start3A_134 = tpu.memref_slice %arg6[%dma_start3A_133] : memref<20736xi32, #tpu.memory_space<vmem>> -> memref<20480xi32, #tpu.memory_space<vmem>>
      %dma_start3A_135 = tpu.memref_slice %arg3[%multiple_of3A] : memref<327680xi32, #tpu.memory_space<hbm>> -> memref<20480xi32, #tpu.memory_space<hbm>>
      tpu.enqueue_dma source(%dma_start3A_135 : memref<20480xi32, #tpu.memory_space<hbm>>) target(%dma_start3A_134 : memref<20480xi32, #tpu.memory_space<vmem>>) target_semaphore(%run_scoped3A : memref<!tpu.dma_semaphore, #tpu.memory_space<semaphore_mem>>)
      %dma_wait3A_136 = arith.constant 0 : i32
      %dma_wait3A_137 = tpu.memref_slice %arg6[%dma_wait3A_136] : memref<20736xi32, #tpu.memory_space<vmem>> -> memref<20480xi32, #tpu.memory_space<vmem>>
      %dma_wait3A_138 = tpu.memref_slice %arg3[%multiple_of3A] : memref<327680xi32, #tpu.memory_space<hbm>> -> memref<20480xi32, #tpu.memory_space<hbm>>
      %dma_wait3A_139 = arith.constant 0 : i32
      %dma_wait3A_140 = tpu.memref_slice %arg6[%dma_wait3A_139] : memref<20736xi32, #tpu.memory_space<vmem>> -> memref<20480xi32, #tpu.memory_space<vmem>>
      %dma_wait3A_141 = tpu.memref_slice %arg3[%multiple_of3A] : memref<327680xi32, #tpu.memory_space<hbm>> -> memref<20480xi32, #tpu.memory_space<hbm>>
      tpu.wait_dma2 semaphore(%run_scoped3A : memref<!tpu.dma_semaphore, #tpu.memory_space<semaphore_mem>>) src(%dma_wait3A_141 : memref<20480xi32, #tpu.memory_space<hbm>>) dst(%dma_wait3A_140 : memref<20480xi32, #tpu.memory_space<vmem>>)
      tpu.yield
    }) : () -> ()
    "tpu.region"() ({
      %run_scoped3A = tpu.sem_alloc : memref<!tpu.dma_semaphore, #tpu.memory_space<semaphore_mem>>
      %dma_start3A_130 = arith.constant 0 : i32
      %dma_start3A_131 = tpu.memref_slice %arg7[%dma_start3A_130] : memref<20736xi32, #tpu.memory_space<vmem>> -> memref<20480xi32, #tpu.memory_space<vmem>>
      %dma_start3A_132 = tpu.memref_slice %arg4[%multiple_of3A] : memref<327680xi32, #tpu.memory_space<hbm>> -> memref<20480xi32, #tpu.memory_space<hbm>>
      %dma_start3A_133 = arith.constant 0 : i32
      %dma_start3A_134 = tpu.memref_slice %arg7[%dma_start3A_133] : memref<20736xi32, #tpu.memory_space<vmem>> -> memref<20480xi32, #tpu.memory_space<vmem>>
      %dma_start3A_135 = tpu.memref_slice %arg4[%multiple_of3A] : memref<327680xi32, #tpu.memory_space<hbm>> -> memref<20480xi32, #tpu.memory_space<hbm>>
      tpu.enqueue_dma source(%dma_start3A_135 : memref<20480xi32, #tpu.memory_space<hbm>>) target(%dma_start3A_134 : memref<20480xi32, #tpu.memory_space<vmem>>) target_semaphore(%run_scoped3A : memref<!tpu.dma_semaphore, #tpu.memory_space<semaphore_mem>>)
      %dma_wait3A_136 = arith.constant 0 : i32
      %dma_wait3A_137 = tpu.memref_slice %arg7[%dma_wait3A_136] : memref<20736xi32, #tpu.memory_space<vmem>> -> memref<20480xi32, #tpu.memory_space<vmem>>
      %dma_wait3A_138 = tpu.memref_slice %arg4[%multiple_of3A] : memref<327680xi32, #tpu.memory_space<hbm>> -> memref<20480xi32, #tpu.memory_space<hbm>>
      %dma_wait3A_139 = arith.constant 0 : i32
      %dma_wait3A_140 = tpu.memref_slice %arg7[%dma_wait3A_139] : memref<20736xi32, #tpu.memory_space<vmem>> -> memref<20480xi32, #tpu.memory_space<vmem>>
      %dma_wait3A_141 = tpu.memref_slice %arg4[%multiple_of3A] : memref<327680xi32, #tpu.memory_space<hbm>> -> memref<20480xi32, #tpu.memory_space<hbm>>
      tpu.wait_dma2 semaphore(%run_scoped3A : memref<!tpu.dma_semaphore, #tpu.memory_space<semaphore_mem>>) src(%dma_wait3A_141 : memref<20480xi32, #tpu.memory_space<hbm>>) dst(%dma_wait3A_140 : memref<20480xi32, #tpu.memory_space<vmem>>)
      tpu.yield
    }) : () -> ()
    %scan3A = arith.constant 0 : i32
    %scan3A_1 = arith.constant 0 : i32
    %scan3A_2 = arith.constant 1280 : i32
    %scan3A_3 = arith.addi %scan3A_1, %scan3A_2 : i32
    %scan3A_4 = arith.constant 1 : i32
    %scan3A_5 = scf.for %scan3A_130 = %scan3A_1 to %scan3A_3 step %scan3A_4 iter_args(%scan3A_131 = %scan3A) -> (i32)  : i32 {
      %mul3A_132 = arith.constant 16 : i32
      %mul3A_133 = arith.muli %scan3A_130, %mul3A_132 : i32
      %get3A = arith.index_cast %mul3A_133 : i32 to index
      %get3A_134 = tpu.vector_load %arg6[%get3A] {strides = array<i32>} : memref<20736xi32, #tpu.memory_space<vmem>>, vector<16xi32>,
      %mul3A_135 = arith.constant 16 : i32
      %mul3A_136 = arith.muli %scan3A_130, %mul3A_135 : i32
      %get3A_137 = arith.index_cast %mul3A_136 : i32 to index
      %get3A_138 = tpu.vector_load %arg7[%get3A_137] {strides = array<i32>} : memref<20736xi32, #tpu.memory_space<vmem>>, vector<16xi32>,
      %mul3A_139 = arith.constant 5000 : i32
      %mul3A_140 = arith.muli %arg0, %mul3A_139 : i32
      %sub3A_141 = vector.broadcast %mul3A_140 : i32 to vector<16xi32>
      %sub3A_142 = arith.subi %get3A_138, %sub3A_141 : vector<16xi32>
      %ge3A = arith.constant 0 : i32
      %ge3A_143 = vector.broadcast %ge3A : i32 to vector<16xi32>
      %ge3A_144 = arith.cmpi sge, %sub3A_142, %ge3A_143 : vector<16xi32>
      %lt3A = arith.constant 5000 : i32
      %lt3A_145 = vector.broadcast %lt3A : i32 to vector<16xi32>
      %lt3A_146 = arith.cmpi slt, %sub3A_142, %lt3A_145 : vector<16xi32>
      %and3A_147 = arith.andi %ge3A_144, %lt3A_146 : vector<16xi1>
      %swap3A = arith.index_cast %scan3A_131 : i32 to index
      %swap3A_148 = tpu.vector_load %arg6[%swap3A] masked %and3A_147 {strides = array<i32>} : memref<20736xi32, #tpu.memory_space<vmem>>, vector<16xi32>, vector<16xi1>
      tpu.vector_store %arg6[%swap3A], %get3A_134 masked %and3A_147 {strides = array<i32>} : memref<20736xi32, #tpu.memory_space<vmem>>, vector<16xi32>, vector<16xi1>
      %swap3A_149 = arith.index_cast %scan3A_131 : i32 to index
      %swap3A_150 = tpu.vector_load %arg7[%swap3A_149] masked %and3A_147 {strides = array<i32>} : memref<20736xi32, #tpu.memory_space<vmem>>, vector<16xi32>, vector<16xi1>
      tpu.vector_store %arg7[%swap3A_149], %sub3A_142 masked %and3A_147 {strides = array<i32>} : memref<20736xi32, #tpu.memory_space<vmem>>, vector<16xi32>, vector<16xi1>
      %all_reduce_population_count3A = tpu.all_reduce %and3A_147 {dim = 0 : i64, kind = #tpu.reduction_kind<sum>} : vector<16xi1> -> vector<16xi32>
      %slice3A = vector.extract_strided_slice %all_reduce_population_count3A {offsets = [0], sizes = [1], strides = [1]} : vector<16xi32> to vector<1xi32>
      %squeeze3A = vector.extract %slice3A[0] : i32 from vector<1xi32>
      %add3A_151 = arith.addi %scan3A_131, %squeeze3A : i32
      scf.yield %add3A_151 : i32
    }
    %scan3A_6 = arith.constant 1280 : i32
    %broadcast_in_dim3A = arith.constant 5000 : i32
    %broadcast_in_dim3A_7 = vector.broadcast %broadcast_in_dim3A : i32 to vector<16xi32>
    %scan3A_8 = arith.constant 0 : i32
    %scan3A_9 = arith.constant 0 : i32
    %scan3A_10 = arith.constant 16 : i32
    %scan3A_11 = arith.addi %scan3A_9, %scan3A_10 : i32
    %scan3A_12 = arith.constant 1 : i32
    scf.for %scan3A_130 = %scan3A_9 to %scan3A_11 step %scan3A_12  : i32 {
      %mul3A_131 = arith.constant 16 : i32
      %mul3A_132 = arith.muli %scan3A_130, %mul3A_131 : i32
      %add3A_133 = arith.addi %scan3A_5, %mul3A_132 : i32
      %swap3A = arith.index_cast %add3A_133 : i32 to index
      %swap3A_134 = tpu.vector_load %arg7[%swap3A] {strides = array<i32>} : memref<20736xi32, #tpu.memory_space<vmem>>, vector<16xi32>,
      tpu.vector_store %arg7[%swap3A], %broadcast_in_dim3A_7 {strides = array<i32>} : memref<20736xi32, #tpu.memory_space<vmem>>, vector<16xi32>,
    }
    %scan3A_13 = arith.constant 16 : i32
    %add3A = arith.constant 64 : i32
    %add3A_14 = arith.addi %scan3A_5, %add3A : i32
    %sub3A = arith.constant 1 : i32
    %sub3A_15 = arith.subi %add3A_14, %sub3A : i32
    %jit3A = arith.constant 64 : i32
    %div3A = arith.divsi %sub3A_15, %jit3A : i32
    %sign3A = arith.constant 0 : i32
    %sign3A_16 = arith.cmpi sgt, %sub3A_15, %sign3A : i32
    %sign3A_17 = arith.extui %sign3A_16 : i1 to i32
    %sign3A_18 = arith.constant 0 : i32
    %sign3A_19 = arith.cmpi slt, %sub3A_15, %sign3A_18 : i32
    %sign3A_20 = arith.extui %sign3A_19 : i1 to i32
    %sign3A_21 = arith.subi %sign3A_17, %sign3A_20 : i32
    %sign3A_22 = arith.constant 0 : i32
    %sign3A_23 = arith.cmpi sgt, %jit3A, %sign3A_22 : i32
    %sign3A_24 = arith.extui %sign3A_23 : i1 to i32
    %sign3A_25 = arith.constant 0 : i32
    %sign3A_26 = arith.cmpi slt, %jit3A, %sign3A_25 : i32
    %sign3A_27 = arith.extui %sign3A_26 : i1 to i32
    %sign3A_28 = arith.subi %sign3A_24, %sign3A_27 : i32
    %ne3A = arith.cmpi ne, %sign3A_21, %sign3A_28 : i32
    %rem3A = arith.remsi %sub3A_15, %jit3A : i32
    %ne3A_29 = arith.constant 0 : i32
    %ne3A_30 = arith.cmpi ne, %rem3A, %ne3A_29 : i32
    %and3A = arith.andi %ne3A, %ne3A_30 : i1
    %sub3A_31 = arith.constant 1 : i32
    %sub3A_32 = arith.subi %div3A, %sub3A_31 : i32
    %select_n3A = arith.select %and3A, %sub3A_32, %div3A : i32
    %max3A = arith.constant 1 : i32
    %max3A_33 = arith.maxsi %select_n3A, %max3A : i32
    %broadcast_in_dim3A_34 = arith.constant 0.000000e+00 : f32
    %broadcast_in_dim3A_35 = vector.broadcast %broadcast_in_dim3A_34 : f32 to vector<16xf32>
    %scan3A_36 = arith.constant 0 : i32
    %scan3A_37 = arith.constant 0 : i32
    %scan3A_38 = arith.constant 64 : i32
    %scan3A_39 = arith.addi %scan3A_37, %scan3A_38 : i32
    %scan3A_40 = arith.constant 1 : i32
    scf.for %scan3A_130 = %scan3A_37 to %scan3A_39 step %scan3A_40  : i32 {
      %swap3A = arith.index_cast %scan3A_130 : i32 to index
      %swap3A_131 = arith.constant 0 : index
      %swap3A_132 = tpu.vector_load %arg8[%swap3A, %swap3A_131] {strides = array<i32>} : memref<64x128xf32, #tpu.memory_space<vmem>>, vector<16xf32>,
      tpu.vector_store %arg8[%swap3A, %swap3A_131], %broadcast_in_dim3A_35 {strides = array<i32>} : memref<64x128xf32, #tpu.memory_space<vmem>>, vector<16xf32>,
      %swap3A_133 = arith.index_cast %scan3A_130 : i32 to index
      %swap3A_134 = arith.constant 16 : index
      %swap3A_135 = tpu.vector_load %arg8[%swap3A_133, %swap3A_134] {strides = array<i32>} : memref<64x128xf32, #tpu.memory_space<vmem>>, vector<16xf32>,
      tpu.vector_store %arg8[%swap3A_133, %swap3A_134], %broadcast_in_dim3A_35 {strides = array<i32>} : memref<64x128xf32, #tpu.memory_space<vmem>>, vector<16xf32>,
      %swap3A_136 = arith.index_cast %scan3A_130 : i32 to index
      %swap3A_137 = arith.constant 32 : index
      %swap3A_138 = tpu.vector_load %arg8[%swap3A_136, %swap3A_137] {strides = array<i32>} : memref<64x128xf32, #tpu.memory_space<vmem>>, vector<16xf32>,
      tpu.vector_store %arg8[%swap3A_136, %swap3A_137], %broadcast_in_dim3A_35 {strides = array<i32>} : memref<64x128xf32, #tpu.memory_space<vmem>>, vector<16xf32>,
      %swap3A_139 = arith.index_cast %scan3A_130 : i32 to index
      %swap3A_140 = arith.constant 48 : index
      %swap3A_141 = tpu.vector_load %arg8[%swap3A_139, %swap3A_140] {strides = array<i32>} : memref<64x128xf32, #tpu.memory_space<vmem>>, vector<16xf32>,
      tpu.vector_store %arg8[%swap3A_139, %swap3A_140], %broadcast_in_dim3A_35 {strides = array<i32>} : memref<64x128xf32, #tpu.memory_space<vmem>>, vector<16xf32>,
      %swap3A_142 = arith.index_cast %scan3A_130 : i32 to index
      %swap3A_143 = arith.constant 64 : index
      %swap3A_144 = tpu.vector_load %arg8[%swap3A_142, %swap3A_143] {strides = array<i32>} : memref<64x128xf32, #tpu.memory_space<vmem>>, vector<16xf32>,
      tpu.vector_store %arg8[%swap3A_142, %swap3A_143], %broadcast_in_dim3A_35 {strides = array<i32>} : memref<64x128xf32, #tpu.memory_space<vmem>>, vector<16xf32>,
      %swap3A_145 = arith.index_cast %scan3A_130 : i32 to index
      %swap3A_146 = arith.constant 80 : index
      %swap3A_147 = tpu.vector_load %arg8[%swap3A_145, %swap3A_146] {strides = array<i32>} : memref<64x128xf32, #tpu.memory_space<vmem>>, vector<16xf32>,
      tpu.vector_store %arg8[%swap3A_145, %swap3A_146], %broadcast_in_dim3A_35 {strides = array<i32>} : memref<64x128xf32, #tpu.memory_space<vmem>>, vector<16xf32>,
      %swap3A_148 = arith.index_cast %scan3A_130 : i32 to index
      %swap3A_149 = arith.constant 96 : index
      %swap3A_150 = tpu.vector_load %arg8[%swap3A_148, %swap3A_149] {strides = array<i32>} : memref<64x128xf32, #tpu.memory_space<vmem>>, vector<16xf32>,
      tpu.vector_store %arg8[%swap3A_148, %swap3A_149], %broadcast_in_dim3A_35 {strides = array<i32>} : memref<64x128xf32, #tpu.memory_space<vmem>>, vector<16xf32>,
      %swap3A_151 = arith.index_cast %scan3A_130 : i32 to index
      %swap3A_152 = arith.constant 112 : index
      %swap3A_153 = tpu.vector_load %arg8[%swap3A_151, %swap3A_152] {strides = array<i32>} : memref<64x128xf32, #tpu.memory_space<vmem>>, vector<16xf32>,
      tpu.vector_store %arg8[%swap3A_151, %swap3A_152], %broadcast_in_dim3A_35 {strides = array<i32>} : memref<64x128xf32, #tpu.memory_space<vmem>>, vector<16xf32>,
    }
    %scan3A_41 = arith.constant 64 : i32
    %mul3A_42 = arith.constant 320 : i32
    %mul3A_43 = arith.muli %arg1, %mul3A_42 : i32
    %add3A_44 = arith.constant 0 : i32
    %add3A_45 = arith.addi %mul3A_43, %add3A_44 : i32
    "tpu.region"() ({
      %run_scoped3A = tpu.sem_alloc : memref<!tpu.dma_semaphore, #tpu.memory_space<semaphore_mem>>
      %dma_start3A_130 = arith.constant 0 : i32
      %dma_start3A_131 = tpu.memref_slice %arg12[%add3A_45, %dma_start3A_130] : memref<5120x128xf32, #tpu.memory_space<vmem_shared>> -> memref<64x128xf32, #tpu.memory_space<vmem_shared>>
      %dma_start3A_132 = arith.constant 0 : i32
      %dma_start3A_133 = tpu.memref_slice %arg12[%add3A_45, %dma_start3A_132] : memref<5120x128xf32, #tpu.memory_space<vmem_shared>> -> memref<64x128xf32, #tpu.memory_space<vmem_shared>>
      tpu.enqueue_dma source(%arg8 : memref<64x128xf32, #tpu.memory_space<vmem>>) target(%dma_start3A_133 : memref<64x128xf32, #tpu.memory_space<vmem_shared>>) target_semaphore(%run_scoped3A : memref<!tpu.dma_semaphore, #tpu.memory_space<semaphore_mem>>)
      %dma_wait3A_134 = arith.constant 0 : i32
      %dma_wait3A_135 = tpu.memref_slice %arg12[%add3A_45, %dma_wait3A_134] : memref<5120x128xf32, #tpu.memory_space<vmem_shared>> -> memref<64x128xf32, #tpu.memory_space<vmem_shared>>
      %dma_wait3A_136 = arith.constant 0 : i32
      %dma_wait3A_137 = tpu.memref_slice %arg12[%add3A_45, %dma_wait3A_136] : memref<5120x128xf32, #tpu.memory_space<vmem_shared>> -> memref<64x128xf32, #tpu.memory_space<vmem_shared>>
      tpu.wait_dma2 semaphore(%run_scoped3A : memref<!tpu.dma_semaphore, #tpu.memory_space<semaphore_mem>>) src(%arg8 : memref<64x128xf32, #tpu.memory_space<vmem>>) dst(%dma_wait3A_137 : memref<64x128xf32, #tpu.memory_space<vmem_shared>>)
      tpu.yield
    }) : () -> ()
    %add3A_46 = arith.constant 64 : i32
    %add3A_47 = arith.addi %mul3A_43, %add3A_46 : i32
    "tpu.region"() ({
      %run_scoped3A = tpu.sem_alloc : memref<!tpu.dma_semaphore, #tpu.memory_space<semaphore_mem>>
      %dma_start3A_130 = arith.constant 0 : i32
      %dma_start3A_131 = tpu.memref_slice %arg12[%add3A_47, %dma_start3A_130] : memref<5120x128xf32, #tpu.memory_space<vmem_shared>> -> memref<64x128xf32, #tpu.memory_space<vmem_shared>>
      %dma_start3A_132 = arith.constant 0 : i32
      %dma_start3A_133 = tpu.memref_slice %arg12[%add3A_47, %dma_start3A_132] : memref<5120x128xf32, #tpu.memory_space<vmem_shared>> -> memref<64x128xf32, #tpu.memory_space<vmem_shared>>
      tpu.enqueue_dma source(%arg8 : memref<64x128xf32, #tpu.memory_space<vmem>>) target(%dma_start3A_133 : memref<64x128xf32, #tpu.memory_space<vmem_shared>>) target_semaphore(%run_scoped3A : memref<!tpu.dma_semaphore, #tpu.memory_space<semaphore_mem>>)
      %dma_wait3A_134 = arith.constant 0 : i32
      %dma_wait3A_135 = tpu.memref_slice %arg12[%add3A_47, %dma_wait3A_134] : memref<5120x128xf32, #tpu.memory_space<vmem_shared>> -> memref<64x128xf32, #tpu.memory_space<vmem_shared>>
      %dma_wait3A_136 = arith.constant 0 : i32
      %dma_wait3A_137 = tpu.memref_slice %arg12[%add3A_47, %dma_wait3A_136] : memref<5120x128xf32, #tpu.memory_space<vmem_shared>> -> memref<64x128xf32, #tpu.memory_space<vmem_shared>>
      tpu.wait_dma2 semaphore(%run_scoped3A : memref<!tpu.dma_semaphore, #tpu.memory_space<semaphore_mem>>) src(%arg8 : memref<64x128xf32, #tpu.memory_space<vmem>>) dst(%dma_wait3A_137 : memref<64x128xf32, #tpu.memory_space<vmem_shared>>)
      tpu.yield
    }) : () -> ()
    %add3A_48 = arith.constant 128 : i32
    %add3A_49 = arith.addi %mul3A_43, %add3A_48 : i32
    "tpu.region"() ({
      %run_scoped3A = tpu.sem_alloc : memref<!tpu.dma_semaphore, #tpu.memory_space<semaphore_mem>>
      %dma_start3A_130 = arith.constant 0 : i32
      %dma_start3A_131 = tpu.memref_slice %arg12[%add3A_49, %dma_start3A_130] : memref<5120x128xf32, #tpu.memory_space<vmem_shared>> -> memref<64x128xf32, #tpu.memory_space<vmem_shared>>
      %dma_start3A_132 = arith.constant 0 : i32
      %dma_start3A_133 = tpu.memref_slice %arg12[%add3A_49, %dma_start3A_132] : memref<5120x128xf32, #tpu.memory_space<vmem_shared>> -> memref<64x128xf32, #tpu.memory_space<vmem_shared>>
      tpu.enqueue_dma source(%arg8 : memref<64x128xf32, #tpu.memory_space<vmem>>) target(%dma_start3A_133 : memref<64x128xf32, #tpu.memory_space<vmem_shared>>) target_semaphore(%run_scoped3A : memref<!tpu.dma_semaphore, #tpu.memory_space<semaphore_mem>>)
      %dma_wait3A_134 = arith.constant 0 : i32
      %dma_wait3A_135 = tpu.memref_slice %arg12[%add3A_49, %dma_wait3A_134] : memref<5120x128xf32, #tpu.memory_space<vmem_shared>> -> memref<64x128xf32, #tpu.memory_space<vmem_shared>>
      %dma_wait3A_136 = arith.constant 0 : i32
      %dma_wait3A_137 = tpu.memref_slice %arg12[%add3A_49, %dma_wait3A_136] : memref<5120x128xf32, #tpu.memory_space<vmem_shared>> -> memref<64x128xf32, #tpu.memory_space<vmem_shared>>
      tpu.wait_dma2 semaphore(%run_scoped3A : memref<!tpu.dma_semaphore, #tpu.memory_space<semaphore_mem>>) src(%arg8 : memref<64x128xf32, #tpu.memory_space<vmem>>) dst(%dma_wait3A_137 : memref<64x128xf32, #tpu.memory_space<vmem_shared>>)
      tpu.yield
    }) : () -> ()
    %add3A_50 = arith.constant 192 : i32
    %add3A_51 = arith.addi %mul3A_43, %add3A_50 : i32
    "tpu.region"() ({
      %run_scoped3A = tpu.sem_alloc : memref<!tpu.dma_semaphore, #tpu.memory_space<semaphore_mem>>
      %dma_start3A_130 = arith.constant 0 : i32
      %dma_start3A_131 = tpu.memref_slice %arg12[%add3A_51, %dma_start3A_130] : memref<5120x128xf32, #tpu.memory_space<vmem_shared>> -> memref<64x128xf32, #tpu.memory_space<vmem_shared>>
      %dma_start3A_132 = arith.constant 0 : i32
      %dma_start3A_133 = tpu.memref_slice %arg12[%add3A_51, %dma_start3A_132] : memref<5120x128xf32, #tpu.memory_space<vmem_shared>> -> memref<64x128xf32, #tpu.memory_space<vmem_shared>>
      tpu.enqueue_dma source(%arg8 : memref<64x128xf32, #tpu.memory_space<vmem>>) target(%dma_start3A_133 : memref<64x128xf32, #tpu.memory_space<vmem_shared>>) target_semaphore(%run_scoped3A : memref<!tpu.dma_semaphore, #tpu.memory_space<semaphore_mem>>)
      %dma_wait3A_134 = arith.constant 0 : i32
      %dma_wait3A_135 = tpu.memref_slice %arg12[%add3A_51, %dma_wait3A_134] : memref<5120x128xf32, #tpu.memory_space<vmem_shared>> -> memref<64x128xf32, #tpu.memory_space<vmem_shared>>
      %dma_wait3A_136 = arith.constant 0 : i32
      %dma_wait3A_137 = tpu.memref_slice %arg12[%add3A_51, %dma_wait3A_136] : memref<5120x128xf32, #tpu.memory_space<vmem_shared>> -> memref<64x128xf32, #tpu.memory_space<vmem_shared>>
      tpu.wait_dma2 semaphore(%run_scoped3A : memref<!tpu.dma_semaphore, #tpu.memory_space<semaphore_mem>>) src(%arg8 : memref<64x128xf32, #tpu.memory_space<vmem>>) dst(%dma_wait3A_137 : memref<64x128xf32, #tpu.memory_space<vmem_shared>>)
      tpu.yield
    }) : () -> ()
    %add3A_52 = arith.constant 256 : i32
    %add3A_53 = arith.addi %mul3A_43, %add3A_52 : i32
    "tpu.region"() ({
      %run_scoped3A = tpu.sem_alloc : memref<!tpu.dma_semaphore, #tpu.memory_space<semaphore_mem>>
      %dma_start3A_130 = arith.constant 0 : i32
      %dma_start3A_131 = tpu.memref_slice %arg12[%add3A_53, %dma_start3A_130] : memref<5120x128xf32, #tpu.memory_space<vmem_shared>> -> memref<64x128xf32, #tpu.memory_space<vmem_shared>>
      %dma_start3A_132 = arith.constant 0 : i32
      %dma_start3A_133 = tpu.memref_slice %arg12[%add3A_53, %dma_start3A_132] : memref<5120x128xf32, #tpu.memory_space<vmem_shared>> -> memref<64x128xf32, #tpu.memory_space<vmem_shared>>
      tpu.enqueue_dma source(%arg8 : memref<64x128xf32, #tpu.memory_space<vmem>>) target(%dma_start3A_133 : memref<64x128xf32, #tpu.memory_space<vmem_shared>>) target_semaphore(%run_scoped3A : memref<!tpu.dma_semaphore, #tpu.memory_space<semaphore_mem>>)
      %dma_wait3A_134 = arith.constant 0 : i32
      %dma_wait3A_135 = tpu.memref_slice %arg12[%add3A_53, %dma_wait3A_134] : memref<5120x128xf32, #tpu.memory_space<vmem_shared>> -> memref<64x128xf32, #tpu.memory_space<vmem_shared>>
      %dma_wait3A_136 = arith.constant 0 : i32
      %dma_wait3A_137 = tpu.memref_slice %arg12[%add3A_53, %dma_wait3A_136] : memref<5120x128xf32, #tpu.memory_space<vmem_shared>> -> memref<64x128xf32, #tpu.memory_space<vmem_shared>>
      tpu.wait_dma2 semaphore(%run_scoped3A : memref<!tpu.dma_semaphore, #tpu.memory_space<semaphore_mem>>) src(%arg8 : memref<64x128xf32, #tpu.memory_space<vmem>>) dst(%dma_wait3A_137 : memref<64x128xf32, #tpu.memory_space<vmem_shared>>)
      tpu.yield
    }) : () -> ()
    %barrier3A = arith.constant 0 : index
    tpu.barrier barrier_id(%barrier3A)
    %dma_start3A = arith.constant 0 : i32
    %dma_start3A_54 = tpu.memref_slice %arg6[%dma_start3A] : memref<20736xi32, #tpu.memory_space<vmem>> -> memref<64xi32, #tpu.memory_space<vmem>>
    %dma_start3A_55 = arith.constant 0 : i32
    %dma_start3A_56 = arith.constant 0 : i32
    %dma_start3A_57 = tpu.memref_slice %arg2[%dma_start3A_55, %dma_start3A_56] : memref<10000x128xf32, #tpu.memory_space<hbm>> -> memref<10000x128xf32, #tpu.memory_space<hbm>>
    tpu.enqueue_indirect_dma source(%dma_start3A_57 : memref<10000x128xf32, #tpu.memory_space<hbm>>) target(%arg8 : memref<64x128xf32, #tpu.memory_space<vmem>>) offsets(%dma_start3A_54 : memref<64xi32, #tpu.memory_space<vmem>>) semaphore(%arg13 : memref<!tpu.dma_semaphore, #tpu.memory_space<semaphore_mem>>)
    %dma_start3A_58 = arith.constant 64 : i32
    %dma_start3A_59 = tpu.memref_slice %arg6[%dma_start3A_58] : memref<20736xi32, #tpu.memory_space<vmem>> -> memref<64xi32, #tpu.memory_space<vmem>>
    %dma_start3A_60 = arith.constant 0 : i32
    %dma_start3A_61 = arith.constant 0 : i32
    %dma_start3A_62 = tpu.memref_slice %arg2[%dma_start3A_60, %dma_start3A_61] : memref<10000x128xf32, #tpu.memory_space<hbm>> -> memref<10000x128xf32, #tpu.memory_space<hbm>>
    tpu.enqueue_indirect_dma source(%dma_start3A_62 : memref<10000x128xf32, #tpu.memory_space<hbm>>) target(%arg9 : memref<64x128xf32, #tpu.memory_space<vmem>>) offsets(%dma_start3A_59 : memref<64xi32, #tpu.memory_space<vmem>>) semaphore(%arg14 : memref<!tpu.dma_semaphore, #tpu.memory_space<semaphore_mem>>)
    %dma_start3A_63 = arith.constant 128 : i32
    %dma_start3A_64 = tpu.memref_slice %arg6[%dma_start3A_63] : memref<20736xi32, #tpu.memory_space<vmem>> -> memref<64xi32, #tpu.memory_space<vmem>>
    %dma_start3A_65 = arith.constant 0 : i32
    %dma_start3A_66 = arith.constant 0 : i32
    %dma_start3A_67 = tpu.memref_slice %arg2[%dma_start3A_65, %dma_start3A_66] : memref<10000x128xf32, #tpu.memory_space<hbm>> -> memref<10000x128xf32, #tpu.memory_space<hbm>>
    tpu.enqueue_indirect_dma source(%dma_start3A_67 : memref<10000x128xf32, #tpu.memory_space<hbm>>) target(%arg10 : memref<64x128xf32, #tpu.memory_space<vmem>>) offsets(%dma_start3A_64 : memref<64xi32, #tpu.memory_space<vmem>>) semaphore(%arg15 : memref<!tpu.dma_semaphore, #tpu.memory_space<semaphore_mem>>)
    %dma_start3A_68 = arith.constant 192 : i32
    %dma_start3A_69 = tpu.memref_slice %arg6[%dma_start3A_68] : memref<20736xi32, #tpu.memory_space<vmem>> -> memref<64xi32, #tpu.memory_space<vmem>>
    %dma_start3A_70 = arith.constant 0 : i32
    %dma_start3A_71 = arith.constant 0 : i32
    %dma_start3A_72 = tpu.memref_slice %arg2[%dma_start3A_70, %dma_start3A_71] : memref<10000x128xf32, #tpu.memory_space<hbm>> -> memref<10000x128xf32, #tpu.memory_space<hbm>>
    tpu.enqueue_indirect_dma source(%dma_start3A_72 : memref<10000x128xf32, #tpu.memory_space<hbm>>) target(%arg11 : memref<64x128xf32, #tpu.memory_space<vmem>>) offsets(%dma_start3A_69 : memref<64xi32, #tpu.memory_space<vmem>>) semaphore(%arg16 : memref<!tpu.dma_semaphore, #tpu.memory_space<semaphore_mem>>)
    %add3A_73 = arith.constant 4 : i32
    %add3A_74 = arith.addi %max3A_33, %add3A_73 : i32
    %sub3A_75 = arith.constant 1 : i32
    %sub3A_76 = arith.subi %add3A_74, %sub3A_75 : i32
    %jit3A_77 = arith.constant 4 : i32
    %div3A_78 = arith.divsi %sub3A_76, %jit3A_77 : i32
    %sign3A_79 = arith.constant 0 : i32
    %sign3A_80 = arith.cmpi sgt, %sub3A_76, %sign3A_79 : i32
    %sign3A_81 = arith.extui %sign3A_80 : i1 to i32
    %sign3A_82 = arith.constant 0 : i32
    %sign3A_83 = arith.cmpi slt, %sub3A_76, %sign3A_82 : i32
    %sign3A_84 = arith.extui %sign3A_83 : i1 to i32
    %sign3A_85 = arith.subi %sign3A_81, %sign3A_84 : i32
    %sign3A_86 = arith.constant 0 : i32
    %sign3A_87 = arith.cmpi sgt, %jit3A_77, %sign3A_86 : i32
    %sign3A_88 = arith.extui %sign3A_87 : i1 to i32
    %sign3A_89 = arith.constant 0 : i32
    %sign3A_90 = arith.cmpi slt, %jit3A_77, %sign3A_89 : i32
    %sign3A_91 = arith.extui %sign3A_90 : i1 to i32
    %sign3A_92 = arith.subi %sign3A_88, %sign3A_91 : i32
    %ne3A_93 = arith.cmpi ne, %sign3A_85, %sign3A_92 : i32
    %rem3A_94 = arith.remsi %sub3A_76, %jit3A_77 : i32
    %ne3A_95 = arith.constant 0 : i32
    %ne3A_96 = arith.cmpi ne, %rem3A_94, %ne3A_95 : i32
    %and3A_97 = arith.andi %ne3A_93, %ne3A_96 : i1
    %sub3A_98 = arith.constant 1 : i32
    %sub3A_99 = arith.subi %div3A_78, %sub3A_98 : i32
    %select_n3A_100 = arith.select %and3A_97, %sub3A_99, %div3A_78 : i32
    %while3A = arith.constant 0 : i32
    %while3A_101 = arith.constant 0 : i32
    %while3A_102 = arith.subi %select_n3A_100, %while3A_101 : i32
    %while3A_103 = arith.addi %while3A_101, %while3A_102 : i32
    %while3A_104 = arith.constant 1 : i32
    %while3A_105 = arith.divsi %while3A_102, %while3A_104 : i32
    %while3A_106 = arith.muli %while3A_105, %while3A_104 : i32
    %while3A_107 = arith.addi %while3A_101, %while3A_106 : i32
    %while3A_108 = arith.constant 1 : i32
    scf.for %while3A_130 = %while3A_101 to %while3A_107 step %while3A_108  : i32 {
      %mul3A_131 = arith.constant 4 : i32
      %mul3A_132 = arith.muli %mul3A_131, %while3A_130 : i32
      %add3A_133 = arith.constant 0 : i32
      %add3A_134 = arith.addi %mul3A_132, %add3A_133 : i32
      %mul3A_135 = arith.constant 64 : i32
      %mul3A_136 = arith.muli %add3A_134, %mul3A_135 : i32
      %dma_wait3A_137 = tpu.memref_slice %arg6[%mul3A_136] : memref<20736xi32, #tpu.memory_space<vmem>> -> memref<64xi32, #tpu.memory_space<vmem>>
      %dma_wait3A_138 = arith.constant 0 : i32
      %dma_wait3A_139 = arith.constant 0 : i32
      %dma_wait3A_140 = tpu.memref_slice %arg2[%dma_wait3A_138, %dma_wait3A_139] : memref<10000x128xf32, #tpu.memory_space<hbm>> -> memref<10000x128xf32, #tpu.memory_space<hbm>>
      tpu.wait_indirect_dma semaphore(%arg13 : memref<!tpu.dma_semaphore, #tpu.memory_space<semaphore_mem>>) src(%dma_wait3A_140 : memref<10000x128xf32, #tpu.memory_space<hbm>>) dst(%arg8 : memref<64x128xf32, #tpu.memory_space<vmem>>)
      %add3A_141 = arith.constant 0 : i32
      %add3A_142 = arith.addi %mul3A_132, %add3A_141 : i32
      %mul3A_143 = arith.constant 64 : i32
      %mul3A_144 = arith.muli %add3A_142, %mul3A_143 : i32
      %dma_start3A_145 = tpu.memref_slice %arg7[%mul3A_144] : memref<20736xi32, #tpu.memory_space<vmem>> -> memref<64xi32, #tpu.memory_space<vmem>>
      %dma_start3A_146 = arith.constant 0 : i32
      %dma_start3A_147 = arith.constant 0 : i32
      %dma_start3A_148 = tpu.memref_slice %arg12[%dma_start3A_146, %dma_start3A_147] : memref<5120x128xf32, #tpu.memory_space<vmem_shared>> -> memref<5120x128xf32, #tpu.memory_space<vmem_shared>>
      tpu.enqueue_indirect_dma source(%arg8 : memref<64x128xf32, #tpu.memory_space<vmem>>) target(%dma_start3A_148 : memref<5120x128xf32, #tpu.memory_space<vmem_shared>>) offsets(%dma_start3A_145 : memref<64xi32, #tpu.memory_space<vmem>>) semaphore(%arg17 : memref<!tpu.dma_semaphore, #tpu.memory_space<semaphore_mem>>) {add = true}
      %add3A_149 = arith.constant 1 : i32
      %add3A_150 = arith.addi %mul3A_132, %add3A_149 : i32
      %mul3A_151 = arith.constant 64 : i32
      %mul3A_152 = arith.muli %add3A_150, %mul3A_151 : i32
      %dma_wait3A_153 = tpu.memref_slice %arg6[%mul3A_152] : memref<20736xi32, #tpu.memory_space<vmem>> -> memref<64xi32, #tpu.memory_space<vmem>>
      %dma_wait3A_154 = arith.constant 0 : i32
      %dma_wait3A_155 = arith.constant 0 : i32
      %dma_wait3A_156 = tpu.memref_slice %arg2[%dma_wait3A_154, %dma_wait3A_155] : memref<10000x128xf32, #tpu.memory_space<hbm>> -> memref<10000x128xf32, #tpu.memory_space<hbm>>
      tpu.wait_indirect_dma semaphore(%arg14 : memref<!tpu.dma_semaphore, #tpu.memory_space<semaphore_mem>>) src(%dma_wait3A_156 : memref<10000x128xf32, #tpu.memory_space<hbm>>) dst(%arg9 : memref<64x128xf32, #tpu.memory_space<vmem>>)
      %add3A_157 = arith.constant 1 : i32
      %add3A_158 = arith.addi %mul3A_132, %add3A_157 : i32
      %mul3A_159 = arith.constant 64 : i32
      %mul3A_160 = arith.muli %add3A_158, %mul3A_159 : i32
      %dma_start3A_161 = tpu.memref_slice %arg7[%mul3A_160] : memref<20736xi32, #tpu.memory_space<vmem>> -> memref<64xi32, #tpu.memory_space<vmem>>
      %dma_start3A_162 = arith.constant 0 : i32
      %dma_start3A_163 = arith.constant 0 : i32
      %dma_start3A_164 = tpu.memref_slice %arg12[%dma_start3A_162, %dma_start3A_163] : memref<5120x128xf32, #tpu.memory_space<vmem_shared>> -> memref<5120x128xf32, #tpu.memory_space<vmem_shared>>
      tpu.enqueue_indirect_dma source(%arg9 : memref<64x128xf32, #tpu.memory_space<vmem>>) target(%dma_start3A_164 : memref<5120x128xf32, #tpu.memory_space<vmem_shared>>) offsets(%dma_start3A_161 : memref<64xi32, #tpu.memory_space<vmem>>) semaphore(%arg18 : memref<!tpu.dma_semaphore, #tpu.memory_space<semaphore_mem>>) {add = true}
      %add3A_165 = arith.constant 2 : i32
      %add3A_166 = arith.addi %mul3A_132, %add3A_165 : i32
      %mul3A_167 = arith.constant 64 : i32
      %mul3A_168 = arith.muli %add3A_166, %mul3A_167 : i32
      %dma_wait3A_169 = tpu.memref_slice %arg6[%mul3A_168] : memref<20736xi32, #tpu.memory_space<vmem>> -> memref<64xi32, #tpu.memory_space<vmem>>
      %dma_wait3A_170 = arith.constant 0 : i32
      %dma_wait3A_171 = arith.constant 0 : i32
      %dma_wait3A_172 = tpu.memref_slice %arg2[%dma_wait3A_170, %dma_wait3A_171] : memref<10000x128xf32, #tpu.memory_space<hbm>> -> memref<10000x128xf32, #tpu.memory_space<hbm>>
      tpu.wait_indirect_dma semaphore(%arg15 : memref<!tpu.dma_semaphore, #tpu.memory_space<semaphore_mem>>) src(%dma_wait3A_172 : memref<10000x128xf32, #tpu.memory_space<hbm>>) dst(%arg10 : memref<64x128xf32, #tpu.memory_space<vmem>>)
      %add3A_173 = arith.constant 2 : i32
      %add3A_174 = arith.addi %mul3A_132, %add3A_173 : i32
      %mul3A_175 = arith.constant 64 : i32
      %mul3A_176 = arith.muli %add3A_174, %mul3A_175 : i32
      %dma_start3A_177 = tpu.memref_slice %arg7[%mul3A_176] : memref<20736xi32, #tpu.memory_space<vmem>> -> memref<64xi32, #tpu.memory_space<vmem>>
      %dma_start3A_178 = arith.constant 0 : i32
      %dma_start3A_179 = arith.constant 0 : i32
      %dma_start3A_180 = tpu.memref_slice %arg12[%dma_start3A_178, %dma_start3A_179] : memref<5120x128xf32, #tpu.memory_space<vmem_shared>> -> memref<5120x128xf32, #tpu.memory_space<vmem_shared>>
      tpu.enqueue_indirect_dma source(%arg10 : memref<64x128xf32, #tpu.memory_space<vmem>>) target(%dma_start3A_180 : memref<5120x128xf32, #tpu.memory_space<vmem_shared>>) offsets(%dma_start3A_177 : memref<64xi32, #tpu.memory_space<vmem>>) semaphore(%arg19 : memref<!tpu.dma_semaphore, #tpu.memory_space<semaphore_mem>>) {add = true}
      %add3A_181 = arith.constant 3 : i32
      %add3A_182 = arith.addi %mul3A_132, %add3A_181 : i32
      %mul3A_183 = arith.constant 64 : i32
      %mul3A_184 = arith.muli %add3A_182, %mul3A_183 : i32
      %dma_wait3A_185 = tpu.memref_slice %arg6[%mul3A_184] : memref<20736xi32, #tpu.memory_space<vmem>> -> memref<64xi32, #tpu.memory_space<vmem>>
      %dma_wait3A_186 = arith.constant 0 : i32
      %dma_wait3A_187 = arith.constant 0 : i32
      %dma_wait3A_188 = tpu.memref_slice %arg2[%dma_wait3A_186, %dma_wait3A_187] : memref<10000x128xf32, #tpu.memory_space<hbm>> -> memref<10000x128xf32, #tpu.memory_space<hbm>>
      tpu.wait_indirect_dma semaphore(%arg16 : memref<!tpu.dma_semaphore, #tpu.memory_space<semaphore_mem>>) src(%dma_wait3A_188 : memref<10000x128xf32, #tpu.memory_space<hbm>>) dst(%arg11 : memref<64x128xf32, #tpu.memory_space<vmem>>)
      %add3A_189 = arith.constant 3 : i32
      %add3A_190 = arith.addi %mul3A_132, %add3A_189 : i32
      %mul3A_191 = arith.constant 64 : i32
      %mul3A_192 = arith.muli %add3A_190, %mul3A_191 : i32
      %dma_start3A_193 = tpu.memref_slice %arg7[%mul3A_192] : memref<20736xi32, #tpu.memory_space<vmem>> -> memref<64xi32, #tpu.memory_space<vmem>>
      %dma_start3A_194 = arith.constant 0 : i32
      %dma_start3A_195 = arith.constant 0 : i32
      %dma_start3A_196 = tpu.memref_slice %arg12[%dma_start3A_194, %dma_start3A_195] : memref<5120x128xf32, #tpu.memory_space<vmem_shared>> -> memref<5120x128xf32, #tpu.memory_space<vmem_shared>>
      tpu.enqueue_indirect_dma source(%arg11 : memref<64x128xf32, #tpu.memory_space<vmem>>) target(%dma_start3A_196 : memref<5120x128xf32, #tpu.memory_space<vmem_shared>>) offsets(%dma_start3A_193 : memref<64xi32, #tpu.memory_space<vmem>>) semaphore(%arg20 : memref<!tpu.dma_semaphore, #tpu.memory_space<semaphore_mem>>) {add = true}
      %add3A_197 = arith.constant 0 : i32
      %add3A_198 = arith.addi %mul3A_132, %add3A_197 : i32
      %mul3A_199 = arith.constant 64 : i32
      %mul3A_200 = arith.muli %add3A_198, %mul3A_199 : i32
      %dma_wait3A_201 = tpu.memref_slice %arg7[%mul3A_200] : memref<20736xi32, #tpu.memory_space<vmem>> -> memref<64xi32, #tpu.memory_space<vmem>>
      %dma_wait3A_202 = arith.constant 0 : i32
      %dma_wait3A_203 = arith.constant 0 : i32
      %dma_wait3A_204 = tpu.memref_slice %arg12[%dma_wait3A_202, %dma_wait3A_203] : memref<5120x128xf32, #tpu.memory_space<vmem_shared>> -> memref<5120x128xf32, #tpu.memory_space<vmem_shared>>
      tpu.wait_indirect_dma semaphore(%arg17 : memref<!tpu.dma_semaphore, #tpu.memory_space<semaphore_mem>>) src(%arg8 : memref<64x128xf32, #tpu.memory_space<vmem>>) dst(%dma_wait3A_204 : memref<5120x128xf32, #tpu.memory_space<vmem_shared>>)
      %add3A_205 = arith.constant 4 : i32
      %add3A_206 = arith.addi %mul3A_132, %add3A_205 : i32
      %add3A_207 = arith.constant 0 : i32
      %add3A_208 = arith.addi %add3A_206, %add3A_207 : i32
      %mul3A_209 = arith.constant 4 : i32
      %mul3A_210 = arith.muli %mul3A_209, %select_n3A_100 : i32
      %lt3A = arith.cmpi slt, %add3A_208, %mul3A_210 : i32
      %select_n3A_211 = arith.constant 0 : i32
      %select_n3A_212 = arith.select %lt3A, %add3A_208, %select_n3A_211 : i32
      %mul3A_213 = arith.constant 64 : i32
      %mul3A_214 = arith.muli %select_n3A_212, %mul3A_213 : i32
      %dma_start3A_215 = tpu.memref_slice %arg6[%mul3A_214] : memref<20736xi32, #tpu.memory_space<vmem>> -> memref<64xi32, #tpu.memory_space<vmem>>
      %dma_start3A_216 = arith.constant 0 : i32
      %dma_start3A_217 = arith.constant 0 : i32
      %dma_start3A_218 = tpu.memref_slice %arg2[%dma_start3A_216, %dma_start3A_217] : memref<10000x128xf32, #tpu.memory_space<hbm>> -> memref<10000x128xf32, #tpu.memory_space<hbm>>
      tpu.enqueue_indirect_dma source(%dma_start3A_218 : memref<10000x128xf32, #tpu.memory_space<hbm>>) target(%arg8 : memref<64x128xf32, #tpu.memory_space<vmem>>) offsets(%dma_start3A_215 : memref<64xi32, #tpu.memory_space<vmem>>) semaphore(%arg13 : memref<!tpu.dma_semaphore, #tpu.memory_space<semaphore_mem>>)
      %add3A_219 = arith.constant 1 : i32
      %add3A_220 = arith.addi %mul3A_132, %add3A_219 : i32
      %mul3A_221 = arith.constant 64 : i32
      %mul3A_222 = arith.muli %add3A_220, %mul3A_221 : i32
      %dma_wait3A_223 = tpu.memref_slice %arg7[%mul3A_222] : memref<20736xi32, #tpu.memory_space<vmem>> -> memref<64xi32, #tpu.memory_space<vmem>>
      %dma_wait3A_224 = arith.constant 0 : i32
      %dma_wait3A_225 = arith.constant 0 : i32
      %dma_wait3A_226 = tpu.memref_slice %arg12[%dma_wait3A_224, %dma_wait3A_225] : memref<5120x128xf32, #tpu.memory_space<vmem_shared>> -> memref<5120x128xf32, #tpu.memory_space<vmem_shared>>
      tpu.wait_indirect_dma semaphore(%arg18 : memref<!tpu.dma_semaphore, #tpu.memory_space<semaphore_mem>>) src(%arg9 : memref<64x128xf32, #tpu.memory_space<vmem>>) dst(%dma_wait3A_226 : memref<5120x128xf32, #tpu.memory_space<vmem_shared>>)
      %add3A_227 = arith.constant 4 : i32
      %add3A_228 = arith.addi %mul3A_132, %add3A_227 : i32
      %add3A_229 = arith.constant 1 : i32
      %add3A_230 = arith.addi %add3A_228, %add3A_229 : i32
      %mul3A_231 = arith.constant 4 : i32
      %mul3A_232 = arith.muli %mul3A_231, %select_n3A_100 : i32
      %lt3A_233 = arith.cmpi slt, %add3A_230, %mul3A_232 : i32
      %select_n3A_234 = arith.constant 0 : i32
      %select_n3A_235 = arith.select %lt3A_233, %add3A_230, %select_n3A_234 : i32
      %mul3A_236 = arith.constant 64 : i32
      %mul3A_237 = arith.muli %select_n3A_235, %mul3A_236 : i32
      %dma_start3A_238 = tpu.memref_slice %arg6[%mul3A_237] : memref<20736xi32, #tpu.memory_space<vmem>> -> memref<64xi32, #tpu.memory_space<vmem>>
      %dma_start3A_239 = arith.constant 0 : i32
      %dma_start3A_240 = arith.constant 0 : i32
      %dma_start3A_241 = tpu.memref_slice %arg2[%dma_start3A_239, %dma_start3A_240] : memref<10000x128xf32, #tpu.memory_space<hbm>> -> memref<10000x128xf32, #tpu.memory_space<hbm>>
      tpu.enqueue_indirect_dma source(%dma_start3A_241 : memref<10000x128xf32, #tpu.memory_space<hbm>>) target(%arg9 : memref<64x128xf32, #tpu.memory_space<vmem>>) offsets(%dma_start3A_238 : memref<64xi32, #tpu.memory_space<vmem>>) semaphore(%arg14 : memref<!tpu.dma_semaphore, #tpu.memory_space<semaphore_mem>>)
      %add3A_242 = arith.constant 2 : i32
      %add3A_243 = arith.addi %mul3A_132, %add3A_242 : i32
      %mul3A_244 = arith.constant 64 : i32
      %mul3A_245 = arith.muli %add3A_243, %mul3A_244 : i32
      %dma_wait3A_246 = tpu.memref_slice %arg7[%mul3A_245] : memref<20736xi32, #tpu.memory_space<vmem>> -> memref<64xi32, #tpu.memory_space<vmem>>
      %dma_wait3A_247 = arith.constant 0 : i32
      %dma_wait3A_248 = arith.constant 0 : i32
      %dma_wait3A_249 = tpu.memref_slice %arg12[%dma_wait3A_247, %dma_wait3A_248] : memref<5120x128xf32, #tpu.memory_space<vmem_shared>> -> memref<5120x128xf32, #tpu.memory_space<vmem_shared>>
      tpu.wait_indirect_dma semaphore(%arg19 : memref<!tpu.dma_semaphore, #tpu.memory_space<semaphore_mem>>) src(%arg10 : memref<64x128xf32, #tpu.memory_space<vmem>>) dst(%dma_wait3A_249 : memref<5120x128xf32, #tpu.memory_space<vmem_shared>>)
      %add3A_250 = arith.constant 4 : i32
      %add3A_251 = arith.addi %mul3A_132, %add3A_250 : i32
      %add3A_252 = arith.constant 2 : i32
      %add3A_253 = arith.addi %add3A_251, %add3A_252 : i32
      %mul3A_254 = arith.constant 4 : i32
      %mul3A_255 = arith.muli %mul3A_254, %select_n3A_100 : i32
      %lt3A_256 = arith.cmpi slt, %add3A_253, %mul3A_255 : i32
      %select_n3A_257 = arith.constant 0 : i32
      %select_n3A_258 = arith.select %lt3A_256, %add3A_253, %select_n3A_257 : i32
      %mul3A_259 = arith.constant 64 : i32
      %mul3A_260 = arith.muli %select_n3A_258, %mul3A_259 : i32
      %dma_start3A_261 = tpu.memref_slice %arg6[%mul3A_260] : memref<20736xi32, #tpu.memory_space<vmem>> -> memref<64xi32, #tpu.memory_space<vmem>>
      %dma_start3A_262 = arith.constant 0 : i32
      %dma_start3A_263 = arith.constant 0 : i32
      %dma_start3A_264 = tpu.memref_slice %arg2[%dma_start3A_262, %dma_start3A_263] : memref<10000x128xf32, #tpu.memory_space<hbm>> -> memref<10000x128xf32, #tpu.memory_space<hbm>>
      tpu.enqueue_indirect_dma source(%dma_start3A_264 : memref<10000x128xf32, #tpu.memory_space<hbm>>) target(%arg10 : memref<64x128xf32, #tpu.memory_space<vmem>>) offsets(%dma_start3A_261 : memref<64xi32, #tpu.memory_space<vmem>>) semaphore(%arg15 : memref<!tpu.dma_semaphore, #tpu.memory_space<semaphore_mem>>)
      %add3A_265 = arith.constant 3 : i32
      %add3A_266 = arith.addi %mul3A_132, %add3A_265 : i32
      %mul3A_267 = arith.constant 64 : i32
      %mul3A_268 = arith.muli %add3A_266, %mul3A_267 : i32
      %dma_wait3A_269 = tpu.memref_slice %arg7[%mul3A_268] : memref<20736xi32, #tpu.memory_space<vmem>> -> memref<64xi32, #tpu.memory_space<vmem>>
      %dma_wait3A_270 = arith.constant 0 : i32
      %dma_wait3A_271 = arith.constant 0 : i32
      %dma_wait3A_272 = tpu.memref_slice %arg12[%dma_wait3A_270, %dma_wait3A_271] : memref<5120x128xf32, #tpu.memory_space<vmem_shared>> -> memref<5120x128xf32, #tpu.memory_space<vmem_shared>>
      tpu.wait_indirect_dma semaphore(%arg20 : memref<!tpu.dma_semaphore, #tpu.memory_space<semaphore_mem>>) src(%arg11 : memref<64x128xf32, #tpu.memory_space<vmem>>) dst(%dma_wait3A_272 : memref<5120x128xf32, #tpu.memory_space<vmem_shared>>)
      %add3A_273 = arith.constant 4 : i32
      %add3A_274 = arith.addi %mul3A_132, %add3A_273 : i32
      %add3A_275 = arith.constant 3 : i32
      %add3A_276 = arith.addi %add3A_274, %add3A_275 : i32
      %mul3A_277 = arith.constant 4 : i32
      %mul3A_278 = arith.muli %mul3A_277, %select_n3A_100 : i32
      %lt3A_279 = arith.cmpi slt, %add3A_276, %mul3A_278 : i32
      %select_n3A_280 = arith.constant 0 : i32
      %select_n3A_281 = arith.select %lt3A_279, %add3A_276, %select_n3A_280 : i32
      %mul3A_282 = arith.constant 64 : i32
      %mul3A_283 = arith.muli %select_n3A_281, %mul3A_282 : i32
      %dma_start3A_284 = tpu.memref_slice %arg6[%mul3A_283] : memref<20736xi32, #tpu.memory_space<vmem>> -> memref<64xi32, #tpu.memory_space<vmem>>
      %dma_start3A_285 = arith.constant 0 : i32
      %dma_start3A_286 = arith.constant 0 : i32
      %dma_start3A_287 = tpu.memref_slice %arg2[%dma_start3A_285, %dma_start3A_286] : memref<10000x128xf32, #tpu.memory_space<hbm>> -> memref<10000x128xf32, #tpu.memory_space<hbm>>
      tpu.enqueue_indirect_dma source(%dma_start3A_287 : memref<10000x128xf32, #tpu.memory_space<hbm>>) target(%arg11 : memref<64x128xf32, #tpu.memory_space<vmem>>) offsets(%dma_start3A_284 : memref<64xi32, #tpu.memory_space<vmem>>) semaphore(%arg16 : memref<!tpu.dma_semaphore, #tpu.memory_space<semaphore_mem>>)
    }
    %while3A_109 = arith.constant 1 : i32
    scf.for %while3A_130 = %while3A_107 to %while3A_103 step %while3A_109  : i32 {
      %mul3A_131 = arith.constant 4 : i32
      %mul3A_132 = arith.muli %mul3A_131, %while3A_130 : i32
      %add3A_133 = arith.constant 0 : i32
      %add3A_134 = arith.addi %mul3A_132, %add3A_133 : i32
      %mul3A_135 = arith.constant 64 : i32
      %mul3A_136 = arith.muli %add3A_134, %mul3A_135 : i32
      %dma_wait3A_137 = tpu.memref_slice %arg6[%mul3A_136] : memref<20736xi32, #tpu.memory_space<vmem>> -> memref<64xi32, #tpu.memory_space<vmem>>
      %dma_wait3A_138 = arith.constant 0 : i32
      %dma_wait3A_139 = arith.constant 0 : i32
      %dma_wait3A_140 = tpu.memref_slice %arg2[%dma_wait3A_138, %dma_wait3A_139] : memref<10000x128xf32, #tpu.memory_space<hbm>> -> memref<10000x128xf32, #tpu.memory_space<hbm>>
      tpu.wait_indirect_dma semaphore(%arg13 : memref<!tpu.dma_semaphore, #tpu.memory_space<semaphore_mem>>) src(%dma_wait3A_140 : memref<10000x128xf32, #tpu.memory_space<hbm>>) dst(%arg8 : memref<64x128xf32, #tpu.memory_space<vmem>>)
      %add3A_141 = arith.constant 0 : i32
      %add3A_142 = arith.addi %mul3A_132, %add3A_141 : i32
      %mul3A_143 = arith.constant 64 : i32
      %mul3A_144 = arith.muli %add3A_142, %mul3A_143 : i32
      %dma_start3A_145 = tpu.memref_slice %arg7[%mul3A_144] : memref<20736xi32, #tpu.memory_space<vmem>> -> memref<64xi32, #tpu.memory_space<vmem>>
      %dma_start3A_146 = arith.constant 0 : i32
      %dma_start3A_147 = arith.constant 0 : i32
      %dma_start3A_148 = tpu.memref_slice %arg12[%dma_start3A_146, %dma_start3A_147] : memref<5120x128xf32, #tpu.memory_space<vmem_shared>> -> memref<5120x128xf32, #tpu.memory_space<vmem_shared>>
      tpu.enqueue_indirect_dma source(%arg8 : memref<64x128xf32, #tpu.memory_space<vmem>>) target(%dma_start3A_148 : memref<5120x128xf32, #tpu.memory_space<vmem_shared>>) offsets(%dma_start3A_145 : memref<64xi32, #tpu.memory_space<vmem>>) semaphore(%arg17 : memref<!tpu.dma_semaphore, #tpu.memory_space<semaphore_mem>>) {add = true}
      %add3A_149 = arith.constant 1 : i32
      %add3A_150 = arith.addi %mul3A_132, %add3A_149 : i32
      %mul3A_151 = arith.constant 64 : i32
      %mul3A_152 = arith.muli %add3A_150, %mul3A_151 : i32
      %dma_wait3A_153 = tpu.memref_slice %arg6[%mul3A_152] : memref<20736xi32, #tpu.memory_space<vmem>> -> memref<64xi32, #tpu.memory_space<vmem>>
      %dma_wait3A_154 = arith.constant 0 : i32
      %dma_wait3A_155 = arith.constant 0 : i32
      %dma_wait3A_156 = tpu.memref_slice %arg2[%dma_wait3A_154, %dma_wait3A_155] : memref<10000x128xf32, #tpu.memory_space<hbm>> -> memref<10000x128xf32, #tpu.memory_space<hbm>>
      tpu.wait_indirect_dma semaphore(%arg14 : memref<!tpu.dma_semaphore, #tpu.memory_space<semaphore_mem>>) src(%dma_wait3A_156 : memref<10000x128xf32, #tpu.memory_space<hbm>>) dst(%arg9 : memref<64x128xf32, #tpu.memory_space<vmem>>)
      %add3A_157 = arith.constant 1 : i32
      %add3A_158 = arith.addi %mul3A_132, %add3A_157 : i32
      %mul3A_159 = arith.constant 64 : i32
      %mul3A_160 = arith.muli %add3A_158, %mul3A_159 : i32
      %dma_start3A_161 = tpu.memref_slice %arg7[%mul3A_160] : memref<20736xi32, #tpu.memory_space<vmem>> -> memref<64xi32, #tpu.memory_space<vmem>>
      %dma_start3A_162 = arith.constant 0 : i32
      %dma_start3A_163 = arith.constant 0 : i32
      %dma_start3A_164 = tpu.memref_slice %arg12[%dma_start3A_162, %dma_start3A_163] : memref<5120x128xf32, #tpu.memory_space<vmem_shared>> -> memref<5120x128xf32, #tpu.memory_space<vmem_shared>>
      tpu.enqueue_indirect_dma source(%arg9 : memref<64x128xf32, #tpu.memory_space<vmem>>) target(%dma_start3A_164 : memref<5120x128xf32, #tpu.memory_space<vmem_shared>>) offsets(%dma_start3A_161 : memref<64xi32, #tpu.memory_space<vmem>>) semaphore(%arg18 : memref<!tpu.dma_semaphore, #tpu.memory_space<semaphore_mem>>) {add = true}
      %add3A_165 = arith.constant 2 : i32
      %add3A_166 = arith.addi %mul3A_132, %add3A_165 : i32
      %mul3A_167 = arith.constant 64 : i32
      %mul3A_168 = arith.muli %add3A_166, %mul3A_167 : i32
      %dma_wait3A_169 = tpu.memref_slice %arg6[%mul3A_168] : memref<20736xi32, #tpu.memory_space<vmem>> -> memref<64xi32, #tpu.memory_space<vmem>>
      %dma_wait3A_170 = arith.constant 0 : i32
      %dma_wait3A_171 = arith.constant 0 : i32
      %dma_wait3A_172 = tpu.memref_slice %arg2[%dma_wait3A_170, %dma_wait3A_171] : memref<10000x128xf32, #tpu.memory_space<hbm>> -> memref<10000x128xf32, #tpu.memory_space<hbm>>
      tpu.wait_indirect_dma semaphore(%arg15 : memref<!tpu.dma_semaphore, #tpu.memory_space<semaphore_mem>>) src(%dma_wait3A_172 : memref<10000x128xf32, #tpu.memory_space<hbm>>) dst(%arg10 : memref<64x128xf32, #tpu.memory_space<vmem>>)
      %add3A_173 = arith.constant 2 : i32
      %add3A_174 = arith.addi %mul3A_132, %add3A_173 : i32
      %mul3A_175 = arith.constant 64 : i32
      %mul3A_176 = arith.muli %add3A_174, %mul3A_175 : i32
      %dma_start3A_177 = tpu.memref_slice %arg7[%mul3A_176] : memref<20736xi32, #tpu.memory_space<vmem>> -> memref<64xi32, #tpu.memory_space<vmem>>
      %dma_start3A_178 = arith.constant 0 : i32
      %dma_start3A_179 = arith.constant 0 : i32
      %dma_start3A_180 = tpu.memref_slice %arg12[%dma_start3A_178, %dma_start3A_179] : memref<5120x128xf32, #tpu.memory_space<vmem_shared>> -> memref<5120x128xf32, #tpu.memory_space<vmem_shared>>
      tpu.enqueue_indirect_dma source(%arg10 : memref<64x128xf32, #tpu.memory_space<vmem>>) target(%dma_start3A_180 : memref<5120x128xf32, #tpu.memory_space<vmem_shared>>) offsets(%dma_start3A_177 : memref<64xi32, #tpu.memory_space<vmem>>) semaphore(%arg19 : memref<!tpu.dma_semaphore, #tpu.memory_space<semaphore_mem>>) {add = true}
      %add3A_181 = arith.constant 3 : i32
      %add3A_182 = arith.addi %mul3A_132, %add3A_181 : i32
      %mul3A_183 = arith.constant 64 : i32
      %mul3A_184 = arith.muli %add3A_182, %mul3A_183 : i32
      %dma_wait3A_185 = tpu.memref_slice %arg6[%mul3A_184] : memref<20736xi32, #tpu.memory_space<vmem>> -> memref<64xi32, #tpu.memory_space<vmem>>
      %dma_wait3A_186 = arith.constant 0 : i32
      %dma_wait3A_187 = arith.constant 0 : i32
      %dma_wait3A_188 = tpu.memref_slice %arg2[%dma_wait3A_186, %dma_wait3A_187] : memref<10000x128xf32, #tpu.memory_space<hbm>> -> memref<10000x128xf32, #tpu.memory_space<hbm>>
      tpu.wait_indirect_dma semaphore(%arg16 : memref<!tpu.dma_semaphore, #tpu.memory_space<semaphore_mem>>) src(%dma_wait3A_188 : memref<10000x128xf32, #tpu.memory_space<hbm>>) dst(%arg11 : memref<64x128xf32, #tpu.memory_space<vmem>>)
      %add3A_189 = arith.constant 3 : i32
      %add3A_190 = arith.addi %mul3A_132, %add3A_189 : i32
      %mul3A_191 = arith.constant 64 : i32
      %mul3A_192 = arith.muli %add3A_190, %mul3A_191 : i32
      %dma_start3A_193 = tpu.memref_slice %arg7[%mul3A_192] : memref<20736xi32, #tpu.memory_space<vmem>> -> memref<64xi32, #tpu.memory_space<vmem>>
      %dma_start3A_194 = arith.constant 0 : i32
      %dma_start3A_195 = arith.constant 0 : i32
      %dma_start3A_196 = tpu.memref_slice %arg12[%dma_start3A_194, %dma_start3A_195] : memref<5120x128xf32, #tpu.memory_space<vmem_shared>> -> memref<5120x128xf32, #tpu.memory_space<vmem_shared>>
      tpu.enqueue_indirect_dma source(%arg11 : memref<64x128xf32, #tpu.memory_space<vmem>>) target(%dma_start3A_196 : memref<5120x128xf32, #tpu.memory_space<vmem_shared>>) offsets(%dma_start3A_193 : memref<64xi32, #tpu.memory_space<vmem>>) semaphore(%arg20 : memref<!tpu.dma_semaphore, #tpu.memory_space<semaphore_mem>>) {add = true}
      %add3A_197 = arith.constant 0 : i32
      %add3A_198 = arith.addi %mul3A_132, %add3A_197 : i32
      %mul3A_199 = arith.constant 64 : i32
      %mul3A_200 = arith.muli %add3A_198, %mul3A_199 : i32
      %dma_wait3A_201 = tpu.memref_slice %arg7[%mul3A_200] : memref<20736xi32, #tpu.memory_space<vmem>> -> memref<64xi32, #tpu.memory_space<vmem>>
      %dma_wait3A_202 = arith.constant 0 : i32
      %dma_wait3A_203 = arith.constant 0 : i32
      %dma_wait3A_204 = tpu.memref_slice %arg12[%dma_wait3A_202, %dma_wait3A_203] : memref<5120x128xf32, #tpu.memory_space<vmem_shared>> -> memref<5120x128xf32, #tpu.memory_space<vmem_shared>>
      tpu.wait_indirect_dma semaphore(%arg17 : memref<!tpu.dma_semaphore, #tpu.memory_space<semaphore_mem>>) src(%arg8 : memref<64x128xf32, #tpu.memory_space<vmem>>) dst(%dma_wait3A_204 : memref<5120x128xf32, #tpu.memory_space<vmem_shared>>)
      %add3A_205 = arith.constant 4 : i32
      %add3A_206 = arith.addi %mul3A_132, %add3A_205 : i32
      %add3A_207 = arith.constant 0 : i32
      %add3A_208 = arith.addi %add3A_206, %add3A_207 : i32
      %mul3A_209 = arith.constant 4 : i32
      %mul3A_210 = arith.muli %mul3A_209, %select_n3A_100 : i32
      %lt3A = arith.cmpi slt, %add3A_208, %mul3A_210 : i32
      %select_n3A_211 = arith.constant 0 : i32
      %select_n3A_212 = arith.select %lt3A, %add3A_208, %select_n3A_211 : i32
      %mul3A_213 = arith.constant 64 : i32
      %mul3A_214 = arith.muli %select_n3A_212, %mul3A_213 : i32
      %dma_start3A_215 = tpu.memref_slice %arg6[%mul3A_214] : memref<20736xi32, #tpu.memory_space<vmem>> -> memref<64xi32, #tpu.memory_space<vmem>>
      %dma_start3A_216 = arith.constant 0 : i32
      %dma_start3A_217 = arith.constant 0 : i32
      %dma_start3A_218 = tpu.memref_slice %arg2[%dma_start3A_216, %dma_start3A_217] : memref<10000x128xf32, #tpu.memory_space<hbm>> -> memref<10000x128xf32, #tpu.memory_space<hbm>>
      tpu.enqueue_indirect_dma source(%dma_start3A_218 : memref<10000x128xf32, #tpu.memory_space<hbm>>) target(%arg8 : memref<64x128xf32, #tpu.memory_space<vmem>>) offsets(%dma_start3A_215 : memref<64xi32, #tpu.memory_space<vmem>>) semaphore(%arg13 : memref<!tpu.dma_semaphore, #tpu.memory_space<semaphore_mem>>)
      %add3A_219 = arith.constant 1 : i32
      %add3A_220 = arith.addi %mul3A_132, %add3A_219 : i32
      %mul3A_221 = arith.constant 64 : i32
      %mul3A_222 = arith.muli %add3A_220, %mul3A_221 : i32
      %dma_wait3A_223 = tpu.memref_slice %arg7[%mul3A_222] : memref<20736xi32, #tpu.memory_space<vmem>> -> memref<64xi32, #tpu.memory_space<vmem>>
      %dma_wait3A_224 = arith.constant 0 : i32
      %dma_wait3A_225 = arith.constant 0 : i32
      %dma_wait3A_226 = tpu.memref_slice %arg12[%dma_wait3A_224, %dma_wait3A_225] : memref<5120x128xf32, #tpu.memory_space<vmem_shared>> -> memref<5120x128xf32, #tpu.memory_space<vmem_shared>>
      tpu.wait_indirect_dma semaphore(%arg18 : memref<!tpu.dma_semaphore, #tpu.memory_space<semaphore_mem>>) src(%arg9 : memref<64x128xf32, #tpu.memory_space<vmem>>) dst(%dma_wait3A_226 : memref<5120x128xf32, #tpu.memory_space<vmem_shared>>)
      %add3A_227 = arith.constant 4 : i32
      %add3A_228 = arith.addi %mul3A_132, %add3A_227 : i32
      %add3A_229 = arith.constant 1 : i32
      %add3A_230 = arith.addi %add3A_228, %add3A_229 : i32
      %mul3A_231 = arith.constant 4 : i32
      %mul3A_232 = arith.muli %mul3A_231, %select_n3A_100 : i32
      %lt3A_233 = arith.cmpi slt, %add3A_230, %mul3A_232 : i32
      %select_n3A_234 = arith.constant 0 : i32
      %select_n3A_235 = arith.select %lt3A_233, %add3A_230, %select_n3A_234 : i32
      %mul3A_236 = arith.constant 64 : i32
      %mul3A_237 = arith.muli %select_n3A_235, %mul3A_236 : i32
      %dma_start3A_238 = tpu.memref_slice %arg6[%mul3A_237] : memref<20736xi32, #tpu.memory_space<vmem>> -> memref<64xi32, #tpu.memory_space<vmem>>
      %dma_start3A_239 = arith.constant 0 : i32
      %dma_start3A_240 = arith.constant 0 : i32
      %dma_start3A_241 = tpu.memref_slice %arg2[%dma_start3A_239, %dma_start3A_240] : memref<10000x128xf32, #tpu.memory_space<hbm>> -> memref<10000x128xf32, #tpu.memory_space<hbm>>
      tpu.enqueue_indirect_dma source(%dma_start3A_241 : memref<10000x128xf32, #tpu.memory_space<hbm>>) target(%arg9 : memref<64x128xf32, #tpu.memory_space<vmem>>) offsets(%dma_start3A_238 : memref<64xi32, #tpu.memory_space<vmem>>) semaphore(%arg14 : memref<!tpu.dma_semaphore, #tpu.memory_space<semaphore_mem>>)
      %add3A_242 = arith.constant 2 : i32
      %add3A_243 = arith.addi %mul3A_132, %add3A_242 : i32
      %mul3A_244 = arith.constant 64 : i32
      %mul3A_245 = arith.muli %add3A_243, %mul3A_244 : i32
      %dma_wait3A_246 = tpu.memref_slice %arg7[%mul3A_245] : memref<20736xi32, #tpu.memory_space<vmem>> -> memref<64xi32, #tpu.memory_space<vmem>>
      %dma_wait3A_247 = arith.constant 0 : i32
      %dma_wait3A_248 = arith.constant 0 : i32
      %dma_wait3A_249 = tpu.memref_slice %arg12[%dma_wait3A_247, %dma_wait3A_248] : memref<5120x128xf32, #tpu.memory_space<vmem_shared>> -> memref<5120x128xf32, #tpu.memory_space<vmem_shared>>
      tpu.wait_indirect_dma semaphore(%arg19 : memref<!tpu.dma_semaphore, #tpu.memory_space<semaphore_mem>>) src(%arg10 : memref<64x128xf32, #tpu.memory_space<vmem>>) dst(%dma_wait3A_249 : memref<5120x128xf32, #tpu.memory_space<vmem_shared>>)
      %add3A_250 = arith.constant 4 : i32
      %add3A_251 = arith.addi %mul3A_132, %add3A_250 : i32
      %add3A_252 = arith.constant 2 : i32
      %add3A_253 = arith.addi %add3A_251, %add3A_252 : i32
      %mul3A_254 = arith.constant 4 : i32
      %mul3A_255 = arith.muli %mul3A_254, %select_n3A_100 : i32
      %lt3A_256 = arith.cmpi slt, %add3A_253, %mul3A_255 : i32
      %select_n3A_257 = arith.constant 0 : i32
      %select_n3A_258 = arith.select %lt3A_256, %add3A_253, %select_n3A_257 : i32
      %mul3A_259 = arith.constant 64 : i32
      %mul3A_260 = arith.muli %select_n3A_258, %mul3A_259 : i32
      %dma_start3A_261 = tpu.memref_slice %arg6[%mul3A_260] : memref<20736xi32, #tpu.memory_space<vmem>> -> memref<64xi32, #tpu.memory_space<vmem>>
      %dma_start3A_262 = arith.constant 0 : i32
      %dma_start3A_263 = arith.constant 0 : i32
      %dma_start3A_264 = tpu.memref_slice %arg2[%dma_start3A_262, %dma_start3A_263] : memref<10000x128xf32, #tpu.memory_space<hbm>> -> memref<10000x128xf32, #tpu.memory_space<hbm>>
      tpu.enqueue_indirect_dma source(%dma_start3A_264 : memref<10000x128xf32, #tpu.memory_space<hbm>>) target(%arg10 : memref<64x128xf32, #tpu.memory_space<vmem>>) offsets(%dma_start3A_261 : memref<64xi32, #tpu.memory_space<vmem>>) semaphore(%arg15 : memref<!tpu.dma_semaphore, #tpu.memory_space<semaphore_mem>>)
      %add3A_265 = arith.constant 3 : i32
      %add3A_266 = arith.addi %mul3A_132, %add3A_265 : i32
      %mul3A_267 = arith.constant 64 : i32
      %mul3A_268 = arith.muli %add3A_266, %mul3A_267 : i32
      %dma_wait3A_269 = tpu.memref_slice %arg7[%mul3A_268] : memref<20736xi32, #tpu.memory_space<vmem>> -> memref<64xi32, #tpu.memory_space<vmem>>
      %dma_wait3A_270 = arith.constant 0 : i32
      %dma_wait3A_271 = arith.constant 0 : i32
      %dma_wait3A_272 = tpu.memref_slice %arg12[%dma_wait3A_270, %dma_wait3A_271] : memref<5120x128xf32, #tpu.memory_space<vmem_shared>> -> memref<5120x128xf32, #tpu.memory_space<vmem_shared>>
      tpu.wait_indirect_dma semaphore(%arg20 : memref<!tpu.dma_semaphore, #tpu.memory_space<semaphore_mem>>) src(%arg11 : memref<64x128xf32, #tpu.memory_space<vmem>>) dst(%dma_wait3A_272 : memref<5120x128xf32, #tpu.memory_space<vmem_shared>>)
      %add3A_273 = arith.constant 4 : i32
      %add3A_274 = arith.addi %mul3A_132, %add3A_273 : i32
      %add3A_275 = arith.constant 3 : i32
      %add3A_276 = arith.addi %add3A_274, %add3A_275 : i32
      %mul3A_277 = arith.constant 4 : i32
      %mul3A_278 = arith.muli %mul3A_277, %select_n3A_100 : i32
      %lt3A_279 = arith.cmpi slt, %add3A_276, %mul3A_278 : i32
      %select_n3A_280 = arith.constant 0 : i32
      %select_n3A_281 = arith.select %lt3A_279, %add3A_276, %select_n3A_280 : i32
      %mul3A_282 = arith.constant 64 : i32
      %mul3A_283 = arith.muli %select_n3A_281, %mul3A_282 : i32
      %dma_start3A_284 = tpu.memref_slice %arg6[%mul3A_283] : memref<20736xi32, #tpu.memory_space<vmem>> -> memref<64xi32, #tpu.memory_space<vmem>>
      %dma_start3A_285 = arith.constant 0 : i32
      %dma_start3A_286 = arith.constant 0 : i32
      %dma_start3A_287 = tpu.memref_slice %arg2[%dma_start3A_285, %dma_start3A_286] : memref<10000x128xf32, #tpu.memory_space<hbm>> -> memref<10000x128xf32, #tpu.memory_space<hbm>>
      tpu.enqueue_indirect_dma source(%dma_start3A_287 : memref<10000x128xf32, #tpu.memory_space<hbm>>) target(%arg11 : memref<64x128xf32, #tpu.memory_space<vmem>>) offsets(%dma_start3A_284 : memref<64xi32, #tpu.memory_space<vmem>>) semaphore(%arg16 : memref<!tpu.dma_semaphore, #tpu.memory_space<semaphore_mem>>)
    }
    %dma_wait3A = arith.constant 0 : i32
    %dma_wait3A_110 = tpu.memref_slice %arg6[%dma_wait3A] : memref<20736xi32, #tpu.memory_space<vmem>> -> memref<64xi32, #tpu.memory_space<vmem>>
    %dma_wait3A_111 = arith.constant 0 : i32
    %dma_wait3A_112 = arith.constant 0 : i32
    %dma_wait3A_113 = tpu.memref_slice %arg2[%dma_wait3A_111, %dma_wait3A_112] : memref<10000x128xf32, #tpu.memory_space<hbm>> -> memref<10000x128xf32, #tpu.memory_space<hbm>>
    tpu.wait_indirect_dma semaphore(%arg13 : memref<!tpu.dma_semaphore, #tpu.memory_space<semaphore_mem>>) src(%dma_wait3A_113 : memref<10000x128xf32, #tpu.memory_space<hbm>>) dst(%arg8 : memref<64x128xf32, #tpu.memory_space<vmem>>)
    %dma_wait3A_114 = arith.constant 0 : i32
    %dma_wait3A_115 = tpu.memref_slice %arg6[%dma_wait3A_114] : memref<20736xi32, #tpu.memory_space<vmem>> -> memref<64xi32, #tpu.memory_space<vmem>>
    %dma_wait3A_116 = arith.constant 0 : i32
    %dma_wait3A_117 = arith.constant 0 : i32
    %dma_wait3A_118 = tpu.memref_slice %arg2[%dma_wait3A_116, %dma_wait3A_117] : memref<10000x128xf32, #tpu.memory_space<hbm>> -> memref<10000x128xf32, #tpu.memory_space<hbm>>
    tpu.wait_indirect_dma semaphore(%arg14 : memref<!tpu.dma_semaphore, #tpu.memory_space<semaphore_mem>>) src(%dma_wait3A_118 : memref<10000x128xf32, #tpu.memory_space<hbm>>) dst(%arg9 : memref<64x128xf32, #tpu.memory_space<vmem>>)
    %dma_wait3A_119 = arith.constant 0 : i32
    %dma_wait3A_120 = tpu.memref_slice %arg6[%dma_wait3A_119] : memref<20736xi32, #tpu.memory_space<vmem>> -> memref<64xi32, #tpu.memory_space<vmem>>
    %dma_wait3A_121 = arith.constant 0 : i32
    %dma_wait3A_122 = arith.constant 0 : i32
    %dma_wait3A_123 = tpu.memref_slice %arg2[%dma_wait3A_121, %dma_wait3A_122] : memref<10000x128xf32, #tpu.memory_space<hbm>> -> memref<10000x128xf32, #tpu.memory_space<hbm>>
    tpu.wait_indirect_dma semaphore(%arg15 : memref<!tpu.dma_semaphore, #tpu.memory_space<semaphore_mem>>) src(%dma_wait3A_123 : memref<10000x128xf32, #tpu.memory_space<hbm>>) dst(%arg10 : memref<64x128xf32, #tpu.memory_space<vmem>>)
    %dma_wait3A_124 = arith.constant 0 : i32
    %dma_wait3A_125 = tpu.memref_slice %arg6[%dma_wait3A_124] : memref<20736xi32, #tpu.memory_space<vmem>> -> memref<64xi32, #tpu.memory_space<vmem>>
    %dma_wait3A_126 = arith.constant 0 : i32
    %dma_wait3A_127 = arith.constant 0 : i32
    %dma_wait3A_128 = tpu.memref_slice %arg2[%dma_wait3A_126, %dma_wait3A_127] : memref<10000x128xf32, #tpu.memory_space<hbm>> -> memref<10000x128xf32, #tpu.memory_space<hbm>>
    tpu.wait_indirect_dma semaphore(%arg16 : memref<!tpu.dma_semaphore, #tpu.memory_space<semaphore_mem>>) src(%dma_wait3A_128 : memref<10000x128xf32, #tpu.memory_space<hbm>>) dst(%arg11 : memref<64x128xf32, #tpu.memory_space<vmem>>)
    %barrier3A_129 = arith.constant 0 : index
    tpu.barrier barrier_id(%barrier3A_129)
    "tpu.region"() ({
      %run_scoped3A = tpu.sem_alloc : memref<!tpu.dma_semaphore, #tpu.memory_space<semaphore_mem>>
      %dma_start3A_130 = arith.constant 0 : i32
      %dma_start3A_131 = tpu.memref_slice %arg5[%arg0, %mul3A_43, %dma_start3A_130] : memref<2x5120x128xf32, #tpu.memory_space<hbm>> -> memref<1x320x128xf32, #tpu.memory_space<hbm>>
      %dma_start3A_132 = tpu.memref_squeeze %dma_start3A_131 : memref<1x320x128xf32, #tpu.memory_space<hbm>> -> memref<320x128xf32, #tpu.memory_space<hbm>>
      %dma_start3A_133 = arith.constant 0 : i32
      %dma_start3A_134 = tpu.memref_slice %arg12[%mul3A_43, %dma_start3A_133] : memref<5120x128xf32, #tpu.memory_space<vmem_shared>> -> memref<320x128xf32, #tpu.memory_space<vmem_shared>>
      tpu.enqueue_dma source(%dma_start3A_134 : memref<320x128xf32, #tpu.memory_space<vmem_shared>>) target(%dma_start3A_132 : memref<320x128xf32, #tpu.memory_space<hbm>>) target_semaphore(%run_scoped3A : memref<!tpu.dma_semaphore, #tpu.memory_space<semaphore_mem>>)
      %dma_wait3A_135 = arith.constant 0 : i32
      %dma_wait3A_136 = tpu.memref_slice %arg5[%arg0, %mul3A_43, %dma_wait3A_135] : memref<2x5120x128xf32, #tpu.memory_space<hbm>> -> memref<1x320x128xf32, #tpu.memory_space<hbm>>
      %dma_wait3A_137 = tpu.memref_squeeze %dma_wait3A_136 : memref<1x320x128xf32, #tpu.memory_space<hbm>> -> memref<320x128xf32, #tpu.memory_space<hbm>>
      %dma_wait3A_138 = arith.constant 0 : i32
      %dma_wait3A_139 = tpu.memref_slice %arg12[%mul3A_43, %dma_wait3A_138] : memref<5120x128xf32, #tpu.memory_space<vmem_shared>> -> memref<320x128xf32, #tpu.memory_space<vmem_shared>>
      tpu.wait_dma2 semaphore(%run_scoped3A : memref<!tpu.dma_semaphore, #tpu.memory_space<semaphore_mem>>) src(%dma_wait3A_139 : memref<320x128xf32, #tpu.memory_space<vmem_shared>>) dst(%dma_wait3A_137 : memref<320x128xf32, #tpu.memory_space<hbm>>)
      tpu.yield
    }) : () -> ()
    return
  }
}

#map = affine_map<(d0, d1) -> (0, 0)>
#map1 = affine_map<(d0, d1) -> (0)>
#map2 = affine_map<(d0, d1) -> (0, 0, 0)>
module attributes {stable_mosaic.version = 14 : i64} {
  func.func @body(%arg0: i32, %arg1: i32, %arg2: memref<10000x128xf32, #tpu.memory_space<hbm>>, %arg3: memref<327680xi32, #tpu.memory_space<hbm>>, %arg4: memref<327680xi32, #tpu.memory_space<hbm>>, %arg5: memref<2x5120x128xf32, #tpu.memory_space<hbm>>, %arg6: memref<20736xi32, #tpu.memory_space<vmem>>, %arg7: memref<20736xi32, #tpu.memory_space<vmem>>, %arg8: memref<64x128xf32, #tpu.memory_space<vmem>>, %arg9: memref<64x128xf32, #tpu.memory_space<vmem>>, %arg10: memref<64x128xf32, #tpu.memory_space<vmem>>, %arg11: memref<64x128xf32, #tpu.memory_space<vmem>>, %arg12: memref<5120x128xf32, #tpu.memory_space<vmem_shared>>, %arg13: memref<!tpu.dma_semaphore, #tpu.memory_space<semaphore_mem>>, %arg14: memref<!tpu.dma_semaphore, #tpu.memory_space<semaphore_mem>>, %arg15: memref<!tpu.dma_semaphore, #tpu.memory_space<semaphore_mem>>, %arg16: memref<!tpu.dma_semaphore, #tpu.memory_space<semaphore_mem>>, %arg17: memref<!tpu.dma_semaphore, #tpu.memory_space<semaphore_mem>>, %arg18: memref<!tpu.dma_semaphore, #tpu.memory_space<semaphore_mem>>, %arg19: memref<!tpu.dma_semaphore, #tpu.memory_space<semaphore_mem>>, %arg20: memref<!tpu.dma_semaphore, #tpu.memory_space<semaphore_mem>>) attributes {dimension_semantics = [#tpu.dimension_semantics<core_parallel>, #tpu.dimension_semantics<subcore_parallel>], iteration_bounds = array<i64: 2, 16>, scalar_prefetch = 0 : i64, scratch_operands = 15 : i64, tpu.core_type = #tpu.core_type<sc_vector_subcore>, window_params = [{transform_indices = #map}, {transform_indices = #map1}, {transform_indices = #map1}, {transform_indices = #map2}]} {
    %mul3A = arith.constant 20480 : i32
    %mul3A_0 = arith.muli %arg1, %mul3A : i32
    %multiple_of3A = tpu.assume_multiple %mul3A_0, 8 : i32
    "tpu.region"() ({
      %run_scoped3A = tpu.sem_alloc : memref<!tpu.dma_semaphore, #tpu.memory_space<semaphore_mem>>
      %dma_start3A_130 = arith.constant 0 : i32
      %dma_start3A_131 = tpu.memref_slice %arg6[%dma_start3A_130] : memref<20736xi32, #tpu.memory_space<vmem>> -> memref<20480xi32, #tpu.memory_space<vmem>>
      %dma_start3A_132 = tpu.memref_slice %arg3[%multiple_of3A] : memref<327680xi32, #tpu.memory_space<hbm>> -> memref<20480xi32, #tpu.memory_space<hbm>>
      %dma_start3A_133 = arith.constant 0 : i32
      %dma_start3A_134 = tpu.memref_slice %arg6[%dma_start3A_133] : memref<20736xi32, #tpu.memory_space<vmem>> -> memref<20480xi32, #tpu.memory_space<vmem>>
      %dma_start3A_135 = tpu.memref_slice %arg3[%multiple_of3A] : memref<327680xi32, #tpu.memory_space<hbm>> -> memref<20480xi32, #tpu.memory_space<hbm>>
      tpu.enqueue_dma source(%dma_start3A_135 : memref<20480xi32, #tpu.memory_space<hbm>>) target(%dma_start3A_134 : memref<20480xi32, #tpu.memory_space<vmem>>) target_semaphore(%run_scoped3A : memref<!tpu.dma_semaphore, #tpu.memory_space<semaphore_mem>>)
      %dma_wait3A_136 = arith.constant 0 : i32
      %dma_wait3A_137 = tpu.memref_slice %arg6[%dma_wait3A_136] : memref<20736xi32, #tpu.memory_space<vmem>> -> memref<20480xi32, #tpu.memory_space<vmem>>
      %dma_wait3A_138 = tpu.memref_slice %arg3[%multiple_of3A] : memref<327680xi32, #tpu.memory_space<hbm>> -> memref<20480xi32, #tpu.memory_space<hbm>>
      %dma_wait3A_139 = arith.constant 0 : i32
      %dma_wait3A_140 = tpu.memref_slice %arg6[%dma_wait3A_139] : memref<20736xi32, #tpu.memory_space<vmem>> -> memref<20480xi32, #tpu.memory_space<vmem>>
      %dma_wait3A_141 = tpu.memref_slice %arg3[%multiple_of3A] : memref<327680xi32, #tpu.memory_space<hbm>> -> memref<20480xi32, #tpu.memory_space<hbm>>
      tpu.wait_dma2 semaphore(%run_scoped3A : memref<!tpu.dma_semaphore, #tpu.memory_space<semaphore_mem>>) src(%dma_wait3A_141 : memref<20480xi32, #tpu.memory_space<hbm>>) dst(%dma_wait3A_140 : memref<20480xi32, #tpu.memory_space<vmem>>)
      tpu.yield
    }) : () -> ()
    "tpu.region"() ({
      %run_scoped3A = tpu.sem_alloc : memref<!tpu.dma_semaphore, #tpu.memory_space<semaphore_mem>>
      %dma_start3A_130 = arith.constant 0 : i32
      %dma_start3A_131 = tpu.memref_slice %arg7[%dma_start3A_130] : memref<20736xi32, #tpu.memory_space<vmem>> -> memref<20480xi32, #tpu.memory_space<vmem>>
      %dma_start3A_132 = tpu.memref_slice %arg4[%multiple_of3A] : memref<327680xi32, #tpu.memory_space<hbm>> -> memref<20480xi32, #tpu.memory_space<hbm>>
      %dma_start3A_133 = arith.constant 0 : i32
      %dma_start3A_134 = tpu.memref_slice %arg7[%dma_start3A_133] : memref<20736xi32, #tpu.memory_space<vmem>> -> memref<20480xi32, #tpu.memory_space<vmem>>
      %dma_start3A_135 = tpu.memref_slice %arg4[%multiple_of3A] : memref<327680xi32, #tpu.memory_space<hbm>> -> memref<20480xi32, #tpu.memory_space<hbm>>
      tpu.enqueue_dma source(%dma_start3A_135 : memref<20480xi32, #tpu.memory_space<hbm>>) target(%dma_start3A_134 : memref<20480xi32, #tpu.memory_space<vmem>>) target_semaphore(%run_scoped3A : memref<!tpu.dma_semaphore, #tpu.memory_space<semaphore_mem>>)
      %dma_wait3A_136 = arith.constant 0 : i32
      %dma_wait3A_137 = tpu.memref_slice %arg7[%dma_wait3A_136] : memref<20736xi32, #tpu.memory_space<vmem>> -> memref<20480xi32, #tpu.memory_space<vmem>>
      %dma_wait3A_138 = tpu.memref_slice %arg4[%multiple_of3A] : memref<327680xi32, #tpu.memory_space<hbm>> -> memref<20480xi32, #tpu.memory_space<hbm>>
      %dma_wait3A_139 = arith.constant 0 : i32
      %dma_wait3A_140 = tpu.memref_slice %arg7[%dma_wait3A_139] : memref<20736xi32, #tpu.memory_space<vmem>> -> memref<20480xi32, #tpu.memory_space<vmem>>
      %dma_wait3A_141 = tpu.memref_slice %arg4[%multiple_of3A] : memref<327680xi32, #tpu.memory_space<hbm>> -> memref<20480xi32, #tpu.memory_space<hbm>>
      tpu.wait_dma2 semaphore(%run_scoped3A : memref<!tpu.dma_semaphore, #tpu.memory_space<semaphore_mem>>) src(%dma_wait3A_141 : memref<20480xi32, #tpu.memory_space<hbm>>) dst(%dma_wait3A_140 : memref<20480xi32, #tpu.memory_space<vmem>>)
      tpu.yield
    }) : () -> ()
    %scan3A = arith.constant 0 : i32
    %scan3A_1 = arith.constant 0 : i32
    %scan3A_2 = arith.constant 1280 : i32
    %scan3A_3 = arith.addi %scan3A_1, %scan3A_2 : i32
    %scan3A_4 = arith.constant 1 : i32
    %scan3A_5 = scf.for %scan3A_130 = %scan3A_1 to %scan3A_3 step %scan3A_4 iter_args(%scan3A_131 = %scan3A) -> (i32)  : i32 {
      %mul3A_132 = arith.constant 16 : i32
      %mul3A_133 = arith.muli %scan3A_130, %mul3A_132 : i32
      %get3A = arith.index_cast %mul3A_133 : i32 to index
      %get3A_134 = tpu.vector_load %arg6[%get3A] {strides = array<i32>} : memref<20736xi32, #tpu.memory_space<vmem>>, vector<16xi32>,
      %mul3A_135 = arith.constant 16 : i32
      %mul3A_136 = arith.muli %scan3A_130, %mul3A_135 : i32
      %get3A_137 = arith.index_cast %mul3A_136 : i32 to index
      %get3A_138 = tpu.vector_load %arg7[%get3A_137] {strides = array<i32>} : memref<20736xi32, #tpu.memory_space<vmem>>, vector<16xi32>,
      %mul3A_139 = arith.constant 5000 : i32
      %mul3A_140 = arith.muli %arg0, %mul3A_139 : i32
      %sub3A_141 = vector.broadcast %mul3A_140 : i32 to vector<16xi32>
      %sub3A_142 = arith.subi %get3A_138, %sub3A_141 : vector<16xi32>
      %ge3A = arith.constant 0 : i32
      %ge3A_143 = vector.broadcast %ge3A : i32 to vector<16xi32>
      %ge3A_144 = arith.cmpi sge, %sub3A_142, %ge3A_143 : vector<16xi32>
      %lt3A = arith.constant 5000 : i32
      %lt3A_145 = vector.broadcast %lt3A : i32 to vector<16xi32>
      %lt3A_146 = arith.cmpi slt, %sub3A_142, %lt3A_145 : vector<16xi32>
      %and3A_147 = arith.andi %ge3A_144, %lt3A_146 : vector<16xi1>
      %swap3A = arith.index_cast %scan3A_131 : i32 to index
      %swap3A_148 = tpu.vector_load %arg6[%swap3A] masked %and3A_147 {strides = array<i32>} : memref<20736xi32, #tpu.memory_space<vmem>>, vector<16xi32>, vector<16xi1>
      tpu.vector_store %arg6[%swap3A], %get3A_134 masked %and3A_147 {strides = array<i32>} : memref<20736xi32, #tpu.memory_space<vmem>>, vector<16xi32>, vector<16xi1>
      %swap3A_149 = arith.index_cast %scan3A_131 : i32 to index
      %swap3A_150 = tpu.vector_load %arg7[%swap3A_149] masked %and3A_147 {strides = array<i32>} : memref<20736xi32, #tpu.memory_space<vmem>>, vector<16xi32>, vector<16xi1>
      tpu.vector_store %arg7[%swap3A_149], %sub3A_142 masked %and3A_147 {strides = array<i32>} : memref<20736xi32, #tpu.memory_space<vmem>>, vector<16xi32>, vector<16xi1>
      %all_reduce_population_count3A = tpu.all_reduce %and3A_147 {dim = 0 : i64, kind = #tpu.reduction_kind<sum>} : vector<16xi1> -> vector<16xi32>
      %slice3A = vector.extract_strided_slice %all_reduce_population_count3A {offsets = [0], sizes = [1], strides = [1]} : vector<16xi32> to vector<1xi32>
      %squeeze3A = vector.extract %slice3A[0] : i32 from vector<1xi32>
      %add3A_151 = arith.addi %scan3A_131, %squeeze3A : i32
      scf.yield %add3A_151 : i32
    }
    %scan3A_6 = arith.constant 1280 : i32
    %broadcast_in_dim3A = arith.constant 5000 : i32
    %broadcast_in_dim3A_7 = vector.broadcast %broadcast_in_dim3A : i32 to vector<16xi32>
    %scan3A_8 = arith.constant 0 : i32
    %scan3A_9 = arith.constant 0 : i32
    %scan3A_10 = arith.constant 16 : i32
    %scan3A_11 = arith.addi %scan3A_9, %scan3A_10 : i32
    %scan3A_12 = arith.constant 1 : i32
    scf.for %scan3A_130 = %scan3A_9 to %scan3A_11 step %scan3A_12  : i32 {
      %mul3A_131 = arith.constant 16 : i32
      %mul3A_132 = arith.muli %scan3A_130, %mul3A_131 : i32
      %add3A_133 = arith.addi %scan3A_5, %mul3A_132 : i32
      %swap3A = arith.index_cast %add3A_133 : i32 to index
      %swap3A_134 = tpu.vector_load %arg7[%swap3A] {strides = array<i32>} : memref<20736xi32, #tpu.memory_space<vmem>>, vector<16xi32>,
      tpu.vector_store %arg7[%swap3A], %broadcast_in_dim3A_7 {strides = array<i32>} : memref<20736xi32, #tpu.memory_space<vmem>>, vector<16xi32>,
    }
    %scan3A_13 = arith.constant 16 : i32
    %add3A = arith.constant 64 : i32
    %add3A_14 = arith.addi %scan3A_5, %add3A : i32
    %sub3A = arith.constant 1 : i32
    %sub3A_15 = arith.subi %add3A_14, %sub3A : i32
    %jit3A = arith.constant 64 : i32
    %div3A = arith.divsi %sub3A_15, %jit3A : i32
    %sign3A = arith.constant 0 : i32
    %sign3A_16 = arith.cmpi sgt, %sub3A_15, %sign3A : i32
    %sign3A_17 = arith.extui %sign3A_16 : i1 to i32
    %sign3A_18 = arith.constant 0 : i32
    %sign3A_19 = arith.cmpi slt, %sub3A_15, %sign3A_18 : i32
    %sign3A_20 = arith.extui %sign3A_19 : i1 to i32
    %sign3A_21 = arith.subi %sign3A_17, %sign3A_20 : i32
    %sign3A_22 = arith.constant 0 : i32
    %sign3A_23 = arith.cmpi sgt, %jit3A, %sign3A_22 : i32
    %sign3A_24 = arith.extui %sign3A_23 : i1 to i32
    %sign3A_25 = arith.constant 0 : i32
    %sign3A_26 = arith.cmpi slt, %jit3A, %sign3A_25 : i32
    %sign3A_27 = arith.extui %sign3A_26 : i1 to i32
    %sign3A_28 = arith.subi %sign3A_24, %sign3A_27 : i32
    %ne3A = arith.cmpi ne, %sign3A_21, %sign3A_28 : i32
    %rem3A = arith.remsi %sub3A_15, %jit3A : i32
    %ne3A_29 = arith.constant 0 : i32
    %ne3A_30 = arith.cmpi ne, %rem3A, %ne3A_29 : i32
    %and3A = arith.andi %ne3A, %ne3A_30 : i1
    %sub3A_31 = arith.constant 1 : i32
    %sub3A_32 = arith.subi %div3A, %sub3A_31 : i32
    %select_n3A = arith.select %and3A, %sub3A_32, %div3A : i32
    %max3A = arith.constant 1 : i32
    %max3A_33 = arith.maxsi %select_n3A, %max3A : i32
    %broadcast_in_dim3A_34 = arith.constant 0.000000e+00 : f32
    %broadcast_in_dim3A_35 = vector.broadcast %broadcast_in_dim3A_34 : f32 to vector<16xf32>
    %scan3A_36 = arith.constant 0 : i32
    %scan3A_37 = arith.constant 0 : i32
    %scan3A_38 = arith.constant 64 : i32
    %scan3A_39 = arith.addi %scan3A_37, %scan3A_38 : i32
    %scan3A_40 = arith.constant 1 : i32
    scf.for %scan3A_130 = %scan3A_37 to %scan3A_39 step %scan3A_40  : i32 {
      %swap3A = arith.index_cast %scan3A_130 : i32 to index
      %swap3A_131 = arith.constant 0 : index
      %swap3A_132 = tpu.vector_load %arg8[%swap3A, %swap3A_131] {strides = array<i32>} : memref<64x128xf32, #tpu.memory_space<vmem>>, vector<16xf32>,
      tpu.vector_store %arg8[%swap3A, %swap3A_131], %broadcast_in_dim3A_35 {strides = array<i32>} : memref<64x128xf32, #tpu.memory_space<vmem>>, vector<16xf32>,
      %swap3A_133 = arith.index_cast %scan3A_130 : i32 to index
      %swap3A_134 = arith.constant 16 : index
      %swap3A_135 = tpu.vector_load %arg8[%swap3A_133, %swap3A_134] {strides = array<i32>} : memref<64x128xf32, #tpu.memory_space<vmem>>, vector<16xf32>,
      tpu.vector_store %arg8[%swap3A_133, %swap3A_134], %broadcast_in_dim3A_35 {strides = array<i32>} : memref<64x128xf32, #tpu.memory_space<vmem>>, vector<16xf32>,
      %swap3A_136 = arith.index_cast %scan3A_130 : i32 to index
      %swap3A_137 = arith.constant 32 : index
      %swap3A_138 = tpu.vector_load %arg8[%swap3A_136, %swap3A_137] {strides = array<i32>} : memref<64x128xf32, #tpu.memory_space<vmem>>, vector<16xf32>,
      tpu.vector_store %arg8[%swap3A_136, %swap3A_137], %broadcast_in_dim3A_35 {strides = array<i32>} : memref<64x128xf32, #tpu.memory_space<vmem>>, vector<16xf32>,
      %swap3A_139 = arith.index_cast %scan3A_130 : i32 to index
      %swap3A_140 = arith.constant 48 : index
      %swap3A_141 = tpu.vector_load %arg8[%swap3A_139, %swap3A_140] {strides = array<i32>} : memref<64x128xf32, #tpu.memory_space<vmem>>, vector<16xf32>,
      tpu.vector_store %arg8[%swap3A_139, %swap3A_140], %broadcast_in_dim3A_35 {strides = array<i32>} : memref<64x128xf32, #tpu.memory_space<vmem>>, vector<16xf32>,
      %swap3A_142 = arith.index_cast %scan3A_130 : i32 to index
      %swap3A_143 = arith.constant 64 : index
      %swap3A_144 = tpu.vector_load %arg8[%swap3A_142, %swap3A_143] {strides = array<i32>} : memref<64x128xf32, #tpu.memory_space<vmem>>, vector<16xf32>,
      tpu.vector_store %arg8[%swap3A_142, %swap3A_143], %broadcast_in_dim3A_35 {strides = array<i32>} : memref<64x128xf32, #tpu.memory_space<vmem>>, vector<16xf32>,
      %swap3A_145 = arith.index_cast %scan3A_130 : i32 to index
      %swap3A_146 = arith.constant 80 : index
      %swap3A_147 = tpu.vector_load %arg8[%swap3A_145, %swap3A_146] {strides = array<i32>} : memref<64x128xf32, #tpu.memory_space<vmem>>, vector<16xf32>,
      tpu.vector_store %arg8[%swap3A_145, %swap3A_146], %broadcast_in_dim3A_35 {strides = array<i32>} : memref<64x128xf32, #tpu.memory_space<vmem>>, vector<16xf32>,
      %swap3A_148 = arith.index_cast %scan3A_130 : i32 to index
      %swap3A_149 = arith.constant 96 : index
      %swap3A_150 = tpu.vector_load %arg8[%swap3A_148, %swap3A_149] {strides = array<i32>} : memref<64x128xf32, #tpu.memory_space<vmem>>, vector<16xf32>,
      tpu.vector_store %arg8[%swap3A_148, %swap3A_149], %broadcast_in_dim3A_35 {strides = array<i32>} : memref<64x128xf32, #tpu.memory_space<vmem>>, vector<16xf32>,
      %swap3A_151 = arith.index_cast %scan3A_130 : i32 to index
      %swap3A_152 = arith.constant 112 : index
      %swap3A_153 = tpu.vector_load %arg8[%swap3A_151, %swap3A_152] {strides = array<i32>} : memref<64x128xf32, #tpu.memory_space<vmem>>, vector<16xf32>,
      tpu.vector_store %arg8[%swap3A_151, %swap3A_152], %broadcast_in_dim3A_35 {strides = array<i32>} : memref<64x128xf32, #tpu.memory_space<vmem>>, vector<16xf32>,
    }
    %scan3A_41 = arith.constant 64 : i32
    %mul3A_42 = arith.constant 320 : i32
    %mul3A_43 = arith.muli %arg1, %mul3A_42 : i32
    %add3A_44 = arith.constant 0 : i32
    %add3A_45 = arith.addi %mul3A_43, %add3A_44 : i32
    "tpu.region"() ({
      %run_scoped3A = tpu.sem_alloc : memref<!tpu.dma_semaphore, #tpu.memory_space<semaphore_mem>>
      %dma_start3A_130 = arith.constant 0 : i32
      %dma_start3A_131 = tpu.memref_slice %arg12[%add3A_45, %dma_start3A_130] : memref<5120x128xf32, #tpu.memory_space<vmem_shared>> -> memref<64x128xf32, #tpu.memory_space<vmem_shared>>
      %dma_start3A_132 = arith.constant 0 : i32
      %dma_start3A_133 = tpu.memref_slice %arg12[%add3A_45, %dma_start3A_132] : memref<5120x128xf32, #tpu.memory_space<vmem_shared>> -> memref<64x128xf32, #tpu.memory_space<vmem_shared>>
      tpu.enqueue_dma source(%arg8 : memref<64x128xf32, #tpu.memory_space<vmem>>) target(%dma_start3A_133 : memref<64x128xf32, #tpu.memory_space<vmem_shared>>) target_semaphore(%run_scoped3A : memref<!tpu.dma_semaphore, #tpu.memory_space<semaphore_mem>>)
      %dma_wait3A_134 = arith.constant 0 : i32
      %dma_wait3A_135 = tpu.memref_slice %arg12[%add3A_45, %dma_wait3A_134] : memref<5120x128xf32, #tpu.memory_space<vmem_shared>> -> memref<64x128xf32, #tpu.memory_space<vmem_shared>>
      %dma_wait3A_136 = arith.constant 0 : i32
      %dma_wait3A_137 = tpu.memref_slice %arg12[%add3A_45, %dma_wait3A_136] : memref<5120x128xf32, #tpu.memory_space<vmem_shared>> -> memref<64x128xf32, #tpu.memory_space<vmem_shared>>
      tpu.wait_dma2 semaphore(%run_scoped3A : memref<!tpu.dma_semaphore, #tpu.memory_space<semaphore_mem>>) src(%arg8 : memref<64x128xf32, #tpu.memory_space<vmem>>) dst(%dma_wait3A_137 : memref<64x128xf32, #tpu.memory_space<vmem_shared>>)
      tpu.yield
    }) : () -> ()
    %add3A_46 = arith.constant 64 : i32
    %add3A_47 = arith.addi %mul3A_43, %add3A_46 : i32
    "tpu.region"() ({
      %run_scoped3A = tpu.sem_alloc : memref<!tpu.dma_semaphore, #tpu.memory_space<semaphore_mem>>
      %dma_start3A_130 = arith.constant 0 : i32
      %dma_start3A_131 = tpu.memref_slice %arg12[%add3A_47, %dma_start3A_130] : memref<5120x128xf32, #tpu.memory_space<vmem_shared>> -> memref<64x128xf32, #tpu.memory_space<vmem_shared>>
      %dma_start3A_132 = arith.constant 0 : i32
      %dma_start3A_133 = tpu.memref_slice %arg12[%add3A_47, %dma_start3A_132] : memref<5120x128xf32, #tpu.memory_space<vmem_shared>> -> memref<64x128xf32, #tpu.memory_space<vmem_shared>>
      tpu.enqueue_dma source(%arg8 : memref<64x128xf32, #tpu.memory_space<vmem>>) target(%dma_start3A_133 : memref<64x128xf32, #tpu.memory_space<vmem_shared>>) target_semaphore(%run_scoped3A : memref<!tpu.dma_semaphore, #tpu.memory_space<semaphore_mem>>)
      %dma_wait3A_134 = arith.constant 0 : i32
      %dma_wait3A_135 = tpu.memref_slice %arg12[%add3A_47, %dma_wait3A_134] : memref<5120x128xf32, #tpu.memory_space<vmem_shared>> -> memref<64x128xf32, #tpu.memory_space<vmem_shared>>
      %dma_wait3A_136 = arith.constant 0 : i32
      %dma_wait3A_137 = tpu.memref_slice %arg12[%add3A_47, %dma_wait3A_136] : memref<5120x128xf32, #tpu.memory_space<vmem_shared>> -> memref<64x128xf32, #tpu.memory_space<vmem_shared>>
      tpu.wait_dma2 semaphore(%run_scoped3A : memref<!tpu.dma_semaphore, #tpu.memory_space<semaphore_mem>>) src(%arg8 : memref<64x128xf32, #tpu.memory_space<vmem>>) dst(%dma_wait3A_137 : memref<64x128xf32, #tpu.memory_space<vmem_shared>>)
      tpu.yield
    }) : () -> ()
    %add3A_48 = arith.constant 128 : i32
    %add3A_49 = arith.addi %mul3A_43, %add3A_48 : i32
    "tpu.region"() ({
      %run_scoped3A = tpu.sem_alloc : memref<!tpu.dma_semaphore, #tpu.memory_space<semaphore_mem>>
      %dma_start3A_130 = arith.constant 0 : i32
      %dma_start3A_131 = tpu.memref_slice %arg12[%add3A_49, %dma_start3A_130] : memref<5120x128xf32, #tpu.memory_space<vmem_shared>> -> memref<64x128xf32, #tpu.memory_space<vmem_shared>>
      %dma_start3A_132 = arith.constant 0 : i32
      %dma_start3A_133 = tpu.memref_slice %arg12[%add3A_49, %dma_start3A_132] : memref<5120x128xf32, #tpu.memory_space<vmem_shared>> -> memref<64x128xf32, #tpu.memory_space<vmem_shared>>
      tpu.enqueue_dma source(%arg8 : memref<64x128xf32, #tpu.memory_space<vmem>>) target(%dma_start3A_133 : memref<64x128xf32, #tpu.memory_space<vmem_shared>>) target_semaphore(%run_scoped3A : memref<!tpu.dma_semaphore, #tpu.memory_space<semaphore_mem>>)
      %dma_wait3A_134 = arith.constant 0 : i32
      %dma_wait3A_135 = tpu.memref_slice %arg12[%add3A_49, %dma_wait3A_134] : memref<5120x128xf32, #tpu.memory_space<vmem_shared>> -> memref<64x128xf32, #tpu.memory_space<vmem_shared>>
      %dma_wait3A_136 = arith.constant 0 : i32
      %dma_wait3A_137 = tpu.memref_slice %arg12[%add3A_49, %dma_wait3A_136] : memref<5120x128xf32, #tpu.memory_space<vmem_shared>> -> memref<64x128xf32, #tpu.memory_space<vmem_shared>>
      tpu.wait_dma2 semaphore(%run_scoped3A : memref<!tpu.dma_semaphore, #tpu.memory_space<semaphore_mem>>) src(%arg8 : memref<64x128xf32, #tpu.memory_space<vmem>>) dst(%dma_wait3A_137 : memref<64x128xf32, #tpu.memory_space<vmem_shared>>)
      tpu.yield
    }) : () -> ()
    %add3A_50 = arith.constant 192 : i32
    %add3A_51 = arith.addi %mul3A_43, %add3A_50 : i32
    "tpu.region"() ({
      %run_scoped3A = tpu.sem_alloc : memref<!tpu.dma_semaphore, #tpu.memory_space<semaphore_mem>>
      %dma_start3A_130 = arith.constant 0 : i32
      %dma_start3A_131 = tpu.memref_slice %arg12[%add3A_51, %dma_start3A_130] : memref<5120x128xf32, #tpu.memory_space<vmem_shared>> -> memref<64x128xf32, #tpu.memory_space<vmem_shared>>
      %dma_start3A_132 = arith.constant 0 : i32
      %dma_start3A_133 = tpu.memref_slice %arg12[%add3A_51, %dma_start3A_132] : memref<5120x128xf32, #tpu.memory_space<vmem_shared>> -> memref<64x128xf32, #tpu.memory_space<vmem_shared>>
      tpu.enqueue_dma source(%arg8 : memref<64x128xf32, #tpu.memory_space<vmem>>) target(%dma_start3A_133 : memref<64x128xf32, #tpu.memory_space<vmem_shared>>) target_semaphore(%run_scoped3A : memref<!tpu.dma_semaphore, #tpu.memory_space<semaphore_mem>>)
      %dma_wait3A_134 = arith.constant 0 : i32
      %dma_wait3A_135 = tpu.memref_slice %arg12[%add3A_51, %dma_wait3A_134] : memref<5120x128xf32, #tpu.memory_space<vmem_shared>> -> memref<64x128xf32, #tpu.memory_space<vmem_shared>>
      %dma_wait3A_136 = arith.constant 0 : i32
      %dma_wait3A_137 = tpu.memref_slice %arg12[%add3A_51, %dma_wait3A_136] : memref<5120x128xf32, #tpu.memory_space<vmem_shared>> -> memref<64x128xf32, #tpu.memory_space<vmem_shared>>
      tpu.wait_dma2 semaphore(%run_scoped3A : memref<!tpu.dma_semaphore, #tpu.memory_space<semaphore_mem>>) src(%arg8 : memref<64x128xf32, #tpu.memory_space<vmem>>) dst(%dma_wait3A_137 : memref<64x128xf32, #tpu.memory_space<vmem_shared>>)
      tpu.yield
    }) : () -> ()
    %add3A_52 = arith.constant 256 : i32
    %add3A_53 = arith.addi %mul3A_43, %add3A_52 : i32
    "tpu.region"() ({
      %run_scoped3A = tpu.sem_alloc : memref<!tpu.dma_semaphore, #tpu.memory_space<semaphore_mem>>
      %dma_start3A_130 = arith.constant 0 : i32
      %dma_start3A_131 = tpu.memref_slice %arg12[%add3A_53, %dma_start3A_130] : memref<5120x128xf32, #tpu.memory_space<vmem_shared>> -> memref<64x128xf32, #tpu.memory_space<vmem_shared>>
      %dma_start3A_132 = arith.constant 0 : i32
      %dma_start3A_133 = tpu.memref_slice %arg12[%add3A_53, %dma_start3A_132] : memref<5120x128xf32, #tpu.memory_space<vmem_shared>> -> memref<64x128xf32, #tpu.memory_space<vmem_shared>>
      tpu.enqueue_dma source(%arg8 : memref<64x128xf32, #tpu.memory_space<vmem>>) target(%dma_start3A_133 : memref<64x128xf32, #tpu.memory_space<vmem_shared>>) target_semaphore(%run_scoped3A : memref<!tpu.dma_semaphore, #tpu.memory_space<semaphore_mem>>)
      %dma_wait3A_134 = arith.constant 0 : i32
      %dma_wait3A_135 = tpu.memref_slice %arg12[%add3A_53, %dma_wait3A_134] : memref<5120x128xf32, #tpu.memory_space<vmem_shared>> -> memref<64x128xf32, #tpu.memory_space<vmem_shared>>
      %dma_wait3A_136 = arith.constant 0 : i32
      %dma_wait3A_137 = tpu.memref_slice %arg12[%add3A_53, %dma_wait3A_136] : memref<5120x128xf32, #tpu.memory_space<vmem_shared>> -> memref<64x128xf32, #tpu.memory_space<vmem_shared>>
      tpu.wait_dma2 semaphore(%run_scoped3A : memref<!tpu.dma_semaphore, #tpu.memory_space<semaphore_mem>>) src(%arg8 : memref<64x128xf32, #tpu.memory_space<vmem>>) dst(%dma_wait3A_137 : memref<64x128xf32, #tpu.memory_space<vmem_shared>>)
      tpu.yield
    }) : () -> ()
    %barrier3A = arith.constant 0 : index
    tpu.barrier barrier_id(%barrier3A)
    %dma_start3A = arith.constant 0 : i32
    %dma_start3A_54 = tpu.memref_slice %arg6[%dma_start3A] : memref<20736xi32, #tpu.memory_space<vmem>> -> memref<64xi32, #tpu.memory_space<vmem>>
    %dma_start3A_55 = arith.constant 0 : i32
    %dma_start3A_56 = arith.constant 0 : i32
    %dma_start3A_57 = tpu.memref_slice %arg2[%dma_start3A_55, %dma_start3A_56] : memref<10000x128xf32, #tpu.memory_space<hbm>> -> memref<10000x128xf32, #tpu.memory_space<hbm>>
    tpu.enqueue_indirect_dma source(%dma_start3A_57 : memref<10000x128xf32, #tpu.memory_space<hbm>>) target(%arg8 : memref<64x128xf32, #tpu.memory_space<vmem>>) offsets(%dma_start3A_54 : memref<64xi32, #tpu.memory_space<vmem>>) semaphore(%arg13 : memref<!tpu.dma_semaphore, #tpu.memory_space<semaphore_mem>>)
    %dma_start3A_58 = arith.constant 64 : i32
    %dma_start3A_59 = tpu.memref_slice %arg6[%dma_start3A_58] : memref<20736xi32, #tpu.memory_space<vmem>> -> memref<64xi32, #tpu.memory_space<vmem>>
    %dma_start3A_60 = arith.constant 0 : i32
    %dma_start3A_61 = arith.constant 0 : i32
    %dma_start3A_62 = tpu.memref_slice %arg2[%dma_start3A_60, %dma_start3A_61] : memref<10000x128xf32, #tpu.memory_space<hbm>> -> memref<10000x128xf32, #tpu.memory_space<hbm>>
    tpu.enqueue_indirect_dma source(%dma_start3A_62 : memref<10000x128xf32, #tpu.memory_space<hbm>>) target(%arg9 : memref<64x128xf32, #tpu.memory_space<vmem>>) offsets(%dma_start3A_59 : memref<64xi32, #tpu.memory_space<vmem>>) semaphore(%arg14 : memref<!tpu.dma_semaphore, #tpu.memory_space<semaphore_mem>>)
    %dma_start3A_63 = arith.constant 128 : i32
    %dma_start3A_64 = tpu.memref_slice %arg6[%dma_start3A_63] : memref<20736xi32, #tpu.memory_space<vmem>> -> memref<64xi32, #tpu.memory_space<vmem>>
    %dma_start3A_65 = arith.constant 0 : i32
    %dma_start3A_66 = arith.constant 0 : i32
    %dma_start3A_67 = tpu.memref_slice %arg2[%dma_start3A_65, %dma_start3A_66] : memref<10000x128xf32, #tpu.memory_space<hbm>> -> memref<10000x128xf32, #tpu.memory_space<hbm>>
    tpu.enqueue_indirect_dma source(%dma_start3A_67 : memref<10000x128xf32, #tpu.memory_space<hbm>>) target(%arg10 : memref<64x128xf32, #tpu.memory_space<vmem>>) offsets(%dma_start3A_64 : memref<64xi32, #tpu.memory_space<vmem>>) semaphore(%arg15 : memref<!tpu.dma_semaphore, #tpu.memory_space<semaphore_mem>>)
    %dma_start3A_68 = arith.constant 192 : i32
    %dma_start3A_69 = tpu.memref_slice %arg6[%dma_start3A_68] : memref<20736xi32, #tpu.memory_space<vmem>> -> memref<64xi32, #tpu.memory_space<vmem>>
    %dma_start3A_70 = arith.constant 0 : i32
    %dma_start3A_71 = arith.constant 0 : i32
    %dma_start3A_72 = tpu.memref_slice %arg2[%dma_start3A_70, %dma_start3A_71] : memref<10000x128xf32, #tpu.memory_space<hbm>> -> memref<10000x128xf32, #tpu.memory_space<hbm>>
    tpu.enqueue_indirect_dma source(%dma_start3A_72 : memref<10000x128xf32, #tpu.memory_space<hbm>>) target(%arg11 : memref<64x128xf32, #tpu.memory_space<vmem>>) offsets(%dma_start3A_69 : memref<64xi32, #tpu.memory_space<vmem>>) semaphore(%arg16 : memref<!tpu.dma_semaphore, #tpu.memory_space<semaphore_mem>>)
    %add3A_73 = arith.constant 4 : i32
    %add3A_74 = arith.addi %max3A_33, %add3A_73 : i32
    %sub3A_75 = arith.constant 1 : i32
    %sub3A_76 = arith.subi %add3A_74, %sub3A_75 : i32
    %jit3A_77 = arith.constant 4 : i32
    %div3A_78 = arith.divsi %sub3A_76, %jit3A_77 : i32
    %sign3A_79 = arith.constant 0 : i32
    %sign3A_80 = arith.cmpi sgt, %sub3A_76, %sign3A_79 : i32
    %sign3A_81 = arith.extui %sign3A_80 : i1 to i32
    %sign3A_82 = arith.constant 0 : i32
    %sign3A_83 = arith.cmpi slt, %sub3A_76, %sign3A_82 : i32
    %sign3A_84 = arith.extui %sign3A_83 : i1 to i32
    %sign3A_85 = arith.subi %sign3A_81, %sign3A_84 : i32
    %sign3A_86 = arith.constant 0 : i32
    %sign3A_87 = arith.cmpi sgt, %jit3A_77, %sign3A_86 : i32
    %sign3A_88 = arith.extui %sign3A_87 : i1 to i32
    %sign3A_89 = arith.constant 0 : i32
    %sign3A_90 = arith.cmpi slt, %jit3A_77, %sign3A_89 : i32
    %sign3A_91 = arith.extui %sign3A_90 : i1 to i32
    %sign3A_92 = arith.subi %sign3A_88, %sign3A_91 : i32
    %ne3A_93 = arith.cmpi ne, %sign3A_85, %sign3A_92 : i32
    %rem3A_94 = arith.remsi %sub3A_76, %jit3A_77 : i32
    %ne3A_95 = arith.constant 0 : i32
    %ne3A_96 = arith.cmpi ne, %rem3A_94, %ne3A_95 : i32
    %and3A_97 = arith.andi %ne3A_93, %ne3A_96 : i1
    %sub3A_98 = arith.constant 1 : i32
    %sub3A_99 = arith.subi %div3A_78, %sub3A_98 : i32
    %select_n3A_100 = arith.select %and3A_97, %sub3A_99, %div3A_78 : i32
    %while3A = arith.constant 0 : i32
    %while3A_101 = arith.constant 0 : i32
    %while3A_102 = arith.subi %select_n3A_100, %while3A_101 : i32
    %while3A_103 = arith.addi %while3A_101, %while3A_102 : i32
    %while3A_104 = arith.constant 1 : i32
    %while3A_105 = arith.divsi %while3A_102, %while3A_104 : i32
    %while3A_106 = arith.muli %while3A_105, %while3A_104 : i32
    %while3A_107 = arith.addi %while3A_101, %while3A_106 : i32
    %while3A_108 = arith.constant 1 : i32
    scf.for %while3A_130 = %while3A_101 to %while3A_107 step %while3A_108  : i32 {
      %mul3A_131 = arith.constant 4 : i32
      %mul3A_132 = arith.muli %mul3A_131, %while3A_130 : i32
      %add3A_133 = arith.constant 0 : i32
      %add3A_134 = arith.addi %mul3A_132, %add3A_133 : i32
      %mul3A_135 = arith.constant 64 : i32
      %mul3A_136 = arith.muli %add3A_134, %mul3A_135 : i32
      %dma_wait3A_137 = tpu.memref_slice %arg6[%mul3A_136] : memref<20736xi32, #tpu.memory_space<vmem>> -> memref<64xi32, #tpu.memory_space<vmem>>
      %dma_wait3A_138 = arith.constant 0 : i32
      %dma_wait3A_139 = arith.constant 0 : i32
      %dma_wait3A_140 = tpu.memref_slice %arg2[%dma_wait3A_138, %dma_wait3A_139] : memref<10000x128xf32, #tpu.memory_space<hbm>> -> memref<10000x128xf32, #tpu.memory_space<hbm>>
      tpu.wait_indirect_dma semaphore(%arg13 : memref<!tpu.dma_semaphore, #tpu.memory_space<semaphore_mem>>) src(%dma_wait3A_140 : memref<10000x128xf32, #tpu.memory_space<hbm>>) dst(%arg8 : memref<64x128xf32, #tpu.memory_space<vmem>>)
      %add3A_141 = arith.constant 0 : i32
      %add3A_142 = arith.addi %mul3A_132, %add3A_141 : i32
      %mul3A_143 = arith.constant 64 : i32
      %mul3A_144 = arith.muli %add3A_142, %mul3A_143 : i32
      %dma_start3A_145 = tpu.memref_slice %arg7[%mul3A_144] : memref<20736xi32, #tpu.memory_space<vmem>> -> memref<64xi32, #tpu.memory_space<vmem>>
      %dma_start3A_146 = arith.constant 0 : i32
      %dma_start3A_147 = arith.constant 0 : i32
      %dma_start3A_148 = tpu.memref_slice %arg12[%dma_start3A_146, %dma_start3A_147] : memref<5120x128xf32, #tpu.memory_space<vmem_shared>> -> memref<5120x128xf32, #tpu.memory_space<vmem_shared>>
      tpu.enqueue_indirect_dma source(%arg8 : memref<64x128xf32, #tpu.memory_space<vmem>>) target(%dma_start3A_148 : memref<5120x128xf32, #tpu.memory_space<vmem_shared>>) offsets(%dma_start3A_145 : memref<64xi32, #tpu.memory_space<vmem>>) semaphore(%arg17 : memref<!tpu.dma_semaphore, #tpu.memory_space<semaphore_mem>>) {add = true}
      %add3A_149 = arith.constant 1 : i32
      %add3A_150 = arith.addi %mul3A_132, %add3A_149 : i32
      %mul3A_151 = arith.constant 64 : i32
      %mul3A_152 = arith.muli %add3A_150, %mul3A_151 : i32
      %dma_wait3A_153 = tpu.memref_slice %arg6[%mul3A_152] : memref<20736xi32, #tpu.memory_space<vmem>> -> memref<64xi32, #tpu.memory_space<vmem>>
      %dma_wait3A_154 = arith.constant 0 : i32
      %dma_wait3A_155 = arith.constant 0 : i32
      %dma_wait3A_156 = tpu.memref_slice %arg2[%dma_wait3A_154, %dma_wait3A_155] : memref<10000x128xf32, #tpu.memory_space<hbm>> -> memref<10000x128xf32, #tpu.memory_space<hbm>>
      tpu.wait_indirect_dma semaphore(%arg14 : memref<!tpu.dma_semaphore, #tpu.memory_space<semaphore_mem>>) src(%dma_wait3A_156 : memref<10000x128xf32, #tpu.memory_space<hbm>>) dst(%arg9 : memref<64x128xf32, #tpu.memory_space<vmem>>)
      %add3A_157 = arith.constant 1 : i32
      %add3A_158 = arith.addi %mul3A_132, %add3A_157 : i32
      %mul3A_159 = arith.constant 64 : i32
      %mul3A_160 = arith.muli %add3A_158, %mul3A_159 : i32
      %dma_start3A_161 = tpu.memref_slice %arg7[%mul3A_160] : memref<20736xi32, #tpu.memory_space<vmem>> -> memref<64xi32, #tpu.memory_space<vmem>>
      %dma_start3A_162 = arith.constant 0 : i32
      %dma_start3A_163 = arith.constant 0 : i32
      %dma_start3A_164 = tpu.memref_slice %arg12[%dma_start3A_162, %dma_start3A_163] : memref<5120x128xf32, #tpu.memory_space<vmem_shared>> -> memref<5120x128xf32, #tpu.memory_space<vmem_shared>>
      tpu.enqueue_indirect_dma source(%arg9 : memref<64x128xf32, #tpu.memory_space<vmem>>) target(%dma_start3A_164 : memref<5120x128xf32, #tpu.memory_space<vmem_shared>>) offsets(%dma_start3A_161 : memref<64xi32, #tpu.memory_space<vmem>>) semaphore(%arg18 : memref<!tpu.dma_semaphore, #tpu.memory_space<semaphore_mem>>) {add = true}
      %add3A_165 = arith.constant 2 : i32
      %add3A_166 = arith.addi %mul3A_132, %add3A_165 : i32
      %mul3A_167 = arith.constant 64 : i32
      %mul3A_168 = arith.muli %add3A_166, %mul3A_167 : i32
      %dma_wait3A_169 = tpu.memref_slice %arg6[%mul3A_168] : memref<20736xi32, #tpu.memory_space<vmem>> -> memref<64xi32, #tpu.memory_space<vmem>>
      %dma_wait3A_170 = arith.constant 0 : i32
      %dma_wait3A_171 = arith.constant 0 : i32
      %dma_wait3A_172 = tpu.memref_slice %arg2[%dma_wait3A_170, %dma_wait3A_171] : memref<10000x128xf32, #tpu.memory_space<hbm>> -> memref<10000x128xf32, #tpu.memory_space<hbm>>
      tpu.wait_indirect_dma semaphore(%arg15 : memref<!tpu.dma_semaphore, #tpu.memory_space<semaphore_mem>>) src(%dma_wait3A_172 : memref<10000x128xf32, #tpu.memory_space<hbm>>) dst(%arg10 : memref<64x128xf32, #tpu.memory_space<vmem>>)
      %add3A_173 = arith.constant 2 : i32
      %add3A_174 = arith.addi %mul3A_132, %add3A_173 : i32
      %mul3A_175 = arith.constant 64 : i32
      %mul3A_176 = arith.muli %add3A_174, %mul3A_175 : i32
      %dma_start3A_177 = tpu.memref_slice %arg7[%mul3A_176] : memref<20736xi32, #tpu.memory_space<vmem>> -> memref<64xi32, #tpu.memory_space<vmem>>
      %dma_start3A_178 = arith.constant 0 : i32
      %dma_start3A_179 = arith.constant 0 : i32
      %dma_start3A_180 = tpu.memref_slice %arg12[%dma_start3A_178, %dma_start3A_179] : memref<5120x128xf32, #tpu.memory_space<vmem_shared>> -> memref<5120x128xf32, #tpu.memory_space<vmem_shared>>
      tpu.enqueue_indirect_dma source(%arg10 : memref<64x128xf32, #tpu.memory_space<vmem>>) target(%dma_start3A_180 : memref<5120x128xf32, #tpu.memory_space<vmem_shared>>) offsets(%dma_start3A_177 : memref<64xi32, #tpu.memory_space<vmem>>) semaphore(%arg19 : memref<!tpu.dma_semaphore, #tpu.memory_space<semaphore_mem>>) {add = true}
      %add3A_181 = arith.constant 3 : i32
      %add3A_182 = arith.addi %mul3A_132, %add3A_181 : i32
      %mul3A_183 = arith.constant 64 : i32
      %mul3A_184 = arith.muli %add3A_182, %mul3A_183 : i32
      %dma_wait3A_185 = tpu.memref_slice %arg6[%mul3A_184] : memref<20736xi32, #tpu.memory_space<vmem>> -> memref<64xi32, #tpu.memory_space<vmem>>
      %dma_wait3A_186 = arith.constant 0 : i32
      %dma_wait3A_187 = arith.constant 0 : i32
      %dma_wait3A_188 = tpu.memref_slice %arg2[%dma_wait3A_186, %dma_wait3A_187] : memref<10000x128xf32, #tpu.memory_space<hbm>> -> memref<10000x128xf32, #tpu.memory_space<hbm>>
      tpu.wait_indirect_dma semaphore(%arg16 : memref<!tpu.dma_semaphore, #tpu.memory_space<semaphore_mem>>) src(%dma_wait3A_188 : memref<10000x128xf32, #tpu.memory_space<hbm>>) dst(%arg11 : memref<64x128xf32, #tpu.memory_space<vmem>>)
      %add3A_189 = arith.constant 3 : i32
      %add3A_190 = arith.addi %mul3A_132, %add3A_189 : i32
      %mul3A_191 = arith.constant 64 : i32
      %mul3A_192 = arith.muli %add3A_190, %mul3A_191 : i32
      %dma_start3A_193 = tpu.memref_slice %arg7[%mul3A_192] : memref<20736xi32, #tpu.memory_space<vmem>> -> memref<64xi32, #tpu.memory_space<vmem>>
      %dma_start3A_194 = arith.constant 0 : i32
      %dma_start3A_195 = arith.constant 0 : i32
      %dma_start3A_196 = tpu.memref_slice %arg12[%dma_start3A_194, %dma_start3A_195] : memref<5120x128xf32, #tpu.memory_space<vmem_shared>> -> memref<5120x128xf32, #tpu.memory_space<vmem_shared>>
      tpu.enqueue_indirect_dma source(%arg11 : memref<64x128xf32, #tpu.memory_space<vmem>>) target(%dma_start3A_196 : memref<5120x128xf32, #tpu.memory_space<vmem_shared>>) offsets(%dma_start3A_193 : memref<64xi32, #tpu.memory_space<vmem>>) semaphore(%arg20 : memref<!tpu.dma_semaphore, #tpu.memory_space<semaphore_mem>>) {add = true}
      %add3A_197 = arith.constant 0 : i32
      %add3A_198 = arith.addi %mul3A_132, %add3A_197 : i32
      %mul3A_199 = arith.constant 64 : i32
      %mul3A_200 = arith.muli %add3A_198, %mul3A_199 : i32
      %dma_wait3A_201 = tpu.memref_slice %arg7[%mul3A_200] : memref<20736xi32, #tpu.memory_space<vmem>> -> memref<64xi32, #tpu.memory_space<vmem>>
      %dma_wait3A_202 = arith.constant 0 : i32
      %dma_wait3A_203 = arith.constant 0 : i32
      %dma_wait3A_204 = tpu.memref_slice %arg12[%dma_wait3A_202, %dma_wait3A_203] : memref<5120x128xf32, #tpu.memory_space<vmem_shared>> -> memref<5120x128xf32, #tpu.memory_space<vmem_shared>>
      tpu.wait_indirect_dma semaphore(%arg17 : memref<!tpu.dma_semaphore, #tpu.memory_space<semaphore_mem>>) src(%arg8 : memref<64x128xf32, #tpu.memory_space<vmem>>) dst(%dma_wait3A_204 : memref<5120x128xf32, #tpu.memory_space<vmem_shared>>)
      %add3A_205 = arith.constant 4 : i32
      %add3A_206 = arith.addi %mul3A_132, %add3A_205 : i32
      %add3A_207 = arith.constant 0 : i32
      %add3A_208 = arith.addi %add3A_206, %add3A_207 : i32
      %mul3A_209 = arith.constant 4 : i32
      %mul3A_210 = arith.muli %mul3A_209, %select_n3A_100 : i32
      %lt3A = arith.cmpi slt, %add3A_208, %mul3A_210 : i32
      %select_n3A_211 = arith.constant 0 : i32
      %select_n3A_212 = arith.select %lt3A, %add3A_208, %select_n3A_211 : i32
      %mul3A_213 = arith.constant 64 : i32
      %mul3A_214 = arith.muli %select_n3A_212, %mul3A_213 : i32
      %dma_start3A_215 = tpu.memref_slice %arg6[%mul3A_214] : memref<20736xi32, #tpu.memory_space<vmem>> -> memref<64xi32, #tpu.memory_space<vmem>>
      %dma_start3A_216 = arith.constant 0 : i32
      %dma_start3A_217 = arith.constant 0 : i32
      %dma_start3A_218 = tpu.memref_slice %arg2[%dma_start3A_216, %dma_start3A_217] : memref<10000x128xf32, #tpu.memory_space<hbm>> -> memref<10000x128xf32, #tpu.memory_space<hbm>>
      tpu.enqueue_indirect_dma source(%dma_start3A_218 : memref<10000x128xf32, #tpu.memory_space<hbm>>) target(%arg8 : memref<64x128xf32, #tpu.memory_space<vmem>>) offsets(%dma_start3A_215 : memref<64xi32, #tpu.memory_space<vmem>>) semaphore(%arg13 : memref<!tpu.dma_semaphore, #tpu.memory_space<semaphore_mem>>)
      %add3A_219 = arith.constant 1 : i32
      %add3A_220 = arith.addi %mul3A_132, %add3A_219 : i32
      %mul3A_221 = arith.constant 64 : i32
      %mul3A_222 = arith.muli %add3A_220, %mul3A_221 : i32
      %dma_wait3A_223 = tpu.memref_slice %arg7[%mul3A_222] : memref<20736xi32, #tpu.memory_space<vmem>> -> memref<64xi32, #tpu.memory_space<vmem>>
      %dma_wait3A_224 = arith.constant 0 : i32
      %dma_wait3A_225 = arith.constant 0 : i32
      %dma_wait3A_226 = tpu.memref_slice %arg12[%dma_wait3A_224, %dma_wait3A_225] : memref<5120x128xf32, #tpu.memory_space<vmem_shared>> -> memref<5120x128xf32, #tpu.memory_space<vmem_shared>>
      tpu.wait_indirect_dma semaphore(%arg18 : memref<!tpu.dma_semaphore, #tpu.memory_space<semaphore_mem>>) src(%arg9 : memref<64x128xf32, #tpu.memory_space<vmem>>) dst(%dma_wait3A_226 : memref<5120x128xf32, #tpu.memory_space<vmem_shared>>)
      %add3A_227 = arith.constant 4 : i32
      %add3A_228 = arith.addi %mul3A_132, %add3A_227 : i32
      %add3A_229 = arith.constant 1 : i32
      %add3A_230 = arith.addi %add3A_228, %add3A_229 : i32
      %mul3A_231 = arith.constant 4 : i32
      %mul3A_232 = arith.muli %mul3A_231, %select_n3A_100 : i32
      %lt3A_233 = arith.cmpi slt, %add3A_230, %mul3A_232 : i32
      %select_n3A_234 = arith.constant 0 : i32
      %select_n3A_235 = arith.select %lt3A_233, %add3A_230, %select_n3A_234 : i32
      %mul3A_236 = arith.constant 64 : i32
      %mul3A_237 = arith.muli %select_n3A_235, %mul3A_236 : i32
      %dma_start3A_238 = tpu.memref_slice %arg6[%mul3A_237] : memref<20736xi32, #tpu.memory_space<vmem>> -> memref<64xi32, #tpu.memory_space<vmem>>
      %dma_start3A_239 = arith.constant 0 : i32
      %dma_start3A_240 = arith.constant 0 : i32
      %dma_start3A_241 = tpu.memref_slice %arg2[%dma_start3A_239, %dma_start3A_240] : memref<10000x128xf32, #tpu.memory_space<hbm>> -> memref<10000x128xf32, #tpu.memory_space<hbm>>
      tpu.enqueue_indirect_dma source(%dma_start3A_241 : memref<10000x128xf32, #tpu.memory_space<hbm>>) target(%arg9 : memref<64x128xf32, #tpu.memory_space<vmem>>) offsets(%dma_start3A_238 : memref<64xi32, #tpu.memory_space<vmem>>) semaphore(%arg14 : memref<!tpu.dma_semaphore, #tpu.memory_space<semaphore_mem>>)
      %add3A_242 = arith.constant 2 : i32
      %add3A_243 = arith.addi %mul3A_132, %add3A_242 : i32
      %mul3A_244 = arith.constant 64 : i32
      %mul3A_245 = arith.muli %add3A_243, %mul3A_244 : i32
      %dma_wait3A_246 = tpu.memref_slice %arg7[%mul3A_245] : memref<20736xi32, #tpu.memory_space<vmem>> -> memref<64xi32, #tpu.memory_space<vmem>>
      %dma_wait3A_247 = arith.constant 0 : i32
      %dma_wait3A_248 = arith.constant 0 : i32
      %dma_wait3A_249 = tpu.memref_slice %arg12[%dma_wait3A_247, %dma_wait3A_248] : memref<5120x128xf32, #tpu.memory_space<vmem_shared>> -> memref<5120x128xf32, #tpu.memory_space<vmem_shared>>
      tpu.wait_indirect_dma semaphore(%arg19 : memref<!tpu.dma_semaphore, #tpu.memory_space<semaphore_mem>>) src(%arg10 : memref<64x128xf32, #tpu.memory_space<vmem>>) dst(%dma_wait3A_249 : memref<5120x128xf32, #tpu.memory_space<vmem_shared>>)
      %add3A_250 = arith.constant 4 : i32
      %add3A_251 = arith.addi %mul3A_132, %add3A_250 : i32
      %add3A_252 = arith.constant 2 : i32
      %add3A_253 = arith.addi %add3A_251, %add3A_252 : i32
      %mul3A_254 = arith.constant 4 : i32
      %mul3A_255 = arith.muli %mul3A_254, %select_n3A_100 : i32
      %lt3A_256 = arith.cmpi slt, %add3A_253, %mul3A_255 : i32
      %select_n3A_257 = arith.constant 0 : i32
      %select_n3A_258 = arith.select %lt3A_256, %add3A_253, %select_n3A_257 : i32
      %mul3A_259 = arith.constant 64 : i32
      %mul3A_260 = arith.muli %select_n3A_258, %mul3A_259 : i32
      %dma_start3A_261 = tpu.memref_slice %arg6[%mul3A_260] : memref<20736xi32, #tpu.memory_space<vmem>> -> memref<64xi32, #tpu.memory_space<vmem>>
      %dma_start3A_262 = arith.constant 0 : i32
      %dma_start3A_263 = arith.constant 0 : i32
      %dma_start3A_264 = tpu.memref_slice %arg2[%dma_start3A_262, %dma_start3A_263] : memref<10000x128xf32, #tpu.memory_space<hbm>> -> memref<10000x128xf32, #tpu.memory_space<hbm>>
      tpu.enqueue_indirect_dma source(%dma_start3A_264 : memref<10000x128xf32, #tpu.memory_space<hbm>>) target(%arg10 : memref<64x128xf32, #tpu.memory_space<vmem>>) offsets(%dma_start3A_261 : memref<64xi32, #tpu.memory_space<vmem>>) semaphore(%arg15 : memref<!tpu.dma_semaphore, #tpu.memory_space<semaphore_mem>>)
      %add3A_265 = arith.constant 3 : i32
      %add3A_266 = arith.addi %mul3A_132, %add3A_265 : i32
      %mul3A_267 = arith.constant 64 : i32
      %mul3A_268 = arith.muli %add3A_266, %mul3A_267 : i32
      %dma_wait3A_269 = tpu.memref_slice %arg7[%mul3A_268] : memref<20736xi32, #tpu.memory_space<vmem>> -> memref<64xi32, #tpu.memory_space<vmem>>
      %dma_wait3A_270 = arith.constant 0 : i32
      %dma_wait3A_271 = arith.constant 0 : i32
      %dma_wait3A_272 = tpu.memref_slice %arg12[%dma_wait3A_270, %dma_wait3A_271] : memref<5120x128xf32, #tpu.memory_space<vmem_shared>> -> memref<5120x128xf32, #tpu.memory_space<vmem_shared>>
      tpu.wait_indirect_dma semaphore(%arg20 : memref<!tpu.dma_semaphore, #tpu.memory_space<semaphore_mem>>) src(%arg11 : memref<64x128xf32, #tpu.memory_space<vmem>>) dst(%dma_wait3A_272 : memref<5120x128xf32, #tpu.memory_space<vmem_shared>>)
      %add3A_273 = arith.constant 4 : i32
      %add3A_274 = arith.addi %mul3A_132, %add3A_273 : i32
      %add3A_275 = arith.constant 3 : i32
      %add3A_276 = arith.addi %add3A_274, %add3A_275 : i32
      %mul3A_277 = arith.constant 4 : i32
      %mul3A_278 = arith.muli %mul3A_277, %select_n3A_100 : i32
      %lt3A_279 = arith.cmpi slt, %add3A_276, %mul3A_278 : i32
      %select_n3A_280 = arith.constant 0 : i32
      %select_n3A_281 = arith.select %lt3A_279, %add3A_276, %select_n3A_280 : i32
      %mul3A_282 = arith.constant 64 : i32
      %mul3A_283 = arith.muli %select_n3A_281, %mul3A_282 : i32
      %dma_start3A_284 = tpu.memref_slice %arg6[%mul3A_283] : memref<20736xi32, #tpu.memory_space<vmem>> -> memref<64xi32, #tpu.memory_space<vmem>>
      %dma_start3A_285 = arith.constant 0 : i32
      %dma_start3A_286 = arith.constant 0 : i32
      %dma_start3A_287 = tpu.memref_slice %arg2[%dma_start3A_285, %dma_start3A_286] : memref<10000x128xf32, #tpu.memory_space<hbm>> -> memref<10000x128xf32, #tpu.memory_space<hbm>>
      tpu.enqueue_indirect_dma source(%dma_start3A_287 : memref<10000x128xf32, #tpu.memory_space<hbm>>) target(%arg11 : memref<64x128xf32, #tpu.memory_space<vmem>>) offsets(%dma_start3A_284 : memref<64xi32, #tpu.memory_space<vmem>>) semaphore(%arg16 : memref<!tpu.dma_semaphore, #tpu.memory_space<semaphore_mem>>)
    }
    %while3A_109 = arith.constant 1 : i32
    scf.for %while3A_130 = %while3A_107 to %while3A_103 step %while3A_109  : i32 {
      %mul3A_131 = arith.constant 4 : i32
      %mul3A_132 = arith.muli %mul3A_131, %while3A_130 : i32
      %add3A_133 = arith.constant 0 : i32
      %add3A_134 = arith.addi %mul3A_132, %add3A_133 : i32
      %mul3A_135 = arith.constant 64 : i32
      %mul3A_136 = arith.muli %add3A_134, %mul3A_135 : i32
      %dma_wait3A_137 = tpu.memref_slice %arg6[%mul3A_136] : memref<20736xi32, #tpu.memory_space<vmem>> -> memref<64xi32, #tpu.memory_space<vmem>>
      %dma_wait3A_138 = arith.constant 0 : i32
      %dma_wait3A_139 = arith.constant 0 : i32
      %dma_wait3A_140 = tpu.memref_slice %arg2[%dma_wait3A_138, %dma_wait3A_139] : memref<10000x128xf32, #tpu.memory_space<hbm>> -> memref<10000x128xf32, #tpu.memory_space<hbm>>
      tpu.wait_indirect_dma semaphore(%arg13 : memref<!tpu.dma_semaphore, #tpu.memory_space<semaphore_mem>>) src(%dma_wait3A_140 : memref<10000x128xf32, #tpu.memory_space<hbm>>) dst(%arg8 : memref<64x128xf32, #tpu.memory_space<vmem>>)
      %add3A_141 = arith.constant 0 : i32
      %add3A_142 = arith.addi %mul3A_132, %add3A_141 : i32
      %mul3A_143 = arith.constant 64 : i32
      %mul3A_144 = arith.muli %add3A_142, %mul3A_143 : i32
      %dma_start3A_145 = tpu.memref_slice %arg7[%mul3A_144] : memref<20736xi32, #tpu.memory_space<vmem>> -> memref<64xi32, #tpu.memory_space<vmem>>
      %dma_start3A_146 = arith.constant 0 : i32
      %dma_start3A_147 = arith.constant 0 : i32
      %dma_start3A_148 = tpu.memref_slice %arg12[%dma_start3A_146, %dma_start3A_147] : memref<5120x128xf32, #tpu.memory_space<vmem_shared>> -> memref<5120x128xf32, #tpu.memory_space<vmem_shared>>
      tpu.enqueue_indirect_dma source(%arg8 : memref<64x128xf32, #tpu.memory_space<vmem>>) target(%dma_start3A_148 : memref<5120x128xf32, #tpu.memory_space<vmem_shared>>) offsets(%dma_start3A_145 : memref<64xi32, #tpu.memory_space<vmem>>) semaphore(%arg17 : memref<!tpu.dma_semaphore, #tpu.memory_space<semaphore_mem>>) {add = true}
      %add3A_149 = arith.constant 1 : i32
      %add3A_150 = arith.addi %mul3A_132, %add3A_149 : i32
      %mul3A_151 = arith.constant 64 : i32
      %mul3A_152 = arith.muli %add3A_150, %mul3A_151 : i32
      %dma_wait3A_153 = tpu.memref_slice %arg6[%mul3A_152] : memref<20736xi32, #tpu.memory_space<vmem>> -> memref<64xi32, #tpu.memory_space<vmem>>
      %dma_wait3A_154 = arith.constant 0 : i32
      %dma_wait3A_155 = arith.constant 0 : i32
      %dma_wait3A_156 = tpu.memref_slice %arg2[%dma_wait3A_154, %dma_wait3A_155] : memref<10000x128xf32, #tpu.memory_space<hbm>> -> memref<10000x128xf32, #tpu.memory_space<hbm>>
      tpu.wait_indirect_dma semaphore(%arg14 : memref<!tpu.dma_semaphore, #tpu.memory_space<semaphore_mem>>) src(%dma_wait3A_156 : memref<10000x128xf32, #tpu.memory_space<hbm>>) dst(%arg9 : memref<64x128xf32, #tpu.memory_space<vmem>>)
      %add3A_157 = arith.constant 1 : i32
      %add3A_158 = arith.addi %mul3A_132, %add3A_157 : i32
      %mul3A_159 = arith.constant 64 : i32
      %mul3A_160 = arith.muli %add3A_158, %mul3A_159 : i32
      %dma_start3A_161 = tpu.memref_slice %arg7[%mul3A_160] : memref<20736xi32, #tpu.memory_space<vmem>> -> memref<64xi32, #tpu.memory_space<vmem>>
      %dma_start3A_162 = arith.constant 0 : i32
      %dma_start3A_163 = arith.constant 0 : i32
      %dma_start3A_164 = tpu.memref_slice %arg12[%dma_start3A_162, %dma_start3A_163] : memref<5120x128xf32, #tpu.memory_space<vmem_shared>> -> memref<5120x128xf32, #tpu.memory_space<vmem_shared>>
      tpu.enqueue_indirect_dma source(%arg9 : memref<64x128xf32, #tpu.memory_space<vmem>>) target(%dma_start3A_164 : memref<5120x128xf32, #tpu.memory_space<vmem_shared>>) offsets(%dma_start3A_161 : memref<64xi32, #tpu.memory_space<vmem>>) semaphore(%arg18 : memref<!tpu.dma_semaphore, #tpu.memory_space<semaphore_mem>>) {add = true}
      %add3A_165 = arith.constant 2 : i32
      %add3A_166 = arith.addi %mul3A_132, %add3A_165 : i32
      %mul3A_167 = arith.constant 64 : i32
      %mul3A_168 = arith.muli %add3A_166, %mul3A_167 : i32
      %dma_wait3A_169 = tpu.memref_slice %arg6[%mul3A_168] : memref<20736xi32, #tpu.memory_space<vmem>> -> memref<64xi32, #tpu.memory_space<vmem>>
      %dma_wait3A_170 = arith.constant 0 : i32
      %dma_wait3A_171 = arith.constant 0 : i32
      %dma_wait3A_172 = tpu.memref_slice %arg2[%dma_wait3A_170, %dma_wait3A_171] : memref<10000x128xf32, #tpu.memory_space<hbm>> -> memref<10000x128xf32, #tpu.memory_space<hbm>>
      tpu.wait_indirect_dma semaphore(%arg15 : memref<!tpu.dma_semaphore, #tpu.memory_space<semaphore_mem>>) src(%dma_wait3A_172 : memref<10000x128xf32, #tpu.memory_space<hbm>>) dst(%arg10 : memref<64x128xf32, #tpu.memory_space<vmem>>)
      %add3A_173 = arith.constant 2 : i32
      %add3A_174 = arith.addi %mul3A_132, %add3A_173 : i32
      %mul3A_175 = arith.constant 64 : i32
      %mul3A_176 = arith.muli %add3A_174, %mul3A_175 : i32
      %dma_start3A_177 = tpu.memref_slice %arg7[%mul3A_176] : memref<20736xi32, #tpu.memory_space<vmem>> -> memref<64xi32, #tpu.memory_space<vmem>>
      %dma_start3A_178 = arith.constant 0 : i32
      %dma_start3A_179 = arith.constant 0 : i32
      %dma_start3A_180 = tpu.memref_slice %arg12[%dma_start3A_178, %dma_start3A_179] : memref<5120x128xf32, #tpu.memory_space<vmem_shared>> -> memref<5120x128xf32, #tpu.memory_space<vmem_shared>>
      tpu.enqueue_indirect_dma source(%arg10 : memref<64x128xf32, #tpu.memory_space<vmem>>) target(%dma_start3A_180 : memref<5120x128xf32, #tpu.memory_space<vmem_shared>>) offsets(%dma_start3A_177 : memref<64xi32, #tpu.memory_space<vmem>>) semaphore(%arg19 : memref<!tpu.dma_semaphore, #tpu.memory_space<semaphore_mem>>) {add = true}
      %add3A_181 = arith.constant 3 : i32
      %add3A_182 = arith.addi %mul3A_132, %add3A_181 : i32
      %mul3A_183 = arith.constant 64 : i32
      %mul3A_184 = arith.muli %add3A_182, %mul3A_183 : i32
      %dma_wait3A_185 = tpu.memref_slice %arg6[%mul3A_184] : memref<20736xi32, #tpu.memory_space<vmem>> -> memref<64xi32, #tpu.memory_space<vmem>>
      %dma_wait3A_186 = arith.constant 0 : i32
      %dma_wait3A_187 = arith.constant 0 : i32
      %dma_wait3A_188 = tpu.memref_slice %arg2[%dma_wait3A_186, %dma_wait3A_187] : memref<10000x128xf32, #tpu.memory_space<hbm>> -> memref<10000x128xf32, #tpu.memory_space<hbm>>
      tpu.wait_indirect_dma semaphore(%arg16 : memref<!tpu.dma_semaphore, #tpu.memory_space<semaphore_mem>>) src(%dma_wait3A_188 : memref<10000x128xf32, #tpu.memory_space<hbm>>) dst(%arg11 : memref<64x128xf32, #tpu.memory_space<vmem>>)
      %add3A_189 = arith.constant 3 : i32
      %add3A_190 = arith.addi %mul3A_132, %add3A_189 : i32
      %mul3A_191 = arith.constant 64 : i32
      %mul3A_192 = arith.muli %add3A_190, %mul3A_191 : i32
      %dma_start3A_193 = tpu.memref_slice %arg7[%mul3A_192] : memref<20736xi32, #tpu.memory_space<vmem>> -> memref<64xi32, #tpu.memory_space<vmem>>
      %dma_start3A_194 = arith.constant 0 : i32
      %dma_start3A_195 = arith.constant 0 : i32
      %dma_start3A_196 = tpu.memref_slice %arg12[%dma_start3A_194, %dma_start3A_195] : memref<5120x128xf32, #tpu.memory_space<vmem_shared>> -> memref<5120x128xf32, #tpu.memory_space<vmem_shared>>
      tpu.enqueue_indirect_dma source(%arg11 : memref<64x128xf32, #tpu.memory_space<vmem>>) target(%dma_start3A_196 : memref<5120x128xf32, #tpu.memory_space<vmem_shared>>) offsets(%dma_start3A_193 : memref<64xi32, #tpu.memory_space<vmem>>) semaphore(%arg20 : memref<!tpu.dma_semaphore, #tpu.memory_space<semaphore_mem>>) {add = true}
      %add3A_197 = arith.constant 0 : i32
      %add3A_198 = arith.addi %mul3A_132, %add3A_197 : i32
      %mul3A_199 = arith.constant 64 : i32
      %mul3A_200 = arith.muli %add3A_198, %mul3A_199 : i32
      %dma_wait3A_201 = tpu.memref_slice %arg7[%mul3A_200] : memref<20736xi32, #tpu.memory_space<vmem>> -> memref<64xi32, #tpu.memory_space<vmem>>
      %dma_wait3A_202 = arith.constant 0 : i32
      %dma_wait3A_203 = arith.constant 0 : i32
      %dma_wait3A_204 = tpu.memref_slice %arg12[%dma_wait3A_202, %dma_wait3A_203] : memref<5120x128xf32, #tpu.memory_space<vmem_shared>> -> memref<5120x128xf32, #tpu.memory_space<vmem_shared>>
      tpu.wait_indirect_dma semaphore(%arg17 : memref<!tpu.dma_semaphore, #tpu.memory_space<semaphore_mem>>) src(%arg8 : memref<64x128xf32, #tpu.memory_space<vmem>>) dst(%dma_wait3A_204 : memref<5120x128xf32, #tpu.memory_space<vmem_shared>>)
      %add3A_205 = arith.constant 4 : i32
      %add3A_206 = arith.addi %mul3A_132, %add3A_205 : i32
      %add3A_207 = arith.constant 0 : i32
      %add3A_208 = arith.addi %add3A_206, %add3A_207 : i32
      %mul3A_209 = arith.constant 4 : i32
      %mul3A_210 = arith.muli %mul3A_209, %select_n3A_100 : i32
      %lt3A = arith.cmpi slt, %add3A_208, %mul3A_210 : i32
      %select_n3A_211 = arith.constant 0 : i32
      %select_n3A_212 = arith.select %lt3A, %add3A_208, %select_n3A_211 : i32
      %mul3A_213 = arith.constant 64 : i32
      %mul3A_214 = arith.muli %select_n3A_212, %mul3A_213 : i32
      %dma_start3A_215 = tpu.memref_slice %arg6[%mul3A_214] : memref<20736xi32, #tpu.memory_space<vmem>> -> memref<64xi32, #tpu.memory_space<vmem>>
      %dma_start3A_216 = arith.constant 0 : i32
      %dma_start3A_217 = arith.constant 0 : i32
      %dma_start3A_218 = tpu.memref_slice %arg2[%dma_start3A_216, %dma_start3A_217] : memref<10000x128xf32, #tpu.memory_space<hbm>> -> memref<10000x128xf32, #tpu.memory_space<hbm>>
      tpu.enqueue_indirect_dma source(%dma_start3A_218 : memref<10000x128xf32, #tpu.memory_space<hbm>>) target(%arg8 : memref<64x128xf32, #tpu.memory_space<vmem>>) offsets(%dma_start3A_215 : memref<64xi32, #tpu.memory_space<vmem>>) semaphore(%arg13 : memref<!tpu.dma_semaphore, #tpu.memory_space<semaphore_mem>>)
      %add3A_219 = arith.constant 1 : i32
      %add3A_220 = arith.addi %mul3A_132, %add3A_219 : i32
      %mul3A_221 = arith.constant 64 : i32
      %mul3A_222 = arith.muli %add3A_220, %mul3A_221 : i32
      %dma_wait3A_223 = tpu.memref_slice %arg7[%mul3A_222] : memref<20736xi32, #tpu.memory_space<vmem>> -> memref<64xi32, #tpu.memory_space<vmem>>
      %dma_wait3A_224 = arith.constant 0 : i32
      %dma_wait3A_225 = arith.constant 0 : i32
      %dma_wait3A_226 = tpu.memref_slice %arg12[%dma_wait3A_224, %dma_wait3A_225] : memref<5120x128xf32, #tpu.memory_space<vmem_shared>> -> memref<5120x128xf32, #tpu.memory_space<vmem_shared>>
      tpu.wait_indirect_dma semaphore(%arg18 : memref<!tpu.dma_semaphore, #tpu.memory_space<semaphore_mem>>) src(%arg9 : memref<64x128xf32, #tpu.memory_space<vmem>>) dst(%dma_wait3A_226 : memref<5120x128xf32, #tpu.memory_space<vmem_shared>>)
      %add3A_227 = arith.constant 4 : i32
      %add3A_228 = arith.addi %mul3A_132, %add3A_227 : i32
      %add3A_229 = arith.constant 1 : i32
      %add3A_230 = arith.addi %add3A_228, %add3A_229 : i32
      %mul3A_231 = arith.constant 4 : i32
      %mul3A_232 = arith.muli %mul3A_231, %select_n3A_100 : i32
      %lt3A_233 = arith.cmpi slt, %add3A_230, %mul3A_232 : i32
      %select_n3A_234 = arith.constant 0 : i32
      %select_n3A_235 = arith.select %lt3A_233, %add3A_230, %select_n3A_234 : i32
      %mul3A_236 = arith.constant 64 : i32
      %mul3A_237 = arith.muli %select_n3A_235, %mul3A_236 : i32
      %dma_start3A_238 = tpu.memref_slice %arg6[%mul3A_237] : memref<20736xi32, #tpu.memory_space<vmem>> -> memref<64xi32, #tpu.memory_space<vmem>>
      %dma_start3A_239 = arith.constant 0 : i32
      %dma_start3A_240 = arith.constant 0 : i32
      %dma_start3A_241 = tpu.memref_slice %arg2[%dma_start3A_239, %dma_start3A_240] : memref<10000x128xf32, #tpu.memory_space<hbm>> -> memref<10000x128xf32, #tpu.memory_space<hbm>>
      tpu.enqueue_indirect_dma source(%dma_start3A_241 : memref<10000x128xf32, #tpu.memory_space<hbm>>) target(%arg9 : memref<64x128xf32, #tpu.memory_space<vmem>>) offsets(%dma_start3A_238 : memref<64xi32, #tpu.memory_space<vmem>>) semaphore(%arg14 : memref<!tpu.dma_semaphore, #tpu.memory_space<semaphore_mem>>)
      %add3A_242 = arith.constant 2 : i32
      %add3A_243 = arith.addi %mul3A_132, %add3A_242 : i32
      %mul3A_244 = arith.constant 64 : i32
      %mul3A_245 = arith.muli %add3A_243, %mul3A_244 : i32
      %dma_wait3A_246 = tpu.memref_slice %arg7[%mul3A_245] : memref<20736xi32, #tpu.memory_space<vmem>> -> memref<64xi32, #tpu.memory_space<vmem>>
      %dma_wait3A_247 = arith.constant 0 : i32
      %dma_wait3A_248 = arith.constant 0 : i32
      %dma_wait3A_249 = tpu.memref_slice %arg12[%dma_wait3A_247, %dma_wait3A_248] : memref<5120x128xf32, #tpu.memory_space<vmem_shared>> -> memref<5120x128xf32, #tpu.memory_space<vmem_shared>>
      tpu.wait_indirect_dma semaphore(%arg19 : memref<!tpu.dma_semaphore, #tpu.memory_space<semaphore_mem>>) src(%arg10 : memref<64x128xf32, #tpu.memory_space<vmem>>) dst(%dma_wait3A_249 : memref<5120x128xf32, #tpu.memory_space<vmem_shared>>)
      %add3A_250 = arith.constant 4 : i32
      %add3A_251 = arith.addi %mul3A_132, %add3A_250 : i32
      %add3A_252 = arith.constant 2 : i32
      %add3A_253 = arith.addi %add3A_251, %add3A_252 : i32
      %mul3A_254 = arith.constant 4 : i32
      %mul3A_255 = arith.muli %mul3A_254, %select_n3A_100 : i32
      %lt3A_256 = arith.cmpi slt, %add3A_253, %mul3A_255 : i32
      %select_n3A_257 = arith.constant 0 : i32
      %select_n3A_258 = arith.select %lt3A_256, %add3A_253, %select_n3A_257 : i32
      %mul3A_259 = arith.constant 64 : i32
      %mul3A_260 = arith.muli %select_n3A_258, %mul3A_259 : i32
      %dma_start3A_261 = tpu.memref_slice %arg6[%mul3A_260] : memref<20736xi32, #tpu.memory_space<vmem>> -> memref<64xi32, #tpu.memory_space<vmem>>
      %dma_start3A_262 = arith.constant 0 : i32
      %dma_start3A_263 = arith.constant 0 : i32
      %dma_start3A_264 = tpu.memref_slice %arg2[%dma_start3A_262, %dma_start3A_263] : memref<10000x128xf32, #tpu.memory_space<hbm>> -> memref<10000x128xf32, #tpu.memory_space<hbm>>
      tpu.enqueue_indirect_dma source(%dma_start3A_264 : memref<10000x128xf32, #tpu.memory_space<hbm>>) target(%arg10 : memref<64x128xf32, #tpu.memory_space<vmem>>) offsets(%dma_start3A_261 : memref<64xi32, #tpu.memory_space<vmem>>) semaphore(%arg15 : memref<!tpu.dma_semaphore, #tpu.memory_space<semaphore_mem>>)
      %add3A_265 = arith.constant 3 : i32
      %add3A_266 = arith.addi %mul3A_132, %add3A_265 : i32
      %mul3A_267 = arith.constant 64 : i32
      %mul3A_268 = arith.muli %add3A_266, %mul3A_267 : i32
      %dma_wait3A_269 = tpu.memref_slice %arg7[%mul3A_268] : memref<20736xi32, #tpu.memory_space<vmem>> -> memref<64xi32, #tpu.memory_space<vmem>>
      %dma_wait3A_270 = arith.constant 0 : i32
      %dma_wait3A_271 = arith.constant 0 : i32
      %dma_wait3A_272 = tpu.memref_slice %arg12[%dma_wait3A_270, %dma_wait3A_271] : memref<5120x128xf32, #tpu.memory_space<vmem_shared>> -> memref<5120x128xf32, #tpu.memory_space<vmem_shared>>
      tpu.wait_indirect_dma semaphore(%arg20 : memref<!tpu.dma_semaphore, #tpu.memory_space<semaphore_mem>>) src(%arg11 : memref<64x128xf32, #tpu.memory_space<vmem>>) dst(%dma_wait3A_272 : memref<5120x128xf32, #tpu.memory_space<vmem_shared>>)
      %add3A_273 = arith.constant 4 : i32
      %add3A_274 = arith.addi %mul3A_132, %add3A_273 : i32
      %add3A_275 = arith.constant 3 : i32
      %add3A_276 = arith.addi %add3A_274, %add3A_275 : i32
      %mul3A_277 = arith.constant 4 : i32
      %mul3A_278 = arith.muli %mul3A_277, %select_n3A_100 : i32
      %lt3A_279 = arith.cmpi slt, %add3A_276, %mul3A_278 : i32
      %select_n3A_280 = arith.constant 0 : i32
      %select_n3A_281 = arith.select %lt3A_279, %add3A_276, %select_n3A_280 : i32
      %mul3A_282 = arith.constant 64 : i32
      %mul3A_283 = arith.muli %select_n3A_281, %mul3A_282 : i32
      %dma_start3A_284 = tpu.memref_slice %arg6[%mul3A_283] : memref<20736xi32, #tpu.memory_space<vmem>> -> memref<64xi32, #tpu.memory_space<vmem>>
      %dma_start3A_285 = arith.constant 0 : i32
      %dma_start3A_286 = arith.constant 0 : i32
      %dma_start3A_287 = tpu.memref_slice %arg2[%dma_start3A_285, %dma_start3A_286] : memref<10000x128xf32, #tpu.memory_space<hbm>> -> memref<10000x128xf32, #tpu.memory_space<hbm>>
      tpu.enqueue_indirect_dma source(%dma_start3A_287 : memref<10000x128xf32, #tpu.memory_space<hbm>>) target(%arg11 : memref<64x128xf32, #tpu.memory_space<vmem>>) offsets(%dma_start3A_284 : memref<64xi32, #tpu.memory_space<vmem>>) semaphore(%arg16 : memref<!tpu.dma_semaphore, #tpu.memory_space<semaphore_mem>>)
    }
    %dma_wait3A = arith.constant 0 : i32
    %dma_wait3A_110 = tpu.memref_slice %arg6[%dma_wait3A] : memref<20736xi32, #tpu.memory_space<vmem>> -> memref<64xi32, #tpu.memory_space<vmem>>
    %dma_wait3A_111 = arith.constant 0 : i32
    %dma_wait3A_112 = arith.constant 0 : i32
    %dma_wait3A_113 = tpu.memref_slice %arg2[%dma_wait3A_111, %dma_wait3A_112] : memref<10000x128xf32, #tpu.memory_space<hbm>> -> memref<10000x128xf32, #tpu.memory_space<hbm>>
    tpu.wait_indirect_dma semaphore(%arg13 : memref<!tpu.dma_semaphore, #tpu.memory_space<semaphore_mem>>) src(%dma_wait3A_113 : memref<10000x128xf32, #tpu.memory_space<hbm>>) dst(%arg8 : memref<64x128xf32, #tpu.memory_space<vmem>>)
    %dma_wait3A_114 = arith.constant 0 : i32
    %dma_wait3A_115 = tpu.memref_slice %arg6[%dma_wait3A_114] : memref<20736xi32, #tpu.memory_space<vmem>> -> memref<64xi32, #tpu.memory_space<vmem>>
    %dma_wait3A_116 = arith.constant 0 : i32
    %dma_wait3A_117 = arith.constant 0 : i32
    %dma_wait3A_118 = tpu.memref_slice %arg2[%dma_wait3A_116, %dma_wait3A_117] : memref<10000x128xf32, #tpu.memory_space<hbm>> -> memref<10000x128xf32, #tpu.memory_space<hbm>>
    tpu.wait_indirect_dma semaphore(%arg14 : memref<!tpu.dma_semaphore, #tpu.memory_space<semaphore_mem>>) src(%dma_wait3A_118 : memref<10000x128xf32, #tpu.memory_space<hbm>>) dst(%arg9 : memref<64x128xf32, #tpu.memory_space<vmem>>)
    %dma_wait3A_119 = arith.constant 0 : i32
    %dma_wait3A_120 = tpu.memref_slice %arg6[%dma_wait3A_119] : memref<20736xi32, #tpu.memory_space<vmem>> -> memref<64xi32, #tpu.memory_space<vmem>>
    %dma_wait3A_121 = arith.constant 0 : i32
    %dma_wait3A_122 = arith.constant 0 : i32
    %dma_wait3A_123 = tpu.memref_slice %arg2[%dma_wait3A_121, %dma_wait3A_122] : memref<10000x128xf32, #tpu.memory_space<hbm>> -> memref<10000x128xf32, #tpu.memory_space<hbm>>
    tpu.wait_indirect_dma semaphore(%arg15 : memref<!tpu.dma_semaphore, #tpu.memory_space<semaphore_mem>>) src(%dma_wait3A_123 : memref<10000x128xf32, #tpu.memory_space<hbm>>) dst(%arg10 : memref<64x128xf32, #tpu.memory_space<vmem>>)
    %dma_wait3A_124 = arith.constant 0 : i32
    %dma_wait3A_125 = tpu.memref_slice %arg6[%dma_wait3A_124] : memref<20736xi32, #tpu.memory_space<vmem>> -> memref<64xi32, #tpu.memory_space<vmem>>
    %dma_wait3A_126 = arith.constant 0 : i32
    %dma_wait3A_127 = arith.constant 0 : i32
    %dma_wait3A_128 = tpu.memref_slice %arg2[%dma_wait3A_126, %dma_wait3A_127] : memref<10000x128xf32, #tpu.memory_space<hbm>> -> memref<10000x128xf32, #tpu.memory_space<hbm>>
    tpu.wait_indirect_dma semaphore(%arg16 : memref<!tpu.dma_semaphore, #tpu.memory_space<semaphore_mem>>) src(%dma_wait3A_128 : memref<10000x128xf32, #tpu.memory_space<hbm>>) dst(%arg11 : memref<64x128xf32, #tpu.memory_space<vmem>>)
    %barrier3A_129 = arith.constant 0 : index
    tpu.barrier barrier_id(%barrier3A_129)
    "tpu.region"() ({
      %run_scoped3A = tpu.sem_alloc : memref<!tpu.dma_semaphore, #tpu.memory_space<semaphore_mem>>
      %dma_start3A_130 = arith.constant 0 : i32
      %dma_start3A_131 = tpu.memref_slice %arg5[%arg0, %mul3A_43, %dma_start3A_130] : memref<2x5120x128xf32, #tpu.memory_space<hbm>> -> memref<1x320x128xf32, #tpu.memory_space<hbm>>
      %dma_start3A_132 = tpu.memref_squeeze %dma_start3A_131 : memref<1x320x128xf32, #tpu.memory_space<hbm>> -> memref<320x128xf32, #tpu.memory_space<hbm>>
      %dma_start3A_133 = arith.constant 0 : i32
      %dma_start3A_134 = tpu.memref_slice %arg12[%mul3A_43, %dma_start3A_133] : memref<5120x128xf32, #tpu.memory_space<vmem_shared>> -> memref<320x128xf32, #tpu.memory_space<vmem_shared>>
      tpu.enqueue_dma source(%dma_start3A_134 : memref<320x128xf32, #tpu.memory_space<vmem_shared>>) target(%dma_start3A_132 : memref<320x128xf32, #tpu.memory_space<hbm>>) target_semaphore(%run_scoped3A : memref<!tpu.dma_semaphore, #tpu.memory_space<semaphore_mem>>)
      %dma_wait3A_135 = arith.constant 0 : i32
      %dma_wait3A_136 = tpu.memref_slice %arg5[%arg0, %mul3A_43, %dma_wait3A_135] : memref<2x5120x128xf32, #tpu.memory_space<hbm>> -> memref<1x320x128xf32, #tpu.memory_space<hbm>>
      %dma_wait3A_137 = tpu.memref_squeeze %dma_wait3A_136 : memref<1x320x128xf32, #tpu.memory_space<hbm>> -> memref<320x128xf32, #tpu.memory_space<hbm>>
      %dma_wait3A_138 = arith.constant 0 : i32
      %dma_wait3A_139 = tpu.memref_slice %arg12[%mul3A_43, %dma_wait3A_138] : memref<5120x128xf32, #tpu.memory_space<vmem_shared>> -> memref<320x128xf32, #tpu.memory_space<vmem_shared>>
      tpu.wait_dma2 semaphore(%run_scoped3A : memref<!tpu.dma_semaphore, #tpu.memory_space<semaphore_mem>>) src(%dma_wait3A_139 : memref<320x128xf32, #tpu.memory_space<vmem_shared>>) dst(%dma_wait3A_137 : memref<320x128xf32, #tpu.memory_space<hbm>>)
      tpu.yield
    }) : () -> ()
    return
  }
}

#map = affine_map<(d0, d1) -> (0, 0)>
#map1 = affine_map<(d0, d1) -> (0)>
#map2 = affine_map<(d0, d1) -> (0, 0, 0)>
module attributes {stable_mosaic.version = 14 : i64} {
  func.func @body(%arg0: i32, %arg1: i32, %arg2: memref<10000x128xf32, #tpu.memory_space<hbm>>, %arg3: memref<327680xi32, #tpu.memory_space<hbm>>, %arg4: memref<327680xi32, #tpu.memory_space<hbm>>, %arg5: memref<2x5120x128xf32, #tpu.memory_space<hbm>>, %arg6: memref<20736xi32, #tpu.memory_space<vmem>>, %arg7: memref<20736xi32, #tpu.memory_space<vmem>>, %arg8: memref<64x128xf32, #tpu.memory_space<vmem>>, %arg9: memref<64x128xf32, #tpu.memory_space<vmem>>, %arg10: memref<64x128xf32, #tpu.memory_space<vmem>>, %arg11: memref<64x128xf32, #tpu.memory_space<vmem>>, %arg12: memref<5120x128xf32, #tpu.memory_space<vmem_shared>>, %arg13: memref<!tpu.dma_semaphore, #tpu.memory_space<semaphore_mem>>, %arg14: memref<!tpu.dma_semaphore, #tpu.memory_space<semaphore_mem>>, %arg15: memref<!tpu.dma_semaphore, #tpu.memory_space<semaphore_mem>>, %arg16: memref<!tpu.dma_semaphore, #tpu.memory_space<semaphore_mem>>, %arg17: memref<!tpu.dma_semaphore, #tpu.memory_space<semaphore_mem>>, %arg18: memref<!tpu.dma_semaphore, #tpu.memory_space<semaphore_mem>>, %arg19: memref<!tpu.dma_semaphore, #tpu.memory_space<semaphore_mem>>, %arg20: memref<!tpu.dma_semaphore, #tpu.memory_space<semaphore_mem>>) attributes {dimension_semantics = [#tpu.dimension_semantics<core_parallel>, #tpu.dimension_semantics<subcore_parallel>], iteration_bounds = array<i64: 2, 16>, scalar_prefetch = 0 : i64, scratch_operands = 15 : i64, tpu.core_type = #tpu.core_type<sc_vector_subcore>, window_params = [{transform_indices = #map}, {transform_indices = #map1}, {transform_indices = #map1}, {transform_indices = #map2}]} {
    %mul3A = arith.constant 20480 : i32
    %mul3A_0 = arith.muli %arg1, %mul3A : i32
    %multiple_of3A = tpu.assume_multiple %mul3A_0, 8 : i32
    "tpu.region"() ({
      %run_scoped3A = tpu.sem_alloc : memref<!tpu.dma_semaphore, #tpu.memory_space<semaphore_mem>>
      %dma_start3A_130 = arith.constant 0 : i32
      %dma_start3A_131 = tpu.memref_slice %arg6[%dma_start3A_130] : memref<20736xi32, #tpu.memory_space<vmem>> -> memref<20480xi32, #tpu.memory_space<vmem>>
      %dma_start3A_132 = tpu.memref_slice %arg3[%multiple_of3A] : memref<327680xi32, #tpu.memory_space<hbm>> -> memref<20480xi32, #tpu.memory_space<hbm>>
      %dma_start3A_133 = arith.constant 0 : i32
      %dma_start3A_134 = tpu.memref_slice %arg6[%dma_start3A_133] : memref<20736xi32, #tpu.memory_space<vmem>> -> memref<20480xi32, #tpu.memory_space<vmem>>
      %dma_start3A_135 = tpu.memref_slice %arg3[%multiple_of3A] : memref<327680xi32, #tpu.memory_space<hbm>> -> memref<20480xi32, #tpu.memory_space<hbm>>
      tpu.enqueue_dma source(%dma_start3A_135 : memref<20480xi32, #tpu.memory_space<hbm>>) target(%dma_start3A_134 : memref<20480xi32, #tpu.memory_space<vmem>>) target_semaphore(%run_scoped3A : memref<!tpu.dma_semaphore, #tpu.memory_space<semaphore_mem>>)
      %dma_wait3A_136 = arith.constant 0 : i32
      %dma_wait3A_137 = tpu.memref_slice %arg6[%dma_wait3A_136] : memref<20736xi32, #tpu.memory_space<vmem>> -> memref<20480xi32, #tpu.memory_space<vmem>>
      %dma_wait3A_138 = tpu.memref_slice %arg3[%multiple_of3A] : memref<327680xi32, #tpu.memory_space<hbm>> -> memref<20480xi32, #tpu.memory_space<hbm>>
      %dma_wait3A_139 = arith.constant 0 : i32
      %dma_wait3A_140 = tpu.memref_slice %arg6[%dma_wait3A_139] : memref<20736xi32, #tpu.memory_space<vmem>> -> memref<20480xi32, #tpu.memory_space<vmem>>
      %dma_wait3A_141 = tpu.memref_slice %arg3[%multiple_of3A] : memref<327680xi32, #tpu.memory_space<hbm>> -> memref<20480xi32, #tpu.memory_space<hbm>>
      tpu.wait_dma2 semaphore(%run_scoped3A : memref<!tpu.dma_semaphore, #tpu.memory_space<semaphore_mem>>) src(%dma_wait3A_141 : memref<20480xi32, #tpu.memory_space<hbm>>) dst(%dma_wait3A_140 : memref<20480xi32, #tpu.memory_space<vmem>>)
      tpu.yield
    }) : () -> ()
    "tpu.region"() ({
      %run_scoped3A = tpu.sem_alloc : memref<!tpu.dma_semaphore, #tpu.memory_space<semaphore_mem>>
      %dma_start3A_130 = arith.constant 0 : i32
      %dma_start3A_131 = tpu.memref_slice %arg7[%dma_start3A_130] : memref<20736xi32, #tpu.memory_space<vmem>> -> memref<20480xi32, #tpu.memory_space<vmem>>
      %dma_start3A_132 = tpu.memref_slice %arg4[%multiple_of3A] : memref<327680xi32, #tpu.memory_space<hbm>> -> memref<20480xi32, #tpu.memory_space<hbm>>
      %dma_start3A_133 = arith.constant 0 : i32
      %dma_start3A_134 = tpu.memref_slice %arg7[%dma_start3A_133] : memref<20736xi32, #tpu.memory_space<vmem>> -> memref<20480xi32, #tpu.memory_space<vmem>>
      %dma_start3A_135 = tpu.memref_slice %arg4[%multiple_of3A] : memref<327680xi32, #tpu.memory_space<hbm>> -> memref<20480xi32, #tpu.memory_space<hbm>>
      tpu.enqueue_dma source(%dma_start3A_135 : memref<20480xi32, #tpu.memory_space<hbm>>) target(%dma_start3A_134 : memref<20480xi32, #tpu.memory_space<vmem>>) target_semaphore(%run_scoped3A : memref<!tpu.dma_semaphore, #tpu.memory_space<semaphore_mem>>)
      %dma_wait3A_136 = arith.constant 0 : i32
      %dma_wait3A_137 = tpu.memref_slice %arg7[%dma_wait3A_136] : memref<20736xi32, #tpu.memory_space<vmem>> -> memref<20480xi32, #tpu.memory_space<vmem>>
      %dma_wait3A_138 = tpu.memref_slice %arg4[%multiple_of3A] : memref<327680xi32, #tpu.memory_space<hbm>> -> memref<20480xi32, #tpu.memory_space<hbm>>
      %dma_wait3A_139 = arith.constant 0 : i32
      %dma_wait3A_140 = tpu.memref_slice %arg7[%dma_wait3A_139] : memref<20736xi32, #tpu.memory_space<vmem>> -> memref<20480xi32, #tpu.memory_space<vmem>>
      %dma_wait3A_141 = tpu.memref_slice %arg4[%multiple_of3A] : memref<327680xi32, #tpu.memory_space<hbm>> -> memref<20480xi32, #tpu.memory_space<hbm>>
      tpu.wait_dma2 semaphore(%run_scoped3A : memref<!tpu.dma_semaphore, #tpu.memory_space<semaphore_mem>>) src(%dma_wait3A_141 : memref<20480xi32, #tpu.memory_space<hbm>>) dst(%dma_wait3A_140 : memref<20480xi32, #tpu.memory_space<vmem>>)
      tpu.yield
    }) : () -> ()
    %scan3A = arith.constant 0 : i32
    %scan3A_1 = arith.constant 0 : i32
    %scan3A_2 = arith.constant 1280 : i32
    %scan3A_3 = arith.addi %scan3A_1, %scan3A_2 : i32
    %scan3A_4 = arith.constant 1 : i32
    %scan3A_5 = scf.for %scan3A_130 = %scan3A_1 to %scan3A_3 step %scan3A_4 iter_args(%scan3A_131 = %scan3A) -> (i32)  : i32 {
      %mul3A_132 = arith.constant 16 : i32
      %mul3A_133 = arith.muli %scan3A_130, %mul3A_132 : i32
      %get3A = arith.index_cast %mul3A_133 : i32 to index
      %get3A_134 = tpu.vector_load %arg6[%get3A] {strides = array<i32>} : memref<20736xi32, #tpu.memory_space<vmem>>, vector<16xi32>,
      %mul3A_135 = arith.constant 16 : i32
      %mul3A_136 = arith.muli %scan3A_130, %mul3A_135 : i32
      %get3A_137 = arith.index_cast %mul3A_136 : i32 to index
      %get3A_138 = tpu.vector_load %arg7[%get3A_137] {strides = array<i32>} : memref<20736xi32, #tpu.memory_space<vmem>>, vector<16xi32>,
      %mul3A_139 = arith.constant 5000 : i32
      %mul3A_140 = arith.muli %arg0, %mul3A_139 : i32
      %sub3A_141 = vector.broadcast %mul3A_140 : i32 to vector<16xi32>
      %sub3A_142 = arith.subi %get3A_138, %sub3A_141 : vector<16xi32>
      %ge3A = arith.constant 0 : i32
      %ge3A_143 = vector.broadcast %ge3A : i32 to vector<16xi32>
      %ge3A_144 = arith.cmpi sge, %sub3A_142, %ge3A_143 : vector<16xi32>
      %lt3A = arith.constant 5000 : i32
      %lt3A_145 = vector.broadcast %lt3A : i32 to vector<16xi32>
      %lt3A_146 = arith.cmpi slt, %sub3A_142, %lt3A_145 : vector<16xi32>
      %and3A_147 = arith.andi %ge3A_144, %lt3A_146 : vector<16xi1>
      %swap3A = arith.index_cast %scan3A_131 : i32 to index
      %swap3A_148 = tpu.vector_load %arg6[%swap3A] masked %and3A_147 {strides = array<i32>} : memref<20736xi32, #tpu.memory_space<vmem>>, vector<16xi32>, vector<16xi1>
      tpu.vector_store %arg6[%swap3A], %get3A_134 masked %and3A_147 {strides = array<i32>} : memref<20736xi32, #tpu.memory_space<vmem>>, vector<16xi32>, vector<16xi1>
      %swap3A_149 = arith.index_cast %scan3A_131 : i32 to index
      %swap3A_150 = tpu.vector_load %arg7[%swap3A_149] masked %and3A_147 {strides = array<i32>} : memref<20736xi32, #tpu.memory_space<vmem>>, vector<16xi32>, vector<16xi1>
      tpu.vector_store %arg7[%swap3A_149], %sub3A_142 masked %and3A_147 {strides = array<i32>} : memref<20736xi32, #tpu.memory_space<vmem>>, vector<16xi32>, vector<16xi1>
      %all_reduce_population_count3A = tpu.all_reduce %and3A_147 {dim = 0 : i64, kind = #tpu.reduction_kind<sum>} : vector<16xi1> -> vector<16xi32>
      %slice3A = vector.extract_strided_slice %all_reduce_population_count3A {offsets = [0], sizes = [1], strides = [1]} : vector<16xi32> to vector<1xi32>
      %squeeze3A = vector.extract %slice3A[0] : i32 from vector<1xi32>
      %add3A_151 = arith.addi %scan3A_131, %squeeze3A : i32
      scf.yield %add3A_151 : i32
    }
    %scan3A_6 = arith.constant 1280 : i32
    %broadcast_in_dim3A = arith.constant 5000 : i32
    %broadcast_in_dim3A_7 = vector.broadcast %broadcast_in_dim3A : i32 to vector<16xi32>
    %scan3A_8 = arith.constant 0 : i32
    %scan3A_9 = arith.constant 0 : i32
    %scan3A_10 = arith.constant 16 : i32
    %scan3A_11 = arith.addi %scan3A_9, %scan3A_10 : i32
    %scan3A_12 = arith.constant 1 : i32
    scf.for %scan3A_130 = %scan3A_9 to %scan3A_11 step %scan3A_12  : i32 {
      %mul3A_131 = arith.constant 16 : i32
      %mul3A_132 = arith.muli %scan3A_130, %mul3A_131 : i32
      %add3A_133 = arith.addi %scan3A_5, %mul3A_132 : i32
      %swap3A = arith.index_cast %add3A_133 : i32 to index
      %swap3A_134 = tpu.vector_load %arg7[%swap3A] {strides = array<i32>} : memref<20736xi32, #tpu.memory_space<vmem>>, vector<16xi32>,
      tpu.vector_store %arg7[%swap3A], %broadcast_in_dim3A_7 {strides = array<i32>} : memref<20736xi32, #tpu.memory_space<vmem>>, vector<16xi32>,
    }
    %scan3A_13 = arith.constant 16 : i32
    %add3A = arith.constant 64 : i32
    %add3A_14 = arith.addi %scan3A_5, %add3A : i32
    %sub3A = arith.constant 1 : i32
    %sub3A_15 = arith.subi %add3A_14, %sub3A : i32
    %jit3A = arith.constant 64 : i32
    %div3A = arith.divsi %sub3A_15, %jit3A : i32
    %sign3A = arith.constant 0 : i32
    %sign3A_16 = arith.cmpi sgt, %sub3A_15, %sign3A : i32
    %sign3A_17 = arith.extui %sign3A_16 : i1 to i32
    %sign3A_18 = arith.constant 0 : i32
    %sign3A_19 = arith.cmpi slt, %sub3A_15, %sign3A_18 : i32
    %sign3A_20 = arith.extui %sign3A_19 : i1 to i32
    %sign3A_21 = arith.subi %sign3A_17, %sign3A_20 : i32
    %sign3A_22 = arith.constant 0 : i32
    %sign3A_23 = arith.cmpi sgt, %jit3A, %sign3A_22 : i32
    %sign3A_24 = arith.extui %sign3A_23 : i1 to i32
    %sign3A_25 = arith.constant 0 : i32
    %sign3A_26 = arith.cmpi slt, %jit3A, %sign3A_25 : i32
    %sign3A_27 = arith.extui %sign3A_26 : i1 to i32
    %sign3A_28 = arith.subi %sign3A_24, %sign3A_27 : i32
    %ne3A = arith.cmpi ne, %sign3A_21, %sign3A_28 : i32
    %rem3A = arith.remsi %sub3A_15, %jit3A : i32
    %ne3A_29 = arith.constant 0 : i32
    %ne3A_30 = arith.cmpi ne, %rem3A, %ne3A_29 : i32
    %and3A = arith.andi %ne3A, %ne3A_30 : i1
    %sub3A_31 = arith.constant 1 : i32
    %sub3A_32 = arith.subi %div3A, %sub3A_31 : i32
    %select_n3A = arith.select %and3A, %sub3A_32, %div3A : i32
    %max3A = arith.constant 1 : i32
    %max3A_33 = arith.maxsi %select_n3A, %max3A : i32
    %broadcast_in_dim3A_34 = arith.constant 0.000000e+00 : f32
    %broadcast_in_dim3A_35 = vector.broadcast %broadcast_in_dim3A_34 : f32 to vector<16xf32>
    %scan3A_36 = arith.constant 0 : i32
    %scan3A_37 = arith.constant 0 : i32
    %scan3A_38 = arith.constant 64 : i32
    %scan3A_39 = arith.addi %scan3A_37, %scan3A_38 : i32
    %scan3A_40 = arith.constant 1 : i32
    scf.for %scan3A_130 = %scan3A_37 to %scan3A_39 step %scan3A_40  : i32 {
      %swap3A = arith.index_cast %scan3A_130 : i32 to index
      %swap3A_131 = arith.constant 0 : index
      %swap3A_132 = tpu.vector_load %arg8[%swap3A, %swap3A_131] {strides = array<i32>} : memref<64x128xf32, #tpu.memory_space<vmem>>, vector<16xf32>,
      tpu.vector_store %arg8[%swap3A, %swap3A_131], %broadcast_in_dim3A_35 {strides = array<i32>} : memref<64x128xf32, #tpu.memory_space<vmem>>, vector<16xf32>,
      %swap3A_133 = arith.index_cast %scan3A_130 : i32 to index
      %swap3A_134 = arith.constant 16 : index
      %swap3A_135 = tpu.vector_load %arg8[%swap3A_133, %swap3A_134] {strides = array<i32>} : memref<64x128xf32, #tpu.memory_space<vmem>>, vector<16xf32>,
      tpu.vector_store %arg8[%swap3A_133, %swap3A_134], %broadcast_in_dim3A_35 {strides = array<i32>} : memref<64x128xf32, #tpu.memory_space<vmem>>, vector<16xf32>,
      %swap3A_136 = arith.index_cast %scan3A_130 : i32 to index
      %swap3A_137 = arith.constant 32 : index
      %swap3A_138 = tpu.vector_load %arg8[%swap3A_136, %swap3A_137] {strides = array<i32>} : memref<64x128xf32, #tpu.memory_space<vmem>>, vector<16xf32>,
      tpu.vector_store %arg8[%swap3A_136, %swap3A_137], %broadcast_in_dim3A_35 {strides = array<i32>} : memref<64x128xf32, #tpu.memory_space<vmem>>, vector<16xf32>,
      %swap3A_139 = arith.index_cast %scan3A_130 : i32 to index
      %swap3A_140 = arith.constant 48 : index
      %swap3A_141 = tpu.vector_load %arg8[%swap3A_139, %swap3A_140] {strides = array<i32>} : memref<64x128xf32, #tpu.memory_space<vmem>>, vector<16xf32>,
      tpu.vector_store %arg8[%swap3A_139, %swap3A_140], %broadcast_in_dim3A_35 {strides = array<i32>} : memref<64x128xf32, #tpu.memory_space<vmem>>, vector<16xf32>,
      %swap3A_142 = arith.index_cast %scan3A_130 : i32 to index
      %swap3A_143 = arith.constant 64 : index
      %swap3A_144 = tpu.vector_load %arg8[%swap3A_142, %swap3A_143] {strides = array<i32>} : memref<64x128xf32, #tpu.memory_space<vmem>>, vector<16xf32>,
      tpu.vector_store %arg8[%swap3A_142, %swap3A_143], %broadcast_in_dim3A_35 {strides = array<i32>} : memref<64x128xf32, #tpu.memory_space<vmem>>, vector<16xf32>,
      %swap3A_145 = arith.index_cast %scan3A_130 : i32 to index
      %swap3A_146 = arith.constant 80 : index
      %swap3A_147 = tpu.vector_load %arg8[%swap3A_145, %swap3A_146] {strides = array<i32>} : memref<64x128xf32, #tpu.memory_space<vmem>>, vector<16xf32>,
      tpu.vector_store %arg8[%swap3A_145, %swap3A_146], %broadcast_in_dim3A_35 {strides = array<i32>} : memref<64x128xf32, #tpu.memory_space<vmem>>, vector<16xf32>,
      %swap3A_148 = arith.index_cast %scan3A_130 : i32 to index
      %swap3A_149 = arith.constant 96 : index
      %swap3A_150 = tpu.vector_load %arg8[%swap3A_148, %swap3A_149] {strides = array<i32>} : memref<64x128xf32, #tpu.memory_space<vmem>>, vector<16xf32>,
      tpu.vector_store %arg8[%swap3A_148, %swap3A_149], %broadcast_in_dim3A_35 {strides = array<i32>} : memref<64x128xf32, #tpu.memory_space<vmem>>, vector<16xf32>,
      %swap3A_151 = arith.index_cast %scan3A_130 : i32 to index
      %swap3A_152 = arith.constant 112 : index
      %swap3A_153 = tpu.vector_load %arg8[%swap3A_151, %swap3A_152] {strides = array<i32>} : memref<64x128xf32, #tpu.memory_space<vmem>>, vector<16xf32>,
      tpu.vector_store %arg8[%swap3A_151, %swap3A_152], %broadcast_in_dim3A_35 {strides = array<i32>} : memref<64x128xf32, #tpu.memory_space<vmem>>, vector<16xf32>,
    }
    %scan3A_41 = arith.constant 64 : i32
    %mul3A_42 = arith.constant 320 : i32
    %mul3A_43 = arith.muli %arg1, %mul3A_42 : i32
    %add3A_44 = arith.constant 0 : i32
    %add3A_45 = arith.addi %mul3A_43, %add3A_44 : i32
    "tpu.region"() ({
      %run_scoped3A = tpu.sem_alloc : memref<!tpu.dma_semaphore, #tpu.memory_space<semaphore_mem>>
      %dma_start3A_130 = arith.constant 0 : i32
      %dma_start3A_131 = tpu.memref_slice %arg12[%add3A_45, %dma_start3A_130] : memref<5120x128xf32, #tpu.memory_space<vmem_shared>> -> memref<64x128xf32, #tpu.memory_space<vmem_shared>>
      %dma_start3A_132 = arith.constant 0 : i32
      %dma_start3A_133 = tpu.memref_slice %arg12[%add3A_45, %dma_start3A_132] : memref<5120x128xf32, #tpu.memory_space<vmem_shared>> -> memref<64x128xf32, #tpu.memory_space<vmem_shared>>
      tpu.enqueue_dma source(%arg8 : memref<64x128xf32, #tpu.memory_space<vmem>>) target(%dma_start3A_133 : memref<64x128xf32, #tpu.memory_space<vmem_shared>>) target_semaphore(%run_scoped3A : memref<!tpu.dma_semaphore, #tpu.memory_space<semaphore_mem>>)
      %dma_wait3A_134 = arith.constant 0 : i32
      %dma_wait3A_135 = tpu.memref_slice %arg12[%add3A_45, %dma_wait3A_134] : memref<5120x128xf32, #tpu.memory_space<vmem_shared>> -> memref<64x128xf32, #tpu.memory_space<vmem_shared>>
      %dma_wait3A_136 = arith.constant 0 : i32
      %dma_wait3A_137 = tpu.memref_slice %arg12[%add3A_45, %dma_wait3A_136] : memref<5120x128xf32, #tpu.memory_space<vmem_shared>> -> memref<64x128xf32, #tpu.memory_space<vmem_shared>>
      tpu.wait_dma2 semaphore(%run_scoped3A : memref<!tpu.dma_semaphore, #tpu.memory_space<semaphore_mem>>) src(%arg8 : memref<64x128xf32, #tpu.memory_space<vmem>>) dst(%dma_wait3A_137 : memref<64x128xf32, #tpu.memory_space<vmem_shared>>)
      tpu.yield
    }) : () -> ()
    %add3A_46 = arith.constant 64 : i32
    %add3A_47 = arith.addi %mul3A_43, %add3A_46 : i32
    "tpu.region"() ({
      %run_scoped3A = tpu.sem_alloc : memref<!tpu.dma_semaphore, #tpu.memory_space<semaphore_mem>>
      %dma_start3A_130 = arith.constant 0 : i32
      %dma_start3A_131 = tpu.memref_slice %arg12[%add3A_47, %dma_start3A_130] : memref<5120x128xf32, #tpu.memory_space<vmem_shared>> -> memref<64x128xf32, #tpu.memory_space<vmem_shared>>
      %dma_start3A_132 = arith.constant 0 : i32
      %dma_start3A_133 = tpu.memref_slice %arg12[%add3A_47, %dma_start3A_132] : memref<5120x128xf32, #tpu.memory_space<vmem_shared>> -> memref<64x128xf32, #tpu.memory_space<vmem_shared>>
      tpu.enqueue_dma source(%arg8 : memref<64x128xf32, #tpu.memory_space<vmem>>) target(%dma_start3A_133 : memref<64x128xf32, #tpu.memory_space<vmem_shared>>) target_semaphore(%run_scoped3A : memref<!tpu.dma_semaphore, #tpu.memory_space<semaphore_mem>>)
      %dma_wait3A_134 = arith.constant 0 : i32
      %dma_wait3A_135 = tpu.memref_slice %arg12[%add3A_47, %dma_wait3A_134] : memref<5120x128xf32, #tpu.memory_space<vmem_shared>> -> memref<64x128xf32, #tpu.memory_space<vmem_shared>>
      %dma_wait3A_136 = arith.constant 0 : i32
      %dma_wait3A_137 = tpu.memref_slice %arg12[%add3A_47, %dma_wait3A_136] : memref<5120x128xf32, #tpu.memory_space<vmem_shared>> -> memref<64x128xf32, #tpu.memory_space<vmem_shared>>
      tpu.wait_dma2 semaphore(%run_scoped3A : memref<!tpu.dma_semaphore, #tpu.memory_space<semaphore_mem>>) src(%arg8 : memref<64x128xf32, #tpu.memory_space<vmem>>) dst(%dma_wait3A_137 : memref<64x128xf32, #tpu.memory_space<vmem_shared>>)
      tpu.yield
    }) : () -> ()
    %add3A_48 = arith.constant 128 : i32
    %add3A_49 = arith.addi %mul3A_43, %add3A_48 : i32
    "tpu.region"() ({
      %run_scoped3A = tpu.sem_alloc : memref<!tpu.dma_semaphore, #tpu.memory_space<semaphore_mem>>
      %dma_start3A_130 = arith.constant 0 : i32
      %dma_start3A_131 = tpu.memref_slice %arg12[%add3A_49, %dma_start3A_130] : memref<5120x128xf32, #tpu.memory_space<vmem_shared>> -> memref<64x128xf32, #tpu.memory_space<vmem_shared>>
      %dma_start3A_132 = arith.constant 0 : i32
      %dma_start3A_133 = tpu.memref_slice %arg12[%add3A_49, %dma_start3A_132] : memref<5120x128xf32, #tpu.memory_space<vmem_shared>> -> memref<64x128xf32, #tpu.memory_space<vmem_shared>>
      tpu.enqueue_dma source(%arg8 : memref<64x128xf32, #tpu.memory_space<vmem>>) target(%dma_start3A_133 : memref<64x128xf32, #tpu.memory_space<vmem_shared>>) target_semaphore(%run_scoped3A : memref<!tpu.dma_semaphore, #tpu.memory_space<semaphore_mem>>)
      %dma_wait3A_134 = arith.constant 0 : i32
      %dma_wait3A_135 = tpu.memref_slice %arg12[%add3A_49, %dma_wait3A_134] : memref<5120x128xf32, #tpu.memory_space<vmem_shared>> -> memref<64x128xf32, #tpu.memory_space<vmem_shared>>
      %dma_wait3A_136 = arith.constant 0 : i32
      %dma_wait3A_137 = tpu.memref_slice %arg12[%add3A_49, %dma_wait3A_136] : memref<5120x128xf32, #tpu.memory_space<vmem_shared>> -> memref<64x128xf32, #tpu.memory_space<vmem_shared>>
      tpu.wait_dma2 semaphore(%run_scoped3A : memref<!tpu.dma_semaphore, #tpu.memory_space<semaphore_mem>>) src(%arg8 : memref<64x128xf32, #tpu.memory_space<vmem>>) dst(%dma_wait3A_137 : memref<64x128xf32, #tpu.memory_space<vmem_shared>>)
      tpu.yield
    }) : () -> ()
    %add3A_50 = arith.constant 192 : i32
    %add3A_51 = arith.addi %mul3A_43, %add3A_50 : i32
    "tpu.region"() ({
      %run_scoped3A = tpu.sem_alloc : memref<!tpu.dma_semaphore, #tpu.memory_space<semaphore_mem>>
      %dma_start3A_130 = arith.constant 0 : i32
      %dma_start3A_131 = tpu.memref_slice %arg12[%add3A_51, %dma_start3A_130] : memref<5120x128xf32, #tpu.memory_space<vmem_shared>> -> memref<64x128xf32, #tpu.memory_space<vmem_shared>>
      %dma_start3A_132 = arith.constant 0 : i32
      %dma_start3A_133 = tpu.memref_slice %arg12[%add3A_51, %dma_start3A_132] : memref<5120x128xf32, #tpu.memory_space<vmem_shared>> -> memref<64x128xf32, #tpu.memory_space<vmem_shared>>
      tpu.enqueue_dma source(%arg8 : memref<64x128xf32, #tpu.memory_space<vmem>>) target(%dma_start3A_133 : memref<64x128xf32, #tpu.memory_space<vmem_shared>>) target_semaphore(%run_scoped3A : memref<!tpu.dma_semaphore, #tpu.memory_space<semaphore_mem>>)
      %dma_wait3A_134 = arith.constant 0 : i32
      %dma_wait3A_135 = tpu.memref_slice %arg12[%add3A_51, %dma_wait3A_134] : memref<5120x128xf32, #tpu.memory_space<vmem_shared>> -> memref<64x128xf32, #tpu.memory_space<vmem_shared>>
      %dma_wait3A_136 = arith.constant 0 : i32
      %dma_wait3A_137 = tpu.memref_slice %arg12[%add3A_51, %dma_wait3A_136] : memref<5120x128xf32, #tpu.memory_space<vmem_shared>> -> memref<64x128xf32, #tpu.memory_space<vmem_shared>>
      tpu.wait_dma2 semaphore(%run_scoped3A : memref<!tpu.dma_semaphore, #tpu.memory_space<semaphore_mem>>) src(%arg8 : memref<64x128xf32, #tpu.memory_space<vmem>>) dst(%dma_wait3A_137 : memref<64x128xf32, #tpu.memory_space<vmem_shared>>)
      tpu.yield
    }) : () -> ()
    %add3A_52 = arith.constant 256 : i32
    %add3A_53 = arith.addi %mul3A_43, %add3A_52 : i32
    "tpu.region"() ({
      %run_scoped3A = tpu.sem_alloc : memref<!tpu.dma_semaphore, #tpu.memory_space<semaphore_mem>>
      %dma_start3A_130 = arith.constant 0 : i32
      %dma_start3A_131 = tpu.memref_slice %arg12[%add3A_53, %dma_start3A_130] : memref<5120x128xf32, #tpu.memory_space<vmem_shared>> -> memref<64x128xf32, #tpu.memory_space<vmem_shared>>
      %dma_start3A_132 = arith.constant 0 : i32
      %dma_start3A_133 = tpu.memref_slice %arg12[%add3A_53, %dma_start3A_132] : memref<5120x128xf32, #tpu.memory_space<vmem_shared>> -> memref<64x128xf32, #tpu.memory_space<vmem_shared>>
      tpu.enqueue_dma source(%arg8 : memref<64x128xf32, #tpu.memory_space<vmem>>) target(%dma_start3A_133 : memref<64x128xf32, #tpu.memory_space<vmem_shared>>) target_semaphore(%run_scoped3A : memref<!tpu.dma_semaphore, #tpu.memory_space<semaphore_mem>>)
      %dma_wait3A_134 = arith.constant 0 : i32
      %dma_wait3A_135 = tpu.memref_slice %arg12[%add3A_53, %dma_wait3A_134] : memref<5120x128xf32, #tpu.memory_space<vmem_shared>> -> memref<64x128xf32, #tpu.memory_space<vmem_shared>>
      %dma_wait3A_136 = arith.constant 0 : i32
      %dma_wait3A_137 = tpu.memref_slice %arg12[%add3A_53, %dma_wait3A_136] : memref<5120x128xf32, #tpu.memory_space<vmem_shared>> -> memref<64x128xf32, #tpu.memory_space<vmem_shared>>
      tpu.wait_dma2 semaphore(%run_scoped3A : memref<!tpu.dma_semaphore, #tpu.memory_space<semaphore_mem>>) src(%arg8 : memref<64x128xf32, #tpu.memory_space<vmem>>) dst(%dma_wait3A_137 : memref<64x128xf32, #tpu.memory_space<vmem_shared>>)
      tpu.yield
    }) : () -> ()
    %barrier3A = arith.constant 0 : index
    tpu.barrier barrier_id(%barrier3A)
    %dma_start3A = arith.constant 0 : i32
    %dma_start3A_54 = tpu.memref_slice %arg6[%dma_start3A] : memref<20736xi32, #tpu.memory_space<vmem>> -> memref<64xi32, #tpu.memory_space<vmem>>
    %dma_start3A_55 = arith.constant 0 : i32
    %dma_start3A_56 = arith.constant 0 : i32
    %dma_start3A_57 = tpu.memref_slice %arg2[%dma_start3A_55, %dma_start3A_56] : memref<10000x128xf32, #tpu.memory_space<hbm>> -> memref<10000x128xf32, #tpu.memory_space<hbm>>
    tpu.enqueue_indirect_dma source(%dma_start3A_57 : memref<10000x128xf32, #tpu.memory_space<hbm>>) target(%arg8 : memref<64x128xf32, #tpu.memory_space<vmem>>) offsets(%dma_start3A_54 : memref<64xi32, #tpu.memory_space<vmem>>) semaphore(%arg13 : memref<!tpu.dma_semaphore, #tpu.memory_space<semaphore_mem>>)
    %dma_start3A_58 = arith.constant 64 : i32
    %dma_start3A_59 = tpu.memref_slice %arg6[%dma_start3A_58] : memref<20736xi32, #tpu.memory_space<vmem>> -> memref<64xi32, #tpu.memory_space<vmem>>
    %dma_start3A_60 = arith.constant 0 : i32
    %dma_start3A_61 = arith.constant 0 : i32
    %dma_start3A_62 = tpu.memref_slice %arg2[%dma_start3A_60, %dma_start3A_61] : memref<10000x128xf32, #tpu.memory_space<hbm>> -> memref<10000x128xf32, #tpu.memory_space<hbm>>
    tpu.enqueue_indirect_dma source(%dma_start3A_62 : memref<10000x128xf32, #tpu.memory_space<hbm>>) target(%arg9 : memref<64x128xf32, #tpu.memory_space<vmem>>) offsets(%dma_start3A_59 : memref<64xi32, #tpu.memory_space<vmem>>) semaphore(%arg14 : memref<!tpu.dma_semaphore, #tpu.memory_space<semaphore_mem>>)
    %dma_start3A_63 = arith.constant 128 : i32
    %dma_start3A_64 = tpu.memref_slice %arg6[%dma_start3A_63] : memref<20736xi32, #tpu.memory_space<vmem>> -> memref<64xi32, #tpu.memory_space<vmem>>
    %dma_start3A_65 = arith.constant 0 : i32
    %dma_start3A_66 = arith.constant 0 : i32
    %dma_start3A_67 = tpu.memref_slice %arg2[%dma_start3A_65, %dma_start3A_66] : memref<10000x128xf32, #tpu.memory_space<hbm>> -> memref<10000x128xf32, #tpu.memory_space<hbm>>
    tpu.enqueue_indirect_dma source(%dma_start3A_67 : memref<10000x128xf32, #tpu.memory_space<hbm>>) target(%arg10 : memref<64x128xf32, #tpu.memory_space<vmem>>) offsets(%dma_start3A_64 : memref<64xi32, #tpu.memory_space<vmem>>) semaphore(%arg15 : memref<!tpu.dma_semaphore, #tpu.memory_space<semaphore_mem>>)
    %dma_start3A_68 = arith.constant 192 : i32
    %dma_start3A_69 = tpu.memref_slice %arg6[%dma_start3A_68] : memref<20736xi32, #tpu.memory_space<vmem>> -> memref<64xi32, #tpu.memory_space<vmem>>
    %dma_start3A_70 = arith.constant 0 : i32
    %dma_start3A_71 = arith.constant 0 : i32
    %dma_start3A_72 = tpu.memref_slice %arg2[%dma_start3A_70, %dma_start3A_71] : memref<10000x128xf32, #tpu.memory_space<hbm>> -> memref<10000x128xf32, #tpu.memory_space<hbm>>
    tpu.enqueue_indirect_dma source(%dma_start3A_72 : memref<10000x128xf32, #tpu.memory_space<hbm>>) target(%arg11 : memref<64x128xf32, #tpu.memory_space<vmem>>) offsets(%dma_start3A_69 : memref<64xi32, #tpu.memory_space<vmem>>) semaphore(%arg16 : memref<!tpu.dma_semaphore, #tpu.memory_space<semaphore_mem>>)
    %add3A_73 = arith.constant 4 : i32
    %add3A_74 = arith.addi %max3A_33, %add3A_73 : i32
    %sub3A_75 = arith.constant 1 : i32
    %sub3A_76 = arith.subi %add3A_74, %sub3A_75 : i32
    %jit3A_77 = arith.constant 4 : i32
    %div3A_78 = arith.divsi %sub3A_76, %jit3A_77 : i32
    %sign3A_79 = arith.constant 0 : i32
    %sign3A_80 = arith.cmpi sgt, %sub3A_76, %sign3A_79 : i32
    %sign3A_81 = arith.extui %sign3A_80 : i1 to i32
    %sign3A_82 = arith.constant 0 : i32
    %sign3A_83 = arith.cmpi slt, %sub3A_76, %sign3A_82 : i32
    %sign3A_84 = arith.extui %sign3A_83 : i1 to i32
    %sign3A_85 = arith.subi %sign3A_81, %sign3A_84 : i32
    %sign3A_86 = arith.constant 0 : i32
    %sign3A_87 = arith.cmpi sgt, %jit3A_77, %sign3A_86 : i32
    %sign3A_88 = arith.extui %sign3A_87 : i1 to i32
    %sign3A_89 = arith.constant 0 : i32
    %sign3A_90 = arith.cmpi slt, %jit3A_77, %sign3A_89 : i32
    %sign3A_91 = arith.extui %sign3A_90 : i1 to i32
    %sign3A_92 = arith.subi %sign3A_88, %sign3A_91 : i32
    %ne3A_93 = arith.cmpi ne, %sign3A_85, %sign3A_92 : i32
    %rem3A_94 = arith.remsi %sub3A_76, %jit3A_77 : i32
    %ne3A_95 = arith.constant 0 : i32
    %ne3A_96 = arith.cmpi ne, %rem3A_94, %ne3A_95 : i32
    %and3A_97 = arith.andi %ne3A_93, %ne3A_96 : i1
    %sub3A_98 = arith.constant 1 : i32
    %sub3A_99 = arith.subi %div3A_78, %sub3A_98 : i32
    %select_n3A_100 = arith.select %and3A_97, %sub3A_99, %div3A_78 : i32
    %while3A = arith.constant 0 : i32
    %while3A_101 = arith.constant 0 : i32
    %while3A_102 = arith.subi %select_n3A_100, %while3A_101 : i32
    %while3A_103 = arith.addi %while3A_101, %while3A_102 : i32
    %while3A_104 = arith.constant 1 : i32
    %while3A_105 = arith.divsi %while3A_102, %while3A_104 : i32
    %while3A_106 = arith.muli %while3A_105, %while3A_104 : i32
    %while3A_107 = arith.addi %while3A_101, %while3A_106 : i32
    %while3A_108 = arith.constant 1 : i32
    scf.for %while3A_130 = %while3A_101 to %while3A_107 step %while3A_108  : i32 {
      %mul3A_131 = arith.constant 4 : i32
      %mul3A_132 = arith.muli %mul3A_131, %while3A_130 : i32
      %add3A_133 = arith.constant 0 : i32
      %add3A_134 = arith.addi %mul3A_132, %add3A_133 : i32
      %mul3A_135 = arith.constant 64 : i32
      %mul3A_136 = arith.muli %add3A_134, %mul3A_135 : i32
      %dma_wait3A_137 = tpu.memref_slice %arg6[%mul3A_136] : memref<20736xi32, #tpu.memory_space<vmem>> -> memref<64xi32, #tpu.memory_space<vmem>>
      %dma_wait3A_138 = arith.constant 0 : i32
      %dma_wait3A_139 = arith.constant 0 : i32
      %dma_wait3A_140 = tpu.memref_slice %arg2[%dma_wait3A_138, %dma_wait3A_139] : memref<10000x128xf32, #tpu.memory_space<hbm>> -> memref<10000x128xf32, #tpu.memory_space<hbm>>
      tpu.wait_indirect_dma semaphore(%arg13 : memref<!tpu.dma_semaphore, #tpu.memory_space<semaphore_mem>>) src(%dma_wait3A_140 : memref<10000x128xf32, #tpu.memory_space<hbm>>) dst(%arg8 : memref<64x128xf32, #tpu.memory_space<vmem>>)
      %add3A_141 = arith.constant 0 : i32
      %add3A_142 = arith.addi %mul3A_132, %add3A_141 : i32
      %mul3A_143 = arith.constant 64 : i32
      %mul3A_144 = arith.muli %add3A_142, %mul3A_143 : i32
      %dma_start3A_145 = tpu.memref_slice %arg7[%mul3A_144] : memref<20736xi32, #tpu.memory_space<vmem>> -> memref<64xi32, #tpu.memory_space<vmem>>
      %dma_start3A_146 = arith.constant 0 : i32
      %dma_start3A_147 = arith.constant 0 : i32
      %dma_start3A_148 = tpu.memref_slice %arg12[%dma_start3A_146, %dma_start3A_147] : memref<5120x128xf32, #tpu.memory_space<vmem_shared>> -> memref<5120x128xf32, #tpu.memory_space<vmem_shared>>
      tpu.enqueue_indirect_dma source(%arg8 : memref<64x128xf32, #tpu.memory_space<vmem>>) target(%dma_start3A_148 : memref<5120x128xf32, #tpu.memory_space<vmem_shared>>) offsets(%dma_start3A_145 : memref<64xi32, #tpu.memory_space<vmem>>) semaphore(%arg17 : memref<!tpu.dma_semaphore, #tpu.memory_space<semaphore_mem>>) {add = true}
      %add3A_149 = arith.constant 1 : i32
      %add3A_150 = arith.addi %mul3A_132, %add3A_149 : i32
      %mul3A_151 = arith.constant 64 : i32
      %mul3A_152 = arith.muli %add3A_150, %mul3A_151 : i32
      %dma_wait3A_153 = tpu.memref_slice %arg6[%mul3A_152] : memref<20736xi32, #tpu.memory_space<vmem>> -> memref<64xi32, #tpu.memory_space<vmem>>
      %dma_wait3A_154 = arith.constant 0 : i32
      %dma_wait3A_155 = arith.constant 0 : i32
      %dma_wait3A_156 = tpu.memref_slice %arg2[%dma_wait3A_154, %dma_wait3A_155] : memref<10000x128xf32, #tpu.memory_space<hbm>> -> memref<10000x128xf32, #tpu.memory_space<hbm>>
      tpu.wait_indirect_dma semaphore(%arg14 : memref<!tpu.dma_semaphore, #tpu.memory_space<semaphore_mem>>) src(%dma_wait3A_156 : memref<10000x128xf32, #tpu.memory_space<hbm>>) dst(%arg9 : memref<64x128xf32, #tpu.memory_space<vmem>>)
      %add3A_157 = arith.constant 1 : i32
      %add3A_158 = arith.addi %mul3A_132, %add3A_157 : i32
      %mul3A_159 = arith.constant 64 : i32
      %mul3A_160 = arith.muli %add3A_158, %mul3A_159 : i32
      %dma_start3A_161 = tpu.memref_slice %arg7[%mul3A_160] : memref<20736xi32, #tpu.memory_space<vmem>> -> memref<64xi32, #tpu.memory_space<vmem>>
      %dma_start3A_162 = arith.constant 0 : i32
      %dma_start3A_163 = arith.constant 0 : i32
      %dma_start3A_164 = tpu.memref_slice %arg12[%dma_start3A_162, %dma_start3A_163] : memref<5120x128xf32, #tpu.memory_space<vmem_shared>> -> memref<5120x128xf32, #tpu.memory_space<vmem_shared>>
      tpu.enqueue_indirect_dma source(%arg9 : memref<64x128xf32, #tpu.memory_space<vmem>>) target(%dma_start3A_164 : memref<5120x128xf32, #tpu.memory_space<vmem_shared>>) offsets(%dma_start3A_161 : memref<64xi32, #tpu.memory_space<vmem>>) semaphore(%arg18 : memref<!tpu.dma_semaphore, #tpu.memory_space<semaphore_mem>>) {add = true}
      %add3A_165 = arith.constant 2 : i32
      %add3A_166 = arith.addi %mul3A_132, %add3A_165 : i32
      %mul3A_167 = arith.constant 64 : i32
      %mul3A_168 = arith.muli %add3A_166, %mul3A_167 : i32
      %dma_wait3A_169 = tpu.memref_slice %arg6[%mul3A_168] : memref<20736xi32, #tpu.memory_space<vmem>> -> memref<64xi32, #tpu.memory_space<vmem>>
      %dma_wait3A_170 = arith.constant 0 : i32
      %dma_wait3A_171 = arith.constant 0 : i32
      %dma_wait3A_172 = tpu.memref_slice %arg2[%dma_wait3A_170, %dma_wait3A_171] : memref<10000x128xf32, #tpu.memory_space<hbm>> -> memref<10000x128xf32, #tpu.memory_space<hbm>>
      tpu.wait_indirect_dma semaphore(%arg15 : memref<!tpu.dma_semaphore, #tpu.memory_space<semaphore_mem>>) src(%dma_wait3A_172 : memref<10000x128xf32, #tpu.memory_space<hbm>>) dst(%arg10 : memref<64x128xf32, #tpu.memory_space<vmem>>)
      %add3A_173 = arith.constant 2 : i32
      %add3A_174 = arith.addi %mul3A_132, %add3A_173 : i32
      %mul3A_175 = arith.constant 64 : i32
      %mul3A_176 = arith.muli %add3A_174, %mul3A_175 : i32
      %dma_start3A_177 = tpu.memref_slice %arg7[%mul3A_176] : memref<20736xi32, #tpu.memory_space<vmem>> -> memref<64xi32, #tpu.memory_space<vmem>>
      %dma_start3A_178 = arith.constant 0 : i32
      %dma_start3A_179 = arith.constant 0 : i32
      %dma_start3A_180 = tpu.memref_slice %arg12[%dma_start3A_178, %dma_start3A_179] : memref<5120x128xf32, #tpu.memory_space<vmem_shared>> -> memref<5120x128xf32, #tpu.memory_space<vmem_shared>>
      tpu.enqueue_indirect_dma source(%arg10 : memref<64x128xf32, #tpu.memory_space<vmem>>) target(%dma_start3A_180 : memref<5120x128xf32, #tpu.memory_space<vmem_shared>>) offsets(%dma_start3A_177 : memref<64xi32, #tpu.memory_space<vmem>>) semaphore(%arg19 : memref<!tpu.dma_semaphore, #tpu.memory_space<semaphore_mem>>) {add = true}
      %add3A_181 = arith.constant 3 : i32
      %add3A_182 = arith.addi %mul3A_132, %add3A_181 : i32
      %mul3A_183 = arith.constant 64 : i32
      %mul3A_184 = arith.muli %add3A_182, %mul3A_183 : i32
      %dma_wait3A_185 = tpu.memref_slice %arg6[%mul3A_184] : memref<20736xi32, #tpu.memory_space<vmem>> -> memref<64xi32, #tpu.memory_space<vmem>>
      %dma_wait3A_186 = arith.constant 0 : i32
      %dma_wait3A_187 = arith.constant 0 : i32
      %dma_wait3A_188 = tpu.memref_slice %arg2[%dma_wait3A_186, %dma_wait3A_187] : memref<10000x128xf32, #tpu.memory_space<hbm>> -> memref<10000x128xf32, #tpu.memory_space<hbm>>
      tpu.wait_indirect_dma semaphore(%arg16 : memref<!tpu.dma_semaphore, #tpu.memory_space<semaphore_mem>>) src(%dma_wait3A_188 : memref<10000x128xf32, #tpu.memory_space<hbm>>) dst(%arg11 : memref<64x128xf32, #tpu.memory_space<vmem>>)
      %add3A_189 = arith.constant 3 : i32
      %add3A_190 = arith.addi %mul3A_132, %add3A_189 : i32
      %mul3A_191 = arith.constant 64 : i32
      %mul3A_192 = arith.muli %add3A_190, %mul3A_191 : i32
      %dma_start3A_193 = tpu.memref_slice %arg7[%mul3A_192] : memref<20736xi32, #tpu.memory_space<vmem>> -> memref<64xi32, #tpu.memory_space<vmem>>
      %dma_start3A_194 = arith.constant 0 : i32
      %dma_start3A_195 = arith.constant 0 : i32
      %dma_start3A_196 = tpu.memref_slice %arg12[%dma_start3A_194, %dma_start3A_195] : memref<5120x128xf32, #tpu.memory_space<vmem_shared>> -> memref<5120x128xf32, #tpu.memory_space<vmem_shared>>
      tpu.enqueue_indirect_dma source(%arg11 : memref<64x128xf32, #tpu.memory_space<vmem>>) target(%dma_start3A_196 : memref<5120x128xf32, #tpu.memory_space<vmem_shared>>) offsets(%dma_start3A_193 : memref<64xi32, #tpu.memory_space<vmem>>) semaphore(%arg20 : memref<!tpu.dma_semaphore, #tpu.memory_space<semaphore_mem>>) {add = true}
      %add3A_197 = arith.constant 0 : i32
      %add3A_198 = arith.addi %mul3A_132, %add3A_197 : i32
      %mul3A_199 = arith.constant 64 : i32
      %mul3A_200 = arith.muli %add3A_198, %mul3A_199 : i32
      %dma_wait3A_201 = tpu.memref_slice %arg7[%mul3A_200] : memref<20736xi32, #tpu.memory_space<vmem>> -> memref<64xi32, #tpu.memory_space<vmem>>
      %dma_wait3A_202 = arith.constant 0 : i32
      %dma_wait3A_203 = arith.constant 0 : i32
      %dma_wait3A_204 = tpu.memref_slice %arg12[%dma_wait3A_202, %dma_wait3A_203] : memref<5120x128xf32, #tpu.memory_space<vmem_shared>> -> memref<5120x128xf32, #tpu.memory_space<vmem_shared>>
      tpu.wait_indirect_dma semaphore(%arg17 : memref<!tpu.dma_semaphore, #tpu.memory_space<semaphore_mem>>) src(%arg8 : memref<64x128xf32, #tpu.memory_space<vmem>>) dst(%dma_wait3A_204 : memref<5120x128xf32, #tpu.memory_space<vmem_shared>>)
      %add3A_205 = arith.constant 4 : i32
      %add3A_206 = arith.addi %mul3A_132, %add3A_205 : i32
      %add3A_207 = arith.constant 0 : i32
      %add3A_208 = arith.addi %add3A_206, %add3A_207 : i32
      %mul3A_209 = arith.constant 4 : i32
      %mul3A_210 = arith.muli %mul3A_209, %select_n3A_100 : i32
      %lt3A = arith.cmpi slt, %add3A_208, %mul3A_210 : i32
      %select_n3A_211 = arith.constant 0 : i32
      %select_n3A_212 = arith.select %lt3A, %add3A_208, %select_n3A_211 : i32
      %mul3A_213 = arith.constant 64 : i32
      %mul3A_214 = arith.muli %select_n3A_212, %mul3A_213 : i32
      %dma_start3A_215 = tpu.memref_slice %arg6[%mul3A_214] : memref<20736xi32, #tpu.memory_space<vmem>> -> memref<64xi32, #tpu.memory_space<vmem>>
      %dma_start3A_216 = arith.constant 0 : i32
      %dma_start3A_217 = arith.constant 0 : i32
      %dma_start3A_218 = tpu.memref_slice %arg2[%dma_start3A_216, %dma_start3A_217] : memref<10000x128xf32, #tpu.memory_space<hbm>> -> memref<10000x128xf32, #tpu.memory_space<hbm>>
      tpu.enqueue_indirect_dma source(%dma_start3A_218 : memref<10000x128xf32, #tpu.memory_space<hbm>>) target(%arg8 : memref<64x128xf32, #tpu.memory_space<vmem>>) offsets(%dma_start3A_215 : memref<64xi32, #tpu.memory_space<vmem>>) semaphore(%arg13 : memref<!tpu.dma_semaphore, #tpu.memory_space<semaphore_mem>>)
      %add3A_219 = arith.constant 1 : i32
      %add3A_220 = arith.addi %mul3A_132, %add3A_219 : i32
      %mul3A_221 = arith.constant 64 : i32
      %mul3A_222 = arith.muli %add3A_220, %mul3A_221 : i32
      %dma_wait3A_223 = tpu.memref_slice %arg7[%mul3A_222] : memref<20736xi32, #tpu.memory_space<vmem>> -> memref<64xi32, #tpu.memory_space<vmem>>
      %dma_wait3A_224 = arith.constant 0 : i32
      %dma_wait3A_225 = arith.constant 0 : i32
      %dma_wait3A_226 = tpu.memref_slice %arg12[%dma_wait3A_224, %dma_wait3A_225] : memref<5120x128xf32, #tpu.memory_space<vmem_shared>> -> memref<5120x128xf32, #tpu.memory_space<vmem_shared>>
      tpu.wait_indirect_dma semaphore(%arg18 : memref<!tpu.dma_semaphore, #tpu.memory_space<semaphore_mem>>) src(%arg9 : memref<64x128xf32, #tpu.memory_space<vmem>>) dst(%dma_wait3A_226 : memref<5120x128xf32, #tpu.memory_space<vmem_shared>>)
      %add3A_227 = arith.constant 4 : i32
      %add3A_228 = arith.addi %mul3A_132, %add3A_227 : i32
      %add3A_229 = arith.constant 1 : i32
      %add3A_230 = arith.addi %add3A_228, %add3A_229 : i32
      %mul3A_231 = arith.constant 4 : i32
      %mul3A_232 = arith.muli %mul3A_231, %select_n3A_100 : i32
      %lt3A_233 = arith.cmpi slt, %add3A_230, %mul3A_232 : i32
      %select_n3A_234 = arith.constant 0 : i32
      %select_n3A_235 = arith.select %lt3A_233, %add3A_230, %select_n3A_234 : i32
      %mul3A_236 = arith.constant 64 : i32
      %mul3A_237 = arith.muli %select_n3A_235, %mul3A_236 : i32
      %dma_start3A_238 = tpu.memref_slice %arg6[%mul3A_237] : memref<20736xi32, #tpu.memory_space<vmem>> -> memref<64xi32, #tpu.memory_space<vmem>>
      %dma_start3A_239 = arith.constant 0 : i32
      %dma_start3A_240 = arith.constant 0 : i32
      %dma_start3A_241 = tpu.memref_slice %arg2[%dma_start3A_239, %dma_start3A_240] : memref<10000x128xf32, #tpu.memory_space<hbm>> -> memref<10000x128xf32, #tpu.memory_space<hbm>>
      tpu.enqueue_indirect_dma source(%dma_start3A_241 : memref<10000x128xf32, #tpu.memory_space<hbm>>) target(%arg9 : memref<64x128xf32, #tpu.memory_space<vmem>>) offsets(%dma_start3A_238 : memref<64xi32, #tpu.memory_space<vmem>>) semaphore(%arg14 : memref<!tpu.dma_semaphore, #tpu.memory_space<semaphore_mem>>)
      %add3A_242 = arith.constant 2 : i32
      %add3A_243 = arith.addi %mul3A_132, %add3A_242 : i32
      %mul3A_244 = arith.constant 64 : i32
      %mul3A_245 = arith.muli %add3A_243, %mul3A_244 : i32
      %dma_wait3A_246 = tpu.memref_slice %arg7[%mul3A_245] : memref<20736xi32, #tpu.memory_space<vmem>> -> memref<64xi32, #tpu.memory_space<vmem>>
      %dma_wait3A_247 = arith.constant 0 : i32
      %dma_wait3A_248 = arith.constant 0 : i32
      %dma_wait3A_249 = tpu.memref_slice %arg12[%dma_wait3A_247, %dma_wait3A_248] : memref<5120x128xf32, #tpu.memory_space<vmem_shared>> -> memref<5120x128xf32, #tpu.memory_space<vmem_shared>>
      tpu.wait_indirect_dma semaphore(%arg19 : memref<!tpu.dma_semaphore, #tpu.memory_space<semaphore_mem>>) src(%arg10 : memref<64x128xf32, #tpu.memory_space<vmem>>) dst(%dma_wait3A_249 : memref<5120x128xf32, #tpu.memory_space<vmem_shared>>)
      %add3A_250 = arith.constant 4 : i32
      %add3A_251 = arith.addi %mul3A_132, %add3A_250 : i32
      %add3A_252 = arith.constant 2 : i32
      %add3A_253 = arith.addi %add3A_251, %add3A_252 : i32
      %mul3A_254 = arith.constant 4 : i32
      %mul3A_255 = arith.muli %mul3A_254, %select_n3A_100 : i32
      %lt3A_256 = arith.cmpi slt, %add3A_253, %mul3A_255 : i32
      %select_n3A_257 = arith.constant 0 : i32
      %select_n3A_258 = arith.select %lt3A_256, %add3A_253, %select_n3A_257 : i32
      %mul3A_259 = arith.constant 64 : i32
      %mul3A_260 = arith.muli %select_n3A_258, %mul3A_259 : i32
      %dma_start3A_261 = tpu.memref_slice %arg6[%mul3A_260] : memref<20736xi32, #tpu.memory_space<vmem>> -> memref<64xi32, #tpu.memory_space<vmem>>
      %dma_start3A_262 = arith.constant 0 : i32
      %dma_start3A_263 = arith.constant 0 : i32
      %dma_start3A_264 = tpu.memref_slice %arg2[%dma_start3A_262, %dma_start3A_263] : memref<10000x128xf32, #tpu.memory_space<hbm>> -> memref<10000x128xf32, #tpu.memory_space<hbm>>
      tpu.enqueue_indirect_dma source(%dma_start3A_264 : memref<10000x128xf32, #tpu.memory_space<hbm>>) target(%arg10 : memref<64x128xf32, #tpu.memory_space<vmem>>) offsets(%dma_start3A_261 : memref<64xi32, #tpu.memory_space<vmem>>) semaphore(%arg15 : memref<!tpu.dma_semaphore, #tpu.memory_space<semaphore_mem>>)
      %add3A_265 = arith.constant 3 : i32
      %add3A_266 = arith.addi %mul3A_132, %add3A_265 : i32
      %mul3A_267 = arith.constant 64 : i32
      %mul3A_268 = arith.muli %add3A_266, %mul3A_267 : i32
      %dma_wait3A_269 = tpu.memref_slice %arg7[%mul3A_268] : memref<20736xi32, #tpu.memory_space<vmem>> -> memref<64xi32, #tpu.memory_space<vmem>>
      %dma_wait3A_270 = arith.constant 0 : i32
      %dma_wait3A_271 = arith.constant 0 : i32
      %dma_wait3A_272 = tpu.memref_slice %arg12[%dma_wait3A_270, %dma_wait3A_271] : memref<5120x128xf32, #tpu.memory_space<vmem_shared>> -> memref<5120x128xf32, #tpu.memory_space<vmem_shared>>
      tpu.wait_indirect_dma semaphore(%arg20 : memref<!tpu.dma_semaphore, #tpu.memory_space<semaphore_mem>>) src(%arg11 : memref<64x128xf32, #tpu.memory_space<vmem>>) dst(%dma_wait3A_272 : memref<5120x128xf32, #tpu.memory_space<vmem_shared>>)
      %add3A_273 = arith.constant 4 : i32
      %add3A_274 = arith.addi %mul3A_132, %add3A_273 : i32
      %add3A_275 = arith.constant 3 : i32
      %add3A_276 = arith.addi %add3A_274, %add3A_275 : i32
      %mul3A_277 = arith.constant 4 : i32
      %mul3A_278 = arith.muli %mul3A_277, %select_n3A_100 : i32
      %lt3A_279 = arith.cmpi slt, %add3A_276, %mul3A_278 : i32
      %select_n3A_280 = arith.constant 0 : i32
      %select_n3A_281 = arith.select %lt3A_279, %add3A_276, %select_n3A_280 : i32
      %mul3A_282 = arith.constant 64 : i32
      %mul3A_283 = arith.muli %select_n3A_281, %mul3A_282 : i32
      %dma_start3A_284 = tpu.memref_slice %arg6[%mul3A_283] : memref<20736xi32, #tpu.memory_space<vmem>> -> memref<64xi32, #tpu.memory_space<vmem>>
      %dma_start3A_285 = arith.constant 0 : i32
      %dma_start3A_286 = arith.constant 0 : i32
      %dma_start3A_287 = tpu.memref_slice %arg2[%dma_start3A_285, %dma_start3A_286] : memref<10000x128xf32, #tpu.memory_space<hbm>> -> memref<10000x128xf32, #tpu.memory_space<hbm>>
      tpu.enqueue_indirect_dma source(%dma_start3A_287 : memref<10000x128xf32, #tpu.memory_space<hbm>>) target(%arg11 : memref<64x128xf32, #tpu.memory_space<vmem>>) offsets(%dma_start3A_284 : memref<64xi32, #tpu.memory_space<vmem>>) semaphore(%arg16 : memref<!tpu.dma_semaphore, #tpu.memory_space<semaphore_mem>>)
    }
    %while3A_109 = arith.constant 1 : i32
    scf.for %while3A_130 = %while3A_107 to %while3A_103 step %while3A_109  : i32 {
      %mul3A_131 = arith.constant 4 : i32
      %mul3A_132 = arith.muli %mul3A_131, %while3A_130 : i32
      %add3A_133 = arith.constant 0 : i32
      %add3A_134 = arith.addi %mul3A_132, %add3A_133 : i32
      %mul3A_135 = arith.constant 64 : i32
      %mul3A_136 = arith.muli %add3A_134, %mul3A_135 : i32
      %dma_wait3A_137 = tpu.memref_slice %arg6[%mul3A_136] : memref<20736xi32, #tpu.memory_space<vmem>> -> memref<64xi32, #tpu.memory_space<vmem>>
      %dma_wait3A_138 = arith.constant 0 : i32
      %dma_wait3A_139 = arith.constant 0 : i32
      %dma_wait3A_140 = tpu.memref_slice %arg2[%dma_wait3A_138, %dma_wait3A_139] : memref<10000x128xf32, #tpu.memory_space<hbm>> -> memref<10000x128xf32, #tpu.memory_space<hbm>>
      tpu.wait_indirect_dma semaphore(%arg13 : memref<!tpu.dma_semaphore, #tpu.memory_space<semaphore_mem>>) src(%dma_wait3A_140 : memref<10000x128xf32, #tpu.memory_space<hbm>>) dst(%arg8 : memref<64x128xf32, #tpu.memory_space<vmem>>)
      %add3A_141 = arith.constant 0 : i32
      %add3A_142 = arith.addi %mul3A_132, %add3A_141 : i32
      %mul3A_143 = arith.constant 64 : i32
      %mul3A_144 = arith.muli %add3A_142, %mul3A_143 : i32
      %dma_start3A_145 = tpu.memref_slice %arg7[%mul3A_144] : memref<20736xi32, #tpu.memory_space<vmem>> -> memref<64xi32, #tpu.memory_space<vmem>>
      %dma_start3A_146 = arith.constant 0 : i32
      %dma_start3A_147 = arith.constant 0 : i32
      %dma_start3A_148 = tpu.memref_slice %arg12[%dma_start3A_146, %dma_start3A_147] : memref<5120x128xf32, #tpu.memory_space<vmem_shared>> -> memref<5120x128xf32, #tpu.memory_space<vmem_shared>>
      tpu.enqueue_indirect_dma source(%arg8 : memref<64x128xf32, #tpu.memory_space<vmem>>) target(%dma_start3A_148 : memref<5120x128xf32, #tpu.memory_space<vmem_shared>>) offsets(%dma_start3A_145 : memref<64xi32, #tpu.memory_space<vmem>>) semaphore(%arg17 : memref<!tpu.dma_semaphore, #tpu.memory_space<semaphore_mem>>) {add = true}
      %add3A_149 = arith.constant 1 : i32
      %add3A_150 = arith.addi %mul3A_132, %add3A_149 : i32
      %mul3A_151 = arith.constant 64 : i32
      %mul3A_152 = arith.muli %add3A_150, %mul3A_151 : i32
      %dma_wait3A_153 = tpu.memref_slice %arg6[%mul3A_152] : memref<20736xi32, #tpu.memory_space<vmem>> -> memref<64xi32, #tpu.memory_space<vmem>>
      %dma_wait3A_154 = arith.constant 0 : i32
      %dma_wait3A_155 = arith.constant 0 : i32
      %dma_wait3A_156 = tpu.memref_slice %arg2[%dma_wait3A_154, %dma_wait3A_155] : memref<10000x128xf32, #tpu.memory_space<hbm>> -> memref<10000x128xf32, #tpu.memory_space<hbm>>
      tpu.wait_indirect_dma semaphore(%arg14 : memref<!tpu.dma_semaphore, #tpu.memory_space<semaphore_mem>>) src(%dma_wait3A_156 : memref<10000x128xf32, #tpu.memory_space<hbm>>) dst(%arg9 : memref<64x128xf32, #tpu.memory_space<vmem>>)
      %add3A_157 = arith.constant 1 : i32
      %add3A_158 = arith.addi %mul3A_132, %add3A_157 : i32
      %mul3A_159 = arith.constant 64 : i32
      %mul3A_160 = arith.muli %add3A_158, %mul3A_159 : i32
      %dma_start3A_161 = tpu.memref_slice %arg7[%mul3A_160] : memref<20736xi32, #tpu.memory_space<vmem>> -> memref<64xi32, #tpu.memory_space<vmem>>
      %dma_start3A_162 = arith.constant 0 : i32
      %dma_start3A_163 = arith.constant 0 : i32
      %dma_start3A_164 = tpu.memref_slice %arg12[%dma_start3A_162, %dma_start3A_163] : memref<5120x128xf32, #tpu.memory_space<vmem_shared>> -> memref<5120x128xf32, #tpu.memory_space<vmem_shared>>
      tpu.enqueue_indirect_dma source(%arg9 : memref<64x128xf32, #tpu.memory_space<vmem>>) target(%dma_start3A_164 : memref<5120x128xf32, #tpu.memory_space<vmem_shared>>) offsets(%dma_start3A_161 : memref<64xi32, #tpu.memory_space<vmem>>) semaphore(%arg18 : memref<!tpu.dma_semaphore, #tpu.memory_space<semaphore_mem>>) {add = true}
      %add3A_165 = arith.constant 2 : i32
      %add3A_166 = arith.addi %mul3A_132, %add3A_165 : i32
      %mul3A_167 = arith.constant 64 : i32
      %mul3A_168 = arith.muli %add3A_166, %mul3A_167 : i32
      %dma_wait3A_169 = tpu.memref_slice %arg6[%mul3A_168] : memref<20736xi32, #tpu.memory_space<vmem>> -> memref<64xi32, #tpu.memory_space<vmem>>
      %dma_wait3A_170 = arith.constant 0 : i32
      %dma_wait3A_171 = arith.constant 0 : i32
      %dma_wait3A_172 = tpu.memref_slice %arg2[%dma_wait3A_170, %dma_wait3A_171] : memref<10000x128xf32, #tpu.memory_space<hbm>> -> memref<10000x128xf32, #tpu.memory_space<hbm>>
      tpu.wait_indirect_dma semaphore(%arg15 : memref<!tpu.dma_semaphore, #tpu.memory_space<semaphore_mem>>) src(%dma_wait3A_172 : memref<10000x128xf32, #tpu.memory_space<hbm>>) dst(%arg10 : memref<64x128xf32, #tpu.memory_space<vmem>>)
      %add3A_173 = arith.constant 2 : i32
      %add3A_174 = arith.addi %mul3A_132, %add3A_173 : i32
      %mul3A_175 = arith.constant 64 : i32
      %mul3A_176 = arith.muli %add3A_174, %mul3A_175 : i32
      %dma_start3A_177 = tpu.memref_slice %arg7[%mul3A_176] : memref<20736xi32, #tpu.memory_space<vmem>> -> memref<64xi32, #tpu.memory_space<vmem>>
      %dma_start3A_178 = arith.constant 0 : i32
      %dma_start3A_179 = arith.constant 0 : i32
      %dma_start3A_180 = tpu.memref_slice %arg12[%dma_start3A_178, %dma_start3A_179] : memref<5120x128xf32, #tpu.memory_space<vmem_shared>> -> memref<5120x128xf32, #tpu.memory_space<vmem_shared>>
      tpu.enqueue_indirect_dma source(%arg10 : memref<64x128xf32, #tpu.memory_space<vmem>>) target(%dma_start3A_180 : memref<5120x128xf32, #tpu.memory_space<vmem_shared>>) offsets(%dma_start3A_177 : memref<64xi32, #tpu.memory_space<vmem>>) semaphore(%arg19 : memref<!tpu.dma_semaphore, #tpu.memory_space<semaphore_mem>>) {add = true}
      %add3A_181 = arith.constant 3 : i32
      %add3A_182 = arith.addi %mul3A_132, %add3A_181 : i32
      %mul3A_183 = arith.constant 64 : i32
      %mul3A_184 = arith.muli %add3A_182, %mul3A_183 : i32
      %dma_wait3A_185 = tpu.memref_slice %arg6[%mul3A_184] : memref<20736xi32, #tpu.memory_space<vmem>> -> memref<64xi32, #tpu.memory_space<vmem>>
      %dma_wait3A_186 = arith.constant 0 : i32
      %dma_wait3A_187 = arith.constant 0 : i32
      %dma_wait3A_188 = tpu.memref_slice %arg2[%dma_wait3A_186, %dma_wait3A_187] : memref<10000x128xf32, #tpu.memory_space<hbm>> -> memref<10000x128xf32, #tpu.memory_space<hbm>>
      tpu.wait_indirect_dma semaphore(%arg16 : memref<!tpu.dma_semaphore, #tpu.memory_space<semaphore_mem>>) src(%dma_wait3A_188 : memref<10000x128xf32, #tpu.memory_space<hbm>>) dst(%arg11 : memref<64x128xf32, #tpu.memory_space<vmem>>)
      %add3A_189 = arith.constant 3 : i32
      %add3A_190 = arith.addi %mul3A_132, %add3A_189 : i32
      %mul3A_191 = arith.constant 64 : i32
      %mul3A_192 = arith.muli %add3A_190, %mul3A_191 : i32
      %dma_start3A_193 = tpu.memref_slice %arg7[%mul3A_192] : memref<20736xi32, #tpu.memory_space<vmem>> -> memref<64xi32, #tpu.memory_space<vmem>>
      %dma_start3A_194 = arith.constant 0 : i32
      %dma_start3A_195 = arith.constant 0 : i32
      %dma_start3A_196 = tpu.memref_slice %arg12[%dma_start3A_194, %dma_start3A_195] : memref<5120x128xf32, #tpu.memory_space<vmem_shared>> -> memref<5120x128xf32, #tpu.memory_space<vmem_shared>>
      tpu.enqueue_indirect_dma source(%arg11 : memref<64x128xf32, #tpu.memory_space<vmem>>) target(%dma_start3A_196 : memref<5120x128xf32, #tpu.memory_space<vmem_shared>>) offsets(%dma_start3A_193 : memref<64xi32, #tpu.memory_space<vmem>>) semaphore(%arg20 : memref<!tpu.dma_semaphore, #tpu.memory_space<semaphore_mem>>) {add = true}
      %add3A_197 = arith.constant 0 : i32
      %add3A_198 = arith.addi %mul3A_132, %add3A_197 : i32
      %mul3A_199 = arith.constant 64 : i32
      %mul3A_200 = arith.muli %add3A_198, %mul3A_199 : i32
      %dma_wait3A_201 = tpu.memref_slice %arg7[%mul3A_200] : memref<20736xi32, #tpu.memory_space<vmem>> -> memref<64xi32, #tpu.memory_space<vmem>>
      %dma_wait3A_202 = arith.constant 0 : i32
      %dma_wait3A_203 = arith.constant 0 : i32
      %dma_wait3A_204 = tpu.memref_slice %arg12[%dma_wait3A_202, %dma_wait3A_203] : memref<5120x128xf32, #tpu.memory_space<vmem_shared>> -> memref<5120x128xf32, #tpu.memory_space<vmem_shared>>
      tpu.wait_indirect_dma semaphore(%arg17 : memref<!tpu.dma_semaphore, #tpu.memory_space<semaphore_mem>>) src(%arg8 : memref<64x128xf32, #tpu.memory_space<vmem>>) dst(%dma_wait3A_204 : memref<5120x128xf32, #tpu.memory_space<vmem_shared>>)
      %add3A_205 = arith.constant 4 : i32
      %add3A_206 = arith.addi %mul3A_132, %add3A_205 : i32
      %add3A_207 = arith.constant 0 : i32
      %add3A_208 = arith.addi %add3A_206, %add3A_207 : i32
      %mul3A_209 = arith.constant 4 : i32
      %mul3A_210 = arith.muli %mul3A_209, %select_n3A_100 : i32
      %lt3A = arith.cmpi slt, %add3A_208, %mul3A_210 : i32
      %select_n3A_211 = arith.constant 0 : i32
      %select_n3A_212 = arith.select %lt3A, %add3A_208, %select_n3A_211 : i32
      %mul3A_213 = arith.constant 64 : i32
      %mul3A_214 = arith.muli %select_n3A_212, %mul3A_213 : i32
      %dma_start3A_215 = tpu.memref_slice %arg6[%mul3A_214] : memref<20736xi32, #tpu.memory_space<vmem>> -> memref<64xi32, #tpu.memory_space<vmem>>
      %dma_start3A_216 = arith.constant 0 : i32
      %dma_start3A_217 = arith.constant 0 : i32
      %dma_start3A_218 = tpu.memref_slice %arg2[%dma_start3A_216, %dma_start3A_217] : memref<10000x128xf32, #tpu.memory_space<hbm>> -> memref<10000x128xf32, #tpu.memory_space<hbm>>
      tpu.enqueue_indirect_dma source(%dma_start3A_218 : memref<10000x128xf32, #tpu.memory_space<hbm>>) target(%arg8 : memref<64x128xf32, #tpu.memory_space<vmem>>) offsets(%dma_start3A_215 : memref<64xi32, #tpu.memory_space<vmem>>) semaphore(%arg13 : memref<!tpu.dma_semaphore, #tpu.memory_space<semaphore_mem>>)
      %add3A_219 = arith.constant 1 : i32
      %add3A_220 = arith.addi %mul3A_132, %add3A_219 : i32
      %mul3A_221 = arith.constant 64 : i32
      %mul3A_222 = arith.muli %add3A_220, %mul3A_221 : i32
      %dma_wait3A_223 = tpu.memref_slice %arg7[%mul3A_222] : memref<20736xi32, #tpu.memory_space<vmem>> -> memref<64xi32, #tpu.memory_space<vmem>>
      %dma_wait3A_224 = arith.constant 0 : i32
      %dma_wait3A_225 = arith.constant 0 : i32
      %dma_wait3A_226 = tpu.memref_slice %arg12[%dma_wait3A_224, %dma_wait3A_225] : memref<5120x128xf32, #tpu.memory_space<vmem_shared>> -> memref<5120x128xf32, #tpu.memory_space<vmem_shared>>
      tpu.wait_indirect_dma semaphore(%arg18 : memref<!tpu.dma_semaphore, #tpu.memory_space<semaphore_mem>>) src(%arg9 : memref<64x128xf32, #tpu.memory_space<vmem>>) dst(%dma_wait3A_226 : memref<5120x128xf32, #tpu.memory_space<vmem_shared>>)
      %add3A_227 = arith.constant 4 : i32
      %add3A_228 = arith.addi %mul3A_132, %add3A_227 : i32
      %add3A_229 = arith.constant 1 : i32
      %add3A_230 = arith.addi %add3A_228, %add3A_229 : i32
      %mul3A_231 = arith.constant 4 : i32
      %mul3A_232 = arith.muli %mul3A_231, %select_n3A_100 : i32
      %lt3A_233 = arith.cmpi slt, %add3A_230, %mul3A_232 : i32
      %select_n3A_234 = arith.constant 0 : i32
      %select_n3A_235 = arith.select %lt3A_233, %add3A_230, %select_n3A_234 : i32
      %mul3A_236 = arith.constant 64 : i32
      %mul3A_237 = arith.muli %select_n3A_235, %mul3A_236 : i32
      %dma_start3A_238 = tpu.memref_slice %arg6[%mul3A_237] : memref<20736xi32, #tpu.memory_space<vmem>> -> memref<64xi32, #tpu.memory_space<vmem>>
      %dma_start3A_239 = arith.constant 0 : i32
      %dma_start3A_240 = arith.constant 0 : i32
      %dma_start3A_241 = tpu.memref_slice %arg2[%dma_start3A_239, %dma_start3A_240] : memref<10000x128xf32, #tpu.memory_space<hbm>> -> memref<10000x128xf32, #tpu.memory_space<hbm>>
      tpu.enqueue_indirect_dma source(%dma_start3A_241 : memref<10000x128xf32, #tpu.memory_space<hbm>>) target(%arg9 : memref<64x128xf32, #tpu.memory_space<vmem>>) offsets(%dma_start3A_238 : memref<64xi32, #tpu.memory_space<vmem>>) semaphore(%arg14 : memref<!tpu.dma_semaphore, #tpu.memory_space<semaphore_mem>>)
      %add3A_242 = arith.constant 2 : i32
      %add3A_243 = arith.addi %mul3A_132, %add3A_242 : i32
      %mul3A_244 = arith.constant 64 : i32
      %mul3A_245 = arith.muli %add3A_243, %mul3A_244 : i32
      %dma_wait3A_246 = tpu.memref_slice %arg7[%mul3A_245] : memref<20736xi32, #tpu.memory_space<vmem>> -> memref<64xi32, #tpu.memory_space<vmem>>
      %dma_wait3A_247 = arith.constant 0 : i32
      %dma_wait3A_248 = arith.constant 0 : i32
      %dma_wait3A_249 = tpu.memref_slice %arg12[%dma_wait3A_247, %dma_wait3A_248] : memref<5120x128xf32, #tpu.memory_space<vmem_shared>> -> memref<5120x128xf32, #tpu.memory_space<vmem_shared>>
      tpu.wait_indirect_dma semaphore(%arg19 : memref<!tpu.dma_semaphore, #tpu.memory_space<semaphore_mem>>) src(%arg10 : memref<64x128xf32, #tpu.memory_space<vmem>>) dst(%dma_wait3A_249 : memref<5120x128xf32, #tpu.memory_space<vmem_shared>>)
      %add3A_250 = arith.constant 4 : i32
      %add3A_251 = arith.addi %mul3A_132, %add3A_250 : i32
      %add3A_252 = arith.constant 2 : i32
      %add3A_253 = arith.addi %add3A_251, %add3A_252 : i32
      %mul3A_254 = arith.constant 4 : i32
      %mul3A_255 = arith.muli %mul3A_254, %select_n3A_100 : i32
      %lt3A_256 = arith.cmpi slt, %add3A_253, %mul3A_255 : i32
      %select_n3A_257 = arith.constant 0 : i32
      %select_n3A_258 = arith.select %lt3A_256, %add3A_253, %select_n3A_257 : i32
      %mul3A_259 = arith.constant 64 : i32
      %mul3A_260 = arith.muli %select_n3A_258, %mul3A_259 : i32
      %dma_start3A_261 = tpu.memref_slice %arg6[%mul3A_260] : memref<20736xi32, #tpu.memory_space<vmem>> -> memref<64xi32, #tpu.memory_space<vmem>>
      %dma_start3A_262 = arith.constant 0 : i32
      %dma_start3A_263 = arith.constant 0 : i32
      %dma_start3A_264 = tpu.memref_slice %arg2[%dma_start3A_262, %dma_start3A_263] : memref<10000x128xf32, #tpu.memory_space<hbm>> -> memref<10000x128xf32, #tpu.memory_space<hbm>>
      tpu.enqueue_indirect_dma source(%dma_start3A_264 : memref<10000x128xf32, #tpu.memory_space<hbm>>) target(%arg10 : memref<64x128xf32, #tpu.memory_space<vmem>>) offsets(%dma_start3A_261 : memref<64xi32, #tpu.memory_space<vmem>>) semaphore(%arg15 : memref<!tpu.dma_semaphore, #tpu.memory_space<semaphore_mem>>)
      %add3A_265 = arith.constant 3 : i32
      %add3A_266 = arith.addi %mul3A_132, %add3A_265 : i32
      %mul3A_267 = arith.constant 64 : i32
      %mul3A_268 = arith.muli %add3A_266, %mul3A_267 : i32
      %dma_wait3A_269 = tpu.memref_slice %arg7[%mul3A_268] : memref<20736xi32, #tpu.memory_space<vmem>> -> memref<64xi32, #tpu.memory_space<vmem>>
      %dma_wait3A_270 = arith.constant 0 : i32
      %dma_wait3A_271 = arith.constant 0 : i32
      %dma_wait3A_272 = tpu.memref_slice %arg12[%dma_wait3A_270, %dma_wait3A_271] : memref<5120x128xf32, #tpu.memory_space<vmem_shared>> -> memref<5120x128xf32, #tpu.memory_space<vmem_shared>>
      tpu.wait_indirect_dma semaphore(%arg20 : memref<!tpu.dma_semaphore, #tpu.memory_space<semaphore_mem>>) src(%arg11 : memref<64x128xf32, #tpu.memory_space<vmem>>) dst(%dma_wait3A_272 : memref<5120x128xf32, #tpu.memory_space<vmem_shared>>)
      %add3A_273 = arith.constant 4 : i32
      %add3A_274 = arith.addi %mul3A_132, %add3A_273 : i32
      %add3A_275 = arith.constant 3 : i32
      %add3A_276 = arith.addi %add3A_274, %add3A_275 : i32
      %mul3A_277 = arith.constant 4 : i32
      %mul3A_278 = arith.muli %mul3A_277, %select_n3A_100 : i32
      %lt3A_279 = arith.cmpi slt, %add3A_276, %mul3A_278 : i32
      %select_n3A_280 = arith.constant 0 : i32
      %select_n3A_281 = arith.select %lt3A_279, %add3A_276, %select_n3A_280 : i32
      %mul3A_282 = arith.constant 64 : i32
      %mul3A_283 = arith.muli %select_n3A_281, %mul3A_282 : i32
      %dma_start3A_284 = tpu.memref_slice %arg6[%mul3A_283] : memref<20736xi32, #tpu.memory_space<vmem>> -> memref<64xi32, #tpu.memory_space<vmem>>
      %dma_start3A_285 = arith.constant 0 : i32
      %dma_start3A_286 = arith.constant 0 : i32
      %dma_start3A_287 = tpu.memref_slice %arg2[%dma_start3A_285, %dma_start3A_286] : memref<10000x128xf32, #tpu.memory_space<hbm>> -> memref<10000x128xf32, #tpu.memory_space<hbm>>
      tpu.enqueue_indirect_dma source(%dma_start3A_287 : memref<10000x128xf32, #tpu.memory_space<hbm>>) target(%arg11 : memref<64x128xf32, #tpu.memory_space<vmem>>) offsets(%dma_start3A_284 : memref<64xi32, #tpu.memory_space<vmem>>) semaphore(%arg16 : memref<!tpu.dma_semaphore, #tpu.memory_space<semaphore_mem>>)
    }
    %dma_wait3A = arith.constant 0 : i32
    %dma_wait3A_110 = tpu.memref_slice %arg6[%dma_wait3A] : memref<20736xi32, #tpu.memory_space<vmem>> -> memref<64xi32, #tpu.memory_space<vmem>>
    %dma_wait3A_111 = arith.constant 0 : i32
    %dma_wait3A_112 = arith.constant 0 : i32
    %dma_wait3A_113 = tpu.memref_slice %arg2[%dma_wait3A_111, %dma_wait3A_112] : memref<10000x128xf32, #tpu.memory_space<hbm>> -> memref<10000x128xf32, #tpu.memory_space<hbm>>
    tpu.wait_indirect_dma semaphore(%arg13 : memref<!tpu.dma_semaphore, #tpu.memory_space<semaphore_mem>>) src(%dma_wait3A_113 : memref<10000x128xf32, #tpu.memory_space<hbm>>) dst(%arg8 : memref<64x128xf32, #tpu.memory_space<vmem>>)
    %dma_wait3A_114 = arith.constant 0 : i32
    %dma_wait3A_115 = tpu.memref_slice %arg6[%dma_wait3A_114] : memref<20736xi32, #tpu.memory_space<vmem>> -> memref<64xi32, #tpu.memory_space<vmem>>
    %dma_wait3A_116 = arith.constant 0 : i32
    %dma_wait3A_117 = arith.constant 0 : i32
    %dma_wait3A_118 = tpu.memref_slice %arg2[%dma_wait3A_116, %dma_wait3A_117] : memref<10000x128xf32, #tpu.memory_space<hbm>> -> memref<10000x128xf32, #tpu.memory_space<hbm>>
    tpu.wait_indirect_dma semaphore(%arg14 : memref<!tpu.dma_semaphore, #tpu.memory_space<semaphore_mem>>) src(%dma_wait3A_118 : memref<10000x128xf32, #tpu.memory_space<hbm>>) dst(%arg9 : memref<64x128xf32, #tpu.memory_space<vmem>>)
    %dma_wait3A_119 = arith.constant 0 : i32
    %dma_wait3A_120 = tpu.memref_slice %arg6[%dma_wait3A_119] : memref<20736xi32, #tpu.memory_space<vmem>> -> memref<64xi32, #tpu.memory_space<vmem>>
    %dma_wait3A_121 = arith.constant 0 : i32
    %dma_wait3A_122 = arith.constant 0 : i32
    %dma_wait3A_123 = tpu.memref_slice %arg2[%dma_wait3A_121, %dma_wait3A_122] : memref<10000x128xf32, #tpu.memory_space<hbm>> -> memref<10000x128xf32, #tpu.memory_space<hbm>>
    tpu.wait_indirect_dma semaphore(%arg15 : memref<!tpu.dma_semaphore, #tpu.memory_space<semaphore_mem>>) src(%dma_wait3A_123 : memref<10000x128xf32, #tpu.memory_space<hbm>>) dst(%arg10 : memref<64x128xf32, #tpu.memory_space<vmem>>)
    %dma_wait3A_124 = arith.constant 0 : i32
    %dma_wait3A_125 = tpu.memref_slice %arg6[%dma_wait3A_124] : memref<20736xi32, #tpu.memory_space<vmem>> -> memref<64xi32, #tpu.memory_space<vmem>>
    %dma_wait3A_126 = arith.constant 0 : i32
    %dma_wait3A_127 = arith.constant 0 : i32
    %dma_wait3A_128 = tpu.memref_slice %arg2[%dma_wait3A_126, %dma_wait3A_127] : memref<10000x128xf32, #tpu.memory_space<hbm>> -> memref<10000x128xf32, #tpu.memory_space<hbm>>
    tpu.wait_indirect_dma semaphore(%arg16 : memref<!tpu.dma_semaphore, #tpu.memory_space<semaphore_mem>>) src(%dma_wait3A_128 : memref<10000x128xf32, #tpu.memory_space<hbm>>) dst(%arg11 : memref<64x128xf32, #tpu.memory_space<vmem>>)
    %barrier3A_129 = arith.constant 0 : index
    tpu.barrier barrier_id(%barrier3A_129)
    "tpu.region"() ({
      %run_scoped3A = tpu.sem_alloc : memref<!tpu.dma_semaphore, #tpu.memory_space<semaphore_mem>>
      %dma_start3A_130 = arith.constant 0 : i32
      %dma_start3A_131 = tpu.memref_slice %arg5[%arg0, %mul3A_43, %dma_start3A_130] : memref<2x5120x128xf32, #tpu.memory_space<hbm>> -> memref<1x320x128xf32, #tpu.memory_space<hbm>>
      %dma_start3A_132 = tpu.memref_squeeze %dma_start3A_131 : memref<1x320x128xf32, #tpu.memory_space<hbm>> -> memref<320x128xf32, #tpu.memory_space<hbm>>
      %dma_start3A_133 = arith.constant 0 : i32
      %dma_start3A_134 = tpu.memref_slice %arg12[%mul3A_43, %dma_start3A_133] : memref<5120x128xf32, #tpu.memory_space<vmem_shared>> -> memref<320x128xf32, #tpu.memory_space<vmem_shared>>
      tpu.enqueue_dma source(%dma_start3A_134 : memref<320x128xf32, #tpu.memory_space<vmem_shared>>) target(%dma_start3A_132 : memref<320x128xf32, #tpu.memory_space<hbm>>) target_semaphore(%run_scoped3A : memref<!tpu.dma_semaphore, #tpu.memory_space<semaphore_mem>>)
      %dma_wait3A_135 = arith.constant 0 : i32
      %dma_wait3A_136 = tpu.memref_slice %arg5[%arg0, %mul3A_43, %dma_wait3A_135] : memref<2x5120x128xf32, #tpu.memory_space<hbm>> -> memref<1x320x128xf32, #tpu.memory_space<hbm>>
      %dma_wait3A_137 = tpu.memref_squeeze %dma_wait3A_136 : memref<1x320x128xf32, #tpu.memory_space<hbm>> -> memref<320x128xf32, #tpu.memory_space<hbm>>
      %dma_wait3A_138 = arith.constant 0 : i32
      %dma_wait3A_139 = tpu.memref_slice %arg12[%mul3A_43, %dma_wait3A_138] : memref<5120x128xf32, #tpu.memory_space<vmem_shared>> -> memref<320x128xf32, #tpu.memory_space<vmem_shared>>
      tpu.wait_dma2 semaphore(%run_scoped3A : memref<!tpu.dma_semaphore, #tpu.memory_space<semaphore_mem>>) src(%dma_wait3A_139 : memref<320x128xf32, #tpu.memory_space<vmem_shared>>) dst(%dma_wait3A_137 : memref<320x128xf32, #tpu.memory_space<hbm>>)
      tpu.yield
    }) : () -> ()
    return
  }
}

module attributes {stable_mosaic.version = 14 : i64} {
  func.func @body(%arg0: i32, %arg1: memref<1x1000x1xf32, #tpu.memory_space<vmem>>, %arg2: memref<1000x128xf32, #tpu.memory_space<vmem>>, %arg3: memref<128x128xf32, #tpu.memory_space<vmem>>, %arg4: memref<1000x128xf32, #tpu.memory_space<vmem>>, %arg5: memref<1000x1xf32, #tpu.memory_space<vmem>>) attributes {dimension_semantics = [#tpu.dimension_semantics<arbitrary>], iteration_bounds = array<i64: 10>, scalar_prefetch = 0 : i64, scratch_operands = 0 : i64, tpu.core_type = #tpu.core_type<tc>, window_params = [{transform_indices = @transform_0, window_bounds = array<i64: 1, 1000, 1>}, {transform_indices = @transform_1, window_bounds = array<i64: 1000, 128>}, {pipeline_mode = #tpu.pipeline_mode<synchronous>, transform_indices = @transform_2, window_bounds = array<i64: 128, 128>}, {transform_indices = @transform_3, window_bounds = array<i64: 1000, 128>}, {transform_indices = @transform_4, window_bounds = array<i64: 1000, 1>}]} {
    %get3A = arith.constant 0 : index
    %get3A_0 = arith.constant 0 : index
    %get3A_1 = arith.constant 0 : index
    %get3A_2 = vector.load %arg1[%get3A, %get3A_0, %get3A_1] : memref<1x1000x1xf32, #tpu.memory_space<vmem>>, vector<1x1000x1xf32>
    %get3A_3 = vector.shape_cast %get3A_2 : vector<1x1000x1xf32> to vector<1000x1xf32>
    %add3A = arith.constant 1.000000e+00 : f32
    %add3A_4 = vector.broadcast %add3A : f32 to vector<1000x1xf32>
    %add3A_5 = arith.addf %get3A_3, %add3A_4 : vector<1000x1xf32>
    %rsqrt3A = math.rsqrt %add3A_5 : vector<1000x1xf32>
    %get3A_6 = arith.constant 0 : index
    %get3A_7 = arith.constant 0 : index
    %get3A_8 = vector.load %arg2[%get3A_6, %get3A_7] : memref<1000x128xf32, #tpu.memory_space<vmem>>, vector<1000x128xf32>
    %mul3A = vector.broadcast %rsqrt3A : vector<1000x1xf32> to vector<1000x128xf32>
    %mul3A_9 = arith.mulf %get3A_8, %mul3A : vector<1000x128xf32>
    %get3A_10 = arith.constant 0 : index
    %get3A_11 = arith.constant 0 : index
    %get3A_12 = vector.load %arg3[%get3A_10, %get3A_11] : memref<128x128xf32, #tpu.memory_space<vmem>>, vector<128x128xf32>
    %dot_general3A = arith.constant dense<0.000000e+00> : vector<1000x128xf32>
    %dot_general3A_13 = tpu.matmul %mul3A_9, %get3A_12, %dot_general3A {dimension_numbers = #tpu.dot_dimension_numbers<[1], [0], [0], [1], [0, 0, 1, 1], [], []>, transpose_lhs_hint = false} : vector<1000x128xf32>, vector<128x128xf32>, vector<1000x128xf32> -> vector<1000x128xf32>
    %swap3A = arith.constant 0 : index
    %swap3A_14 = arith.constant 0 : index
    %swap3A_15 = vector.load %arg4[%swap3A, %swap3A_14] : memref<1000x128xf32, #tpu.memory_space<vmem>>, vector<1000x128xf32>
    tpu.vector_store %arg4[%swap3A, %swap3A_14], %dot_general3A_13 {strides = array<i32>} : memref<1000x128xf32, #tpu.memory_space<vmem>>, vector<1000x128xf32>,
    %swap3A_16 = arith.constant 0 : index
    %swap3A_17 = arith.constant 0 : index
    %swap3A_18 = vector.load %arg5[%swap3A_16, %swap3A_17] : memref<1000x1xf32, #tpu.memory_space<vmem>>, vector<1000x1xf32>
    tpu.vector_store %arg5[%swap3A_16, %swap3A_17], %rsqrt3A {strides = array<i32>} : memref<1000x1xf32, #tpu.memory_space<vmem>>, vector<1000x1xf32>,
    return
  }
  func.func @transform_0(%arg0: i32) -> (i32, i32, i32) {
    %jit3A = arith.constant 5 : i32
    %div3A = arith.divsi %arg0, %jit3A : i32
    %sign3A = arith.constant 0 : i32
    %sign3A_0 = arith.cmpi sgt, %arg0, %sign3A : i32
    %sign3A_1 = arith.extui %sign3A_0 : i1 to i32
    %sign3A_2 = arith.constant 0 : i32
    %sign3A_3 = arith.cmpi slt, %arg0, %sign3A_2 : i32
    %sign3A_4 = arith.extui %sign3A_3 : i1 to i32
    %sign3A_5 = arith.subi %sign3A_1, %sign3A_4 : i32
    %sign3A_6 = arith.constant 0 : i32
    %sign3A_7 = arith.cmpi sgt, %jit3A, %sign3A_6 : i32
    %sign3A_8 = arith.extui %sign3A_7 : i1 to i32
    %sign3A_9 = arith.constant 0 : i32
    %sign3A_10 = arith.cmpi slt, %jit3A, %sign3A_9 : i32
    %sign3A_11 = arith.extui %sign3A_10 : i1 to i32
    %sign3A_12 = arith.subi %sign3A_8, %sign3A_11 : i32
    %ne3A = arith.cmpi ne, %sign3A_5, %sign3A_12 : i32
    %rem3A = arith.remsi %arg0, %jit3A : i32
    %ne3A_13 = arith.constant 0 : i32
    %ne3A_14 = arith.cmpi ne, %rem3A, %ne3A_13 : i32
    %and3A = arith.andi %ne3A, %ne3A_14 : i1
    %sub3A = arith.constant 1 : i32
    %sub3A_15 = arith.subi %div3A, %sub3A : i32
    %select_n3A = arith.select %and3A, %sub3A_15, %div3A : i32
    %jit3A_16 = arith.constant 5 : i32
    %eq3A = arith.constant 0 : i32
    %eq3A_17 = arith.cmpi eq, %jit3A_16, %eq3A : i32
    %jit3A_18 = arith.constant 1 : i32
    %select_n3A_19 = arith.select %eq3A_17, %jit3A_18, %jit3A_16 : i32
    %rem3A_20 = arith.remsi %arg0, %select_n3A_19 : i32
    %ne3A_21 = arith.constant 0 : i32
    %ne3A_22 = arith.cmpi ne, %rem3A_20, %ne3A_21 : i32
    %lt3A = arith.constant 0 : i32
    %lt3A_23 = arith.cmpi slt, %rem3A_20, %lt3A : i32
    %lt3A_24 = arith.constant 0 : i32
    %lt3A_25 = arith.cmpi slt, %select_n3A_19, %lt3A_24 : i32
    %ne3A_26 = arith.xori %lt3A_23, %lt3A_25 : i1
    %and3A_27 = arith.andi %ne3A_26, %ne3A_22 : i1
    %add3A = arith.addi %rem3A_20, %select_n3A_19 : i32
    %select_n3A_28 = arith.select %and3A_27, %add3A, %rem3A_20 : i32
    %c0_i32 = arith.constant 0 : i32
    %c0_i32_29 = arith.constant 0 : i32
    return %select_n3A, %select_n3A_28, %c0_i32 : i32, i32, i32
  }
  func.func @transform_1(%arg0: i32) -> (i32, i32) {
    %c0_i32 = arith.constant 0 : i32
    %c0_i32_0 = arith.constant 0 : i32
    return %arg0, %c0_i32 : i32, i32
  }
  func.func @transform_2(%arg0: i32) -> (i32, i32) {
    %c0_i32 = arith.constant 0 : i32
    %c0_i32_0 = arith.constant 0 : i32
    %c0_i32_1 = arith.constant 0 : i32
    return %c0_i32, %c0_i32_0 : i32, i32
  }
  func.func @transform_3(%arg0: i32) -> (i32, i32) {
    %c0_i32 = arith.constant 0 : i32
    %c0_i32_0 = arith.constant 0 : i32
    return %arg0, %c0_i32 : i32, i32
  }
  func.func @transform_4(%arg0: i32) -> (i32, i32) {
    %c0_i32 = arith.constant 0 : i32
    %c0_i32_0 = arith.constant 0 : i32
    return %arg0, %c0_i32 : i32, i32
  }
}

module attributes {stable_mosaic.version = 14 : i64} {
  func.func @body(%arg0: i32, %arg1: memref<1x1000x128xf32, #tpu.memory_space<vmem>>, %arg2: memref<1000x128xf32, #tpu.memory_space<vmem>>, %arg3: memref<1000x1xf32, #tpu.memory_space<vmem>>, %arg4: memref<1x128xf32, #tpu.memory_space<vmem>>, %arg5: memref<128x128xf32, #tpu.memory_space<vmem>>, %arg6: memref<1000x128xf32, #tpu.memory_space<vmem>>) attributes {dimension_semantics = [#tpu.dimension_semantics<arbitrary>], iteration_bounds = array<i64: 10>, scalar_prefetch = 0 : i64, scratch_operands = 0 : i64, tpu.core_type = #tpu.core_type<tc>, window_params = [{transform_indices = @transform_0, window_bounds = array<i64: 1, 1000, 128>}, {transform_indices = @transform_1, window_bounds = array<i64: 1000, 128>}, {transform_indices = @transform_2, window_bounds = array<i64: 1000, 1>}, {pipeline_mode = #tpu.pipeline_mode<synchronous>, transform_indices = @transform_3, window_bounds = array<i64: 1, 128>}, {pipeline_mode = #tpu.pipeline_mode<synchronous>, transform_indices = @transform_4, window_bounds = array<i64: 128, 128>}, {transform_indices = @transform_5, window_bounds = array<i64: 1000, 128>}]} {
    %get3A = arith.constant 0 : index
    %get3A_0 = arith.constant 0 : index
    %get3A_1 = arith.constant 0 : index
    %get3A_2 = vector.load %arg1[%get3A, %get3A_0, %get3A_1] : memref<1x1000x128xf32, #tpu.memory_space<vmem>>, vector<1x1000x128xf32>
    %get3A_3 = vector.shape_cast %get3A_2 : vector<1x1000x128xf32> to vector<1000x128xf32>
    %get3A_4 = arith.constant 0 : index
    %get3A_5 = arith.constant 0 : index
    %get3A_6 = vector.load %arg2[%get3A_4, %get3A_5] : memref<1000x128xf32, #tpu.memory_space<vmem>>, vector<1000x128xf32>
    %add3A = arith.addf %get3A_3, %get3A_6 : vector<1000x128xf32>
    %get3A_7 = arith.constant 0 : index
    %get3A_8 = arith.constant 0 : index
    %get3A_9 = vector.load %arg3[%get3A_7, %get3A_8] : memref<1000x1xf32, #tpu.memory_space<vmem>>, vector<1000x1xf32>
    %mul3A = vector.broadcast %get3A_9 : vector<1000x1xf32> to vector<1000x128xf32>
    %mul3A_10 = arith.mulf %mul3A, %add3A : vector<1000x128xf32>
    %get3A_11 = arith.constant 0 : index
    %get3A_12 = arith.constant 0 : index
    %get3A_13 = vector.load %arg4[%get3A_11, %get3A_12] : memref<1x128xf32, #tpu.memory_space<vmem>>, vector<1x128xf32>
    %add3A_14 = vector.broadcast %get3A_13 : vector<1x128xf32> to vector<1000x128xf32>
    %add3A_15 = arith.addf %mul3A_10, %add3A_14 : vector<1000x128xf32>
    %tanh3A = math.tanh %add3A_15 : vector<1000x128xf32>
    %get3A_16 = arith.constant 0 : index
    %get3A_17 = arith.constant 0 : index
    %get3A_18 = vector.load %arg3[%get3A_16, %get3A_17] : memref<1000x1xf32, #tpu.memory_space<vmem>>, vector<1000x1xf32>
    %mul3A_19 = vector.broadcast %get3A_18 : vector<1000x1xf32> to vector<1000x128xf32>
    %mul3A_20 = arith.mulf %mul3A_19, %tanh3A : vector<1000x128xf32>
    %get3A_21 = arith.constant 0 : index
    %get3A_22 = arith.constant 0 : index
    %get3A_23 = vector.load %arg5[%get3A_21, %get3A_22] : memref<128x128xf32, #tpu.memory_space<vmem>>, vector<128x128xf32>
    %dot_general3A = arith.constant dense<0.000000e+00> : vector<1000x128xf32>
    %dot_general3A_24 = tpu.matmul %mul3A_20, %get3A_23, %dot_general3A {dimension_numbers = #tpu.dot_dimension_numbers<[1], [0], [0], [1], [0, 0, 1, 1], [], []>, transpose_lhs_hint = false} : vector<1000x128xf32>, vector<128x128xf32>, vector<1000x128xf32> -> vector<1000x128xf32>
    %swap3A = arith.constant 0 : index
    %swap3A_25 = arith.constant 0 : index
    %swap3A_26 = vector.load %arg6[%swap3A, %swap3A_25] : memref<1000x128xf32, #tpu.memory_space<vmem>>, vector<1000x128xf32>
    tpu.vector_store %arg6[%swap3A, %swap3A_25], %dot_general3A_24 {strides = array<i32>} : memref<1000x128xf32, #tpu.memory_space<vmem>>, vector<1000x128xf32>,
    return
  }
  func.func @transform_0(%arg0: i32) -> (i32, i32, i32) {
    %jit3A = arith.constant 5 : i32
    %div3A = arith.divsi %arg0, %jit3A : i32
    %sign3A = arith.constant 0 : i32
    %sign3A_0 = arith.cmpi sgt, %arg0, %sign3A : i32
    %sign3A_1 = arith.extui %sign3A_0 : i1 to i32
    %sign3A_2 = arith.constant 0 : i32
    %sign3A_3 = arith.cmpi slt, %arg0, %sign3A_2 : i32
    %sign3A_4 = arith.extui %sign3A_3 : i1 to i32
    %sign3A_5 = arith.subi %sign3A_1, %sign3A_4 : i32
    %sign3A_6 = arith.constant 0 : i32
    %sign3A_7 = arith.cmpi sgt, %jit3A, %sign3A_6 : i32
    %sign3A_8 = arith.extui %sign3A_7 : i1 to i32
    %sign3A_9 = arith.constant 0 : i32
    %sign3A_10 = arith.cmpi slt, %jit3A, %sign3A_9 : i32
    %sign3A_11 = arith.extui %sign3A_10 : i1 to i32
    %sign3A_12 = arith.subi %sign3A_8, %sign3A_11 : i32
    %ne3A = arith.cmpi ne, %sign3A_5, %sign3A_12 : i32
    %rem3A = arith.remsi %arg0, %jit3A : i32
    %ne3A_13 = arith.constant 0 : i32
    %ne3A_14 = arith.cmpi ne, %rem3A, %ne3A_13 : i32
    %and3A = arith.andi %ne3A, %ne3A_14 : i1
    %sub3A = arith.constant 1 : i32
    %sub3A_15 = arith.subi %div3A, %sub3A : i32
    %select_n3A = arith.select %and3A, %sub3A_15, %div3A : i32
    %jit3A_16 = arith.constant 5 : i32
    %eq3A = arith.constant 0 : i32
    %eq3A_17 = arith.cmpi eq, %jit3A_16, %eq3A : i32
    %jit3A_18 = arith.constant 1 : i32
    %select_n3A_19 = arith.select %eq3A_17, %jit3A_18, %jit3A_16 : i32
    %rem3A_20 = arith.remsi %arg0, %select_n3A_19 : i32
    %ne3A_21 = arith.constant 0 : i32
    %ne3A_22 = arith.cmpi ne, %rem3A_20, %ne3A_21 : i32
    %lt3A = arith.constant 0 : i32
    %lt3A_23 = arith.cmpi slt, %rem3A_20, %lt3A : i32
    %lt3A_24 = arith.constant 0 : i32
    %lt3A_25 = arith.cmpi slt, %select_n3A_19, %lt3A_24 : i32
    %ne3A_26 = arith.xori %lt3A_23, %lt3A_25 : i1
    %and3A_27 = arith.andi %ne3A_26, %ne3A_22 : i1
    %add3A = arith.addi %rem3A_20, %select_n3A_19 : i32
    %select_n3A_28 = arith.select %and3A_27, %add3A, %rem3A_20 : i32
    %c0_i32 = arith.constant 0 : i32
    %c0_i32_29 = arith.constant 0 : i32
    return %select_n3A, %select_n3A_28, %c0_i32 : i32, i32, i32
  }
  func.func @transform_1(%arg0: i32) -> (i32, i32) {
    %c0_i32 = arith.constant 0 : i32
    %c0_i32_0 = arith.constant 0 : i32
    return %arg0, %c0_i32 : i32, i32
  }
  func.func @transform_2(%arg0: i32) -> (i32, i32) {
    %c0_i32 = arith.constant 0 : i32
    %c0_i32_0 = arith.constant 0 : i32
    return %arg0, %c0_i32 : i32, i32
  }
  func.func @transform_3(%arg0: i32) -> (i32, i32) {
    %c0_i32 = arith.constant 0 : i32
    %c0_i32_0 = arith.constant 0 : i32
    %c0_i32_1 = arith.constant 0 : i32
    return %c0_i32, %c0_i32_0 : i32, i32
  }
  func.func @transform_4(%arg0: i32) -> (i32, i32) {
    %c0_i32 = arith.constant 0 : i32
    %c0_i32_0 = arith.constant 0 : i32
    %c0_i32_1 = arith.constant 0 : i32
    return %c0_i32, %c0_i32_0 : i32, i32
  }
  func.func @transform_5(%arg0: i32) -> (i32, i32) {
    %c0_i32 = arith.constant 0 : i32
    %c0_i32_0 = arith.constant 0 : i32
    return %arg0, %c0_i32 : i32, i32
  }
}

module attributes {stable_mosaic.version = 14 : i64} {
  func.func @body(%arg0: i32, %arg1: memref<1x1000x128xf32, #tpu.memory_space<vmem>>, %arg2: memref<1000x128xf32, #tpu.memory_space<vmem>>, %arg3: memref<1000x1xf32, #tpu.memory_space<vmem>>, %arg4: memref<1x128xf32, #tpu.memory_space<vmem>>, %arg5: memref<1000x128xf32, #tpu.memory_space<vmem>>) attributes {dimension_semantics = [#tpu.dimension_semantics<arbitrary>], iteration_bounds = array<i64: 10>, scalar_prefetch = 0 : i64, scratch_operands = 0 : i64, tpu.core_type = #tpu.core_type<tc>, window_params = [{transform_indices = @transform_0, window_bounds = array<i64: 1, 1000, 128>}, {transform_indices = @transform_1, window_bounds = array<i64: 1000, 128>}, {transform_indices = @transform_2, window_bounds = array<i64: 1000, 1>}, {pipeline_mode = #tpu.pipeline_mode<synchronous>, transform_indices = @transform_3, window_bounds = array<i64: 1, 128>}, {transform_indices = @transform_4, window_bounds = array<i64: 1000, 128>}]} {
    %get3A = arith.constant 0 : index
    %get3A_0 = arith.constant 0 : index
    %get3A_1 = arith.constant 0 : index
    %get3A_2 = vector.load %arg1[%get3A, %get3A_0, %get3A_1] : memref<1x1000x128xf32, #tpu.memory_space<vmem>>, vector<1x1000x128xf32>
    %get3A_3 = vector.shape_cast %get3A_2 : vector<1x1000x128xf32> to vector<1000x128xf32>
    %get3A_4 = arith.constant 0 : index
    %get3A_5 = arith.constant 0 : index
    %get3A_6 = vector.load %arg2[%get3A_4, %get3A_5] : memref<1000x128xf32, #tpu.memory_space<vmem>>, vector<1000x128xf32>
    %add3A = arith.addf %get3A_3, %get3A_6 : vector<1000x128xf32>
    %get3A_7 = arith.constant 0 : index
    %get3A_8 = arith.constant 0 : index
    %get3A_9 = vector.load %arg3[%get3A_7, %get3A_8] : memref<1000x1xf32, #tpu.memory_space<vmem>>, vector<1000x1xf32>
    %mul3A = vector.broadcast %get3A_9 : vector<1000x1xf32> to vector<1000x128xf32>
    %mul3A_10 = arith.mulf %mul3A, %add3A : vector<1000x128xf32>
    %get3A_11 = arith.constant 0 : index
    %get3A_12 = arith.constant 0 : index
    %get3A_13 = vector.load %arg4[%get3A_11, %get3A_12] : memref<1x128xf32, #tpu.memory_space<vmem>>, vector<1x128xf32>
    %add3A_14 = vector.broadcast %get3A_13 : vector<1x128xf32> to vector<1000x128xf32>
    %add3A_15 = arith.addf %mul3A_10, %add3A_14 : vector<1000x128xf32>
    %tanh3A = math.tanh %add3A_15 : vector<1000x128xf32>
    %get3A_16 = arith.constant 0 : index
    %get3A_17 = arith.constant 0 : index
    %get3A_18 = vector.load %arg3[%get3A_16, %get3A_17] : memref<1000x1xf32, #tpu.memory_space<vmem>>, vector<1000x1xf32>
    %mul3A_19 = vector.broadcast %get3A_18 : vector<1000x1xf32> to vector<1000x128xf32>
    %mul3A_20 = arith.mulf %mul3A_19, %tanh3A : vector<1000x128xf32>
    %swap3A = arith.constant 0 : index
    %swap3A_21 = arith.constant 0 : index
    %swap3A_22 = vector.load %arg5[%swap3A, %swap3A_21] : memref<1000x128xf32, #tpu.memory_space<vmem>>, vector<1000x128xf32>
    tpu.vector_store %arg5[%swap3A, %swap3A_21], %mul3A_20 {strides = array<i32>} : memref<1000x128xf32, #tpu.memory_space<vmem>>, vector<1000x128xf32>,
    return
  }
  func.func @transform_0(%arg0: i32) -> (i32, i32, i32) {
    %jit3A = arith.constant 5 : i32
    %div3A = arith.divsi %arg0, %jit3A : i32
    %sign3A = arith.constant 0 : i32
    %sign3A_0 = arith.cmpi sgt, %arg0, %sign3A : i32
    %sign3A_1 = arith.extui %sign3A_0 : i1 to i32
    %sign3A_2 = arith.constant 0 : i32
    %sign3A_3 = arith.cmpi slt, %arg0, %sign3A_2 : i32
    %sign3A_4 = arith.extui %sign3A_3 : i1 to i32
    %sign3A_5 = arith.subi %sign3A_1, %sign3A_4 : i32
    %sign3A_6 = arith.constant 0 : i32
    %sign3A_7 = arith.cmpi sgt, %jit3A, %sign3A_6 : i32
    %sign3A_8 = arith.extui %sign3A_7 : i1 to i32
    %sign3A_9 = arith.constant 0 : i32
    %sign3A_10 = arith.cmpi slt, %jit3A, %sign3A_9 : i32
    %sign3A_11 = arith.extui %sign3A_10 : i1 to i32
    %sign3A_12 = arith.subi %sign3A_8, %sign3A_11 : i32
    %ne3A = arith.cmpi ne, %sign3A_5, %sign3A_12 : i32
    %rem3A = arith.remsi %arg0, %jit3A : i32
    %ne3A_13 = arith.constant 0 : i32
    %ne3A_14 = arith.cmpi ne, %rem3A, %ne3A_13 : i32
    %and3A = arith.andi %ne3A, %ne3A_14 : i1
    %sub3A = arith.constant 1 : i32
    %sub3A_15 = arith.subi %div3A, %sub3A : i32
    %select_n3A = arith.select %and3A, %sub3A_15, %div3A : i32
    %jit3A_16 = arith.constant 5 : i32
    %eq3A = arith.constant 0 : i32
    %eq3A_17 = arith.cmpi eq, %jit3A_16, %eq3A : i32
    %jit3A_18 = arith.constant 1 : i32
    %select_n3A_19 = arith.select %eq3A_17, %jit3A_18, %jit3A_16 : i32
    %rem3A_20 = arith.remsi %arg0, %select_n3A_19 : i32
    %ne3A_21 = arith.constant 0 : i32
    %ne3A_22 = arith.cmpi ne, %rem3A_20, %ne3A_21 : i32
    %lt3A = arith.constant 0 : i32
    %lt3A_23 = arith.cmpi slt, %rem3A_20, %lt3A : i32
    %lt3A_24 = arith.constant 0 : i32
    %lt3A_25 = arith.cmpi slt, %select_n3A_19, %lt3A_24 : i32
    %ne3A_26 = arith.xori %lt3A_23, %lt3A_25 : i1
    %and3A_27 = arith.andi %ne3A_26, %ne3A_22 : i1
    %add3A = arith.addi %rem3A_20, %select_n3A_19 : i32
    %select_n3A_28 = arith.select %and3A_27, %add3A, %rem3A_20 : i32
    %c0_i32 = arith.constant 0 : i32
    %c0_i32_29 = arith.constant 0 : i32
    return %select_n3A, %select_n3A_28, %c0_i32 : i32, i32, i32
  }
  func.func @transform_1(%arg0: i32) -> (i32, i32) {
    %c0_i32 = arith.constant 0 : i32
    %c0_i32_0 = arith.constant 0 : i32
    return %arg0, %c0_i32 : i32, i32
  }
  func.func @transform_2(%arg0: i32) -> (i32, i32) {
    %c0_i32 = arith.constant 0 : i32
    %c0_i32_0 = arith.constant 0 : i32
    return %arg0, %c0_i32 : i32, i32
  }
  func.func @transform_3(%arg0: i32) -> (i32, i32) {
    %c0_i32 = arith.constant 0 : i32
    %c0_i32_0 = arith.constant 0 : i32
    %c0_i32_1 = arith.constant 0 : i32
    return %c0_i32, %c0_i32_0 : i32, i32
  }
  func.func @transform_4(%arg0: i32) -> (i32, i32) {
    %c0_i32 = arith.constant 0 : i32
    %c0_i32_0 = arith.constant 0 : i32
    return %arg0, %c0_i32 : i32, i32
  }
}

module attributes {stable_mosaic.version = 14 : i64} {
  func.func @body(%arg0: i32, %arg1: memref<1x1000x128xf32, #tpu.memory_space<vmem>>, %arg2: memref<1000x128xf32, #tpu.memory_space<vmem>>, %arg3: memref<1000x1xf32, #tpu.memory_space<vmem>>, %arg4: memref<128x64xf32, #tpu.memory_space<vmem>>, %arg5: memref<1x64xf32, #tpu.memory_space<vmem>>, %arg6: memref<128x64xf32, #tpu.memory_space<vmem>>, %arg7: memref<1x64xf32, #tpu.memory_space<vmem>>, %arg8: memref<1000x64xf32, #tpu.memory_space<vmem>>, %arg9: memref<1000x64xf32, #tpu.memory_space<vmem>>, %arg10: memref<1000x64xf32, #tpu.memory_space<vmem>>, %arg11: memref<1000x64xf32, #tpu.memory_space<vmem>>) attributes {dimension_semantics = [#tpu.dimension_semantics<arbitrary>], iteration_bounds = array<i64: 10>, scalar_prefetch = 0 : i64, scratch_operands = 0 : i64, tpu.core_type = #tpu.core_type<tc>, window_params = [{transform_indices = @transform_0, window_bounds = array<i64: 1, 1000, 128>}, {transform_indices = @transform_1, window_bounds = array<i64: 1000, 128>}, {transform_indices = @transform_2, window_bounds = array<i64: 1000, 1>}, {pipeline_mode = #tpu.pipeline_mode<synchronous>, transform_indices = @transform_3, window_bounds = array<i64: 128, 64>}, {pipeline_mode = #tpu.pipeline_mode<synchronous>, transform_indices = @transform_4, window_bounds = array<i64: 1, 64>}, {pipeline_mode = #tpu.pipeline_mode<synchronous>, transform_indices = @transform_5, window_bounds = array<i64: 128, 64>}, {pipeline_mode = #tpu.pipeline_mode<synchronous>, transform_indices = @transform_6, window_bounds = array<i64: 1, 64>}, {transform_indices = @transform_7, window_bounds = array<i64: 1000, 64>}, {transform_indices = @transform_8, window_bounds = array<i64: 1000, 64>}, {transform_indices = @transform_9, window_bounds = array<i64: 1000, 64>}, {transform_indices = @transform_10, window_bounds = array<i64: 1000, 64>}]} {
    %get3A = arith.constant 0 : index
    %get3A_0 = arith.constant 0 : index
    %get3A_1 = vector.load %arg3[%get3A, %get3A_0] : memref<1000x1xf32, #tpu.memory_space<vmem>>, vector<1000x1xf32>
    %get3A_2 = arith.constant 0 : index
    %get3A_3 = arith.constant 0 : index
    %get3A_4 = arith.constant 0 : index
    %get3A_5 = vector.load %arg1[%get3A_2, %get3A_3, %get3A_4] : memref<1x1000x128xf32, #tpu.memory_space<vmem>>, vector<1x1000x128xf32>
    %get3A_6 = vector.shape_cast %get3A_5 : vector<1x1000x128xf32> to vector<1000x128xf32>
    %get3A_7 = arith.constant 0 : index
    %get3A_8 = arith.constant 0 : index
    %get3A_9 = vector.load %arg2[%get3A_7, %get3A_8] : memref<1000x128xf32, #tpu.memory_space<vmem>>, vector<1000x128xf32>
    %add3A = arith.addf %get3A_6, %get3A_9 : vector<1000x128xf32>
    %mul3A = vector.broadcast %get3A_1 : vector<1000x1xf32> to vector<1000x128xf32>
    %mul3A_10 = arith.mulf %mul3A, %add3A : vector<1000x128xf32>
    %get3A_11 = arith.constant 0 : index
    %get3A_12 = arith.constant 0 : index
    %get3A_13 = vector.load %arg4[%get3A_11, %get3A_12] : memref<128x64xf32, #tpu.memory_space<vmem>>, vector<128x64xf32>
    %dot_general3A = arith.constant dense<0.000000e+00> : vector<1000x64xf32>
    %dot_general3A_14 = tpu.matmul %mul3A_10, %get3A_13, %dot_general3A {dimension_numbers = #tpu.dot_dimension_numbers<[1], [0], [0], [1], [0, 0, 1, 1], [], []>, transpose_lhs_hint = false} : vector<1000x128xf32>, vector<128x64xf32>, vector<1000x64xf32> -> vector<1000x64xf32>
    %get3A_15 = arith.constant 0 : index
    %get3A_16 = arith.constant 0 : index
    %get3A_17 = vector.load %arg5[%get3A_15, %get3A_16] : memref<1x64xf32, #tpu.memory_space<vmem>>, vector<1x64xf32>
    %add3A_18 = vector.broadcast %get3A_17 : vector<1x64xf32> to vector<1000x64xf32>
    %add3A_19 = arith.addf %dot_general3A_14, %add3A_18 : vector<1000x64xf32>
    %get3A_20 = arith.constant 0 : index
    %get3A_21 = arith.constant 0 : index
    %get3A_22 = vector.load %arg6[%get3A_20, %get3A_21] : memref<128x64xf32, #tpu.memory_space<vmem>>, vector<128x64xf32>
    %dot_general3A_23 = arith.constant dense<0.000000e+00> : vector<1000x64xf32>
    %dot_general3A_24 = tpu.matmul %mul3A_10, %get3A_22, %dot_general3A_23 {dimension_numbers = #tpu.dot_dimension_numbers<[1], [0], [0], [1], [0, 0, 1, 1], [], []>, transpose_lhs_hint = false} : vector<1000x128xf32>, vector<128x64xf32>, vector<1000x64xf32> -> vector<1000x64xf32>
    %get3A_25 = arith.constant 0 : index
    %get3A_26 = arith.constant 0 : index
    %get3A_27 = vector.load %arg7[%get3A_25, %get3A_26] : memref<1x64xf32, #tpu.memory_space<vmem>>, vector<1x64xf32>
    %add3A_28 = vector.broadcast %get3A_27 : vector<1x64xf32> to vector<1000x64xf32>
    %add3A_29 = arith.addf %dot_general3A_24, %add3A_28 : vector<1000x64xf32>
    %get3A_30 = arith.constant 0 : index
    %get3A_31 = arith.constant 0 : index
    %get3A_32 = vector.load %arg8[%get3A_30, %get3A_31] : memref<1000x64xf32, #tpu.memory_space<vmem>>, vector<1000x64xf32>
    %mul3A_33 = arith.constant 5.000000e-01 : f32
    %mul3A_34 = vector.broadcast %mul3A_33 : f32 to vector<1000x64xf32>
    %mul3A_35 = arith.mulf %mul3A_34, %add3A_29 : vector<1000x64xf32>
    %exp3A = math.exp %mul3A_35 : vector<1000x64xf32>
    %mul3A_36 = arith.mulf %get3A_32, %exp3A : vector<1000x64xf32>
    %add3A_37 = arith.addf %mul3A_36, %add3A_19 : vector<1000x64xf32>
    %swap3A = arith.constant 0 : index
    %swap3A_38 = arith.constant 0 : index
    %swap3A_39 = vector.load %arg9[%swap3A, %swap3A_38] : memref<1000x64xf32, #tpu.memory_space<vmem>>, vector<1000x64xf32>
    tpu.vector_store %arg9[%swap3A, %swap3A_38], %add3A_37 {strides = array<i32>} : memref<1000x64xf32, #tpu.memory_space<vmem>>, vector<1000x64xf32>,
    %swap3A_40 = arith.constant 0 : index
    %swap3A_41 = arith.constant 0 : index
    %swap3A_42 = vector.load %arg10[%swap3A_40, %swap3A_41] : memref<1000x64xf32, #tpu.memory_space<vmem>>, vector<1000x64xf32>
    tpu.vector_store %arg10[%swap3A_40, %swap3A_41], %add3A_19 {strides = array<i32>} : memref<1000x64xf32, #tpu.memory_space<vmem>>, vector<1000x64xf32>,
    %swap3A_43 = arith.constant 0 : index
    %swap3A_44 = arith.constant 0 : index
    %swap3A_45 = vector.load %arg11[%swap3A_43, %swap3A_44] : memref<1000x64xf32, #tpu.memory_space<vmem>>, vector<1000x64xf32>
    tpu.vector_store %arg11[%swap3A_43, %swap3A_44], %add3A_29 {strides = array<i32>} : memref<1000x64xf32, #tpu.memory_space<vmem>>, vector<1000x64xf32>,
    return
  }
  func.func @transform_0(%arg0: i32) -> (i32, i32, i32) {
    %jit3A = arith.constant 5 : i32
    %div3A = arith.divsi %arg0, %jit3A : i32
    %sign3A = arith.constant 0 : i32
    %sign3A_0 = arith.cmpi sgt, %arg0, %sign3A : i32
    %sign3A_1 = arith.extui %sign3A_0 : i1 to i32
    %sign3A_2 = arith.constant 0 : i32
    %sign3A_3 = arith.cmpi slt, %arg0, %sign3A_2 : i32
    %sign3A_4 = arith.extui %sign3A_3 : i1 to i32
    %sign3A_5 = arith.subi %sign3A_1, %sign3A_4 : i32
    %sign3A_6 = arith.constant 0 : i32
    %sign3A_7 = arith.cmpi sgt, %jit3A, %sign3A_6 : i32
    %sign3A_8 = arith.extui %sign3A_7 : i1 to i32
    %sign3A_9 = arith.constant 0 : i32
    %sign3A_10 = arith.cmpi slt, %jit3A, %sign3A_9 : i32
    %sign3A_11 = arith.extui %sign3A_10 : i1 to i32
    %sign3A_12 = arith.subi %sign3A_8, %sign3A_11 : i32
    %ne3A = arith.cmpi ne, %sign3A_5, %sign3A_12 : i32
    %rem3A = arith.remsi %arg0, %jit3A : i32
    %ne3A_13 = arith.constant 0 : i32
    %ne3A_14 = arith.cmpi ne, %rem3A, %ne3A_13 : i32
    %and3A = arith.andi %ne3A, %ne3A_14 : i1
    %sub3A = arith.constant 1 : i32
    %sub3A_15 = arith.subi %div3A, %sub3A : i32
    %select_n3A = arith.select %and3A, %sub3A_15, %div3A : i32
    %jit3A_16 = arith.constant 5 : i32
    %eq3A = arith.constant 0 : i32
    %eq3A_17 = arith.cmpi eq, %jit3A_16, %eq3A : i32
    %jit3A_18 = arith.constant 1 : i32
    %select_n3A_19 = arith.select %eq3A_17, %jit3A_18, %jit3A_16 : i32
    %rem3A_20 = arith.remsi %arg0, %select_n3A_19 : i32
    %ne3A_21 = arith.constant 0 : i32
    %ne3A_22 = arith.cmpi ne, %rem3A_20, %ne3A_21 : i32
    %lt3A = arith.constant 0 : i32
    %lt3A_23 = arith.cmpi slt, %rem3A_20, %lt3A : i32
    %lt3A_24 = arith.constant 0 : i32
    %lt3A_25 = arith.cmpi slt, %select_n3A_19, %lt3A_24 : i32
    %ne3A_26 = arith.xori %lt3A_23, %lt3A_25 : i1
    %and3A_27 = arith.andi %ne3A_26, %ne3A_22 : i1
    %add3A = arith.addi %rem3A_20, %select_n3A_19 : i32
    %select_n3A_28 = arith.select %and3A_27, %add3A, %rem3A_20 : i32
    %c0_i32 = arith.constant 0 : i32
    %c0_i32_29 = arith.constant 0 : i32
    return %select_n3A, %select_n3A_28, %c0_i32 : i32, i32, i32
  }
  func.func @transform_1(%arg0: i32) -> (i32, i32) {
    %c0_i32 = arith.constant 0 : i32
    %c0_i32_0 = arith.constant 0 : i32
    return %arg0, %c0_i32 : i32, i32
  }
  func.func @transform_2(%arg0: i32) -> (i32, i32) {
    %c0_i32 = arith.constant 0 : i32
    %c0_i32_0 = arith.constant 0 : i32
    return %arg0, %c0_i32 : i32, i32
  }
  func.func @transform_3(%arg0: i32) -> (i32, i32) {
    %c0_i32 = arith.constant 0 : i32
    %c0_i32_0 = arith.constant 0 : i32
    %c0_i32_1 = arith.constant 0 : i32
    return %c0_i32, %c0_i32_0 : i32, i32
  }
  func.func @transform_4(%arg0: i32) -> (i32, i32) {
    %c0_i32 = arith.constant 0 : i32
    %c0_i32_0 = arith.constant 0 : i32
    %c0_i32_1 = arith.constant 0 : i32
    return %c0_i32, %c0_i32_0 : i32, i32
  }
  func.func @transform_5(%arg0: i32) -> (i32, i32) {
    %c0_i32 = arith.constant 0 : i32
    %c0_i32_0 = arith.constant 0 : i32
    %c0_i32_1 = arith.constant 0 : i32
    return %c0_i32, %c0_i32_0 : i32, i32
  }
  func.func @transform_6(%arg0: i32) -> (i32, i32) {
    %c0_i32 = arith.constant 0 : i32
    %c0_i32_0 = arith.constant 0 : i32
    %c0_i32_1 = arith.constant 0 : i32
    return %c0_i32, %c0_i32_0 : i32, i32
  }
  func.func @transform_7(%arg0: i32) -> (i32, i32) {
    %c0_i32 = arith.constant 0 : i32
    %c0_i32_0 = arith.constant 0 : i32
    return %arg0, %c0_i32 : i32, i32
  }
  func.func @transform_8(%arg0: i32) -> (i32, i32) {
    %c0_i32 = arith.constant 0 : i32
    %c0_i32_0 = arith.constant 0 : i32
    return %arg0, %c0_i32 : i32, i32
  }
  func.func @transform_9(%arg0: i32) -> (i32, i32) {
    %c0_i32 = arith.constant 0 : i32
    %c0_i32_0 = arith.constant 0 : i32
    return %arg0, %c0_i32 : i32, i32
  }
  func.func @transform_10(%arg0: i32) -> (i32, i32) {
    %c0_i32 = arith.constant 0 : i32
    %c0_i32_0 = arith.constant 0 : i32
    return %arg0, %c0_i32 : i32, i32
  }
}

</mosaic_0001>

<sc_bundles>
// kernel: kernel.10.cloned.1.call-start
scs
__scs_entry_jumppad:
0x0: {  	(pc) =	sbr.rel $0x88, $3  }
0x1: {  	(tag) =	ssettag $0x0;
	lr =	simm.s32 $0x1  }
0x2: {  	[smem:$0x3F96] =	sst lr;
	_ =	strace $0xD0000000  }
0x3: {  	_ = 	snop  }
0x4: {  	_ = 	snop  }
0x5: {  	_ = 	snop  }
0x6: {  	_ = 	snop  }
0x7: {  	_ = 	snop  }
__scs_overlays_trampoline_lowered:
0x8: {  	[smem:$0x3FA5] =	sst s0  }
0x9: {  	[smem:$0x3FA6] =	sst s1  }
0xa: {  	[smem:$0x3FA7] =	sst s2  }
0xb: {  	[smem:$0x3FA8] =	sst s3  }
0xc: {  	[smem:$0x3FA9] =	sst s4  }
0xd: {  	[smem:$0x3FAA] =	sst s5  }
0xe: {  	[smem:$0x3FAB] =	sst s6  }
0xf: {  	[smem:$0x3FAC] =	sst s7  }
0x10: {  	[smem:$0x3FAD] =	sst s8  }
0x11: {  	[smem:$0x3FAE] =	sst s9;
	s0 =	simm.s32 @!p0 $0x0  }
0x12: {  	s1 =	sld [smem:$0x3F94];
	s0 =	simm.s32 @p0 $0x1  }
0x13: {  	[smem:$0x3FAF] =	sst s0;
	s0 =	simm.s32 @!p1 $0x0  }
0x14: {  	s2 =	sld [smem:$0x3F93];
	s0 =	simm.s32 @p1 $0x1  }
0x15: {  	[smem:$0x3FB0] =	sst s0;
	s0 =	simm.s32 @!p2 $0x0  }
0x16: {  	s3 =	sld [smem:$0x3FDB];
	s0 =	simm.s32 @p2 $0x1  }
0x17: {  	s4 =	simm.s32 $0x1BF5;
	[smem:$0x3FB2] =	sst s0  }
0x18: {  	s0 =	sld [smem:$0x3F95];
	_ =	swait.ge [sflag:s4], $0x0  }
0x19: {  	s7 =	sld [smem:$0x3F96]  }
0x1a: {  	s8 =	sadd.s32 $0xFFFFE003, lr  }
0x1b: {  	s9 =	sadd.s32 $0xFFFFFEF7, lr;
	s5 =	simm.s32 $0xFFFFFFFF;
	p2 =	slt.u32 s8, $0xFFFFF086  }
0x1c: {  	p1 =	slt.u32 s9, $0xF7A;
	s5 =	simm.s32 @!p2 $0x0  }
0x1d: {  	s5 =	simm.s32 @p1 $0x1;
	p0 =	seq.s32 s7, s2  }
0x1e: {  	s7 =	smul.u32 @!p0 $0xF7A, s2;
	p2 =	seq.s32 @!p0 s5, $0x0  }
0x1f: {  	s9 =	smul.u32 $0xF7A, s1;
	s8 =	simm.s32 @!p0 $0x1BF5;
	p2 =	por !p2, p0  }
0x20: {  	[sflag:s8] =	ssyncset.s32 @!p0 $0xFFFFF086;
	s6 =	sadd.s32 @!p0 s3, s7;
	s7 =	simm.s32 @!p0 $0x108  }
0x21: {  	s3 =	sadd.s32 s3, s9;
	s6 =	sadd.s32 @!p0 $0x88, s6;
	s7 =	simm.s32 @p2 $0x1082  }
0x22: {  	[simem:s7], [sflag:s8] =	dma.local @!p0 [hbm:s6], $0xF7A  }
0x23: {  	s9 =	sor.u32 $0xD0000000, s2;
	s6 =	simm.s32 $0x108;
	_ =	swait.ge @!p0 [sflag:s8], $0x0  }
0x24: {  	s3 =	sadd.s32 $0x88, s3;
	s6 =	simm.s32 @!p1 $0x1082;
	[sflag:s4] =	ssyncset.s32 $0xFFFFF086  }
0x25: {  	[simem:s6], [sflag:s4] =	dma.local [hbm:s3], $0xF7A  }
0x26: {  	[smem:$0x3F96] =	sst s1;
	(tag) =	ssettag s2;
	_ =	strace s9  }
0x27: {  	s1 =	sld [smem:$0x3FA6]  }
0x28: {  	s2 =	sld [smem:$0x3FA7]  }
0x29: {  	s4 =	sld [smem:$0x3FA9]  }
0x2a: {  	p0 =	seq.s32 s5, $0x0;
	s5 =	sld [smem:$0x3FAA]  }
0x2b: {  	s6 =	sld [smem:$0x3FAB]  }
0x2c: {  	s7 =	sld [smem:$0x3FAC]  }
0x2d: {  	s3 =	simm.s32 $0x108;
	s8 =	sld [smem:$0x3FAD]  }
0x2e: {  	s3 =	simm.s32 @!p0 $0x1082;
	s9 =	sld [smem:$0x3FAE]  }
0x2f: {  	lr =	sadd.s32 s0, s3;
	s0 =	sld [smem:$0x3FA5]  }
0x30: {  	s3 =	sld [smem:$0x3FA8]  }
0x31: {  	[smem:$0x3FB1] =	sst s10  }
0x32: {  	s10 =	sld [smem:$0x3FAF];
	_ =	sdelay $0x3  }
0x33: {  	p0 =	seq.s32 s10, $0x1;
	s10 =	sld [smem:$0x3FB1];
	_ =	sdelay $0x3  }
0x34: {  	[smem:$0x3FB1] =	sst s10  }
0x35: {  	s10 =	sld [smem:$0x3FB0];
	_ =	sdelay $0x3  }
0x36: {  	p1 =	seq.s32 s10, $0x1;
	s10 =	sld [smem:$0x3FB1];
	_ =	sdelay $0x3  }
0x37: {  	[smem:$0x3FB1] =	sst s10  }
0x38: {  	s10 =	sld [smem:$0x3FB2]  }
0x39: {  	_ = 	snop;
	(pc) =	sbr.ind lr, $3  }
0x3a: {  	_ = 	snop  }
0x3b: {  	_ = 	snop  }
0x3c: {  	p2 =	seq.s32 s10, $0x1;
	s10 =	sld [smem:$0x3FB1]  }
0x3d: {  	_ =	shalt  }
0x3e: {  	_ =	shalt  }
0x3f: {  	_ =	shalt  }
0x40: {  	_ =	shalt  }
0x41: {  	_ =	shalt  }
0x42: {  	_ =	shalt  }
0x43: {  	_ =	shalt  }
0x44: {  	_ =	shalt  }
0x45: {  	_ =	shalt  }
0x46: {  	_ =	shalt  }
0x47: {  	_ =	shalt  }
0x48: {  	_ =	shalt  }
0x49: {  	_ =	shalt  }
0x4a: {  	_ =	shalt  }
0x4b: {  	_ =	shalt  }
0x4c: {  	_ =	shalt  }
0x4d: {  	_ =	shalt  }
0x4e: {  	_ =	shalt  }
0x4f: {  	_ =	shalt  }
0x50: {  	_ =	shalt  }
0x51: {  	_ =	shalt  }
0x52: {  	_ =	shalt  }
0x53: {  	_ =	shalt  }
0x54: {  	_ =	shalt  }
0x55: {  	_ =	shalt  }
0x56: {  	_ =	shalt  }
0x57: {  	_ =	shalt  }
0x58: {  	_ =	shalt  }
0x59: {  	_ =	shalt  }
0x5a: {  	_ =	shalt  }
0x5b: {  	_ =	shalt  }
0x5c: {  	_ =	shalt  }
0x5d: {  	_ =	shalt  }
0x5e: {  	_ =	shalt  }
0x5f: {  	_ =	shalt  }
0x60: {  	_ =	shalt  }
0x61: {  	_ =	shalt  }
0x62: {  	_ =	shalt  }
0x63: {  	_ =	shalt  }
0x64: {  	_ =	shalt  }
0x65: {  	_ =	shalt  }
0x66: {  	_ =	shalt  }
0x67: {  	_ =	shalt  }
0x68: {  	_ =	shalt  }
0x69: {  	_ =	shalt  }
0x6a: {  	_ =	shalt  }
0x6b: {  	_ =	shalt  }
0x6c: {  	_ =	shalt  }
0x6d: {  	_ =	shalt  }
0x6e: {  	_ =	shalt  }
0x6f: {  	_ =	shalt  }
0x70: {  	_ =	shalt  }
0x71: {  	_ =	shalt  }
0x72: {  	_ =	shalt  }
0x73: {  	_ =	shalt  }
0x74: {  	_ =	shalt  }
0x75: {  	_ =	shalt  }
0x76: {  	_ =	shalt  }
0x77: {  	_ =	shalt  }
0x78: {  	_ =	shalt  }
0x79: {  	_ =	shalt  }
0x7a: {  	_ =	shalt  }
0x7b: {  	_ =	shalt  }
0x7c: {  	_ =	shalt  }
0x7d: {  	_ =	shalt  }
0x7e: {  	_ =	shalt  }
0x7f: {  	_ =	shalt  }
0x80: {  	_ =	shalt  }
0x81: {  	_ =	shalt  }
0x82: {  	_ =	shalt  }
0x83: {  	_ =	shalt  }
0x84: {  	_ =	shalt  }
0x85: {  	_ =	shalt  }
0x86: {  	_ =	shalt  }
0x87: {  	_ =	shalt  }
.Lfunc_end0:
.L_simem_size_0:
called_computation_lowered:
.L_overlay_start_0:
0x88: {  	s2 =	sld [smem:$0x3FD9]  }
0x89: {  	s3 =	sld [smem:$0x3FFE];
	_ =	sdelay $0x1  }
0x8a: {  	s1 =	srdreg.scid  }
0x8b: {  	s0 =	sand.u32 $0x1, s1  }
0x8c: {  	s15 =	sshll.u32 s0, $0xA;
	s2 =	sadd.s32 s3, s2  }
0x8d: {  	s2 =	sadd.s32 s2, s15  }
0x8e: {  	[smem:$0x3FBD] =	sst s2  }
0x8f: {  	_ = 	snop  }
0x90: {  	s2 =	sld [smem:$0x3FD0];
	_ =	sdelay $0x2  }
0x91: {  	s16 =	simm.s32 $0xA;
	s4 =	simm.s32 $0x10  }
0x92: {  	[smem:s4], [sflag:s16] =	dma.local [hbm:s2], $0x1  }
0x93: {  	_ =	swait.eq [sflag:s16], $0x1  }
0x94: {  	[sflag:s16] =	ssyncset.done $0x0  }
0x95: {  	s17 =	sld [smem:$0x10];
	[sflag:s16] =	ssyncadd.s32 $0xFFFFFFFF  }
0x96: {  	s18 =	sld [smem:$0x12];
	(tm) =	ssettm $0x1  }
0x97: {  	s19 =	sld [smem:$0x3FFB];
	_ =	sdelay $0x3  }
0x98: {  	_ =	strace s19  }
0x99: {  	s4 =	sld [smem:$0x3FFC];
	_ =	sdelay $0x3  }
0x9a: {  	_ =	strace s4  }
0x9b: {  	s4 =	sld [smem:$0x3FFD];
	_ =	sdelay $0x3  }
0x9c: {  	_ =	strace s4  }
0x9d: {  	_ =	strace $0x8FFFFFFF  }
0x9e: {  	s20 =	sld [smem:$0x3FDB];
	_ =	sdelay $0x1  }
0x9f: {  	s5 =	simm.s32 $_scs_section_size  }
0xa0: {  	s6 =	simm.s32 $_size__tile_overlayer_lowered;
	s7 =	simm.s32 $_tile_overlayer_lowered  }
0xa1: {  	s23 =	simm.s32 $0x1BFF;
	s22 =	sshll.u32 s7, $0x1;
	s4 =	sadd.s32 s5, s20  }
0xa2: {  	s8 =	simm.s32 $0x0;
	s21 =	sshll.u32 s6, $0x1;
	s6 =	sadd.s32 s22, s4  }
0xa3: {  	[timem:s8], [sflag:s23] =	dma.local [hbm:s6], s21  }
0xa4: {  	_ =	swait.ge [sflag:s23], s21  }
0xa5: {  	s5 =	ssub.s32 $0x0, s21;
	[sflag:s23] =	ssyncset.done $0x0  }
0xa6: {  	[sflag:s23] =	ssyncadd.s32 s5;
	_ =	sdelay $0x1  }
0xa7: {  	s24 =	simm.s32 $0x1B8B  }
0xa8: {  	_ =	swait.ge [sflag:s24], $0x1  }
0xa9: {  	[sflag:s24] =	ssyncset.done $0x0  }
0xaa: {  	s25 =	simm.s32 $0x1B8E;
	[sflag:s24] =	ssyncadd.s32 $0xFFFFFFFF  }
0xab: {  	s26 =	simm.s32 $execute0_lowered;
	[smem:$0x3FD2] =	sst s25  }
0xac: {  	s5 =	sshll.u32 s26, $0x1;
	_ =	strace $0x80000046;
	[dreg:$0x1] =	wrdreg $0xFFFFFFFF  }
0xad: {  	s28 =	simm.s32 $_size_execute0_lowered;
	s4 =	sadd.s32 s4, s5;
	[dreg:$0x0] =	wrdreg $0x0  }
0xae: {  	s5 =	sshll.u32 s28, $0x1;
	[dreg:$0x2] =	wrdreg s4  }
0xaf: {  	[dreg:$0x3] =	wrdreg s5  }
0xb0: {  	[dreg:$0x4] =	wrdreg $0xC0  }
0xb1: {  	_ =	task [dreg:s8], $0x5FFFF  }
0xb2: {  	[dreg:$0x1] =	wrdreg $0xFFFFFFFF  }
0xb3: {  	[dreg:$0x0] =	wrdreg $0x60  }
0xb4: {  	[dreg:$0x2] =	wrdreg s18  }
0xb5: {  	[dreg:$0x3] =	wrdreg s17  }
0xb6: {  	[dreg:$0x4] =	wrdreg $0x51C00  }
0xb7: {  	[dreg:$0x5] =	wrdreg $0x9  }
0xb8: {  	_ =	task.clear_ibuf [dreg:s8], $0x6FFFF;
	_ =	strace $0x90000046  }
0xb9: {  	s29 =	simm.s32 $0x9;
	_ =	strace $0x80000048  }
0xba: {  	_ =	swait.ge [sflag:s29], $0x1  }
0xbb: {  	[sflag:s29] =	ssyncadd.s32 $0xFFFFFFFF  }
0xbc: {  	_ =	strace $0x90000048  }
0xbd: {  	_ =	sfence  }
0xbe: {  	s30 =	sld [smem:$0x0];
	_ =	sdelay $0x2  }
0xbf: {  	s31 =	sshll.u32 s1, $0xD;
	s1 =	sshrl.u32 s1, $0x2  }
0xc0: {  	s3 =	sand.u32 $0x4000, s31;
	s1 =	sadd.s32 s1, s30  }
0xc1: {  	s0 =	sor.u32 s3, s0;
	s1 =	sshll.u32 s1, $0x11  }
0xc2: {  	s0 =	sor.u32 s1, s0  }
0xc3: {  	s0 =	sadd.s32 $0x8F2B, s0  }
0xc4: {  	[sflag:s0] =	ssyncadd.remote.s32 $0x1  }
0xc5: {  	_ =	sfence.sel $0xFFFF  }
0xc6: {  	[dreg:$0x0] =	wrdreg $0xFFFFFFFF;
	(pc) =	sbr.abs _section_cstart, $3  }
0xc7: {  	[dreg:$0x1] =	wrdreg $0xFFFFFFFF  }
0xc8: {  	_ =	task.clear_ibuf [dreg:s8], $0x2FFFF;
	_ =	strace $0x9FFFFFFF  }
0xc9: {  	(tm) =	ssettm $0x7FFFFFFF  }
tec
execute0_lowered:
.L_overlay_start_1:
0x0: {  	(tag) =	ssettag $0x1  }
0x1: {  	s4 =	rddreg [dreg:$0x0]  }
0x2: {  	s10 =	rddreg [dreg:$0x1]  }
0x3: {  	s2 =	rddreg [dreg:$0x2]  }
0x4: {  	s0 =	rddreg [dreg:$0x3]  }
0x5: {  	s5 =	srdreg.scid;
	s1 =	stileid.u32  }
0x6: {  	s3 =	simm.s32 $0x0;
	s13 =	simm.s32 $0x5040;
	s14 =	simm.s32 $0x40  }
0x7: {  	s16 =	simm.s32 $0x5080;
	s17 =	simm.s32 $0x0;
	s30 =	smul.u32 $0xA00, s1  }
0x8: {  	s6 =	sand.u32 $0x1, s5;
	[smem:$0x7FF] =	sst s3;
	s8 =	smul.u32 $0x140, s1  }
0x9: {  	s7 =	ssub.s32 $0x2, s6;
	_ =	strace $0x80000047;
	s11 =	smul.u32 $0x1400, s6  }
0xa: {  	s15 =	smul.u32 $0xFFFFEC78, s6;
	s9 =	sshrl.u32 s7, $0x1;
	s5 =	sadd.s32 s8, s2  }
0xb: {  	s4 =	sadd.s32 s4, s30;
	s12 =	ssub.s32 s7, s9;
	s6 =	sadd.s32 $0x40, s5  }
0xc: {  	s31 =	sadd.s32 s8, s11;
	s7 =	sadd.s32 $0x80, s5;
	s8 =	sadd.s32 $0xC0, s5  }
0xd: {  	s9 =	sadd.s32 $0x100, s5;
	v0 =	vmov s15;
	s15 =	simm.s32 $0x5000;
	s11 =	sshrl.u32 s31, $0x3  }
0xe: {  	v1 =	vimm.f32 $1.000000000e+00;
	v2 =	vimm.f32 $0.0e+00;
	s10 =	sadd.s32 s10, s11;
	s11 =	smax.u32 s12, $0x1;
	s12 =	simm.s32 $0x1  }
.LBB2_1:
0xf: {  	[tilespmem:s3], [sflag:$0x1] =	stream.linear.gather [hbm4b:s4+s3], $0x5000, $0x38;
	[tilespmem:$0x5300] =	vst v63  }
0x10: {  	_ =	swait.ge [sflag:s12], $0x5000  }
0x11: {  	[sflag:s12] =	ssyncset.done $0x0  }
0x12: {  	s18 =	simm.s32 $0x0;
	s19 =	simm.s32 $0x40;
	[sflag:s12] =	ssyncadd.s32 $0xFFFFB000  }
.LBB2_2:
0x13: {  	p0 =	sne.s32 s19, $0x13FC0;
	v3 =	vld [tilespmem:s18+$0x0];
	_ =	sdelay $0x3  }
.Ltmp0:
0x14: {  	(pc) =	sbr.rel @p0 .LBB2_2-.Ltmp0, $4  }
0x15: {  	v4 =	vadd.s32 v0, v3;
	v3 =	vand.u32 $0x3F, v3  }
0x16: {  	vm0 =	vlt.u32 v4, $0x1388;
	v3 =	vadd.s32 $0x1388, v3  }
0x17: {  	v3 =	vsel vm0, v4, v3  }
0x18: {  	[tilespmem:s18+$0x0] =	vst v3;
	s18 =	sshra.s32 s19, $0x2;
	s19 =	sadd.s32 $0x40, s19  }
0x19: {  	v3 =	vld [tilespmem:s18+$0x0];
	_ =	sdelay $0x4  }
0x1a: {  	v4 =	vadd.s32 v0, v3;
	v3 =	vand.u32 $0x3F, v3  }
0x1b: {  	vm0 =	vlt.u32 v4, $0x1388;
	v3 =	vadd.s32 $0x1388, v3  }
0x1c: {  	v3 =	vsel vm0, v4, v3  }
0x1d: {  	[tilespmem:s18+$0x0] =	vst v3  }
0x1e: {  	[tilespmem:$0x5000] =	vst v1  }
0x1f: {  	[tilespmem:$0x5040] =	vst v2  }
0x20: {  	[tilespmem:$0x5010] =	vst v1  }
0x21: {  	[tilespmem:$0x5050] =	vst v2  }
0x22: {  	[tilespmem:$0x5020] =	vst v1  }
0x23: {  	[tilespmem:$0x5060] =	vst v2  }
0x24: {  	[tilespmem:$0x5030] =	vst v1  }
0x25: {  	[tilespmem:$0x5070] =	vst v2  }
0x26: {  	[spmem:s5] =	stream.linear.scatter [tilespmem:s13], [sflag:$0x1], $0x40, $0x38;
	[tilespmem:$0x5300] =	vst v63  }
0x27: {  	_ =	swait.ge [sflag:s12], $0x40  }
0x28: {  	[sflag:s12] =	ssyncset.done $0x0  }
0x29: {  	[sflag:s12] =	ssyncadd.s32 $0xFFFFFFC0  }
0x2a: {  	[spmem:s6] =	stream.linear.scatter [tilespmem:s13], [sflag:$0x1], $0x40, $0x38;
	[tilespmem:$0x5300] =	vst v63  }
0x2b: {  	_ =	swait.ge [sflag:s12], $0x40  }
0x2c: {  	[sflag:s12] =	ssyncset.done $0x0  }
0x2d: {  	[sflag:s12] =	ssyncadd.s32 $0xFFFFFFC0  }
0x2e: {  	[spmem:s7] =	stream.linear.scatter [tilespmem:s13], [sflag:$0x1], $0x40, $0x38;
	[tilespmem:$0x5300] =	vst v63  }
0x2f: {  	_ =	swait.ge [sflag:s12], $0x40  }
0x30: {  	[sflag:s12] =	ssyncset.done $0x0  }
0x31: {  	[sflag:s12] =	ssyncadd.s32 $0xFFFFFFC0  }
0x32: {  	[spmem:s8] =	stream.linear.scatter [tilespmem:s13], [sflag:$0x1], $0x40, $0x38;
	[tilespmem:$0x5300] =	vst v63  }
0x33: {  	_ =	swait.ge [sflag:s12], $0x40  }
0x34: {  	[sflag:s12] =	ssyncset.done $0x0  }
0x35: {  	[sflag:s12] =	ssyncadd.s32 $0xFFFFFFC0  }
0x36: {  	[spmem:s9] =	stream.linear.scatter [tilespmem:s13], [sflag:$0x1], $0x40, $0x38;
	[tilespmem:$0x5300] =	vst v63  }
0x37: {  	_ =	swait.ge [sflag:s12], $0x40  }
0x38: {  	[sflag:s12] =	ssyncset.done $0x0  }
0x39: {  	[sflag:s12] =	ssyncadd.s32 $0xFFFFFFC0  }
0x3a: {  	s31 =	simm.s32 $0x0;
	[bflag:$0x0] =	sbarrier.arrive $0xFFFF  }
0x3b: {  	[spmem:s2] =	stream.indirect.scatter.add.f32 [tilespmem:s15], [sflag:$0x1], $0x1, s31, s14, $0xb8;
	[tilespmem:$0x5300] =	vst v63  }
0x3c: {  	_ =	swait.ge [sflag:s12], $0x40  }
0x3d: {  	s18 =	simm.s32 $0x100;
	[sflag:s12] =	ssyncset.done $0x0  }
.LBB2_4:
0x3e: {  	s19 =	sshra.s32 s18, $0x2;
	[sflag:s12] =	ssyncadd.s32 $0xFFFFFFC0;
	p0 =	sne.s32 s18, $0x13F00  }
0x3f: {  	[spmem:s2] =	stream.indirect.scatter.add.f32 [tilespmem:s15], [sflag:$0x1], $0x1, s19, s14, $0xb8;
	[tilespmem:$0x5300] =	vst v63  }
.Ltmp1:
0x40: {  	_ = 	snop;
	(pc) =	sbr.rel @p0 .LBB2_4-.Ltmp1, $4  }
0x41: {  	_ = 	snop  }
0x42: {  	s18 =	sadd.s32 $0x100, s18  }
0x43: {  	_ =	swait.ge [sflag:s12], $0x40  }
0x44: {  	[sflag:s12] =	ssyncset.done $0x0  }
0x45: {  	[sflag:s12] =	ssyncadd.s32 $0xFFFFFFC0  }
0x46: {  	[bflag:$0x0] =	sbarrier.arrive $0xFFFF  }
0x47: {  	[tilespmem:s16], [sflag:$0x1] =	stream.linear.gather [spmem:s5], $0x140, $0x38;
	[tilespmem:$0x5300] =	vst v63  }
0x48: {  	s17 =	sadd.s32 $0x1, s17;
	_ =	swait.ge [sflag:s12], $0x140  }
0x49: {  	p0 =	sne.s32 s17, s11;
	[sflag:s12] =	ssyncset.done $0x0  }
.Ltmp2:
0x4a: {  	[sflag:s12] =	ssyncadd.s32 $0xFFFFFEC0;
	(pc) =	sbr.rel @p0 .LBB2_1-.Ltmp2, $4  }
0x4b: {  	[hbm4b:s10+s3] =	stream.linear.scatter [tilespmem:s16], [sflag:$0x1], $0x140, $0x38;
	[tilespmem:$0x5300] =	vst v63  }
0x4c: {  	_ =	swait.ge [sflag:s12], $0x140  }
0x4d: {  	[sflag:s12] =	ssyncset.done $0x0  }
0x4e: {  	[sflag:s12] =	ssyncadd.s32 $0xFFFFFEC0  }
0x4f: {  	_ =	sfence.sel $0x180000  }
0x50: {  	[bflag:$0x0] =	sbarrier.arrive $0xFFFF  }
0x51: {  	p0 =	sne.s32 s1, $0x0;
	_ =	strace $0x90000047  }
0x52: {  	s0 =	sadd.s32 @!p0 $0x100000, s0;
	[bflag:$0x2] =	sbarrier.arrive $0xFFFF  }
0x53: {  	[sflag:s0] =	ssyncadd.tile.s32 @!p0 $0x1;
	_ =	shalt  }
.Lfunc_end2:
_tile_overlayer_lowered:
.L_overlay_start_2:
0x54: {  	(tag) =	ssettag $0x2  }
0x55: {  	s0 =	rddreg [dreg:$0x0];
	s2 =	stileid.u32  }
0x56: {  	s1 =	rddreg [dreg:$0x1];
	p0 =	sne.s32 s2, $0x0  }
0x57: {  	s3 =	rddreg [dreg:$0x2];
	[bflag:$0x3] =	sbarrier.arrive $0xFFFF;
	s2 =	simm.s32 @!p0 $0x1C01  }
0x58: {  	[timem:s3], [sflag:s2] =	dma.local @!p0 [hbm:s0], s1  }
0x59: {  	s0 =	simm.s32 @!p0 $0x1  }
0x5a: {  	_ =	swait.ge @!p0 [sflag:s0], s1  }
0x5b: {  	s1 =	ssub.s32 @!p0 $0x0, s1;
	[sflag:s0] =	ssyncset.done @!p0 $0x0  }
0x5c: {  	[sflag:s0] =	ssyncadd.s32 @!p0 s1  }
0x5d: {  	[bflag:$0x3] =	sbarrier.arrive $0xFFFF  }
0x5e: {  	_ =	shalt  }

// kernel: kernel.13.cloned.1.call-start
scs
__scs_entry_jumppad:
0x0: {  	(pc) =	sbr.rel $0x88, $3  }
0x1: {  	(tag) =	ssettag $0x0;
	lr =	simm.s32 $0x1  }
0x2: {  	[smem:$0x3F96] =	sst lr;
	_ =	strace $0xD0000000  }
0x3: {  	_ = 	snop  }
0x4: {  	_ = 	snop  }
0x5: {  	_ = 	snop  }
0x6: {  	_ = 	snop  }
0x7: {  	_ = 	snop  }
__scs_overlays_trampoline_lowered:
0x8: {  	[smem:$0x3FA5] =	sst s0  }
0x9: {  	[smem:$0x3FA6] =	sst s1  }
0xa: {  	[smem:$0x3FA7] =	sst s2  }
0xb: {  	[smem:$0x3FA8] =	sst s3  }
0xc: {  	[smem:$0x3FA9] =	sst s4  }
0xd: {  	[smem:$0x3FAA] =	sst s5  }
0xe: {  	[smem:$0x3FAB] =	sst s6  }
0xf: {  	[smem:$0x3FAC] =	sst s7  }
0x10: {  	[smem:$0x3FAD] =	sst s8  }
0x11: {  	[smem:$0x3FAE] =	sst s9;
	s0 =	simm.s32 @!p0 $0x0  }
0x12: {  	s1 =	sld [smem:$0x3F94];
	s0 =	simm.s32 @p0 $0x1  }
0x13: {  	[smem:$0x3FAF] =	sst s0;
	s0 =	simm.s32 @!p1 $0x0  }
0x14: {  	s2 =	sld [smem:$0x3F93];
	s0 =	simm.s32 @p1 $0x1  }
0x15: {  	[smem:$0x3FB0] =	sst s0;
	s0 =	simm.s32 @!p2 $0x0  }
0x16: {  	s3 =	sld [smem:$0x3FDB];
	s0 =	simm.s32 @p2 $0x1  }
0x17: {  	s4 =	simm.s32 $0x1BF5;
	[smem:$0x3FB2] =	sst s0  }
0x18: {  	s0 =	sld [smem:$0x3F95];
	_ =	swait.ge [sflag:s4], $0x0  }
0x19: {  	s7 =	sld [smem:$0x3F96]  }
0x1a: {  	s8 =	sadd.s32 $0xFFFFE003, lr  }
0x1b: {  	s9 =	sadd.s32 $0xFFFFFEF7, lr;
	s5 =	simm.s32 $0xFFFFFFFF;
	p2 =	slt.u32 s8, $0xFFFFF086  }
0x1c: {  	p1 =	slt.u32 s9, $0xF7A;
	s5 =	simm.s32 @!p2 $0x0  }
0x1d: {  	s5 =	simm.s32 @p1 $0x1;
	p0 =	seq.s32 s7, s2  }
0x1e: {  	s7 =	smul.u32 @!p0 $0xF7A, s2;
	p2 =	seq.s32 @!p0 s5, $0x0  }
0x1f: {  	s9 =	smul.u32 $0xF7A, s1;
	s8 =	simm.s32 @!p0 $0x1BF5;
	p2 =	por !p2, p0  }
0x20: {  	[sflag:s8] =	ssyncset.s32 @!p0 $0xFFFFF086;
	s6 =	sadd.s32 @!p0 s3, s7;
	s7 =	simm.s32 @!p0 $0x108  }
0x21: {  	s3 =	sadd.s32 s3, s9;
	s6 =	sadd.s32 @!p0 $0x88, s6;
	s7 =	simm.s32 @p2 $0x1082  }
0x22: {  	[simem:s7], [sflag:s8] =	dma.local @!p0 [hbm:s6], $0xF7A  }
0x23: {  	s9 =	sor.u32 $0xD0000000, s2;
	s6 =	simm.s32 $0x108;
	_ =	swait.ge @!p0 [sflag:s8], $0x0  }
0x24: {  	s3 =	sadd.s32 $0x88, s3;
	s6 =	simm.s32 @!p1 $0x1082;
	[sflag:s4] =	ssyncset.s32 $0xFFFFF086  }
0x25: {  	[simem:s6], [sflag:s4] =	dma.local [hbm:s3], $0xF7A  }
0x26: {  	[smem:$0x3F96] =	sst s1;
	(tag) =	ssettag s2;
	_ =	strace s9  }
0x27: {  	s1 =	sld [smem:$0x3FA6]  }
0x28: {  	s2 =	sld [smem:$0x3FA7]  }
0x29: {  	s4 =	sld [smem:$0x3FA9]  }
0x2a: {  	p0 =	seq.s32 s5, $0x0;
	s5 =	sld [smem:$0x3FAA]  }
0x2b: {  	s6 =	sld [smem:$0x3FAB]  }
0x2c: {  	s7 =	sld [smem:$0x3FAC]  }
0x2d: {  	s3 =	simm.s32 $0x108;
	s8 =	sld [smem:$0x3FAD]  }
0x2e: {  	s3 =	simm.s32 @!p0 $0x1082;
	s9 =	sld [smem:$0x3FAE]  }
0x2f: {  	lr =	sadd.s32 s0, s3;
	s0 =	sld [smem:$0x3FA5]  }
0x30: {  	s3 =	sld [smem:$0x3FA8]  }
0x31: {  	[smem:$0x3FB1] =	sst s10  }
0x32: {  	s10 =	sld [smem:$0x3FAF];
	_ =	sdelay $0x3  }
0x33: {  	p0 =	seq.s32 s10, $0x1;
	s10 =	sld [smem:$0x3FB1];
	_ =	sdelay $0x3  }
0x34: {  	[smem:$0x3FB1] =	sst s10  }
0x35: {  	s10 =	sld [smem:$0x3FB0];
	_ =	sdelay $0x3  }
0x36: {  	p1 =	seq.s32 s10, $0x1;
	s10 =	sld [smem:$0x3FB1];
	_ =	sdelay $0x3  }
0x37: {  	[smem:$0x3FB1] =	sst s10  }
0x38: {  	s10 =	sld [smem:$0x3FB2]  }
0x39: {  	_ = 	snop;
	(pc) =	sbr.ind lr, $3  }
0x3a: {  	_ = 	snop  }
0x3b: {  	_ = 	snop  }
0x3c: {  	p2 =	seq.s32 s10, $0x1;
	s10 =	sld [smem:$0x3FB1]  }
0x3d: {  	_ =	shalt  }
0x3e: {  	_ =	shalt  }
0x3f: {  	_ =	shalt  }
0x40: {  	_ =	shalt  }
0x41: {  	_ =	shalt  }
0x42: {  	_ =	shalt  }
0x43: {  	_ =	shalt  }
0x44: {  	_ =	shalt  }
0x45: {  	_ =	shalt  }
0x46: {  	_ =	shalt  }
0x47: {  	_ =	shalt  }
0x48: {  	_ =	shalt  }
0x49: {  	_ =	shalt  }
0x4a: {  	_ =	shalt  }
0x4b: {  	_ =	shalt  }
0x4c: {  	_ =	shalt  }
0x4d: {  	_ =	shalt  }
0x4e: {  	_ =	shalt  }
0x4f: {  	_ =	shalt  }
0x50: {  	_ =	shalt  }
0x51: {  	_ =	shalt  }
0x52: {  	_ =	shalt  }
0x53: {  	_ =	shalt  }
0x54: {  	_ =	shalt  }
0x55: {  	_ =	shalt  }
0x56: {  	_ =	shalt  }
0x57: {  	_ =	shalt  }
0x58: {  	_ =	shalt  }
0x59: {  	_ =	shalt  }
0x5a: {  	_ =	shalt  }
0x5b: {  	_ =	shalt  }
0x5c: {  	_ =	shalt  }
0x5d: {  	_ =	shalt  }
0x5e: {  	_ =	shalt  }
0x5f: {  	_ =	shalt  }
0x60: {  	_ =	shalt  }
0x61: {  	_ =	shalt  }
0x62: {  	_ =	shalt  }
0x63: {  	_ =	shalt  }
0x64: {  	_ =	shalt  }
0x65: {  	_ =	shalt  }
0x66: {  	_ =	shalt  }
0x67: {  	_ =	shalt  }
0x68: {  	_ =	shalt  }
0x69: {  	_ =	shalt  }
0x6a: {  	_ =	shalt  }
0x6b: {  	_ =	shalt  }
0x6c: {  	_ =	shalt  }
0x6d: {  	_ =	shalt  }
0x6e: {  	_ =	shalt  }
0x6f: {  	_ =	shalt  }
0x70: {  	_ =	shalt  }
0x71: {  	_ =	shalt  }
0x72: {  	_ =	shalt  }
0x73: {  	_ =	shalt  }
0x74: {  	_ =	shalt  }
0x75: {  	_ =	shalt  }
0x76: {  	_ =	shalt  }
0x77: {  	_ =	shalt  }
0x78: {  	_ =	shalt  }
0x79: {  	_ =	shalt  }
0x7a: {  	_ =	shalt  }
0x7b: {  	_ =	shalt  }
0x7c: {  	_ =	shalt  }
0x7d: {  	_ =	shalt  }
0x7e: {  	_ =	shalt  }
0x7f: {  	_ =	shalt  }
0x80: {  	_ =	shalt  }
0x81: {  	_ =	shalt  }
0x82: {  	_ =	shalt  }
0x83: {  	_ =	shalt  }
0x84: {  	_ =	shalt  }
0x85: {  	_ =	shalt  }
0x86: {  	_ =	shalt  }
0x87: {  	_ =	shalt  }
.Lfunc_end0:
.L_simem_size_0:
called_computation.1_lowered:
.L_overlay_start_0:
0x88: {  	s2 =	sld [smem:$0x3FD9]  }
0x89: {  	s3 =	sld [smem:$0x3FFE];
	_ =	sdelay $0x1  }
0x8a: {  	s1 =	srdreg.scid  }
0x8b: {  	s0 =	sand.u32 $0x1, s1  }
0x8c: {  	s14 =	sshll.u32 s0, $0xA;
	s2 =	sadd.s32 s3, s2  }
0x8d: {  	s2 =	sadd.s32 s2, s14  }
0x8e: {  	[smem:$0x3FBD] =	sst s2  }
0x8f: {  	_ = 	snop  }
0x90: {  	s2 =	sld [smem:$0x3FD0];
	_ =	sdelay $0x2  }
0x91: {  	s15 =	simm.s32 $0xA;
	s4 =	simm.s32 $0x10  }
0x92: {  	[smem:s4], [sflag:s15] =	dma.local [hbm:s2], $0x1  }
0x93: {  	_ =	swait.eq [sflag:s15], $0x1  }
0x94: {  	[sflag:s15] =	ssyncset.done $0x0  }
0x95: {  	s16 =	sld [smem:$0x11];
	[sflag:s15] =	ssyncadd.s32 $0xFFFFFFFF  }
0x96: {  	s17 =	sld [smem:$0x12];
	(tm) =	ssettm $0x1  }
0x97: {  	s18 =	sld [smem:$0x3FFB];
	_ =	sdelay $0x3  }
0x98: {  	_ =	strace s18  }
0x99: {  	s4 =	sld [smem:$0x3FFC];
	_ =	sdelay $0x3  }
0x9a: {  	_ =	strace s4  }
0x9b: {  	s4 =	sld [smem:$0x3FFD];
	_ =	sdelay $0x3  }
0x9c: {  	_ =	strace s4  }
0x9d: {  	_ =	strace $0x8FFFFFFF  }
0x9e: {  	s19 =	sld [smem:$0x3FDB];
	_ =	sdelay $0x1  }
0x9f: {  	s5 =	simm.s32 $_scs_section_size  }
0xa0: {  	s6 =	simm.s32 $_size__tile_overlayer_lowered;
	s7 =	simm.s32 $_tile_overlayer_lowered  }
0xa1: {  	s22 =	simm.s32 $0x1BFF;
	s21 =	sshll.u32 s7, $0x1;
	s4 =	sadd.s32 s5, s19  }
0xa2: {  	s8 =	simm.s32 $0x0;
	s20 =	sshll.u32 s6, $0x1;
	s6 =	sadd.s32 s21, s4  }
0xa3: {  	[timem:s8], [sflag:s22] =	dma.local [hbm:s6], s20  }
0xa4: {  	_ =	swait.ge [sflag:s22], s20  }
0xa5: {  	s5 =	ssub.s32 $0x0, s20;
	[sflag:s22] =	ssyncset.done $0x0  }
0xa6: {  	[sflag:s22] =	ssyncadd.s32 s5;
	_ =	sdelay $0x1  }
0xa7: {  	s23 =	simm.s32 $0x1B8B  }
0xa8: {  	_ =	swait.ge [sflag:s23], $0x1  }
0xa9: {  	[sflag:s23] =	ssyncset.done $0x0  }
0xaa: {  	s25 =	simm.s32 $0x1B8E;
	s24 =	sld [smem:$0x3FFE];
	[sflag:s23] =	ssyncadd.s32 $0xFFFFFFFF  }
0xab: {  	s26 =	simm.s32 $execute0_lowered;
	[smem:$0x3FD2] =	sst s25  }
0xac: {  	s6 =	sshll.u32 s26, $0x1;
	_ =	strace $0x80000049;
	[dreg:$0x1] =	wrdreg $0xFFFFFFFF  }
0xad: {  	s28 =	simm.s32 $_size_execute0_lowered;
	s4 =	sadd.s32 s4, s6;
	[dreg:$0x0] =	wrdreg $0x0  }
0xae: {  	s6 =	sshll.u32 s28, $0x1;
	[dreg:$0x2] =	wrdreg s4  }
0xaf: {  	[dreg:$0x3] =	wrdreg s6  }
0xb0: {  	[dreg:$0x4] =	wrdreg $0xC0  }
0xb1: {  	_ =	task [dreg:s8], $0x5FFFF  }
0xb2: {  	[dreg:$0x1] =	wrdreg $0xFFFFFFFF  }
0xb3: {  	[dreg:$0x0] =	wrdreg $0x60  }
0xb4: {  	[dreg:$0x2] =	wrdreg s24  }
0xb5: {  	[dreg:$0x3] =	wrdreg s16  }
0xb6: {  	[dreg:$0x4] =	wrdreg s17  }
0xb7: {  	[dreg:$0x5] =	wrdreg $0x122000  }
0xb8: {  	[dreg:$0x6] =	wrdreg $0x9  }
0xb9: {  	_ =	task.clear_ibuf [dreg:s8], $0x7FFFF;
	_ =	strace $0x90000049  }
0xba: {  	s29 =	simm.s32 $0x9;
	_ =	strace $0x8000004B  }
0xbb: {  	_ =	swait.ge [sflag:s29], $0x1  }
0xbc: {  	[sflag:s29] =	ssyncadd.s32 $0xFFFFFFFF  }
0xbd: {  	_ =	strace $0x9000004B  }
0xbe: {  	_ =	sfence  }
0xbf: {  	s30 =	sld [smem:$0x0];
	_ =	sdelay $0x2  }
0xc0: {  	s31 =	sshll.u32 s1, $0xD;
	s1 =	sshrl.u32 s1, $0x2  }
0xc1: {  	s3 =	sand.u32 $0x4000, s31;
	s1 =	sadd.s32 s1, s30  }
0xc2: {  	s0 =	sor.u32 s3, s0;
	s1 =	sshll.u32 s1, $0x11  }
0xc3: {  	s0 =	sor.u32 s1, s0  }
0xc4: {  	s0 =	sadd.s32 $0x8F2B, s0  }
0xc5: {  	[sflag:s0] =	ssyncadd.remote.s32 $0x1  }
0xc6: {  	_ =	sfence.sel $0xFFFF  }
0xc7: {  	[dreg:$0x0] =	wrdreg $0xFFFFFFFF;
	(pc) =	sbr.abs _section_cstart, $3  }
0xc8: {  	[dreg:$0x1] =	wrdreg $0xFFFFFFFF  }
0xc9: {  	_ =	task.clear_ibuf [dreg:s8], $0x2FFFF;
	_ =	strace $0x9FFFFFFF  }
0xca: {  	(tm) =	ssettm $0x7FFFFFFF  }
0xcb: {  	_ =	shalt  }
tec
execute0_lowered:
.L_overlay_start_1:
0x0: {  	(tag) =	ssettag $0x1  }
0x1: {  	s0 =	rddreg [dreg:$0x0]  }
0x2: {  	s1 =	rddreg [dreg:$0x1]  }
0x3: {  	s5 =	rddreg [dreg:$0x2]  }
0x4: {  	s2 =	rddreg [dreg:$0x3]  }
0x5: {  	s4 =	srdreg.scid;
	s12 =	stileid.u32  }
0x6: {  	s3 =	simm.s32 $0x0;
	s14 =	simm.s32 $0x9;
	s16 =	simm.s32 $0x1  }
0x7: {  	s17 =	simm.s32 $0xA200;
	s18 =	simm.s32 $0x40;
	s19 =	simm.s32 $0xC200  }
0x8: {  	s23 =	simm.s32 $0x10200;
	s24 =	simm.s32 $0x2;
	s25 =	simm.s32 $0x3  }
0x9: {  	s28 =	simm.s32 $0x5;
	s29 =	simm.s32 $0x6;
	s7 =	smul.u32 $0xA000, s12  }
0xa: {  	s30 =	simm.s32 $0x7;
	s31 =	simm.s32 $0x8;
	s9 =	smul.u32 $0xA00, s12  }
0xb: {  	s6 =	sand.u32 $0x1, s4;
	[smem:$0x7FF] =	sst s3;
	s12 =	smul.u32 $0x28000, s12  }
0xc: {  	s4 =	smul.u32 $0xA0000, s6;
	_ =	strace $0x8000004A;
	s8 =	ssub.s32 $0x2, s6  }
0xd: {  	s22 =	smul.u32 $0xFFFFEC78, s6;
	s11 =	sshrl.u32 s8, $0x1;
	s1 =	sadd.s32 s1, s9  }
0xe: {  	s20 =	sadd.s32 s5, s9;
	s21 =	sshrl.u32 s12, $0x2;
	[dreg:$0x5] =	wrdreg s1  }
0xf: {  	s4 =	sadd.s32 s7, s4;
	s13 =	ssub.s32 s8, s11;
	[dreg:$0x6] =	wrdreg s20  }
0x10: {  	s7 =	sadd.s32 s7, s2;
	s1 =	sadd.s32 s21, s2;
	s21 =	simm.s32 $0xE200  }
0x11: {  	s10 =	sshrl.u32 s4, $0x3;
	s4 =	sadd.s32 $0x4A00, s0;
	s26 =	sadd.s32 $0x2000, s1  }
0x12: {  	s9 =	sadd.s32 $0x4000, s1;
	s11 =	sadd.s32 $0x8000, s1;
	s13 =	smax.u32 s13, $0x1  }
0x13: {  	s0 =	sadd.s32 s10, s0;
	[dreg:$0x7] =	wrdreg s26;
	s10 =	sadd.s32 $0x6000, s1  }
0x14: {  	v1 =	vimm.s32 $0x1388;
	v2 =	vimm.f32 $0.0e+00;
	v0 =	vmov s22;
	s26 =	simm.s32 $0x4;
	s12 =	sadd.s32 $0x52E00, s0;
	s0 =	simm.s32 $0x0  }
.LBB2_1:
0x15: {  	s1 =	rddreg [dreg:$0x5]  }
0x16: {  	[tilespmem:s3], [sflag:$0x9] =	stream.linear.gather [hbm4b:s1+s3], $0x5000, $0x38;
	[tilespmem:$0x1C200] =	vst v63  }
0x17: {  	_ =	swait.ge [sflag:s14], $0x5000  }
0x18: {  	[sflag:s14] =	ssyncset.done $0x0  }
0x19: {  	s5 =	simm.s32 $0x5100;
	s20 =	rddreg [dreg:$0x6];
	[sflag:s14] =	ssyncadd.s32 $0xFFFFB000  }
0x1a: {  	[tilespmem:s5], [sflag:$0x9] =	stream.linear.gather [hbm4b:s20+s3], $0x5000, $0x38;
	[tilespmem:$0x1C200] =	vst v63  }
0x1b: {  	_ =	swait.ge [sflag:s14], $0x5000  }
0x1c: {  	[sflag:s14] =	ssyncset.done $0x0  }
0x1d: {  	s22 =	simm.s32 $0x0;
	[sflag:s14] =	ssyncadd.s32 $0xFFFFB000  }
0x1e: {  	v3 =	vld [tilespmem:s22+$0x5100];
	_ =	sdelay $0x4  }
0x1f: {  	v3 =	vadd.s32 v0, v3  }
0x20: {  	vm0 =	vlt.u32 v3, $0x1388  }
0x21: {  	v5 =	vmpcnt.ones.xlane vm0;
	_ =	sdelay $0x1  }
0x22: {  	v4 =	vld [tilespmem:s22+$0x0];
	(v2sf) =	vpush v5, $0x0;
	_ =	sdelay $0x4  }
0x23: {  	[tilespmem:s3+$0x0] =	vst.msk vm0, v4  }
0x24: {  	s6 =	simm.s32 $0x10;
	s1 =	simm.s32 $0x0;
	s5 =	simm.s32 $0x80;
	[tilespmem:s3+$0x5100] =	vst.msk vm0, v3  }
.LBB2_2:
0x25: {  	p0 =	seq.s32 s5, $0x13FC0;
	v3 =	vld [tilespmem:s6+$0x5100];
	_ =	sdelay $0x4  }
0x26: {  	v4 =	vld [tilespmem:s6+$0x0];
	v3 =	vadd.s32 v0, v3  }
0x27: {  	vm0 =	vlt.u32 v3, $0x1388  }
0x28: {  	v5 =	vmpcnt.ones.xlane vm0  }
0x29: {  	s6 =	spop (v2sf)  }
0x2a: {  	(v2sf) =	vpush v5, $0x0;
	s1 =	sadd.s32 s1, s6  }
0x2b: {  	[tilespmem:s1+$0x0] =	vst.msk vm0, v4  }
.Ltmp0:
0x2c: {  	[tilespmem:s1+$0x5100] =	vst.msk vm0, v3;
	(pc) =	sbr.rel @!p0 .LBB2_2-.Ltmp0, $2  }
0x2d: {  	_ =	sdelay $0x2  }
0x2e: {  	s6 =	sshra.s32 s5, $0x2;
	s5 =	sadd.s32 $0x40, s5  }
0x2f: {  	v3 =	vld [tilespmem:s6+$0x5100];
	_ =	sdelay $0x4  }
0x30: {  	v3 =	vadd.s32 v0, v3  }
0x31: {  	vm0 =	vlt.u32 v3, $0x1388  }
0x32: {  	v4 =	vmpcnt.ones.xlane vm0;
	_ =	sdelay $0x1  }
0x33: {  	(v2sf) =	vpush v4, $0x0;
	_ =	sdelay $0x9  }
0x34: {  	v63 =	vld [tilespmem:s6+$0x0];
	_ =	sdelay $0x2  }
0x35: {  	s5 =	spop (v2sf)  }
0x36: {  	s1 =	sadd.s32 s1, s5  }
0x37: {  	[tilespmem:s1+$0x0] =	vst.msk vm0, v63;
	s22 =	spop (v2sf)  }
0x38: {  	[tilespmem:s1+$0x5100] =	vst.msk vm0, v3;
	s1 =	sadd.s32 s1, s22  }
0x39: {  	[tilespmem:s1+$0x5100] =	vst v1  }
0x3a: {  	[tilespmem:s1+$0x5110] =	vst v1  }
0x3b: {  	[tilespmem:s1+$0x5120] =	vst v1  }
0x3c: {  	[tilespmem:s1+$0x5130] =	vst v1  }
0x3d: {  	[tilespmem:s1+$0x5140] =	vst v1  }
0x3e: {  	[tilespmem:s1+$0x5150] =	vst v1  }
0x3f: {  	[tilespmem:s1+$0x5160] =	vst v1  }
0x40: {  	[tilespmem:s1+$0x5170] =	vst v1  }
0x41: {  	[tilespmem:s1+$0x5180] =	vst v1  }
0x42: {  	[tilespmem:s1+$0x5190] =	vst v1  }
0x43: {  	[tilespmem:s1+$0x51A0] =	vst v1  }
0x44: {  	[tilespmem:s1+$0x51B0] =	vst v1  }
0x45: {  	[tilespmem:s1+$0x51C0] =	vst v1  }
0x46: {  	[tilespmem:s1+$0x51D0] =	vst v1  }
0x47: {  	[tilespmem:s1+$0x51E0] =	vst v1  }
0x48: {  	s6 =	simm.s32 $0x200;
	s5 =	simm.s32 $0x0;
	[tilespmem:s1+$0x51F0] =	vst v1  }
.LBB2_4:
0x49: {  	p0 =	sne.s32 s6, $0x7E00;
	[tilespmem:s5+$0xA270] =	vst v2  }
0x4a: {  	[tilespmem:s5+$0xA200] =	vst v2  }
0x4b: {  	[tilespmem:s5+$0xA210] =	vst v2  }
.Ltmp1:
0x4c: {  	[tilespmem:s5+$0xA220] =	vst v2;
	(pc) =	sbr.rel @p0 .LBB2_4-.Ltmp1, $4  }
0x4d: {  	[tilespmem:s5+$0xA230] =	vst v2  }
0x4e: {  	[tilespmem:s5+$0xA240] =	vst v2  }
0x4f: {  	[tilespmem:s5+$0xA250] =	vst v2  }
0x50: {  	[tilespmem:s5+$0xA260] =	vst v2;
	s5 =	sshra.s32 s6, $0x2;
	s6 =	sadd.s32 $0x200, s6  }
0x51: {  	[tilespmem:s5+$0xA270] =	vst v2  }
0x52: {  	[tilespmem:s5+$0xA200] =	vst v2  }
0x53: {  	[tilespmem:s5+$0xA210] =	vst v2  }
0x54: {  	[tilespmem:s5+$0xA220] =	vst v2  }
0x55: {  	[tilespmem:s5+$0xA230] =	vst v2  }
0x56: {  	[tilespmem:s5+$0xA240] =	vst v2  }
0x57: {  	[tilespmem:s5+$0xA250] =	vst v2  }
0x58: {  	[tilespmem:s5+$0xA260] =	vst v2  }
0x59: {  	[spmem:s7] =	stream.linear.scatter [tilespmem:s17], [sflag:$0x9], $0x2000, $0x38;
	[tilespmem:$0x1C200] =	vst v63  }
0x5a: {  	_ =	swait.ge [sflag:s14], $0x2000  }
0x5b: {  	[sflag:s14] =	ssyncset.done $0x0  }
0x5c: {  	s8 =	rddreg [dreg:$0x7];
	[sflag:s14] =	ssyncadd.s32 $0xFFFFE000  }
0x5d: {  	[spmem:s8] =	stream.linear.scatter [tilespmem:s17], [sflag:$0x9], $0x2000, $0x38;
	[tilespmem:$0x1C200] =	vst v63  }
0x5e: {  	_ =	swait.ge [sflag:s14], $0x2000  }
0x5f: {  	[sflag:s14] =	ssyncset.done $0x0  }
0x60: {  	[sflag:s14] =	ssyncadd.s32 $0xFFFFE000  }
0x61: {  	[spmem:s9] =	stream.linear.scatter [tilespmem:s17], [sflag:$0x9], $0x2000, $0x38;
	[tilespmem:$0x1C200] =	vst v63  }
0x62: {  	_ =	swait.ge [sflag:s14], $0x2000  }
0x63: {  	[sflag:s14] =	ssyncset.done $0x0  }
0x64: {  	[sflag:s14] =	ssyncadd.s32 $0xFFFFE000  }
0x65: {  	[spmem:s10] =	stream.linear.scatter [tilespmem:s17], [sflag:$0x9], $0x2000, $0x38;
	[tilespmem:$0x1C200] =	vst v63  }
0x66: {  	_ =	swait.ge [sflag:s14], $0x2000  }
0x67: {  	[sflag:s14] =	ssyncset.done $0x0  }
0x68: {  	[sflag:s14] =	ssyncadd.s32 $0xFFFFE000  }
0x69: {  	[spmem:s11] =	stream.linear.scatter [tilespmem:s17], [sflag:$0x9], $0x2000, $0x38;
	[tilespmem:$0x1C200] =	vst v63  }
0x6a: {  	_ =	swait.ge [sflag:s14], $0x2000  }
0x6b: {  	[sflag:s14] =	ssyncset.done $0x0  }
0x6c: {  	[sflag:s14] =	ssyncadd.s32 $0xFFFFE000  }
0x6d: {  	s15 =	simm.s32 $0x0;
	[bflag:$0x0] =	sbarrier.arrive $0xFFFF  }
0x6e: {  	[tilespmem:s17], [sflag:$0x1] =	stream.indirect.gather [hbm4b:s4+s18], $0x80, s15, s18, $0xb8;
	[tilespmem:$0x1C200] =	vst v63  }
0x6f: {  	_ = 	snop  }
0x70: {  	[tilespmem:s19], [sflag:$0x2] =	stream.indirect.gather [hbm4b:s4+s18], $0x80, s18, s18, $0xb8;
	[tilespmem:$0x1C200] =	vst v63  }
0x71: {  	s20 =	simm.s32 $0x80  }
0x72: {  	[tilespmem:s21], [sflag:$0x3] =	stream.indirect.gather [hbm4b:s4+s18], $0x80, s20, s18, $0xb8;
	[tilespmem:$0x1C200] =	vst v63  }
0x73: {  	s22 =	simm.s32 $0xC0  }
0x74: {  	[tilespmem:s23], [sflag:$0x4] =	stream.indirect.gather [hbm4b:s4+s18], $0x80, s22, s18, $0xb8;
	[tilespmem:$0x1C200] =	vst v63  }
0x75: {  	s1 =	sadd.s32 $0x3F, s1;
	_ =	swait.ge [sflag:s16], $0x2000  }
0x76: {  	s6 =	sshra.s32 s1, $0x1F;
	[sflag:s16] =	ssyncset.done $0x0  }
0x77: {  	s5 =	sshrl.u32 s6, $0x1A;
	s6 =	simm.s32 $0x5100;
	[sflag:s16] =	ssyncadd.s32 $0xFFFFE000  }
0x78: {  	[spmem:s2] =	stream.indirect.scatter.add.f32 [tilespmem:s17], [sflag:$0x5], $0x80, s6, s18, $0xb8;
	[tilespmem:$0x1C200] =	vst v63  }
0x79: {  	p0 =	slt.s32 s1, $0x1;
	s8 =	sand.u32 $0x3F, s1;
	_ =	swait.ge [sflag:s24], $0x2000  }
0x7a: {  	s5 =	sadd.s32 s5, s1;
	p1 =	sne.s32 s8, $0x0;
	[sflag:s24] =	ssyncset.done $0x0  }
0x7b: {  	p0 =	por !p0, !p1;
	s15 =	simm.s32 $0x5140;
	[sflag:s24] =	ssyncadd.s32 $0xFFFFE000  }
0x7c: {  	[spmem:s2] =	stream.indirect.scatter.add.f32 [tilespmem:s19], [sflag:$0x6], $0x80, s15, s18, $0xb8;
	[tilespmem:$0x1C200] =	vst v63  }
0x7d: {  	s1 =	simm.s32 $0x1;
	p0 =	por !p0, !p0;
	_ =	swait.ge [sflag:s25], $0x2000  }
0x7e: {  	s5 =	sshra.s32 s5, $0x6;
	s1 =	simm.s32 @!p0 $0x0;
	[sflag:s25] =	ssyncset.done $0x0  }
0x7f: {  	s1 =	ssub.s32 s5, s1;
	s20 =	simm.s32 $0x5180;
	[sflag:s25] =	ssyncadd.s32 $0xFFFFE000  }
0x80: {  	[spmem:s2] =	stream.indirect.scatter.add.f32 [tilespmem:s21], [sflag:$0x7], $0x80, s20, s18, $0xb8;
	[tilespmem:$0x1C200] =	vst v63  }
0x81: {  	p0 =	sgt.s32 s1, $0x1;
	_ =	swait.ge [sflag:s26], $0x2000  }
0x82: {  	s1 =	simm.s32 @!p0 $0x1;
	[sflag:s26] =	ssyncset.done $0x0  }
0x83: {  	s1 =	sadd.s32 $0x3, s1;
	s22 =	simm.s32 $0x51C0;
	[sflag:s26] =	ssyncadd.s32 $0xFFFFE000  }
0x84: {  	[spmem:s2] =	stream.indirect.scatter.add.f32 [tilespmem:s23], [sflag:$0x8], $0x80, s22, s18, $0xb8;
	[tilespmem:$0x1C200] =	vst v63  }
0x85: {  	s15 =	sand.u32 $0x7FFFFFFC, s1;
	_ =	swait.ge [sflag:s28], $0x2000  }
0x86: {  	s1 =	simm.s32 $0x100;
	p0 =	sgt.u32 s15, $0x4;
	[sflag:s28] =	ssyncset.done $0x0  }
0x87: {  	s1 =	simm.s32 @!p0 $0x0;
	[sflag:s28] =	ssyncadd.s32 $0xFFFFE000  }
0x88: {  	[tilespmem:s17], [sflag:$0x1] =	stream.indirect.gather [hbm4b:s4+s18], $0x80, s1, s18, $0xb8;
	[tilespmem:$0x1C200] =	vst v63  }
0x89: {  	_ =	swait.ge [sflag:s29], $0x2000  }
0x8a: {  	p0 =	sgt.u32 s15, $0x5;
	s1 =	simm.s32 $0x140;
	[sflag:s29] =	ssyncset.done $0x0  }
0x8b: {  	s1 =	simm.s32 @!p0 $0x0;
	[sflag:s29] =	ssyncadd.s32 $0xFFFFE000  }
0x8c: {  	[tilespmem:s19], [sflag:$0x2] =	stream.indirect.gather [hbm4b:s4+s18], $0x80, s1, s18, $0xb8;
	[tilespmem:$0x1C200] =	vst v63  }
0x8d: {  	p0 =	sgt.u32 s15, $0x6;
	s1 =	simm.s32 $0x180;
	_ =	swait.ge [sflag:s30], $0x2000  }
0x8e: {  	s1 =	simm.s32 @!p0 $0x0;
	p0 =	sne.s32 s15, $0x4;
	[sflag:s30] =	ssyncset.done $0x0  }
.Ltmp2:
0x8f: {  	[sflag:s30] =	ssyncadd.s32 $0xFFFFE000;
	(pc) =	sbr.rel @!p0 .LBB2_7-.Ltmp2, $4  }
0x90: {  	[tilespmem:s21], [sflag:$0x3] =	stream.indirect.gather [hbm4b:s4+s18], $0x80, s1, s18, $0xb8;
	[tilespmem:$0x1C200] =	vst v63  }
0x91: {  	s5 =	simm.s32 $0x1C0;
	p1 =	sgt.u32 s15, $0x7;
	_ =	swait.ge [sflag:s31], $0x2000  }
0x92: {  	s5 =	simm.s32 @!p1 $0x0;
	s20 =	simm.s32 $0x4;
	[sflag:s31] =	ssyncset.done $0x0  }
0x93: {  	s22 =	simm.s32 $0x200;
	s1 =	simm.s32 $0x52C0;
	[sflag:s31] =	ssyncadd.s32 $0xFFFFE000  }
.LBB2_6:
0x94: {  	[tilespmem:s23], [sflag:$0x4] =	stream.indirect.gather [hbm4b:s4+s18], $0x80, s5, s18, $0xb8;
	[tilespmem:$0x1C200] =	vst v63  }
0x95: {  	s5 =	smov.u32 s20;
	s20 =	sadd.s32 $0x4, s20;
	_ =	swait.ge [sflag:s16], $0x2000  }
0x96: {  	p1 =	slt.u32 s20, s15;
	p0 =	sne.s32 s15, s20;
	[sflag:s16] =	ssyncset.done $0x0  }
0x97: {  	s8 =	sadd.s32 $0xFFFFFF40, s1;
	s6 =	smov.u32 s22;
	[sflag:s16] =	ssyncadd.s32 $0xFFFFE000  }
0x98: {  	[spmem:s2] =	stream.indirect.scatter.add.f32 [tilespmem:s17], [sflag:$0x5], $0x80, s8, s18, $0xb8;
	[tilespmem:$0x1C200] =	vst v63  }
0x99: {  	_ =	swait.ge [sflag:s24], $0x2000  }
0x9a: {  	[sflag:s24] =	ssyncset.done $0x0  }
0x9b: {  	s8 =	sadd.s32 $0xFFFFFF80, s1;
	[sflag:s24] =	ssyncadd.s32 $0xFFFFE000  }
0x9c: {  	[spmem:s2] =	stream.indirect.scatter.add.f32 [tilespmem:s19], [sflag:$0x6], $0x80, s8, s18, $0xb8;
	[tilespmem:$0x1C200] =	vst v63  }
0x9d: {  	_ =	swait.ge [sflag:s25], $0x2000  }
0x9e: {  	[sflag:s25] =	ssyncset.done $0x0  }
0x9f: {  	s8 =	sadd.s32 $0xFFFFFFC0, s1;
	[sflag:s25] =	ssyncadd.s32 $0xFFFFE000  }
0xa0: {  	[spmem:s2] =	stream.indirect.scatter.add.f32 [tilespmem:s21], [sflag:$0x7], $0x80, s8, s18, $0xb8;
	[tilespmem:$0x1C200] =	vst v63  }
0xa1: {  	_ =	swait.ge [sflag:s26], $0x2000  }
0xa2: {  	[sflag:s26] =	ssyncset.done $0x0  }
0xa3: {  	[sflag:s26] =	ssyncadd.s32 $0xFFFFE000  }
0xa4: {  	[spmem:s2] =	stream.indirect.scatter.add.f32 [tilespmem:s23], [sflag:$0x8], $0x80, s1, s18, $0xb8;
	[tilespmem:$0x1C200] =	vst v63  }
0xa5: {  	_ =	swait.ge [sflag:s28], $0x2000  }
0xa6: {  	s8 =	smov.u32 s22;
	[sflag:s28] =	ssyncset.done $0x0  }
0xa7: {  	s8 =	simm.s32 @!p1 $0x0;
	[sflag:s28] =	ssyncadd.s32 $0xFFFFE000  }
0xa8: {  	[tilespmem:s17], [sflag:$0x1] =	stream.indirect.gather [hbm4b:s4+s18], $0x80, s8, s18, $0xb8;
	[tilespmem:$0x1C200] =	vst v63  }
0xa9: {  	s8 =	sadd.s32 $0x5, s5;
	_ =	swait.ge [sflag:s29], $0x2000  }
0xaa: {  	p1 =	slt.u32 s8, s15;
	s8 =	sadd.s32 $0x40, s22;
	[sflag:s29] =	ssyncset.done $0x0  }
0xab: {  	s8 =	simm.s32 @!p1 $0x0;
	[sflag:s29] =	ssyncadd.s32 $0xFFFFE000  }
0xac: {  	[tilespmem:s19], [sflag:$0x2] =	stream.indirect.gather [hbm4b:s4+s18], $0x80, s8, s18, $0xb8;
	[tilespmem:$0x1C200] =	vst v63  }
0xad: {  	s8 =	sadd.s32 $0x6, s5;
	_ =	swait.ge [sflag:s30], $0x2000  }
0xae: {  	p1 =	slt.u32 s8, s15;
	s8 =	sadd.s32 $0x80, s22;
	[sflag:s30] =	ssyncset.done $0x0  }
.Ltmp3:
0xaf: {  	s8 =	simm.s32 @!p1 $0x0;
	[sflag:s30] =	ssyncadd.s32 $0xFFFFE000;
	(pc) =	sbr.rel @p0 .LBB2_6-.Ltmp3, $4  }
0xb0: {  	[tilespmem:s21], [sflag:$0x3] =	stream.indirect.gather [hbm4b:s4+s18], $0x80, s8, s18, $0xb8;
	[tilespmem:$0x1C200] =	vst v63  }
0xb1: {  	s5 =	sadd.s32 $0x7, s5;
	s22 =	sadd.s32 $0x100, s22;
	_ =	swait.ge [sflag:s31], $0x2000  }
0xb2: {  	p1 =	slt.u32 s5, s15;
	s5 =	sadd.s32 $0xC0, s6;
	[sflag:s31] =	ssyncset.done $0x0  }
0xb3: {  	s1 =	sadd.s32 $0x100, s1;
	s5 =	simm.s32 @!p1 $0x0;
	[sflag:s31] =	ssyncadd.s32 $0xFFFFE000  }
.LBB2_7:
0xb4: {  	[tilespmem:s23], [sflag:$0x4] =	stream.indirect.gather [hbm4b:s4+s18], $0x80, s5, s18, $0xb8;
	[tilespmem:$0x1C200] =	vst v63  }
0xb5: {  	_ =	swait.ge [sflag:s16], $0x2000  }
0xb6: {  	[sflag:s16] =	ssyncset.done $0x0  }
0xb7: {  	[sflag:s16] =	ssyncadd.s32 $0xFFFFE000  }
0xb8: {  	_ =	swait.ge [sflag:s24], $0x2000  }
0xb9: {  	[sflag:s24] =	ssyncset.done $0x0  }
0xba: {  	[sflag:s24] =	ssyncadd.s32 $0xFFFFE000  }
0xbb: {  	_ =	swait.ge [sflag:s25], $0x2000  }
0xbc: {  	[sflag:s25] =	ssyncset.done $0x0  }
0xbd: {  	[sflag:s25] =	ssyncadd.s32 $0xFFFFE000  }
0xbe: {  	s1 =	stileid.u32;
	_ =	swait.ge [sflag:s26], $0x2000  }
0xbf: {  	s22 =	sshrl.u32 s7, $0x3;
	s0 =	sadd.s32 $0x1, s0;
	[sflag:s26] =	ssyncset.done $0x0  }
0xc0: {  	s1 =	sshll.u32 s1, $0x6;
	p0 =	sne.s32 s0, s13;
	[sflag:s26] =	ssyncadd.s32 $0xFFFFE000  }
.Ltmp4:
0xc1: {  	s1 =	sor.u32 $0x1C09, s1;
	[bflag:$0x0] =	sbarrier.arrive $0xFFFF;
	(pc) =	sbr.rel @p0 .LBB2_1-.Ltmp4, $4  }
0xc2: {  	[hbm:s12], [sflag:s1] =	dma.local [spmem:s22], $0x1400  }
0xc3: {  	_ =	swait.ge [sflag:s14], $0x1400  }
0xc4: {  	[sflag:s14] =	ssyncset.done $0x0  }
0xc5: {  	[sflag:s14] =	ssyncadd.s32 $0xFFFFEC00  }
0xc6: {  	_ =	sfence.sel $0x180000  }
0xc7: {  	[bflag:$0x0] =	sbarrier.arrive $0xFFFF  }
0xc8: {  	_ =	strace $0x9000004A  }
0xc9: {  	s0 =	stileid.u32;
	[bflag:$0x2] =	sbarrier.arrive $0xFFFF  }
0xca: {  	p0 =	sne.s32 s0, $0x0;
	s0 =	rddreg [dreg:$0x4]  }
0xcb: {  	s0 =	sadd.s32 @!p0 $0x100000, s0  }
0xcc: {  	[sflag:s0] =	ssyncadd.tile.s32 @!p0 $0x1;
	_ =	shalt  }
.Lfunc_end2:
_tile_overlayer_lowered:
.L_overlay_start_2:
0xcd: {  	(tag) =	ssettag $0x2  }
0xce: {  	s0 =	rddreg [dreg:$0x0];
	s2 =	stileid.u32  }
0xcf: {  	s1 =	rddreg [dreg:$0x1];
	p0 =	sne.s32 s2, $0x0  }
0xd0: {  	s3 =	rddreg [dreg:$0x2];
	[bflag:$0x3] =	sbarrier.arrive $0xFFFF;
	s2 =	simm.s32 @!p0 $0x1C09  }
0xd1: {  	[timem:s3], [sflag:s2] =	dma.local @!p0 [hbm:s0], s1  }
0xd2: {  	s0 =	simm.s32 @!p0 $0x9  }
0xd3: {  	_ =	swait.ge @!p0 [sflag:s0], s1  }
0xd4: {  	s1 =	ssub.s32 @!p0 $0x0, s1;
	[sflag:s0] =	ssyncset.done @!p0 $0x0  }
0xd5: {  	[sflag:s0] =	ssyncadd.s32 @!p0 s1  }
0xd6: {  	[bflag:$0x3] =	sbarrier.arrive $0xFFFF  }
0xd7: {  	_ =	shalt  }

// kernel: kernel.16.cloned.1.call-start
scs
__scs_entry_jumppad:
0x0: {  	(pc) =	sbr.rel $0x88, $3  }
0x1: {  	(tag) =	ssettag $0x0;
	lr =	simm.s32 $0x1  }
0x2: {  	[smem:$0x3F96] =	sst lr;
	_ =	strace $0xD0000000  }
0x3: {  	_ = 	snop  }
0x4: {  	_ = 	snop  }
0x5: {  	_ = 	snop  }
0x6: {  	_ = 	snop  }
0x7: {  	_ = 	snop  }
__scs_overlays_trampoline_lowered:
0x8: {  	[smem:$0x3FA5] =	sst s0  }
0x9: {  	[smem:$0x3FA6] =	sst s1  }
0xa: {  	[smem:$0x3FA7] =	sst s2  }
0xb: {  	[smem:$0x3FA8] =	sst s3  }
0xc: {  	[smem:$0x3FA9] =	sst s4  }
0xd: {  	[smem:$0x3FAA] =	sst s5  }
0xe: {  	[smem:$0x3FAB] =	sst s6  }
0xf: {  	[smem:$0x3FAC] =	sst s7  }
0x10: {  	[smem:$0x3FAD] =	sst s8  }
0x11: {  	[smem:$0x3FAE] =	sst s9;
	s0 =	simm.s32 @!p0 $0x0  }
0x12: {  	s1 =	sld [smem:$0x3F94];
	s0 =	simm.s32 @p0 $0x1  }
0x13: {  	[smem:$0x3FAF] =	sst s0;
	s0 =	simm.s32 @!p1 $0x0  }
0x14: {  	s2 =	sld [smem:$0x3F93];
	s0 =	simm.s32 @p1 $0x1  }
0x15: {  	[smem:$0x3FB0] =	sst s0;
	s0 =	simm.s32 @!p2 $0x0  }
0x16: {  	s3 =	sld [smem:$0x3FDB];
	s0 =	simm.s32 @p2 $0x1  }
0x17: {  	s4 =	simm.s32 $0x1BF5;
	[smem:$0x3FB2] =	sst s0  }
0x18: {  	s0 =	sld [smem:$0x3F95];
	_ =	swait.ge [sflag:s4], $0x0  }
0x19: {  	s7 =	sld [smem:$0x3F96]  }
0x1a: {  	s8 =	sadd.s32 $0xFFFFE003, lr  }
0x1b: {  	s9 =	sadd.s32 $0xFFFFFEF7, lr;
	s5 =	simm.s32 $0xFFFFFFFF;
	p2 =	slt.u32 s8, $0xFFFFF086  }
0x1c: {  	p1 =	slt.u32 s9, $0xF7A;
	s5 =	simm.s32 @!p2 $0x0  }
0x1d: {  	s5 =	simm.s32 @p1 $0x1;
	p0 =	seq.s32 s7, s2  }
0x1e: {  	s7 =	smul.u32 @!p0 $0xF7A, s2;
	p2 =	seq.s32 @!p0 s5, $0x0  }
0x1f: {  	s9 =	smul.u32 $0xF7A, s1;
	s8 =	simm.s32 @!p0 $0x1BF5;
	p2 =	por !p2, p0  }
0x20: {  	[sflag:s8] =	ssyncset.s32 @!p0 $0xFFFFF086;
	s6 =	sadd.s32 @!p0 s3, s7;
	s7 =	simm.s32 @!p0 $0x108  }
0x21: {  	s3 =	sadd.s32 s3, s9;
	s6 =	sadd.s32 @!p0 $0x88, s6;
	s7 =	simm.s32 @p2 $0x1082  }
0x22: {  	[simem:s7], [sflag:s8] =	dma.local @!p0 [hbm:s6], $0xF7A  }
0x23: {  	s9 =	sor.u32 $0xD0000000, s2;
	s6 =	simm.s32 $0x108;
	_ =	swait.ge @!p0 [sflag:s8], $0x0  }
0x24: {  	s3 =	sadd.s32 $0x88, s3;
	s6 =	simm.s32 @!p1 $0x1082;
	[sflag:s4] =	ssyncset.s32 $0xFFFFF086  }
0x25: {  	[simem:s6], [sflag:s4] =	dma.local [hbm:s3], $0xF7A  }
0x26: {  	[smem:$0x3F96] =	sst s1;
	(tag) =	ssettag s2;
	_ =	strace s9  }
0x27: {  	s1 =	sld [smem:$0x3FA6]  }
0x28: {  	s2 =	sld [smem:$0x3FA7]  }
0x29: {  	s4 =	sld [smem:$0x3FA9]  }
0x2a: {  	p0 =	seq.s32 s5, $0x0;
	s5 =	sld [smem:$0x3FAA]  }
0x2b: {  	s6 =	sld [smem:$0x3FAB]  }
0x2c: {  	s7 =	sld [smem:$0x3FAC]  }
0x2d: {  	s3 =	simm.s32 $0x108;
	s8 =	sld [smem:$0x3FAD]  }
0x2e: {  	s3 =	simm.s32 @!p0 $0x1082;
	s9 =	sld [smem:$0x3FAE]  }
0x2f: {  	lr =	sadd.s32 s0, s3;
	s0 =	sld [smem:$0x3FA5]  }
0x30: {  	s3 =	sld [smem:$0x3FA8]  }
0x31: {  	[smem:$0x3FB1] =	sst s10  }
0x32: {  	s10 =	sld [smem:$0x3FAF];
	_ =	sdelay $0x3  }
0x33: {  	p0 =	seq.s32 s10, $0x1;
	s10 =	sld [smem:$0x3FB1];
	_ =	sdelay $0x3  }
0x34: {  	[smem:$0x3FB1] =	sst s10  }
0x35: {  	s10 =	sld [smem:$0x3FB0];
	_ =	sdelay $0x3  }
0x36: {  	p1 =	seq.s32 s10, $0x1;
	s10 =	sld [smem:$0x3FB1];
	_ =	sdelay $0x3  }
0x37: {  	[smem:$0x3FB1] =	sst s10  }
0x38: {  	s10 =	sld [smem:$0x3FB2]  }
0x39: {  	_ = 	snop;
	(pc) =	sbr.ind lr, $3  }
0x3a: {  	_ = 	snop  }
0x3b: {  	_ = 	snop  }
0x3c: {  	p2 =	seq.s32 s10, $0x1;
	s10 =	sld [smem:$0x3FB1]  }
0x3d: {  	_ =	shalt  }
0x3e: {  	_ =	shalt  }
0x3f: {  	_ =	shalt  }
0x40: {  	_ =	shalt  }
0x41: {  	_ =	shalt  }
0x42: {  	_ =	shalt  }
0x43: {  	_ =	shalt  }
0x44: {  	_ =	shalt  }
0x45: {  	_ =	shalt  }
0x46: {  	_ =	shalt  }
0x47: {  	_ =	shalt  }
0x48: {  	_ =	shalt  }
0x49: {  	_ =	shalt  }
0x4a: {  	_ =	shalt  }
0x4b: {  	_ =	shalt  }
0x4c: {  	_ =	shalt  }
0x4d: {  	_ =	shalt  }
0x4e: {  	_ =	shalt  }
0x4f: {  	_ =	shalt  }
0x50: {  	_ =	shalt  }
0x51: {  	_ =	shalt  }
0x52: {  	_ =	shalt  }
0x53: {  	_ =	shalt  }
0x54: {  	_ =	shalt  }
0x55: {  	_ =	shalt  }
0x56: {  	_ =	shalt  }
0x57: {  	_ =	shalt  }
0x58: {  	_ =	shalt  }
0x59: {  	_ =	shalt  }
0x5a: {  	_ =	shalt  }
0x5b: {  	_ =	shalt  }
0x5c: {  	_ =	shalt  }
0x5d: {  	_ =	shalt  }
0x5e: {  	_ =	shalt  }
0x5f: {  	_ =	shalt  }
0x60: {  	_ =	shalt  }
0x61: {  	_ =	shalt  }
0x62: {  	_ =	shalt  }
0x63: {  	_ =	shalt  }
0x64: {  	_ =	shalt  }
0x65: {  	_ =	shalt  }
0x66: {  	_ =	shalt  }
0x67: {  	_ =	shalt  }
0x68: {  	_ =	shalt  }
0x69: {  	_ =	shalt  }
0x6a: {  	_ =	shalt  }
0x6b: {  	_ =	shalt  }
0x6c: {  	_ =	shalt  }
0x6d: {  	_ =	shalt  }
0x6e: {  	_ =	shalt  }
0x6f: {  	_ =	shalt  }
0x70: {  	_ =	shalt  }
0x71: {  	_ =	shalt  }
0x72: {  	_ =	shalt  }
0x73: {  	_ =	shalt  }
0x74: {  	_ =	shalt  }
0x75: {  	_ =	shalt  }
0x76: {  	_ =	shalt  }
0x77: {  	_ =	shalt  }
0x78: {  	_ =	shalt  }
0x79: {  	_ =	shalt  }
0x7a: {  	_ =	shalt  }
0x7b: {  	_ =	shalt  }
0x7c: {  	_ =	shalt  }
0x7d: {  	_ =	shalt  }
0x7e: {  	_ =	shalt  }
0x7f: {  	_ =	shalt  }
0x80: {  	_ =	shalt  }
0x81: {  	_ =	shalt  }
0x82: {  	_ =	shalt  }
0x83: {  	_ =	shalt  }
0x84: {  	_ =	shalt  }
0x85: {  	_ =	shalt  }
0x86: {  	_ =	shalt  }
0x87: {  	_ =	shalt  }
.Lfunc_end0:
.L_simem_size_0:
called_computation.2_lowered:
.L_overlay_start_0:
0x88: {  	s2 =	sld [smem:$0x3FD9]  }
0x89: {  	s3 =	sld [smem:$0x3FFE];
	_ =	sdelay $0x1  }
0x8a: {  	s1 =	srdreg.scid  }
0x8b: {  	s0 =	sand.u32 $0x1, s1  }
0x8c: {  	s14 =	sshll.u32 s0, $0xA;
	s2 =	sadd.s32 s3, s2  }
0x8d: {  	s2 =	sadd.s32 s2, s14  }
0x8e: {  	[smem:$0x3FBD] =	sst s2  }
0x8f: {  	_ = 	snop  }
0x90: {  	s2 =	sld [smem:$0x3FD0];
	_ =	sdelay $0x2  }
0x91: {  	s15 =	simm.s32 $0xA;
	s4 =	simm.s32 $0x10  }
0x92: {  	[smem:s4], [sflag:s15] =	dma.local [hbm:s2], $0x1  }
0x93: {  	_ =	swait.eq [sflag:s15], $0x1  }
0x94: {  	[sflag:s15] =	ssyncset.done $0x0  }
0x95: {  	s16 =	sld [smem:$0x11];
	[sflag:s15] =	ssyncadd.s32 $0xFFFFFFFF  }
0x96: {  	s17 =	sld [smem:$0x12];
	(tm) =	ssettm $0x1  }
0x97: {  	s18 =	sld [smem:$0x3FFB];
	_ =	sdelay $0x3  }
0x98: {  	_ =	strace s18  }
0x99: {  	s4 =	sld [smem:$0x3FFC];
	_ =	sdelay $0x3  }
0x9a: {  	_ =	strace s4  }
0x9b: {  	s4 =	sld [smem:$0x3FFD];
	_ =	sdelay $0x3  }
0x9c: {  	_ =	strace s4  }
0x9d: {  	_ =	strace $0x8FFFFFFF  }
0x9e: {  	s19 =	sld [smem:$0x3FDB];
	_ =	sdelay $0x1  }
0x9f: {  	s5 =	simm.s32 $_scs_section_size  }
0xa0: {  	s6 =	simm.s32 $_size__tile_overlayer_lowered;
	s7 =	simm.s32 $_tile_overlayer_lowered  }
0xa1: {  	s22 =	simm.s32 $0x1BFF;
	s21 =	sshll.u32 s7, $0x1;
	s4 =	sadd.s32 s5, s19  }
0xa2: {  	s8 =	simm.s32 $0x0;
	s20 =	sshll.u32 s6, $0x1;
	s6 =	sadd.s32 s21, s4  }
0xa3: {  	[timem:s8], [sflag:s22] =	dma.local [hbm:s6], s20  }
0xa4: {  	_ =	swait.ge [sflag:s22], s20  }
0xa5: {  	s5 =	ssub.s32 $0x0, s20;
	[sflag:s22] =	ssyncset.done $0x0  }
0xa6: {  	[sflag:s22] =	ssyncadd.s32 s5;
	_ =	sdelay $0x1  }
0xa7: {  	s23 =	simm.s32 $0x1B8B  }
0xa8: {  	_ =	swait.ge [sflag:s23], $0x1  }
0xa9: {  	[sflag:s23] =	ssyncset.done $0x0  }
0xaa: {  	s25 =	simm.s32 $0x1B8E;
	s24 =	sld [smem:$0x3FFE];
	[sflag:s23] =	ssyncadd.s32 $0xFFFFFFFF  }
0xab: {  	s26 =	simm.s32 $execute0_lowered;
	[smem:$0x3FD2] =	sst s25  }
0xac: {  	s6 =	sshll.u32 s26, $0x1;
	_ =	strace $0x8000004C;
	[dreg:$0x1] =	wrdreg $0xFFFFFFFF  }
0xad: {  	s28 =	simm.s32 $_size_execute0_lowered;
	s4 =	sadd.s32 s4, s6;
	[dreg:$0x0] =	wrdreg $0x0  }
0xae: {  	s6 =	sshll.u32 s28, $0x1;
	[dreg:$0x2] =	wrdreg s4  }
0xaf: {  	[dreg:$0x3] =	wrdreg s6  }
0xb0: {  	[dreg:$0x4] =	wrdreg $0xC0  }
0xb1: {  	_ =	task [dreg:s8], $0x5FFFF  }
0xb2: {  	[dreg:$0x1] =	wrdreg $0xFFFFFFFF  }
0xb3: {  	[dreg:$0x0] =	wrdreg $0x60  }
0xb4: {  	[dreg:$0x2] =	wrdreg s24  }
0xb5: {  	[dreg:$0x3] =	wrdreg s16  }
0xb6: {  	[dreg:$0x4] =	wrdreg s17  }
0xb7: {  	[dreg:$0x5] =	wrdreg $0x122000  }
0xb8: {  	[dreg:$0x6] =	wrdreg $0x9  }
0xb9: {  	_ =	task.clear_ibuf [dreg:s8], $0x7FFFF;
	_ =	strace $0x9000004C  }
0xba: {  	s29 =	simm.s32 $0x9;
	_ =	strace $0x8000004E  }
0xbb: {  	_ =	swait.ge [sflag:s29], $0x1  }
0xbc: {  	[sflag:s29] =	ssyncadd.s32 $0xFFFFFFFF  }
0xbd: {  	_ =	strace $0x9000004E  }
0xbe: {  	_ =	sfence  }
0xbf: {  	s30 =	sld [smem:$0x0];
	_ =	sdelay $0x2  }
0xc0: {  	s31 =	sshll.u32 s1, $0xD;
	s1 =	sshrl.u32 s1, $0x2  }
0xc1: {  	s3 =	sand.u32 $0x4000, s31;
	s1 =	sadd.s32 s1, s30  }
0xc2: {  	s0 =	sor.u32 s3, s0;
	s1 =	sshll.u32 s1, $0x11  }
0xc3: {  	s0 =	sor.u32 s1, s0  }
0xc4: {  	s0 =	sadd.s32 $0x8F2B, s0  }
0xc5: {  	[sflag:s0] =	ssyncadd.remote.s32 $0x1  }
0xc6: {  	_ =	sfence.sel $0xFFFF  }
0xc7: {  	[dreg:$0x0] =	wrdreg $0xFFFFFFFF;
	(pc) =	sbr.abs _section_cstart, $3  }
0xc8: {  	[dreg:$0x1] =	wrdreg $0xFFFFFFFF  }
0xc9: {  	_ =	task.clear_ibuf [dreg:s8], $0x2FFFF;
	_ =	strace $0x9FFFFFFF  }
0xca: {  	(tm) =	ssettm $0x7FFFFFFF  }
0xcb: {  	_ =	shalt  }
tec
execute0_lowered:
.L_overlay_start_1:
0x0: {  	(tag) =	ssettag $0x1  }
0x1: {  	s0 =	rddreg [dreg:$0x0]  }
0x2: {  	s1 =	rddreg [dreg:$0x1]  }
0x3: {  	s5 =	rddreg [dreg:$0x2]  }
0x4: {  	s2 =	rddreg [dreg:$0x3]  }
0x5: {  	s4 =	srdreg.scid;
	s12 =	stileid.u32  }
0x6: {  	s3 =	simm.s32 $0x0;
	s14 =	simm.s32 $0x9;
	s16 =	simm.s32 $0x1  }
0x7: {  	s17 =	simm.s32 $0xA200;
	s18 =	simm.s32 $0x40;
	s19 =	simm.s32 $0xC200  }
0x8: {  	s23 =	simm.s32 $0x10200;
	s24 =	simm.s32 $0x2;
	s25 =	simm.s32 $0x3  }
0x9: {  	s28 =	simm.s32 $0x5;
	s29 =	simm.s32 $0x6;
	s7 =	smul.u32 $0xA000, s12  }
0xa: {  	s30 =	simm.s32 $0x7;
	s31 =	simm.s32 $0x8;
	s9 =	smul.u32 $0xA00, s12  }
0xb: {  	s6 =	sand.u32 $0x1, s4;
	[smem:$0x7FF] =	sst s3;
	s12 =	smul.u32 $0x28000, s12  }
0xc: {  	s4 =	smul.u32 $0xA0000, s6;
	_ =	strace $0x8000004D;
	s8 =	ssub.s32 $0x2, s6  }
0xd: {  	s22 =	smul.u32 $0xFFFFEC78, s6;
	s11 =	sshrl.u32 s8, $0x1;
	s1 =	sadd.s32 s1, s9  }
0xe: {  	s20 =	sadd.s32 s5, s9;
	s21 =	sshrl.u32 s12, $0x2;
	[dreg:$0x5] =	wrdreg s1  }
0xf: {  	s4 =	sadd.s32 s7, s4;
	s13 =	ssub.s32 s8, s11;
	[dreg:$0x6] =	wrdreg s20  }
0x10: {  	s7 =	sadd.s32 s7, s2;
	s1 =	sadd.s32 s21, s2;
	s21 =	simm.s32 $0xE200  }
0x11: {  	s10 =	sshrl.u32 s4, $0x3;
	s4 =	sadd.s32 $0x4A00, s0;
	s26 =	sadd.s32 $0x2000, s1  }
0x12: {  	s9 =	sadd.s32 $0x4000, s1;
	s11 =	sadd.s32 $0x8000, s1;
	s13 =	smax.u32 s13, $0x1  }
0x13: {  	s0 =	sadd.s32 s10, s0;
	[dreg:$0x7] =	wrdreg s26;
	s10 =	sadd.s32 $0x6000, s1  }
0x14: {  	v1 =	vimm.s32 $0x1388;
	v2 =	vimm.f32 $0.0e+00;
	v0 =	vmov s22;
	s26 =	simm.s32 $0x4;
	s12 =	sadd.s32 $0x52E00, s0;
	s0 =	simm.s32 $0x0  }
.LBB2_1:
0x15: {  	s1 =	rddreg [dreg:$0x5]  }
0x16: {  	[tilespmem:s3], [sflag:$0x9] =	stream.linear.gather [hbm4b:s1+s3], $0x5000, $0x38;
	[tilespmem:$0x1C200] =	vst v63  }
0x17: {  	_ =	swait.ge [sflag:s14], $0x5000  }
0x18: {  	[sflag:s14] =	ssyncset.done $0x0  }
0x19: {  	s5 =	simm.s32 $0x5100;
	s20 =	rddreg [dreg:$0x6];
	[sflag:s14] =	ssyncadd.s32 $0xFFFFB000  }
0x1a: {  	[tilespmem:s5], [sflag:$0x9] =	stream.linear.gather [hbm4b:s20+s3], $0x5000, $0x38;
	[tilespmem:$0x1C200] =	vst v63  }
0x1b: {  	_ =	swait.ge [sflag:s14], $0x5000  }
0x1c: {  	[sflag:s14] =	ssyncset.done $0x0  }
0x1d: {  	s22 =	simm.s32 $0x0;
	[sflag:s14] =	ssyncadd.s32 $0xFFFFB000  }
0x1e: {  	v3 =	vld [tilespmem:s22+$0x5100];
	_ =	sdelay $0x4  }
0x1f: {  	v3 =	vadd.s32 v0, v3  }
0x20: {  	vm0 =	vlt.u32 v3, $0x1388  }
0x21: {  	v5 =	vmpcnt.ones.xlane vm0;
	_ =	sdelay $0x1  }
0x22: {  	v4 =	vld [tilespmem:s22+$0x0];
	(v2sf) =	vpush v5, $0x0;
	_ =	sdelay $0x4  }
0x23: {  	[tilespmem:s3+$0x0] =	vst.msk vm0, v4  }
0x24: {  	s6 =	simm.s32 $0x10;
	s1 =	simm.s32 $0x0;
	s5 =	simm.s32 $0x80;
	[tilespmem:s3+$0x5100] =	vst.msk vm0, v3  }
.LBB2_2:
0x25: {  	p0 =	seq.s32 s5, $0x13FC0;
	v3 =	vld [tilespmem:s6+$0x5100];
	_ =	sdelay $0x4  }
0x26: {  	v4 =	vld [tilespmem:s6+$0x0];
	v3 =	vadd.s32 v0, v3  }
0x27: {  	vm0 =	vlt.u32 v3, $0x1388  }
0x28: {  	v5 =	vmpcnt.ones.xlane vm0  }
0x29: {  	s6 =	spop (v2sf)  }
0x2a: {  	(v2sf) =	vpush v5, $0x0;
	s1 =	sadd.s32 s1, s6  }
0x2b: {  	[tilespmem:s1+$0x0] =	vst.msk vm0, v4  }
.Ltmp0:
0x2c: {  	[tilespmem:s1+$0x5100] =	vst.msk vm0, v3;
	(pc) =	sbr.rel @!p0 .LBB2_2-.Ltmp0, $2  }
0x2d: {  	_ =	sdelay $0x2  }
0x2e: {  	s6 =	sshra.s32 s5, $0x2;
	s5 =	sadd.s32 $0x40, s5  }
0x2f: {  	v3 =	vld [tilespmem:s6+$0x5100];
	_ =	sdelay $0x4  }
0x30: {  	v3 =	vadd.s32 v0, v3  }
0x31: {  	vm0 =	vlt.u32 v3, $0x1388  }
0x32: {  	v4 =	vmpcnt.ones.xlane vm0;
	_ =	sdelay $0x1  }
0x33: {  	(v2sf) =	vpush v4, $0x0;
	_ =	sdelay $0x9  }
0x34: {  	v63 =	vld [tilespmem:s6+$0x0];
	_ =	sdelay $0x2  }
0x35: {  	s5 =	spop (v2sf)  }
0x36: {  	s1 =	sadd.s32 s1, s5  }
0x37: {  	[tilespmem:s1+$0x0] =	vst.msk vm0, v63;
	s22 =	spop (v2sf)  }
0x38: {  	[tilespmem:s1+$0x5100] =	vst.msk vm0, v3;
	s1 =	sadd.s32 s1, s22  }
0x39: {  	[tilespmem:s1+$0x5100] =	vst v1  }
0x3a: {  	[tilespmem:s1+$0x5110] =	vst v1  }
0x3b: {  	[tilespmem:s1+$0x5120] =	vst v1  }
0x3c: {  	[tilespmem:s1+$0x5130] =	vst v1  }
0x3d: {  	[tilespmem:s1+$0x5140] =	vst v1  }
0x3e: {  	[tilespmem:s1+$0x5150] =	vst v1  }
0x3f: {  	[tilespmem:s1+$0x5160] =	vst v1  }
0x40: {  	[tilespmem:s1+$0x5170] =	vst v1  }
0x41: {  	[tilespmem:s1+$0x5180] =	vst v1  }
0x42: {  	[tilespmem:s1+$0x5190] =	vst v1  }
0x43: {  	[tilespmem:s1+$0x51A0] =	vst v1  }
0x44: {  	[tilespmem:s1+$0x51B0] =	vst v1  }
0x45: {  	[tilespmem:s1+$0x51C0] =	vst v1  }
0x46: {  	[tilespmem:s1+$0x51D0] =	vst v1  }
0x47: {  	[tilespmem:s1+$0x51E0] =	vst v1  }
0x48: {  	s6 =	simm.s32 $0x200;
	s5 =	simm.s32 $0x0;
	[tilespmem:s1+$0x51F0] =	vst v1  }
.LBB2_4:
0x49: {  	p0 =	sne.s32 s6, $0x7E00;
	[tilespmem:s5+$0xA270] =	vst v2  }
0x4a: {  	[tilespmem:s5+$0xA200] =	vst v2  }
0x4b: {  	[tilespmem:s5+$0xA210] =	vst v2  }
.Ltmp1:
0x4c: {  	[tilespmem:s5+$0xA220] =	vst v2;
	(pc) =	sbr.rel @p0 .LBB2_4-.Ltmp1, $4  }
0x4d: {  	[tilespmem:s5+$0xA230] =	vst v2  }
0x4e: {  	[tilespmem:s5+$0xA240] =	vst v2  }
0x4f: {  	[tilespmem:s5+$0xA250] =	vst v2  }
0x50: {  	[tilespmem:s5+$0xA260] =	vst v2;
	s5 =	sshra.s32 s6, $0x2;
	s6 =	sadd.s32 $0x200, s6  }
0x51: {  	[tilespmem:s5+$0xA270] =	vst v2  }
0x52: {  	[tilespmem:s5+$0xA200] =	vst v2  }
0x53: {  	[tilespmem:s5+$0xA210] =	vst v2  }
0x54: {  	[tilespmem:s5+$0xA220] =	vst v2  }
0x55: {  	[tilespmem:s5+$0xA230] =	vst v2  }
0x56: {  	[tilespmem:s5+$0xA240] =	vst v2  }
0x57: {  	[tilespmem:s5+$0xA250] =	vst v2  }
0x58: {  	[tilespmem:s5+$0xA260] =	vst v2  }
0x59: {  	[spmem:s7] =	stream.linear.scatter [tilespmem:s17], [sflag:$0x9], $0x2000, $0x38;
	[tilespmem:$0x1C200] =	vst v63  }
0x5a: {  	_ =	swait.ge [sflag:s14], $0x2000  }
0x5b: {  	[sflag:s14] =	ssyncset.done $0x0  }
0x5c: {  	s8 =	rddreg [dreg:$0x7];
	[sflag:s14] =	ssyncadd.s32 $0xFFFFE000  }
0x5d: {  	[spmem:s8] =	stream.linear.scatter [tilespmem:s17], [sflag:$0x9], $0x2000, $0x38;
	[tilespmem:$0x1C200] =	vst v63  }
0x5e: {  	_ =	swait.ge [sflag:s14], $0x2000  }
0x5f: {  	[sflag:s14] =	ssyncset.done $0x0  }
0x60: {  	[sflag:s14] =	ssyncadd.s32 $0xFFFFE000  }
0x61: {  	[spmem:s9] =	stream.linear.scatter [tilespmem:s17], [sflag:$0x9], $0x2000, $0x38;
	[tilespmem:$0x1C200] =	vst v63  }
0x62: {  	_ =	swait.ge [sflag:s14], $0x2000  }
0x63: {  	[sflag:s14] =	ssyncset.done $0x0  }
0x64: {  	[sflag:s14] =	ssyncadd.s32 $0xFFFFE000  }
0x65: {  	[spmem:s10] =	stream.linear.scatter [tilespmem:s17], [sflag:$0x9], $0x2000, $0x38;
	[tilespmem:$0x1C200] =	vst v63  }
0x66: {  	_ =	swait.ge [sflag:s14], $0x2000  }
0x67: {  	[sflag:s14] =	ssyncset.done $0x0  }
0x68: {  	[sflag:s14] =	ssyncadd.s32 $0xFFFFE000  }
0x69: {  	[spmem:s11] =	stream.linear.scatter [tilespmem:s17], [sflag:$0x9], $0x2000, $0x38;
	[tilespmem:$0x1C200] =	vst v63  }
0x6a: {  	_ =	swait.ge [sflag:s14], $0x2000  }
0x6b: {  	[sflag:s14] =	ssyncset.done $0x0  }
0x6c: {  	[sflag:s14] =	ssyncadd.s32 $0xFFFFE000  }
0x6d: {  	s15 =	simm.s32 $0x0;
	[bflag:$0x0] =	sbarrier.arrive $0xFFFF  }
0x6e: {  	[tilespmem:s17], [sflag:$0x1] =	stream.indirect.gather [hbm4b:s4+s18], $0x80, s15, s18, $0xb8;
	[tilespmem:$0x1C200] =	vst v63  }
0x6f: {  	_ = 	snop  }
0x70: {  	[tilespmem:s19], [sflag:$0x2] =	stream.indirect.gather [hbm4b:s4+s18], $0x80, s18, s18, $0xb8;
	[tilespmem:$0x1C200] =	vst v63  }
0x71: {  	s20 =	simm.s32 $0x80  }
0x72: {  	[tilespmem:s21], [sflag:$0x3] =	stream.indirect.gather [hbm4b:s4+s18], $0x80, s20, s18, $0xb8;
	[tilespmem:$0x1C200] =	vst v63  }
0x73: {  	s22 =	simm.s32 $0xC0  }
0x74: {  	[tilespmem:s23], [sflag:$0x4] =	stream.indirect.gather [hbm4b:s4+s18], $0x80, s22, s18, $0xb8;
	[tilespmem:$0x1C200] =	vst v63  }
0x75: {  	s1 =	sadd.s32 $0x3F, s1;
	_ =	swait.ge [sflag:s16], $0x2000  }
0x76: {  	s6 =	sshra.s32 s1, $0x1F;
	[sflag:s16] =	ssyncset.done $0x0  }
0x77: {  	s5 =	sshrl.u32 s6, $0x1A;
	s6 =	simm.s32 $0x5100;
	[sflag:s16] =	ssyncadd.s32 $0xFFFFE000  }
0x78: {  	[spmem:s2] =	stream.indirect.scatter.add.f32 [tilespmem:s17], [sflag:$0x5], $0x80, s6, s18, $0xb8;
	[tilespmem:$0x1C200] =	vst v63  }
0x79: {  	p0 =	slt.s32 s1, $0x1;
	s8 =	sand.u32 $0x3F, s1;
	_ =	swait.ge [sflag:s24], $0x2000  }
0x7a: {  	s5 =	sadd.s32 s5, s1;
	p1 =	sne.s32 s8, $0x0;
	[sflag:s24] =	ssyncset.done $0x0  }
0x7b: {  	p0 =	por !p0, !p1;
	s15 =	simm.s32 $0x5140;
	[sflag:s24] =	ssyncadd.s32 $0xFFFFE000  }
0x7c: {  	[spmem:s2] =	stream.indirect.scatter.add.f32 [tilespmem:s19], [sflag:$0x6], $0x80, s15, s18, $0xb8;
	[tilespmem:$0x1C200] =	vst v63  }
0x7d: {  	s1 =	simm.s32 $0x1;
	p0 =	por !p0, !p0;
	_ =	swait.ge [sflag:s25], $0x2000  }
0x7e: {  	s5 =	sshra.s32 s5, $0x6;
	s1 =	simm.s32 @!p0 $0x0;
	[sflag:s25] =	ssyncset.done $0x0  }
0x7f: {  	s1 =	ssub.s32 s5, s1;
	s20 =	simm.s32 $0x5180;
	[sflag:s25] =	ssyncadd.s32 $0xFFFFE000  }
0x80: {  	[spmem:s2] =	stream.indirect.scatter.add.f32 [tilespmem:s21], [sflag:$0x7], $0x80, s20, s18, $0xb8;
	[tilespmem:$0x1C200] =	vst v63  }
0x81: {  	p0 =	sgt.s32 s1, $0x1;
	_ =	swait.ge [sflag:s26], $0x2000  }
0x82: {  	s1 =	simm.s32 @!p0 $0x1;
	[sflag:s26] =	ssyncset.done $0x0  }
0x83: {  	s1 =	sadd.s32 $0x3, s1;
	s22 =	simm.s32 $0x51C0;
	[sflag:s26] =	ssyncadd.s32 $0xFFFFE000  }
0x84: {  	[spmem:s2] =	stream.indirect.scatter.add.f32 [tilespmem:s23], [sflag:$0x8], $0x80, s22, s18, $0xb8;
	[tilespmem:$0x1C200] =	vst v63  }
0x85: {  	s15 =	sand.u32 $0x7FFFFFFC, s1;
	_ =	swait.ge [sflag:s28], $0x2000  }
0x86: {  	s1 =	simm.s32 $0x100;
	p0 =	sgt.u32 s15, $0x4;
	[sflag:s28] =	ssyncset.done $0x0  }
0x87: {  	s1 =	simm.s32 @!p0 $0x0;
	[sflag:s28] =	ssyncadd.s32 $0xFFFFE000  }
0x88: {  	[tilespmem:s17], [sflag:$0x1] =	stream.indirect.gather [hbm4b:s4+s18], $0x80, s1, s18, $0xb8;
	[tilespmem:$0x1C200] =	vst v63  }
0x89: {  	_ =	swait.ge [sflag:s29], $0x2000  }
0x8a: {  	p0 =	sgt.u32 s15, $0x5;
	s1 =	simm.s32 $0x140;
	[sflag:s29] =	ssyncset.done $0x0  }
0x8b: {  	s1 =	simm.s32 @!p0 $0x0;
	[sflag:s29] =	ssyncadd.s32 $0xFFFFE000  }
0x8c: {  	[tilespmem:s19], [sflag:$0x2] =	stream.indirect.gather [hbm4b:s4+s18], $0x80, s1, s18, $0xb8;
	[tilespmem:$0x1C200] =	vst v63  }
0x8d: {  	p0 =	sgt.u32 s15, $0x6;
	s1 =	simm.s32 $0x180;
	_ =	swait.ge [sflag:s30], $0x2000  }
0x8e: {  	s1 =	simm.s32 @!p0 $0x0;
	p0 =	sne.s32 s15, $0x4;
	[sflag:s30] =	ssyncset.done $0x0  }
.Ltmp2:
0x8f: {  	[sflag:s30] =	ssyncadd.s32 $0xFFFFE000;
	(pc) =	sbr.rel @!p0 .LBB2_7-.Ltmp2, $4  }
0x90: {  	[tilespmem:s21], [sflag:$0x3] =	stream.indirect.gather [hbm4b:s4+s18], $0x80, s1, s18, $0xb8;
	[tilespmem:$0x1C200] =	vst v63  }
0x91: {  	s5 =	simm.s32 $0x1C0;
	p1 =	sgt.u32 s15, $0x7;
	_ =	swait.ge [sflag:s31], $0x2000  }
0x92: {  	s5 =	simm.s32 @!p1 $0x0;
	s20 =	simm.s32 $0x4;
	[sflag:s31] =	ssyncset.done $0x0  }
0x93: {  	s22 =	simm.s32 $0x200;
	s1 =	simm.s32 $0x52C0;
	[sflag:s31] =	ssyncadd.s32 $0xFFFFE000  }
.LBB2_6:
0x94: {  	[tilespmem:s23], [sflag:$0x4] =	stream.indirect.gather [hbm4b:s4+s18], $0x80, s5, s18, $0xb8;
	[tilespmem:$0x1C200] =	vst v63  }
0x95: {  	s5 =	smov.u32 s20;
	s20 =	sadd.s32 $0x4, s20;
	_ =	swait.ge [sflag:s16], $0x2000  }
0x96: {  	p1 =	slt.u32 s20, s15;
	p0 =	sne.s32 s15, s20;
	[sflag:s16] =	ssyncset.done $0x0  }
0x97: {  	s8 =	sadd.s32 $0xFFFFFF40, s1;
	s6 =	smov.u32 s22;
	[sflag:s16] =	ssyncadd.s32 $0xFFFFE000  }
0x98: {  	[spmem:s2] =	stream.indirect.scatter.add.f32 [tilespmem:s17], [sflag:$0x5], $0x80, s8, s18, $0xb8;
	[tilespmem:$0x1C200] =	vst v63  }
0x99: {  	_ =	swait.ge [sflag:s24], $0x2000  }
0x9a: {  	[sflag:s24] =	ssyncset.done $0x0  }
0x9b: {  	s8 =	sadd.s32 $0xFFFFFF80, s1;
	[sflag:s24] =	ssyncadd.s32 $0xFFFFE000  }
0x9c: {  	[spmem:s2] =	stream.indirect.scatter.add.f32 [tilespmem:s19], [sflag:$0x6], $0x80, s8, s18, $0xb8;
	[tilespmem:$0x1C200] =	vst v63  }
0x9d: {  	_ =	swait.ge [sflag:s25], $0x2000  }
0x9e: {  	[sflag:s25] =	ssyncset.done $0x0  }
0x9f: {  	s8 =	sadd.s32 $0xFFFFFFC0, s1;
	[sflag:s25] =	ssyncadd.s32 $0xFFFFE000  }
0xa0: {  	[spmem:s2] =	stream.indirect.scatter.add.f32 [tilespmem:s21], [sflag:$0x7], $0x80, s8, s18, $0xb8;
	[tilespmem:$0x1C200] =	vst v63  }
0xa1: {  	_ =	swait.ge [sflag:s26], $0x2000  }
0xa2: {  	[sflag:s26] =	ssyncset.done $0x0  }
0xa3: {  	[sflag:s26] =	ssyncadd.s32 $0xFFFFE000  }
0xa4: {  	[spmem:s2] =	stream.indirect.scatter.add.f32 [tilespmem:s23], [sflag:$0x8], $0x80, s1, s18, $0xb8;
	[tilespmem:$0x1C200] =	vst v63  }
0xa5: {  	_ =	swait.ge [sflag:s28], $0x2000  }
0xa6: {  	s8 =	smov.u32 s22;
	[sflag:s28] =	ssyncset.done $0x0  }
0xa7: {  	s8 =	simm.s32 @!p1 $0x0;
	[sflag:s28] =	ssyncadd.s32 $0xFFFFE000  }
0xa8: {  	[tilespmem:s17], [sflag:$0x1] =	stream.indirect.gather [hbm4b:s4+s18], $0x80, s8, s18, $0xb8;
	[tilespmem:$0x1C200] =	vst v63  }
0xa9: {  	s8 =	sadd.s32 $0x5, s5;
	_ =	swait.ge [sflag:s29], $0x2000  }
0xaa: {  	p1 =	slt.u32 s8, s15;
	s8 =	sadd.s32 $0x40, s22;
	[sflag:s29] =	ssyncset.done $0x0  }
0xab: {  	s8 =	simm.s32 @!p1 $0x0;
	[sflag:s29] =	ssyncadd.s32 $0xFFFFE000  }
0xac: {  	[tilespmem:s19], [sflag:$0x2] =	stream.indirect.gather [hbm4b:s4+s18], $0x80, s8, s18, $0xb8;
	[tilespmem:$0x1C200] =	vst v63  }
0xad: {  	s8 =	sadd.s32 $0x6, s5;
	_ =	swait.ge [sflag:s30], $0x2000  }
0xae: {  	p1 =	slt.u32 s8, s15;
	s8 =	sadd.s32 $0x80, s22;
	[sflag:s30] =	ssyncset.done $0x0  }
.Ltmp3:
0xaf: {  	s8 =	simm.s32 @!p1 $0x0;
	[sflag:s30] =	ssyncadd.s32 $0xFFFFE000;
	(pc) =	sbr.rel @p0 .LBB2_6-.Ltmp3, $4  }
0xb0: {  	[tilespmem:s21], [sflag:$0x3] =	stream.indirect.gather [hbm4b:s4+s18], $0x80, s8, s18, $0xb8;
	[tilespmem:$0x1C200] =	vst v63  }
0xb1: {  	s5 =	sadd.s32 $0x7, s5;
	s22 =	sadd.s32 $0x100, s22;
	_ =	swait.ge [sflag:s31], $0x2000  }
0xb2: {  	p1 =	slt.u32 s5, s15;
	s5 =	sadd.s32 $0xC0, s6;
	[sflag:s31] =	ssyncset.done $0x0  }
0xb3: {  	s1 =	sadd.s32 $0x100, s1;
	s5 =	simm.s32 @!p1 $0x0;
	[sflag:s31] =	ssyncadd.s32 $0xFFFFE000  }
.LBB2_7:
0xb4: {  	[tilespmem:s23], [sflag:$0x4] =	stream.indirect.gather [hbm4b:s4+s18], $0x80, s5, s18, $0xb8;
	[tilespmem:$0x1C200] =	vst v63  }
0xb5: {  	_ =	swait.ge [sflag:s16], $0x2000  }
0xb6: {  	[sflag:s16] =	ssyncset.done $0x0  }
0xb7: {  	[sflag:s16] =	ssyncadd.s32 $0xFFFFE000  }
0xb8: {  	_ =	swait.ge [sflag:s24], $0x2000  }
0xb9: {  	[sflag:s24] =	ssyncset.done $0x0  }
0xba: {  	[sflag:s24] =	ssyncadd.s32 $0xFFFFE000  }
0xbb: {  	_ =	swait.ge [sflag:s25], $0x2000  }
0xbc: {  	[sflag:s25] =	ssyncset.done $0x0  }
0xbd: {  	[sflag:s25] =	ssyncadd.s32 $0xFFFFE000  }
0xbe: {  	s1 =	stileid.u32;
	_ =	swait.ge [sflag:s26], $0x2000  }
0xbf: {  	s22 =	sshrl.u32 s7, $0x3;
	s0 =	sadd.s32 $0x1, s0;
	[sflag:s26] =	ssyncset.done $0x0  }
0xc0: {  	s1 =	sshll.u32 s1, $0x6;
	p0 =	sne.s32 s0, s13;
	[sflag:s26] =	ssyncadd.s32 $0xFFFFE000  }
.Ltmp4:
0xc1: {  	s1 =	sor.u32 $0x1C09, s1;
	[bflag:$0x0] =	sbarrier.arrive $0xFFFF;
	(pc) =	sbr.rel @p0 .LBB2_1-.Ltmp4, $4  }
0xc2: {  	[hbm:s12], [sflag:s1] =	dma.local [spmem:s22], $0x1400  }
0xc3: {  	_ =	swait.ge [sflag:s14], $0x1400  }
0xc4: {  	[sflag:s14] =	ssyncset.done $0x0  }
0xc5: {  	[sflag:s14] =	ssyncadd.s32 $0xFFFFEC00  }
0xc6: {  	_ =	sfence.sel $0x180000  }
0xc7: {  	[bflag:$0x0] =	sbarrier.arrive $0xFFFF  }
0xc8: {  	_ =	strace $0x9000004D  }
0xc9: {  	s0 =	stileid.u32;
	[bflag:$0x2] =	sbarrier.arrive $0xFFFF  }
0xca: {  	p0 =	sne.s32 s0, $0x0;
	s0 =	rddreg [dreg:$0x4]  }
0xcb: {  	s0 =	sadd.s32 @!p0 $0x100000, s0  }
0xcc: {  	[sflag:s0] =	ssyncadd.tile.s32 @!p0 $0x1;
	_ =	shalt  }
.Lfunc_end2:
_tile_overlayer_lowered:
.L_overlay_start_2:
0xcd: {  	(tag) =	ssettag $0x2  }
0xce: {  	s0 =	rddreg [dreg:$0x0];
	s2 =	stileid.u32  }
0xcf: {  	s1 =	rddreg [dreg:$0x1];
	p0 =	sne.s32 s2, $0x0  }
0xd0: {  	s3 =	rddreg [dreg:$0x2];
	[bflag:$0x3] =	sbarrier.arrive $0xFFFF;
	s2 =	simm.s32 @!p0 $0x1C09  }
0xd1: {  	[timem:s3], [sflag:s2] =	dma.local @!p0 [hbm:s0], s1  }
0xd2: {  	s0 =	simm.s32 @!p0 $0x9  }
0xd3: {  	_ =	swait.ge @!p0 [sflag:s0], s1  }
0xd4: {  	s1 =	ssub.s32 @!p0 $0x0, s1;
	[sflag:s0] =	ssyncset.done @!p0 $0x0  }
0xd5: {  	[sflag:s0] =	ssyncadd.s32 @!p0 s1  }
0xd6: {  	[bflag:$0x3] =	sbarrier.arrive $0xFFFF  }
0xd7: {  	_ =	shalt  }

// kernel: kernel.19.cloned.1.call-start
scs
__scs_entry_jumppad:
0x0: {  	(pc) =	sbr.rel $0x88, $3  }
0x1: {  	(tag) =	ssettag $0x0;
	lr =	simm.s32 $0x1  }
0x2: {  	[smem:$0x3F96] =	sst lr;
	_ =	strace $0xD0000000  }
0x3: {  	_ = 	snop  }
0x4: {  	_ = 	snop  }
0x5: {  	_ = 	snop  }
0x6: {  	_ = 	snop  }
0x7: {  	_ = 	snop  }
__scs_overlays_trampoline_lowered:
0x8: {  	[smem:$0x3FA5] =	sst s0  }
0x9: {  	[smem:$0x3FA6] =	sst s1  }
0xa: {  	[smem:$0x3FA7] =	sst s2  }
0xb: {  	[smem:$0x3FA8] =	sst s3  }
0xc: {  	[smem:$0x3FA9] =	sst s4  }
0xd: {  	[smem:$0x3FAA] =	sst s5  }
0xe: {  	[smem:$0x3FAB] =	sst s6  }
0xf: {  	[smem:$0x3FAC] =	sst s7  }
0x10: {  	[smem:$0x3FAD] =	sst s8  }
0x11: {  	[smem:$0x3FAE] =	sst s9;
	s0 =	simm.s32 @!p0 $0x0  }
0x12: {  	s1 =	sld [smem:$0x3F94];
	s0 =	simm.s32 @p0 $0x1  }
0x13: {  	[smem:$0x3FAF] =	sst s0;
	s0 =	simm.s32 @!p1 $0x0  }
0x14: {  	s2 =	sld [smem:$0x3F93];
	s0 =	simm.s32 @p1 $0x1  }
0x15: {  	[smem:$0x3FB0] =	sst s0;
	s0 =	simm.s32 @!p2 $0x0  }
0x16: {  	s3 =	sld [smem:$0x3FDB];
	s0 =	simm.s32 @p2 $0x1  }
0x17: {  	s4 =	simm.s32 $0x1BF5;
	[smem:$0x3FB2] =	sst s0  }
0x18: {  	s0 =	sld [smem:$0x3F95];
	_ =	swait.ge [sflag:s4], $0x0  }
0x19: {  	s7 =	sld [smem:$0x3F96]  }
0x1a: {  	s8 =	sadd.s32 $0xFFFFE003, lr  }
0x1b: {  	s9 =	sadd.s32 $0xFFFFFEF7, lr;
	s5 =	simm.s32 $0xFFFFFFFF;
	p2 =	slt.u32 s8, $0xFFFFF086  }
0x1c: {  	p1 =	slt.u32 s9, $0xF7A;
	s5 =	simm.s32 @!p2 $0x0  }
0x1d: {  	s5 =	simm.s32 @p1 $0x1;
	p0 =	seq.s32 s7, s2  }
0x1e: {  	s7 =	smul.u32 @!p0 $0xF7A, s2;
	p2 =	seq.s32 @!p0 s5, $0x0  }
0x1f: {  	s9 =	smul.u32 $0xF7A, s1;
	s8 =	simm.s32 @!p0 $0x1BF5;
	p2 =	por !p2, p0  }
0x20: {  	[sflag:s8] =	ssyncset.s32 @!p0 $0xFFFFF086;
	s6 =	sadd.s32 @!p0 s3, s7;
	s7 =	simm.s32 @!p0 $0x108  }
0x21: {  	s3 =	sadd.s32 s3, s9;
	s6 =	sadd.s32 @!p0 $0x88, s6;
	s7 =	simm.s32 @p2 $0x1082  }
0x22: {  	[simem:s7], [sflag:s8] =	dma.local @!p0 [hbm:s6], $0xF7A  }
0x23: {  	s9 =	sor.u32 $0xD0000000, s2;
	s6 =	simm.s32 $0x108;
	_ =	swait.ge @!p0 [sflag:s8], $0x0  }
0x24: {  	s3 =	sadd.s32 $0x88, s3;
	s6 =	simm.s32 @!p1 $0x1082;
	[sflag:s4] =	ssyncset.s32 $0xFFFFF086  }
0x25: {  	[simem:s6], [sflag:s4] =	dma.local [hbm:s3], $0xF7A  }
0x26: {  	[smem:$0x3F96] =	sst s1;
	(tag) =	ssettag s2;
	_ =	strace s9  }
0x27: {  	s1 =	sld [smem:$0x3FA6]  }
0x28: {  	s2 =	sld [smem:$0x3FA7]  }
0x29: {  	s4 =	sld [smem:$0x3FA9]  }
0x2a: {  	p0 =	seq.s32 s5, $0x0;
	s5 =	sld [smem:$0x3FAA]  }
0x2b: {  	s6 =	sld [smem:$0x3FAB]  }
0x2c: {  	s7 =	sld [smem:$0x3FAC]  }
0x2d: {  	s3 =	simm.s32 $0x108;
	s8 =	sld [smem:$0x3FAD]  }
0x2e: {  	s3 =	simm.s32 @!p0 $0x1082;
	s9 =	sld [smem:$0x3FAE]  }
0x2f: {  	lr =	sadd.s32 s0, s3;
	s0 =	sld [smem:$0x3FA5]  }
0x30: {  	s3 =	sld [smem:$0x3FA8]  }
0x31: {  	[smem:$0x3FB1] =	sst s10  }
0x32: {  	s10 =	sld [smem:$0x3FAF];
	_ =	sdelay $0x3  }
0x33: {  	p0 =	seq.s32 s10, $0x1;
	s10 =	sld [smem:$0x3FB1];
	_ =	sdelay $0x3  }
0x34: {  	[smem:$0x3FB1] =	sst s10  }
0x35: {  	s10 =	sld [smem:$0x3FB0];
	_ =	sdelay $0x3  }
0x36: {  	p1 =	seq.s32 s10, $0x1;
	s10 =	sld [smem:$0x3FB1];
	_ =	sdelay $0x3  }
0x37: {  	[smem:$0x3FB1] =	sst s10  }
0x38: {  	s10 =	sld [smem:$0x3FB2]  }
0x39: {  	_ = 	snop;
	(pc) =	sbr.ind lr, $3  }
0x3a: {  	_ = 	snop  }
0x3b: {  	_ = 	snop  }
0x3c: {  	p2 =	seq.s32 s10, $0x1;
	s10 =	sld [smem:$0x3FB1]  }
0x3d: {  	_ =	shalt  }
0x3e: {  	_ =	shalt  }
0x3f: {  	_ =	shalt  }
0x40: {  	_ =	shalt  }
0x41: {  	_ =	shalt  }
0x42: {  	_ =	shalt  }
0x43: {  	_ =	shalt  }
0x44: {  	_ =	shalt  }
0x45: {  	_ =	shalt  }
0x46: {  	_ =	shalt  }
0x47: {  	_ =	shalt  }
0x48: {  	_ =	shalt  }
0x49: {  	_ =	shalt  }
0x4a: {  	_ =	shalt  }
0x4b: {  	_ =	shalt  }
0x4c: {  	_ =	shalt  }
0x4d: {  	_ =	shalt  }
0x4e: {  	_ =	shalt  }
0x4f: {  	_ =	shalt  }
0x50: {  	_ =	shalt  }
0x51: {  	_ =	shalt  }
0x52: {  	_ =	shalt  }
0x53: {  	_ =	shalt  }
0x54: {  	_ =	shalt  }
0x55: {  	_ =	shalt  }
0x56: {  	_ =	shalt  }
0x57: {  	_ =	shalt  }
0x58: {  	_ =	shalt  }
0x59: {  	_ =	shalt  }
0x5a: {  	_ =	shalt  }
0x5b: {  	_ =	shalt  }
0x5c: {  	_ =	shalt  }
0x5d: {  	_ =	shalt  }
0x5e: {  	_ =	shalt  }
0x5f: {  	_ =	shalt  }
0x60: {  	_ =	shalt  }
0x61: {  	_ =	shalt  }
0x62: {  	_ =	shalt  }
0x63: {  	_ =	shalt  }
0x64: {  	_ =	shalt  }
0x65: {  	_ =	shalt  }
0x66: {  	_ =	shalt  }
0x67: {  	_ =	shalt  }
0x68: {  	_ =	shalt  }
0x69: {  	_ =	shalt  }
0x6a: {  	_ =	shalt  }
0x6b: {  	_ =	shalt  }
0x6c: {  	_ =	shalt  }
0x6d: {  	_ =	shalt  }
0x6e: {  	_ =	shalt  }
0x6f: {  	_ =	shalt  }
0x70: {  	_ =	shalt  }
0x71: {  	_ =	shalt  }
0x72: {  	_ =	shalt  }
0x73: {  	_ =	shalt  }
0x74: {  	_ =	shalt  }
0x75: {  	_ =	shalt  }
0x76: {  	_ =	shalt  }
0x77: {  	_ =	shalt  }
0x78: {  	_ =	shalt  }
0x79: {  	_ =	shalt  }
0x7a: {  	_ =	shalt  }
0x7b: {  	_ =	shalt  }
0x7c: {  	_ =	shalt  }
0x7d: {  	_ =	shalt  }
0x7e: {  	_ =	shalt  }
0x7f: {  	_ =	shalt  }
0x80: {  	_ =	shalt  }
0x81: {  	_ =	shalt  }
0x82: {  	_ =	shalt  }
0x83: {  	_ =	shalt  }
0x84: {  	_ =	shalt  }
0x85: {  	_ =	shalt  }
0x86: {  	_ =	shalt  }
0x87: {  	_ =	shalt  }
.Lfunc_end0:
.L_simem_size_0:
called_computation.3_lowered:
.L_overlay_start_0:
0x88: {  	s2 =	sld [smem:$0x3FD9]  }
0x89: {  	s3 =	sld [smem:$0x3FFE];
	_ =	sdelay $0x1  }
0x8a: {  	s1 =	srdreg.scid  }
0x8b: {  	s0 =	sand.u32 $0x1, s1  }
0x8c: {  	s14 =	sshll.u32 s0, $0xA;
	s2 =	sadd.s32 s3, s2  }
0x8d: {  	s2 =	sadd.s32 s2, s14  }
0x8e: {  	[smem:$0x3FBD] =	sst s2  }
0x8f: {  	_ = 	snop  }
0x90: {  	s2 =	sld [smem:$0x3FD0];
	_ =	sdelay $0x2  }
0x91: {  	s15 =	simm.s32 $0xA;
	s4 =	simm.s32 $0x10  }
0x92: {  	[smem:s4], [sflag:s15] =	dma.local [hbm:s2], $0x1  }
0x93: {  	_ =	swait.eq [sflag:s15], $0x1  }
0x94: {  	[sflag:s15] =	ssyncset.done $0x0  }
0x95: {  	s16 =	sld [smem:$0x11];
	[sflag:s15] =	ssyncadd.s32 $0xFFFFFFFF  }
0x96: {  	s17 =	sld [smem:$0x12];
	(tm) =	ssettm $0x1  }
0x97: {  	s18 =	sld [smem:$0x3FFB];
	_ =	sdelay $0x3  }
0x98: {  	_ =	strace s18  }
0x99: {  	s4 =	sld [smem:$0x3FFC];
	_ =	sdelay $0x3  }
0x9a: {  	_ =	strace s4  }
0x9b: {  	s4 =	sld [smem:$0x3FFD];
	_ =	sdelay $0x3  }
0x9c: {  	_ =	strace s4  }
0x9d: {  	_ =	strace $0x8FFFFFFF  }
0x9e: {  	s19 =	sld [smem:$0x3FDB];
	_ =	sdelay $0x1  }
0x9f: {  	s5 =	simm.s32 $_scs_section_size  }
0xa0: {  	s6 =	simm.s32 $_size__tile_overlayer_lowered;
	s7 =	simm.s32 $_tile_overlayer_lowered  }
0xa1: {  	s22 =	simm.s32 $0x1BFF;
	s21 =	sshll.u32 s7, $0x1;
	s4 =	sadd.s32 s5, s19  }
0xa2: {  	s8 =	simm.s32 $0x0;
	s20 =	sshll.u32 s6, $0x1;
	s6 =	sadd.s32 s21, s4  }
0xa3: {  	[timem:s8], [sflag:s22] =	dma.local [hbm:s6], s20  }
0xa4: {  	_ =	swait.ge [sflag:s22], s20  }
0xa5: {  	s5 =	ssub.s32 $0x0, s20;
	[sflag:s22] =	ssyncset.done $0x0  }
0xa6: {  	[sflag:s22] =	ssyncadd.s32 s5;
	_ =	sdelay $0x1  }
0xa7: {  	s23 =	simm.s32 $0x1B8B  }
0xa8: {  	_ =	swait.ge [sflag:s23], $0x1  }
0xa9: {  	[sflag:s23] =	ssyncset.done $0x0  }
0xaa: {  	s25 =	simm.s32 $0x1B8E;
	s24 =	sld [smem:$0x3FFE];
	[sflag:s23] =	ssyncadd.s32 $0xFFFFFFFF  }
0xab: {  	s26 =	simm.s32 $execute0_lowered;
	[smem:$0x3FD2] =	sst s25  }
0xac: {  	s6 =	sshll.u32 s26, $0x1;
	_ =	strace $0x8000004F;
	[dreg:$0x1] =	wrdreg $0xFFFFFFFF  }
0xad: {  	s28 =	simm.s32 $_size_execute0_lowered;
	s4 =	sadd.s32 s4, s6;
	[dreg:$0x0] =	wrdreg $0x0  }
0xae: {  	s6 =	sshll.u32 s28, $0x1;
	[dreg:$0x2] =	wrdreg s4  }
0xaf: {  	[dreg:$0x3] =	wrdreg s6  }
0xb0: {  	[dreg:$0x4] =	wrdreg $0xC0  }
0xb1: {  	_ =	task [dreg:s8], $0x5FFFF  }
0xb2: {  	[dreg:$0x1] =	wrdreg $0xFFFFFFFF  }
0xb3: {  	[dreg:$0x0] =	wrdreg $0x60  }
0xb4: {  	[dreg:$0x2] =	wrdreg s24  }
0xb5: {  	[dreg:$0x3] =	wrdreg s16  }
0xb6: {  	[dreg:$0x4] =	wrdreg s17  }
0xb7: {  	[dreg:$0x5] =	wrdreg $0x122000  }
0xb8: {  	[dreg:$0x6] =	wrdreg $0x9  }
0xb9: {  	_ =	task.clear_ibuf [dreg:s8], $0x7FFFF;
	_ =	strace $0x9000004F  }
0xba: {  	s29 =	simm.s32 $0x9;
	_ =	strace $0x80000051  }
0xbb: {  	_ =	swait.ge [sflag:s29], $0x1  }
0xbc: {  	[sflag:s29] =	ssyncadd.s32 $0xFFFFFFFF  }
0xbd: {  	_ =	strace $0x90000051  }
0xbe: {  	_ =	sfence  }
0xbf: {  	s30 =	sld [smem:$0x0];
	_ =	sdelay $0x2  }
0xc0: {  	s31 =	sshll.u32 s1, $0xD;
	s1 =	sshrl.u32 s1, $0x2  }
0xc1: {  	s3 =	sand.u32 $0x4000, s31;
	s1 =	sadd.s32 s1, s30  }
0xc2: {  	s0 =	sor.u32 s3, s0;
	s1 =	sshll.u32 s1, $0x11  }
0xc3: {  	s0 =	sor.u32 s1, s0  }
0xc4: {  	s0 =	sadd.s32 $0x8F2B, s0  }
0xc5: {  	[sflag:s0] =	ssyncadd.remote.s32 $0x1  }
0xc6: {  	_ =	sfence.sel $0xFFFF  }
0xc7: {  	[dreg:$0x0] =	wrdreg $0xFFFFFFFF;
	(pc) =	sbr.abs _section_cstart, $3  }
0xc8: {  	[dreg:$0x1] =	wrdreg $0xFFFFFFFF  }
0xc9: {  	_ =	task.clear_ibuf [dreg:s8], $0x2FFFF;
	_ =	strace $0x9FFFFFFF  }
0xca: {  	(tm) =	ssettm $0x7FFFFFFF  }
0xcb: {  	_ =	shalt  }
tec
execute0_lowered:
.L_overlay_start_1:
0x0: {  	(tag) =	ssettag $0x1  }
0x1: {  	s0 =	rddreg [dreg:$0x0]  }
0x2: {  	s1 =	rddreg [dreg:$0x1]  }
0x3: {  	s5 =	rddreg [dreg:$0x2]  }
0x4: {  	s2 =	rddreg [dreg:$0x3]  }
0x5: {  	s4 =	srdreg.scid;
	s12 =	stileid.u32  }
0x6: {  	s3 =	simm.s32 $0x0;
	s14 =	simm.s32 $0x9;
	s16 =	simm.s32 $0x1  }
0x7: {  	s17 =	simm.s32 $0xA200;
	s18 =	simm.s32 $0x40;
	s19 =	simm.s32 $0xC200  }
0x8: {  	s23 =	simm.s32 $0x10200;
	s24 =	simm.s32 $0x2;
	s25 =	simm.s32 $0x3  }
0x9: {  	s28 =	simm.s32 $0x5;
	s29 =	simm.s32 $0x6;
	s7 =	smul.u32 $0xA000, s12  }
0xa: {  	s30 =	simm.s32 $0x7;
	s31 =	simm.s32 $0x8;
	s9 =	smul.u32 $0xA00, s12  }
0xb: {  	s6 =	sand.u32 $0x1, s4;
	[smem:$0x7FF] =	sst s3;
	s12 =	smul.u32 $0x28000, s12  }
0xc: {  	s4 =	smul.u32 $0xA0000, s6;
	_ =	strace $0x80000050;
	s8 =	ssub.s32 $0x2, s6  }
0xd: {  	s22 =	smul.u32 $0xFFFFEC78, s6;
	s11 =	sshrl.u32 s8, $0x1;
	s1 =	sadd.s32 s1, s9  }
0xe: {  	s20 =	sadd.s32 s5, s9;
	s21 =	sshrl.u32 s12, $0x2;
	[dreg:$0x5] =	wrdreg s1  }
0xf: {  	s4 =	sadd.s32 s7, s4;
	s13 =	ssub.s32 s8, s11;
	[dreg:$0x6] =	wrdreg s20  }
0x10: {  	s7 =	sadd.s32 s7, s2;
	s1 =	sadd.s32 s21, s2;
	s21 =	simm.s32 $0xE200  }
0x11: {  	s10 =	sshrl.u32 s4, $0x3;
	s4 =	sadd.s32 $0x4A00, s0;
	s26 =	sadd.s32 $0x2000, s1  }
0x12: {  	s9 =	sadd.s32 $0x4000, s1;
	s11 =	sadd.s32 $0x8000, s1;
	s13 =	smax.u32 s13, $0x1  }
0x13: {  	s0 =	sadd.s32 s10, s0;
	[dreg:$0x7] =	wrdreg s26;
	s10 =	sadd.s32 $0x6000, s1  }
0x14: {  	v1 =	vimm.s32 $0x1388;
	v2 =	vimm.f32 $0.0e+00;
	v0 =	vmov s22;
	s26 =	simm.s32 $0x4;
	s12 =	sadd.s32 $0x52E00, s0;
	s0 =	simm.s32 $0x0  }
.LBB2_1:
0x15: {  	s1 =	rddreg [dreg:$0x5]  }
0x16: {  	[tilespmem:s3], [sflag:$0x9] =	stream.linear.gather [hbm4b:s1+s3], $0x5000, $0x38;
	[tilespmem:$0x1C200] =	vst v63  }
0x17: {  	_ =	swait.ge [sflag:s14], $0x5000  }
0x18: {  	[sflag:s14] =	ssyncset.done $0x0  }
0x19: {  	s5 =	simm.s32 $0x5100;
	s20 =	rddreg [dreg:$0x6];
	[sflag:s14] =	ssyncadd.s32 $0xFFFFB000  }
0x1a: {  	[tilespmem:s5], [sflag:$0x9] =	stream.linear.gather [hbm4b:s20+s3], $0x5000, $0x38;
	[tilespmem:$0x1C200] =	vst v63  }
0x1b: {  	_ =	swait.ge [sflag:s14], $0x5000  }
0x1c: {  	[sflag:s14] =	ssyncset.done $0x0  }
0x1d: {  	s22 =	simm.s32 $0x0;
	[sflag:s14] =	ssyncadd.s32 $0xFFFFB000  }
0x1e: {  	v3 =	vld [tilespmem:s22+$0x5100];
	_ =	sdelay $0x4  }
0x1f: {  	v3 =	vadd.s32 v0, v3  }
0x20: {  	vm0 =	vlt.u32 v3, $0x1388  }
0x21: {  	v5 =	vmpcnt.ones.xlane vm0;
	_ =	sdelay $0x1  }
0x22: {  	v4 =	vld [tilespmem:s22+$0x0];
	(v2sf) =	vpush v5, $0x0;
	_ =	sdelay $0x4  }
0x23: {  	[tilespmem:s3+$0x0] =	vst.msk vm0, v4  }
0x24: {  	s6 =	simm.s32 $0x10;
	s1 =	simm.s32 $0x0;
	s5 =	simm.s32 $0x80;
	[tilespmem:s3+$0x5100] =	vst.msk vm0, v3  }
.LBB2_2:
0x25: {  	p0 =	seq.s32 s5, $0x13FC0;
	v3 =	vld [tilespmem:s6+$0x5100];
	_ =	sdelay $0x4  }
0x26: {  	v4 =	vld [tilespmem:s6+$0x0];
	v3 =	vadd.s32 v0, v3  }
0x27: {  	vm0 =	vlt.u32 v3, $0x1388  }
0x28: {  	v5 =	vmpcnt.ones.xlane vm0  }
0x29: {  	s6 =	spop (v2sf)  }
0x2a: {  	(v2sf) =	vpush v5, $0x0;
	s1 =	sadd.s32 s1, s6  }
0x2b: {  	[tilespmem:s1+$0x0] =	vst.msk vm0, v4  }
.Ltmp0:
0x2c: {  	[tilespmem:s1+$0x5100] =	vst.msk vm0, v3;
	(pc) =	sbr.rel @!p0 .LBB2_2-.Ltmp0, $2  }
0x2d: {  	_ =	sdelay $0x2  }
0x2e: {  	s6 =	sshra.s32 s5, $0x2;
	s5 =	sadd.s32 $0x40, s5  }
0x2f: {  	v3 =	vld [tilespmem:s6+$0x5100];
	_ =	sdelay $0x4  }
0x30: {  	v3 =	vadd.s32 v0, v3  }
0x31: {  	vm0 =	vlt.u32 v3, $0x1388  }
0x32: {  	v4 =	vmpcnt.ones.xlane vm0;
	_ =	sdelay $0x1  }
0x33: {  	(v2sf) =	vpush v4, $0x0;
	_ =	sdelay $0x9  }
0x34: {  	v63 =	vld [tilespmem:s6+$0x0];
	_ =	sdelay $0x2  }
0x35: {  	s5 =	spop (v2sf)  }
0x36: {  	s1 =	sadd.s32 s1, s5  }
0x37: {  	[tilespmem:s1+$0x0] =	vst.msk vm0, v63;
	s22 =	spop (v2sf)  }
0x38: {  	[tilespmem:s1+$0x5100] =	vst.msk vm0, v3;
	s1 =	sadd.s32 s1, s22  }
0x39: {  	[tilespmem:s1+$0x5100] =	vst v1  }
0x3a: {  	[tilespmem:s1+$0x5110] =	vst v1  }
0x3b: {  	[tilespmem:s1+$0x5120] =	vst v1  }
0x3c: {  	[tilespmem:s1+$0x5130] =	vst v1  }
0x3d: {  	[tilespmem:s1+$0x5140] =	vst v1  }
0x3e: {  	[tilespmem:s1+$0x5150] =	vst v1  }
0x3f: {  	[tilespmem:s1+$0x5160] =	vst v1  }
0x40: {  	[tilespmem:s1+$0x5170] =	vst v1  }
0x41: {  	[tilespmem:s1+$0x5180] =	vst v1  }
0x42: {  	[tilespmem:s1+$0x5190] =	vst v1  }
0x43: {  	[tilespmem:s1+$0x51A0] =	vst v1  }
0x44: {  	[tilespmem:s1+$0x51B0] =	vst v1  }
0x45: {  	[tilespmem:s1+$0x51C0] =	vst v1  }
0x46: {  	[tilespmem:s1+$0x51D0] =	vst v1  }
0x47: {  	[tilespmem:s1+$0x51E0] =	vst v1  }
0x48: {  	s6 =	simm.s32 $0x200;
	s5 =	simm.s32 $0x0;
	[tilespmem:s1+$0x51F0] =	vst v1  }
.LBB2_4:
0x49: {  	p0 =	sne.s32 s6, $0x7E00;
	[tilespmem:s5+$0xA270] =	vst v2  }
0x4a: {  	[tilespmem:s5+$0xA200] =	vst v2  }
0x4b: {  	[tilespmem:s5+$0xA210] =	vst v2  }
.Ltmp1:
0x4c: {  	[tilespmem:s5+$0xA220] =	vst v2;
	(pc) =	sbr.rel @p0 .LBB2_4-.Ltmp1, $4  }
0x4d: {  	[tilespmem:s5+$0xA230] =	vst v2  }
0x4e: {  	[tilespmem:s5+$0xA240] =	vst v2  }
0x4f: {  	[tilespmem:s5+$0xA250] =	vst v2  }
0x50: {  	[tilespmem:s5+$0xA260] =	vst v2;
	s5 =	sshra.s32 s6, $0x2;
	s6 =	sadd.s32 $0x200, s6  }
0x51: {  	[tilespmem:s5+$0xA270] =	vst v2  }
0x52: {  	[tilespmem:s5+$0xA200] =	vst v2  }
0x53: {  	[tilespmem:s5+$0xA210] =	vst v2  }
0x54: {  	[tilespmem:s5+$0xA220] =	vst v2  }
0x55: {  	[tilespmem:s5+$0xA230] =	vst v2  }
0x56: {  	[tilespmem:s5+$0xA240] =	vst v2  }
0x57: {  	[tilespmem:s5+$0xA250] =	vst v2  }
0x58: {  	[tilespmem:s5+$0xA260] =	vst v2  }
0x59: {  	[spmem:s7] =	stream.linear.scatter [tilespmem:s17], [sflag:$0x9], $0x2000, $0x38;
	[tilespmem:$0x1C200] =	vst v63  }
0x5a: {  	_ =	swait.ge [sflag:s14], $0x2000  }
0x5b: {  	[sflag:s14] =	ssyncset.done $0x0  }
0x5c: {  	s8 =	rddreg [dreg:$0x7];
	[sflag:s14] =	ssyncadd.s32 $0xFFFFE000  }
0x5d: {  	[spmem:s8] =	stream.linear.scatter [tilespmem:s17], [sflag:$0x9], $0x2000, $0x38;
	[tilespmem:$0x1C200] =	vst v63  }
0x5e: {  	_ =	swait.ge [sflag:s14], $0x2000  }
0x5f: {  	[sflag:s14] =	ssyncset.done $0x0  }
0x60: {  	[sflag:s14] =	ssyncadd.s32 $0xFFFFE000  }
0x61: {  	[spmem:s9] =	stream.linear.scatter [tilespmem:s17], [sflag:$0x9], $0x2000, $0x38;
	[tilespmem:$0x1C200] =	vst v63  }
0x62: {  	_ =	swait.ge [sflag:s14], $0x2000  }
0x63: {  	[sflag:s14] =	ssyncset.done $0x0  }
0x64: {  	[sflag:s14] =	ssyncadd.s32 $0xFFFFE000  }
0x65: {  	[spmem:s10] =	stream.linear.scatter [tilespmem:s17], [sflag:$0x9], $0x2000, $0x38;
	[tilespmem:$0x1C200] =	vst v63  }
0x66: {  	_ =	swait.ge [sflag:s14], $0x2000  }
0x67: {  	[sflag:s14] =	ssyncset.done $0x0  }
0x68: {  	[sflag:s14] =	ssyncadd.s32 $0xFFFFE000  }
0x69: {  	[spmem:s11] =	stream.linear.scatter [tilespmem:s17], [sflag:$0x9], $0x2000, $0x38;
	[tilespmem:$0x1C200] =	vst v63  }
0x6a: {  	_ =	swait.ge [sflag:s14], $0x2000  }
0x6b: {  	[sflag:s14] =	ssyncset.done $0x0  }
0x6c: {  	[sflag:s14] =	ssyncadd.s32 $0xFFFFE000  }
0x6d: {  	s15 =	simm.s32 $0x0;
	[bflag:$0x0] =	sbarrier.arrive $0xFFFF  }
0x6e: {  	[tilespmem:s17], [sflag:$0x1] =	stream.indirect.gather [hbm4b:s4+s18], $0x80, s15, s18, $0xb8;
	[tilespmem:$0x1C200] =	vst v63  }
0x6f: {  	_ = 	snop  }
0x70: {  	[tilespmem:s19], [sflag:$0x2] =	stream.indirect.gather [hbm4b:s4+s18], $0x80, s18, s18, $0xb8;
	[tilespmem:$0x1C200] =	vst v63  }
0x71: {  	s20 =	simm.s32 $0x80  }
0x72: {  	[tilespmem:s21], [sflag:$0x3] =	stream.indirect.gather [hbm4b:s4+s18], $0x80, s20, s18, $0xb8;
	[tilespmem:$0x1C200] =	vst v63  }
0x73: {  	s22 =	simm.s32 $0xC0  }
0x74: {  	[tilespmem:s23], [sflag:$0x4] =	stream.indirect.gather [hbm4b:s4+s18], $0x80, s22, s18, $0xb8;
	[tilespmem:$0x1C200] =	vst v63  }
0x75: {  	s1 =	sadd.s32 $0x3F, s1;
	_ =	swait.ge [sflag:s16], $0x2000  }
0x76: {  	s6 =	sshra.s32 s1, $0x1F;
	[sflag:s16] =	ssyncset.done $0x0  }
0x77: {  	s5 =	sshrl.u32 s6, $0x1A;
	s6 =	simm.s32 $0x5100;
	[sflag:s16] =	ssyncadd.s32 $0xFFFFE000  }
0x78: {  	[spmem:s2] =	stream.indirect.scatter.add.f32 [tilespmem:s17], [sflag:$0x5], $0x80, s6, s18, $0xb8;
	[tilespmem:$0x1C200] =	vst v63  }
0x79: {  	p0 =	slt.s32 s1, $0x1;
	s8 =	sand.u32 $0x3F, s1;
	_ =	swait.ge [sflag:s24], $0x2000  }
0x7a: {  	s5 =	sadd.s32 s5, s1;
	p1 =	sne.s32 s8, $0x0;
	[sflag:s24] =	ssyncset.done $0x0  }
0x7b: {  	p0 =	por !p0, !p1;
	s15 =	simm.s32 $0x5140;
	[sflag:s24] =	ssyncadd.s32 $0xFFFFE000  }
0x7c: {  	[spmem:s2] =	stream.indirect.scatter.add.f32 [tilespmem:s19], [sflag:$0x6], $0x80, s15, s18, $0xb8;
	[tilespmem:$0x1C200] =	vst v63  }
0x7d: {  	s1 =	simm.s32 $0x1;
	p0 =	por !p0, !p0;
	_ =	swait.ge [sflag:s25], $0x2000  }
0x7e: {  	s5 =	sshra.s32 s5, $0x6;
	s1 =	simm.s32 @!p0 $0x0;
	[sflag:s25] =	ssyncset.done $0x0  }
0x7f: {  	s1 =	ssub.s32 s5, s1;
	s20 =	simm.s32 $0x5180;
	[sflag:s25] =	ssyncadd.s32 $0xFFFFE000  }
0x80: {  	[spmem:s2] =	stream.indirect.scatter.add.f32 [tilespmem:s21], [sflag:$0x7], $0x80, s20, s18, $0xb8;
	[tilespmem:$0x1C200] =	vst v63  }
0x81: {  	p0 =	sgt.s32 s1, $0x1;
	_ =	swait.ge [sflag:s26], $0x2000  }
0x82: {  	s1 =	simm.s32 @!p0 $0x1;
	[sflag:s26] =	ssyncset.done $0x0  }
0x83: {  	s1 =	sadd.s32 $0x3, s1;
	s22 =	simm.s32 $0x51C0;
	[sflag:s26] =	ssyncadd.s32 $0xFFFFE000  }
0x84: {  	[spmem:s2] =	stream.indirect.scatter.add.f32 [tilespmem:s23], [sflag:$0x8], $0x80, s22, s18, $0xb8;
	[tilespmem:$0x1C200] =	vst v63  }
0x85: {  	s15 =	sand.u32 $0x7FFFFFFC, s1;
	_ =	swait.ge [sflag:s28], $0x2000  }
0x86: {  	s1 =	simm.s32 $0x100;
	p0 =	sgt.u32 s15, $0x4;
	[sflag:s28] =	ssyncset.done $0x0  }
0x87: {  	s1 =	simm.s32 @!p0 $0x0;
	[sflag:s28] =	ssyncadd.s32 $0xFFFFE000  }
0x88: {  	[tilespmem:s17], [sflag:$0x1] =	stream.indirect.gather [hbm4b:s4+s18], $0x80, s1, s18, $0xb8;
	[tilespmem:$0x1C200] =	vst v63  }
0x89: {  	_ =	swait.ge [sflag:s29], $0x2000  }
0x8a: {  	p0 =	sgt.u32 s15, $0x5;
	s1 =	simm.s32 $0x140;
	[sflag:s29] =	ssyncset.done $0x0  }
0x8b: {  	s1 =	simm.s32 @!p0 $0x0;
	[sflag:s29] =	ssyncadd.s32 $0xFFFFE000  }
0x8c: {  	[tilespmem:s19], [sflag:$0x2] =	stream.indirect.gather [hbm4b:s4+s18], $0x80, s1, s18, $0xb8;
	[tilespmem:$0x1C200] =	vst v63  }
0x8d: {  	p0 =	sgt.u32 s15, $0x6;
	s1 =	simm.s32 $0x180;
	_ =	swait.ge [sflag:s30], $0x2000  }
0x8e: {  	s1 =	simm.s32 @!p0 $0x0;
	p0 =	sne.s32 s15, $0x4;
	[sflag:s30] =	ssyncset.done $0x0  }
.Ltmp2:
0x8f: {  	[sflag:s30] =	ssyncadd.s32 $0xFFFFE000;
	(pc) =	sbr.rel @!p0 .LBB2_7-.Ltmp2, $4  }
0x90: {  	[tilespmem:s21], [sflag:$0x3] =	stream.indirect.gather [hbm4b:s4+s18], $0x80, s1, s18, $0xb8;
	[tilespmem:$0x1C200] =	vst v63  }
0x91: {  	s5 =	simm.s32 $0x1C0;
	p1 =	sgt.u32 s15, $0x7;
	_ =	swait.ge [sflag:s31], $0x2000  }
0x92: {  	s5 =	simm.s32 @!p1 $0x0;
	s20 =	simm.s32 $0x4;
	[sflag:s31] =	ssyncset.done $0x0  }
0x93: {  	s22 =	simm.s32 $0x200;
	s1 =	simm.s32 $0x52C0;
	[sflag:s31] =	ssyncadd.s32 $0xFFFFE000  }
.LBB2_6:
0x94: {  	[tilespmem:s23], [sflag:$0x4] =	stream.indirect.gather [hbm4b:s4+s18], $0x80, s5, s18, $0xb8;
	[tilespmem:$0x1C200] =	vst v63  }
0x95: {  	s5 =	smov.u32 s20;
	s20 =	sadd.s32 $0x4, s20;
	_ =	swait.ge [sflag:s16], $0x2000  }
0x96: {  	p1 =	slt.u32 s20, s15;
	p0 =	sne.s32 s15, s20;
	[sflag:s16] =	ssyncset.done $0x0  }
0x97: {  	s8 =	sadd.s32 $0xFFFFFF40, s1;
	s6 =	smov.u32 s22;
	[sflag:s16] =	ssyncadd.s32 $0xFFFFE000  }
0x98: {  	[spmem:s2] =	stream.indirect.scatter.add.f32 [tilespmem:s17], [sflag:$0x5], $0x80, s8, s18, $0xb8;
	[tilespmem:$0x1C200] =	vst v63  }
0x99: {  	_ =	swait.ge [sflag:s24], $0x2000  }
0x9a: {  	[sflag:s24] =	ssyncset.done $0x0  }
0x9b: {  	s8 =	sadd.s32 $0xFFFFFF80, s1;
	[sflag:s24] =	ssyncadd.s32 $0xFFFFE000  }
0x9c: {  	[spmem:s2] =	stream.indirect.scatter.add.f32 [tilespmem:s19], [sflag:$0x6], $0x80, s8, s18, $0xb8;
	[tilespmem:$0x1C200] =	vst v63  }
0x9d: {  	_ =	swait.ge [sflag:s25], $0x2000  }
0x9e: {  	[sflag:s25] =	ssyncset.done $0x0  }
0x9f: {  	s8 =	sadd.s32 $0xFFFFFFC0, s1;
	[sflag:s25] =	ssyncadd.s32 $0xFFFFE000  }
0xa0: {  	[spmem:s2] =	stream.indirect.scatter.add.f32 [tilespmem:s21], [sflag:$0x7], $0x80, s8, s18, $0xb8;
	[tilespmem:$0x1C200] =	vst v63  }
0xa1: {  	_ =	swait.ge [sflag:s26], $0x2000  }
0xa2: {  	[sflag:s26] =	ssyncset.done $0x0  }
0xa3: {  	[sflag:s26] =	ssyncadd.s32 $0xFFFFE000  }
0xa4: {  	[spmem:s2] =	stream.indirect.scatter.add.f32 [tilespmem:s23], [sflag:$0x8], $0x80, s1, s18, $0xb8;
	[tilespmem:$0x1C200] =	vst v63  }
0xa5: {  	_ =	swait.ge [sflag:s28], $0x2000  }
0xa6: {  	s8 =	smov.u32 s22;
	[sflag:s28] =	ssyncset.done $0x0  }
0xa7: {  	s8 =	simm.s32 @!p1 $0x0;
	[sflag:s28] =	ssyncadd.s32 $0xFFFFE000  }
0xa8: {  	[tilespmem:s17], [sflag:$0x1] =	stream.indirect.gather [hbm4b:s4+s18], $0x80, s8, s18, $0xb8;
	[tilespmem:$0x1C200] =	vst v63  }
0xa9: {  	s8 =	sadd.s32 $0x5, s5;
	_ =	swait.ge [sflag:s29], $0x2000  }
0xaa: {  	p1 =	slt.u32 s8, s15;
	s8 =	sadd.s32 $0x40, s22;
	[sflag:s29] =	ssyncset.done $0x0  }
0xab: {  	s8 =	simm.s32 @!p1 $0x0;
	[sflag:s29] =	ssyncadd.s32 $0xFFFFE000  }
0xac: {  	[tilespmem:s19], [sflag:$0x2] =	stream.indirect.gather [hbm4b:s4+s18], $0x80, s8, s18, $0xb8;
	[tilespmem:$0x1C200] =	vst v63  }
0xad: {  	s8 =	sadd.s32 $0x6, s5;
	_ =	swait.ge [sflag:s30], $0x2000  }
0xae: {  	p1 =	slt.u32 s8, s15;
	s8 =	sadd.s32 $0x80, s22;
	[sflag:s30] =	ssyncset.done $0x0  }
.Ltmp3:
0xaf: {  	s8 =	simm.s32 @!p1 $0x0;
	[sflag:s30] =	ssyncadd.s32 $0xFFFFE000;
	(pc) =	sbr.rel @p0 .LBB2_6-.Ltmp3, $4  }
0xb0: {  	[tilespmem:s21], [sflag:$0x3] =	stream.indirect.gather [hbm4b:s4+s18], $0x80, s8, s18, $0xb8;
	[tilespmem:$0x1C200] =	vst v63  }
0xb1: {  	s5 =	sadd.s32 $0x7, s5;
	s22 =	sadd.s32 $0x100, s22;
	_ =	swait.ge [sflag:s31], $0x2000  }
0xb2: {  	p1 =	slt.u32 s5, s15;
	s5 =	sadd.s32 $0xC0, s6;
	[sflag:s31] =	ssyncset.done $0x0  }
0xb3: {  	s1 =	sadd.s32 $0x100, s1;
	s5 =	simm.s32 @!p1 $0x0;
	[sflag:s31] =	ssyncadd.s32 $0xFFFFE000  }
.LBB2_7:
0xb4: {  	[tilespmem:s23], [sflag:$0x4] =	stream.indirect.gather [hbm4b:s4+s18], $0x80, s5, s18, $0xb8;
	[tilespmem:$0x1C200] =	vst v63  }
0xb5: {  	_ =	swait.ge [sflag:s16], $0x2000  }
0xb6: {  	[sflag:s16] =	ssyncset.done $0x0  }
0xb7: {  	[sflag:s16] =	ssyncadd.s32 $0xFFFFE000  }
0xb8: {  	_ =	swait.ge [sflag:s24], $0x2000  }
0xb9: {  	[sflag:s24] =	ssyncset.done $0x0  }
0xba: {  	[sflag:s24] =	ssyncadd.s32 $0xFFFFE000  }
0xbb: {  	_ =	swait.ge [sflag:s25], $0x2000  }
0xbc: {  	[sflag:s25] =	ssyncset.done $0x0  }
0xbd: {  	[sflag:s25] =	ssyncadd.s32 $0xFFFFE000  }
0xbe: {  	s1 =	stileid.u32;
	_ =	swait.ge [sflag:s26], $0x2000  }
0xbf: {  	s22 =	sshrl.u32 s7, $0x3;
	s0 =	sadd.s32 $0x1, s0;
	[sflag:s26] =	ssyncset.done $0x0  }
0xc0: {  	s1 =	sshll.u32 s1, $0x6;
	p0 =	sne.s32 s0, s13;
	[sflag:s26] =	ssyncadd.s32 $0xFFFFE000  }
.Ltmp4:
0xc1: {  	s1 =	sor.u32 $0x1C09, s1;
	[bflag:$0x0] =	sbarrier.arrive $0xFFFF;
	(pc) =	sbr.rel @p0 .LBB2_1-.Ltmp4, $4  }
0xc2: {  	[hbm:s12], [sflag:s1] =	dma.local [spmem:s22], $0x1400  }
0xc3: {  	_ =	swait.ge [sflag:s14], $0x1400  }
0xc4: {  	[sflag:s14] =	ssyncset.done $0x0  }
0xc5: {  	[sflag:s14] =	ssyncadd.s32 $0xFFFFEC00  }
0xc6: {  	_ =	sfence.sel $0x180000  }
0xc7: {  	[bflag:$0x0] =	sbarrier.arrive $0xFFFF  }
0xc8: {  	_ =	strace $0x90000050  }
0xc9: {  	s0 =	stileid.u32;
	[bflag:$0x2] =	sbarrier.arrive $0xFFFF  }
0xca: {  	p0 =	sne.s32 s0, $0x0;
	s0 =	rddreg [dreg:$0x4]  }
0xcb: {  	s0 =	sadd.s32 @!p0 $0x100000, s0  }
0xcc: {  	[sflag:s0] =	ssyncadd.tile.s32 @!p0 $0x1;
	_ =	shalt  }
.Lfunc_end2:
_tile_overlayer_lowered:
.L_overlay_start_2:
0xcd: {  	(tag) =	ssettag $0x2  }
0xce: {  	s0 =	rddreg [dreg:$0x0];
	s2 =	stileid.u32  }
0xcf: {  	s1 =	rddreg [dreg:$0x1];
	p0 =	sne.s32 s2, $0x0  }
0xd0: {  	s3 =	rddreg [dreg:$0x2];
	[bflag:$0x3] =	sbarrier.arrive $0xFFFF;
	s2 =	simm.s32 @!p0 $0x1C09  }
0xd1: {  	[timem:s3], [sflag:s2] =	dma.local @!p0 [hbm:s0], s1  }
0xd2: {  	s0 =	simm.s32 @!p0 $0x9  }
0xd3: {  	_ =	swait.ge @!p0 [sflag:s0], s1  }
0xd4: {  	s1 =	ssub.s32 @!p0 $0x0, s1;
	[sflag:s0] =	ssyncset.done @!p0 $0x0  }
0xd5: {  	[sflag:s0] =	ssyncadd.s32 @!p0 s1  }
0xd6: {  	[bflag:$0x3] =	sbarrier.arrive $0xFFFF  }
0xd7: {  	_ =	shalt  }

</sc_bundles>
